<compile_context>
chip_gen: v7x
topology: tpu7x:2x2x1
jax: 0.10.2.dev20260603
libtpu: 0.0.44.dev20260713+nightly
codegen_flags: <defaults>
</compile_context>

<pallas_src>
import functools

import jax
import jax.numpy as jnp
from jax import lax
from jax.experimental import pallas as pl
from jax.experimental.pallas import tpu as pltpu
from jax.experimental.pallas import tpu_sc as plsc

_BATCH = 4096
_SEQ = 200
_ND = 64
_NPART = 8
_NW = 32
_BB = _BATCH // _NW
_NBG = _BB // 16


def _compute_one(iota, tslot, parity, tbuf, ppbuf, obuf, rows, pidx64):

    @plsc.parallel_loop(0, _ND, unroll=4)
    def d_body(i):
        dv = ((iota + i) & 15) + (i & ~15)
        dtv = dv >> 3
        inv = (dv & 7) << 7
        for g in range(_NBG):
            cv = plsc.load_gather(tbuf.at[tslot], [rows[g], dv])
            pv = plsc.load_gather(ppbuf, [pidx64[g] + dv])
            plsc.store_scatter(obuf.at[parity], [dtv, inv + rows[g]], cv + pv)


def _sc_body(cid_t, part_t, pos_hbm, content_hbm, part_hbm, out_hbm,
             cidl, partl, posl, part8, ppbuf, tbuf, obuf,
             semg, semo, semi):
    wid = lax.axis_index("s") * 2 + lax.axis_index("c")
    col0 = wid * _BB

    pltpu.sync_copy(cid_t.at[:, pl.ds(col0, _BB)], cidl)
    pltpu.sync_copy(part_t.at[:, pl.ds(col0, _BB)], partl)
    pltpu.sync_copy(pos_hbm, posl)
    pltpu.sync_copy(part_hbm, part8)

    iota = lax.iota(jnp.int32, 16)
    rows = [iota + (16 * g) for g in range(_NBG)]

    def fire_gather(s_row, tslot):
        return pltpu.async_copy(content_hbm.at[cidl.at[s_row]],
                                tbuf.at[tslot], semg)

    def wait_gather(s_row, tslot):
        pltpu.make_async_copy(content_hbm.at[cidl.at[s_row]],
                              tbuf.at[tslot], semg).wait()

    def fire_out(s, parity):
        return pltpu.async_copy(obuf.at[parity], out_hbm.at[s, :, wid], semo)

    def wait_out(s, parity):
        pltpu.make_async_copy(obuf.at[parity], out_hbm.at[s, :, wid],
                              semo).wait()

    def prep_pp(s):
        @plsc.parallel_loop(0, _NPART)
        def p_body(p):
            for c in range(_ND // 16):
                sl = pl.ds(16 * c, 16)
                ppbuf[pl.ds(p * _ND + 16 * c, 16)] = posl[s, sl] + part8[p, sl]

    def load_pidx64(s):
        return [partl[s, pl.ds(16 * g, 16)] << 6 for g in range(_NBG)]

    fire_gather(0, 0)
    fire_gather(1, 1)
    fire_gather(2, 2)

    def quad_body(j, carry):
        for k in range(4):
            s = 4 * j + k
            parity = k % 2
            prep_pp(s)
            px = load_pidx64(s)

            @pl.when(s >= 2)
            def _():
                wait_out(s - 2, parity)

            wait_gather(s, k)

            @pl.when(s + 3 < _SEQ)
            def _():
                fire_gather(s + 3, (k + 3) % 4)

            _compute_one(iota, k, parity, tbuf, ppbuf, obuf, rows, px)
            fire_out(s, parity)
        return carry

    lax.fori_loop(0, _SEQ // 4, quad_body, 0)
    wait_out(_SEQ - 2, 0)
    wait_out(_SEQ - 1, 1)


_mesh = plsc.VectorSubcoreMesh(core_axis_name="c", subcore_axis_name="s")

_gather_sum = functools.partial(
    pl.kernel,
    out_type=jax.ShapeDtypeStruct((_SEQ, _ND // 8, _NW, 8 * _BB), jnp.float32),
    mesh=_mesh,
    scratch_types=[
        pltpu.VMEM((_SEQ, _BB), jnp.int32),
        pltpu.VMEM((_SEQ, _BB), jnp.int32),
        pltpu.VMEM((_SEQ, _ND), jnp.float32),
        pltpu.VMEM((_NPART, _ND), jnp.float32),
        pltpu.VMEM((_NPART * _ND,), jnp.float32),
        pltpu.VMEM((4, _BB, _ND), jnp.float32),
        pltpu.VMEM((2, _ND // 8, 8 * _BB), jnp.float32),
        pltpu.SemaphoreType.DMA,
        pltpu.SemaphoreType.DMA,
        pltpu.SemaphoreType.DMA,
    ],
    compiler_params=pltpu.CompilerParams(use_tc_tiling_on_sc=False,
                                         needs_layout_passes=False),
)(_sc_body)


def kernel(content_id, part_id, position_table, content_table, part_table):
    cid_t = content_id.astype(jnp.int32).T
    part_t = part_id.astype(jnp.int32).T
    out5d = _gather_sum(cid_t, part_t, position_table, content_table,
                        part_table)
    out5d = out5d.reshape(_SEQ, _ND // 8, _NW, 8, _BB)
    return jnp.transpose(out5d, (2, 4, 0, 1, 3)).reshape(_BATCH, _SEQ, _ND)

# --- scband reference (transcript-rebuilt; emitter-appended) ---
"""Pipeline reference for scband-encoder-embedding-54932631715848 (READ-ONLY COPY).

The authoritative reference and input builder live on the scoring server;
editing this copy changes nothing except your own understanding.
"""

import jax, jax.numpy as jnp
import numpy as np

N_CONTENT = 100000
N_PART = 8
N_DIMS = 64
SEQ_LEN = 200
BATCH = 4096


def setup_inputs(seed: int = 0) -> dict:
    key = jax.random.key(seed)
    k1, k2, k3, k4, k5 = jax.random.split(key, 5)
    content_id = jax.random.randint(k1, (BATCH, SEQ_LEN), 0, N_CONTENT, dtype=jnp.int64 if jax.config.jax_enable_x64 else jnp.int32).astype(jnp.int32)
    part_id = jax.random.randint(k2, (BATCH, SEQ_LEN), 0, N_PART).astype(jnp.int32)
    position_table = jax.random.normal(k3, (SEQ_LEN, N_DIMS), dtype=jnp.float32)
    content_table = jax.random.normal(k4, (N_CONTENT, N_DIMS), dtype=jnp.float32)
    part_table = jax.random.normal(k5, (N_PART, N_DIMS), dtype=jnp.float32)
    return {
        "content_id": content_id,
        "part_id": part_id,
        "position_table": position_table,
        "content_table": content_table,
        "part_table": part_table,
    }


def reference(content_id, part_id, position_table, content_table, part_table):
    # pos embedding: arange(seq_len) -> [1, seq_len, n_dims], broadcast over batch
    seq = jnp.arange(SEQ_LEN)
    pos = jnp.take(position_table, seq, axis=0)[None, :, :]
    content = jnp.take(content_table, content_id, axis=0)
    part = jnp.take(part_table, part_id, axis=0)
    return pos + content + part

if __name__ == "__main__":
    import jax
    _d = setup_inputs()
    print(jax.jit(kernel)(*tuple(_d.values())))

</pallas_src>

<mosaic_0001>
#map = affine_map<(d0, d1) -> (0, 0)>
#map1 = affine_map<(d0, d1) -> (0, 0, 0, 0)>
module attributes {stable_mosaic.version = 14 : i64} {
  func.func @_sc_body(%arg0: i32, %arg1: i32, %arg2: memref<200x4096xi32, #tpu.memory_space<hbm>>, %arg3: memref<200x4096xi32, #tpu.memory_space<hbm>>, %arg4: memref<200x64xf32, #tpu.memory_space<hbm>>, %arg5: memref<100000x64xf32, #tpu.memory_space<hbm>>, %arg6: memref<8x64xf32, #tpu.memory_space<hbm>>, %arg7: memref<200x8x32x1024xf32, #tpu.memory_space<hbm>>, %arg8: memref<200x128xi32, #tpu.memory_space<vmem>>, %arg9: memref<200x128xi32, #tpu.memory_space<vmem>>, %arg10: memref<200x64xf32, #tpu.memory_space<vmem>>, %arg11: memref<8x64xf32, #tpu.memory_space<vmem>>, %arg12: memref<512xf32, #tpu.memory_space<vmem>>, %arg13: memref<4x128x64xf32, #tpu.memory_space<vmem>>, %arg14: memref<2x8x1024xf32, #tpu.memory_space<vmem>>, %arg15: memref<!tpu.dma_semaphore, #tpu.memory_space<semaphore_mem>>, %arg16: memref<!tpu.dma_semaphore, #tpu.memory_space<semaphore_mem>>, %arg17: memref<!tpu.dma_semaphore, #tpu.memory_space<semaphore_mem>>) attributes {dimension_semantics = [#tpu.dimension_semantics<core_parallel>, #tpu.dimension_semantics<subcore_parallel>], iteration_bounds = array<i64: 2, 16>, scalar_prefetch = 0 : i64, scratch_operands = 10 : i64, tpu.core_type = #tpu.core_type<sc_vector_subcore>, window_params = [{transform_indices = #map}, {transform_indices = #map}, {transform_indices = #map}, {transform_indices = #map}, {transform_indices = #map}, {transform_indices = #map1}]} {
    %mul3A = arith.constant 2 : i32
    %mul3A_0 = arith.muli %arg1, %mul3A : i32
    %add3A = arith.addi %mul3A_0, %arg0 : i32
    %mul3A_1 = arith.constant 128 : i32
    %mul3A_2 = arith.muli %add3A, %mul3A_1 : i32
    "tpu.region"() ({
      %run_scoped3A = tpu.sem_alloc : memref<!tpu.dma_semaphore, #tpu.memory_space<semaphore_mem>>
      %dma_start3A_102 = arith.constant 0 : i32
      %dma_start3A_103 = tpu.memref_slice %arg2[%dma_start3A_102, %mul3A_2] : memref<200x4096xi32, #tpu.memory_space<hbm>> -> memref<200x128xi32, #tpu.memory_space<hbm>>
      %dma_start3A_104 = arith.constant 0 : i32
      %dma_start3A_105 = tpu.memref_slice %arg2[%dma_start3A_104, %mul3A_2] : memref<200x4096xi32, #tpu.memory_space<hbm>> -> memref<200x128xi32, #tpu.memory_space<hbm>>
      tpu.enqueue_dma source(%dma_start3A_105 : memref<200x128xi32, #tpu.memory_space<hbm>>) target(%arg8 : memref<200x128xi32, #tpu.memory_space<vmem>>) target_semaphore(%run_scoped3A : memref<!tpu.dma_semaphore, #tpu.memory_space<semaphore_mem>>)
      %dma_wait3A_106 = arith.constant 0 : i32
      %dma_wait3A_107 = tpu.memref_slice %arg2[%dma_wait3A_106, %mul3A_2] : memref<200x4096xi32, #tpu.memory_space<hbm>> -> memref<200x128xi32, #tpu.memory_space<hbm>>
      %dma_wait3A_108 = arith.constant 0 : i32
      %dma_wait3A_109 = tpu.memref_slice %arg2[%dma_wait3A_108, %mul3A_2] : memref<200x4096xi32, #tpu.memory_space<hbm>> -> memref<200x128xi32, #tpu.memory_space<hbm>>
      tpu.wait_dma2 semaphore(%run_scoped3A : memref<!tpu.dma_semaphore, #tpu.memory_space<semaphore_mem>>) src(%dma_wait3A_109 : memref<200x128xi32, #tpu.memory_space<hbm>>) dst(%arg8 : memref<200x128xi32, #tpu.memory_space<vmem>>)
      tpu.yield
    }) : () -> ()
    "tpu.region"() ({
      %run_scoped3A = tpu.sem_alloc : memref<!tpu.dma_semaphore, #tpu.memory_space<semaphore_mem>>
      %dma_start3A_102 = arith.constant 0 : i32
      %dma_start3A_103 = tpu.memref_slice %arg3[%dma_start3A_102, %mul3A_2] : memref<200x4096xi32, #tpu.memory_space<hbm>> -> memref<200x128xi32, #tpu.memory_space<hbm>>
      %dma_start3A_104 = arith.constant 0 : i32
      %dma_start3A_105 = tpu.memref_slice %arg3[%dma_start3A_104, %mul3A_2] : memref<200x4096xi32, #tpu.memory_space<hbm>> -> memref<200x128xi32, #tpu.memory_space<hbm>>
      tpu.enqueue_dma source(%dma_start3A_105 : memref<200x128xi32, #tpu.memory_space<hbm>>) target(%arg9 : memref<200x128xi32, #tpu.memory_space<vmem>>) target_semaphore(%run_scoped3A : memref<!tpu.dma_semaphore, #tpu.memory_space<semaphore_mem>>)
      %dma_wait3A_106 = arith.constant 0 : i32
      %dma_wait3A_107 = tpu.memref_slice %arg3[%dma_wait3A_106, %mul3A_2] : memref<200x4096xi32, #tpu.memory_space<hbm>> -> memref<200x128xi32, #tpu.memory_space<hbm>>
      %dma_wait3A_108 = arith.constant 0 : i32
      %dma_wait3A_109 = tpu.memref_slice %arg3[%dma_wait3A_108, %mul3A_2] : memref<200x4096xi32, #tpu.memory_space<hbm>> -> memref<200x128xi32, #tpu.memory_space<hbm>>
      tpu.wait_dma2 semaphore(%run_scoped3A : memref<!tpu.dma_semaphore, #tpu.memory_space<semaphore_mem>>) src(%dma_wait3A_109 : memref<200x128xi32, #tpu.memory_space<hbm>>) dst(%arg9 : memref<200x128xi32, #tpu.memory_space<vmem>>)
      tpu.yield
    }) : () -> ()
    "tpu.region"() ({
      %run_scoped3A = tpu.sem_alloc : memref<!tpu.dma_semaphore, #tpu.memory_space<semaphore_mem>>
      tpu.enqueue_dma source(%arg4 : memref<200x64xf32, #tpu.memory_space<hbm>>) target(%arg10 : memref<200x64xf32, #tpu.memory_space<vmem>>) target_semaphore(%run_scoped3A : memref<!tpu.dma_semaphore, #tpu.memory_space<semaphore_mem>>)
      tpu.wait_dma2 semaphore(%run_scoped3A : memref<!tpu.dma_semaphore, #tpu.memory_space<semaphore_mem>>) src(%arg4 : memref<200x64xf32, #tpu.memory_space<hbm>>) dst(%arg10 : memref<200x64xf32, #tpu.memory_space<vmem>>)
      tpu.yield
    }) : () -> ()
    "tpu.region"() ({
      %run_scoped3A = tpu.sem_alloc : memref<!tpu.dma_semaphore, #tpu.memory_space<semaphore_mem>>
      tpu.enqueue_dma source(%arg6 : memref<8x64xf32, #tpu.memory_space<hbm>>) target(%arg11 : memref<8x64xf32, #tpu.memory_space<vmem>>) target_semaphore(%run_scoped3A : memref<!tpu.dma_semaphore, #tpu.memory_space<semaphore_mem>>)
      tpu.wait_dma2 semaphore(%run_scoped3A : memref<!tpu.dma_semaphore, #tpu.memory_space<semaphore_mem>>) src(%arg6 : memref<8x64xf32, #tpu.memory_space<hbm>>) dst(%arg11 : memref<8x64xf32, #tpu.memory_space<vmem>>)
      tpu.yield
    }) : () -> ()
    %iota3A = tpu.iota {dimensions = array<i32: 0>} : vector<16xi32>
    %add3A_3 = arith.constant 0 : i32
    %add3A_4 = vector.broadcast %add3A_3 : i32 to vector<16xi32>
    %add3A_5 = arith.addi %iota3A, %add3A_4 : vector<16xi32>
    %add3A_6 = arith.constant 16 : i32
    %add3A_7 = vector.broadcast %add3A_6 : i32 to vector<16xi32>
    %add3A_8 = arith.addi %iota3A, %add3A_7 : vector<16xi32>
    %add3A_9 = arith.constant 32 : i32
    %add3A_10 = vector.broadcast %add3A_9 : i32 to vector<16xi32>
    %add3A_11 = arith.addi %iota3A, %add3A_10 : vector<16xi32>
    %add3A_12 = arith.constant 48 : i32
    %add3A_13 = vector.broadcast %add3A_12 : i32 to vector<16xi32>
    %add3A_14 = arith.addi %iota3A, %add3A_13 : vector<16xi32>
    %add3A_15 = arith.constant 64 : i32
    %add3A_16 = vector.broadcast %add3A_15 : i32 to vector<16xi32>
    %add3A_17 = arith.addi %iota3A, %add3A_16 : vector<16xi32>
    %add3A_18 = arith.constant 80 : i32
    %add3A_19 = vector.broadcast %add3A_18 : i32 to vector<16xi32>
    %add3A_20 = arith.addi %iota3A, %add3A_19 : vector<16xi32>
    %add3A_21 = arith.constant 96 : i32
    %add3A_22 = vector.broadcast %add3A_21 : i32 to vector<16xi32>
    %add3A_23 = arith.addi %iota3A, %add3A_22 : vector<16xi32>
    %add3A_24 = arith.constant 112 : i32
    %add3A_25 = vector.broadcast %add3A_24 : i32 to vector<16xi32>
    %add3A_26 = arith.addi %iota3A, %add3A_25 : vector<16xi32>
    %dma_start3A = arith.constant 0 : i32
    %dma_start3A_27 = arith.constant 0 : i32
    %dma_start3A_28 = arith.constant 0 : i32
    %dma_start3A_29 = arith.constant 0 : i32
    %dma_start3A_30 = tpu.memref_slice %arg13[%dma_start3A_27, %dma_start3A_28, %dma_start3A_29] : memref<4x128x64xf32, #tpu.memory_space<vmem>> -> memref<1x128x64xf32, #tpu.memory_space<vmem>>
    %dma_start3A_31 = tpu.memref_squeeze %dma_start3A_30 : memref<1x128x64xf32, #tpu.memory_space<vmem>> -> memref<128x64xf32, #tpu.memory_space<vmem>>
    %dma_start3A_32 = arith.constant 0 : i32
    %dma_start3A_33 = tpu.memref_slice %arg8[%dma_start3A, %dma_start3A_32] : memref<200x128xi32, #tpu.memory_space<vmem>> -> memref<1x128xi32, #tpu.memory_space<vmem>>
    %dma_start3A_34 = tpu.memref_squeeze %dma_start3A_33 : memref<1x128xi32, #tpu.memory_space<vmem>> -> memref<128xi32, #tpu.memory_space<vmem>>
    %dma_start3A_35 = arith.constant 0 : i32
    %dma_start3A_36 = arith.constant 0 : i32
    %dma_start3A_37 = tpu.memref_slice %arg5[%dma_start3A_35, %dma_start3A_36] : memref<100000x64xf32, #tpu.memory_space<hbm>> -> memref<100000x64xf32, #tpu.memory_space<hbm>>
    tpu.enqueue_indirect_dma source(%dma_start3A_37 : memref<100000x64xf32, #tpu.memory_space<hbm>>) target(%dma_start3A_31 : memref<128x64xf32, #tpu.memory_space<vmem>>) offsets(%dma_start3A_34 : memref<128xi32, #tpu.memory_space<vmem>>) semaphore(%arg15 : memref<!tpu.dma_semaphore, #tpu.memory_space<semaphore_mem>>)
    %dma_start3A_38 = arith.constant 1 : i32
    %dma_start3A_39 = arith.constant 1 : i32
    %dma_start3A_40 = arith.constant 0 : i32
    %dma_start3A_41 = arith.constant 0 : i32
    %dma_start3A_42 = tpu.memref_slice %arg13[%dma_start3A_39, %dma_start3A_40, %dma_start3A_41] : memref<4x128x64xf32, #tpu.memory_space<vmem>> -> memref<1x128x64xf32, #tpu.memory_space<vmem>>
    %dma_start3A_43 = tpu.memref_squeeze %dma_start3A_42 : memref<1x128x64xf32, #tpu.memory_space<vmem>> -> memref<128x64xf32, #tpu.memory_space<vmem>>
    %dma_start3A_44 = arith.constant 0 : i32
    %dma_start3A_45 = tpu.memref_slice %arg8[%dma_start3A_38, %dma_start3A_44] : memref<200x128xi32, #tpu.memory_space<vmem>> -> memref<1x128xi32, #tpu.memory_space<vmem>>
    %dma_start3A_46 = tpu.memref_squeeze %dma_start3A_45 : memref<1x128xi32, #tpu.memory_space<vmem>> -> memref<128xi32, #tpu.memory_space<vmem>>
    %dma_start3A_47 = arith.constant 0 : i32
    %dma_start3A_48 = arith.constant 0 : i32
    %dma_start3A_49 = tpu.memref_slice %arg5[%dma_start3A_47, %dma_start3A_48] : memref<100000x64xf32, #tpu.memory_space<hbm>> -> memref<100000x64xf32, #tpu.memory_space<hbm>>
    tpu.enqueue_indirect_dma source(%dma_start3A_49 : memref<100000x64xf32, #tpu.memory_space<hbm>>) target(%dma_start3A_43 : memref<128x64xf32, #tpu.memory_space<vmem>>) offsets(%dma_start3A_46 : memref<128xi32, #tpu.memory_space<vmem>>) semaphore(%arg15 : memref<!tpu.dma_semaphore, #tpu.memory_space<semaphore_mem>>)
    %dma_start3A_50 = arith.constant 2 : i32
    %dma_start3A_51 = arith.constant 2 : i32
    %dma_start3A_52 = arith.constant 0 : i32
    %dma_start3A_53 = arith.constant 0 : i32
    %dma_start3A_54 = tpu.memref_slice %arg13[%dma_start3A_51, %dma_start3A_52, %dma_start3A_53] : memref<4x128x64xf32, #tpu.memory_space<vmem>> -> memref<1x128x64xf32, #tpu.memory_space<vmem>>
    %dma_start3A_55 = tpu.memref_squeeze %dma_start3A_54 : memref<1x128x64xf32, #tpu.memory_space<vmem>> -> memref<128x64xf32, #tpu.memory_space<vmem>>
    %dma_start3A_56 = arith.constant 0 : i32
    %dma_start3A_57 = tpu.memref_slice %arg8[%dma_start3A_50, %dma_start3A_56] : memref<200x128xi32, #tpu.memory_space<vmem>> -> memref<1x128xi32, #tpu.memory_space<vmem>>
    %dma_start3A_58 = tpu.memref_squeeze %dma_start3A_57 : memref<1x128xi32, #tpu.memory_space<vmem>> -> memref<128xi32, #tpu.memory_space<vmem>>
    %dma_start3A_59 = arith.constant 0 : i32
    %dma_start3A_60 = arith.constant 0 : i32
    %dma_start3A_61 = tpu.memref_slice %arg5[%dma_start3A_59, %dma_start3A_60] : memref<100000x64xf32, #tpu.memory_space<hbm>> -> memref<100000x64xf32, #tpu.memory_space<hbm>>
    tpu.enqueue_indirect_dma source(%dma_start3A_61 : memref<100000x64xf32, #tpu.memory_space<hbm>>) target(%dma_start3A_55 : memref<128x64xf32, #tpu.memory_space<vmem>>) offsets(%dma_start3A_58 : memref<128xi32, #tpu.memory_space<vmem>>) semaphore(%arg15 : memref<!tpu.dma_semaphore, #tpu.memory_space<semaphore_mem>>)
    %scan3A = arith.constant 0 : i32
    %scan3A_62 = arith.constant 0 : i32
    %scan3A_63 = arith.constant 50 : i32
    %scan3A_64 = arith.addi %scan3A_62, %scan3A_63 : i32
    %scan3A_65 = arith.constant 1 : i32
    scf.for %scan3A_102 = %scan3A_62 to %scan3A_64 step %scan3A_65  : i32 {
      %mul3A_103 = arith.constant 4 : i32
      %mul3A_104 = arith.muli %mul3A_103, %scan3A_102 : i32
      %add3A_105 = arith.constant 0 : i32
      %add3A_106 = arith.addi %mul3A_104, %add3A_105 : i32
      %parallel_loop3A = arith.constant 0 : i32
      %parallel_loop3A_107 = arith.constant 8 : i32
      %parallel_loop3A_108 = arith.constant 1 : i32
      scf.for %parallel_loop3A_488 = %parallel_loop3A to %parallel_loop3A_107 step %parallel_loop3A_108  : i32 {
        %parallel_loop3A_489 = arith.index_cast %add3A_106 : i32 to index
        %parallel_loop3A_490 = arith.constant 0 : index
        %parallel_loop3A_491 = tpu.vector_load %arg10[%parallel_loop3A_489, %parallel_loop3A_490] {strides = array<i32>} : memref<200x64xf32, #tpu.memory_space<vmem>>, vector<16xf32>,
        %parallel_loop3A_492 = arith.index_cast %parallel_loop3A_488 : i32 to index
        %parallel_loop3A_493 = arith.constant 0 : index
        %parallel_loop3A_494 = tpu.vector_load %arg11[%parallel_loop3A_492, %parallel_loop3A_493] {strides = array<i32>} : memref<8x64xf32, #tpu.memory_space<vmem>>, vector<16xf32>,
        %parallel_loop3A_495 = arith.addf %parallel_loop3A_491, %parallel_loop3A_494 : vector<16xf32>
        %parallel_loop3A_496 = arith.constant 64 : i32
        %parallel_loop3A_497 = arith.muli %parallel_loop3A_488, %parallel_loop3A_496 : i32
        %parallel_loop3A_498 = arith.constant 0 : i32
        %parallel_loop3A_499 = arith.addi %parallel_loop3A_497, %parallel_loop3A_498 : i32
        %parallel_loop3A_500 = arith.index_cast %parallel_loop3A_499 : i32 to index
        %parallel_loop3A_501 = tpu.vector_load %arg12[%parallel_loop3A_500] {strides = array<i32>} : memref<512xf32, #tpu.memory_space<vmem>>, vector<16xf32>,
        tpu.vector_store %arg12[%parallel_loop3A_500], %parallel_loop3A_495 {strides = array<i32>} : memref<512xf32, #tpu.memory_space<vmem>>, vector<16xf32>,
        %parallel_loop3A_502 = arith.index_cast %add3A_106 : i32 to index
        %parallel_loop3A_503 = arith.constant 16 : index
        %parallel_loop3A_504 = tpu.vector_load %arg10[%parallel_loop3A_502, %parallel_loop3A_503] {strides = array<i32>} : memref<200x64xf32, #tpu.memory_space<vmem>>, vector<16xf32>,
        %parallel_loop3A_505 = arith.index_cast %parallel_loop3A_488 : i32 to index
        %parallel_loop3A_506 = arith.constant 16 : index
        %parallel_loop3A_507 = tpu.vector_load %arg11[%parallel_loop3A_505, %parallel_loop3A_506] {strides = array<i32>} : memref<8x64xf32, #tpu.memory_space<vmem>>, vector<16xf32>,
        %parallel_loop3A_508 = arith.addf %parallel_loop3A_504, %parallel_loop3A_507 : vector<16xf32>
        %parallel_loop3A_509 = arith.constant 64 : i32
        %parallel_loop3A_510 = arith.muli %parallel_loop3A_488, %parallel_loop3A_509 : i32
        %parallel_loop3A_511 = arith.constant 16 : i32
        %parallel_loop3A_512 = arith.addi %parallel_loop3A_510, %parallel_loop3A_511 : i32
        %parallel_loop3A_513 = arith.index_cast %parallel_loop3A_512 : i32 to index
        %parallel_loop3A_514 = tpu.vector_load %arg12[%parallel_loop3A_513] {strides = array<i32>} : memref<512xf32, #tpu.memory_space<vmem>>, vector<16xf32>,
        tpu.vector_store %arg12[%parallel_loop3A_513], %parallel_loop3A_508 {strides = array<i32>} : memref<512xf32, #tpu.memory_space<vmem>>, vector<16xf32>,
        %parallel_loop3A_515 = arith.index_cast %add3A_106 : i32 to index
        %parallel_loop3A_516 = arith.constant 32 : index
        %parallel_loop3A_517 = tpu.vector_load %arg10[%parallel_loop3A_515, %parallel_loop3A_516] {strides = array<i32>} : memref<200x64xf32, #tpu.memory_space<vmem>>, vector<16xf32>,
        %parallel_loop3A_518 = arith.index_cast %parallel_loop3A_488 : i32 to index
        %parallel_loop3A_519 = arith.constant 32 : index
        %parallel_loop3A_520 = tpu.vector_load %arg11[%parallel_loop3A_518, %parallel_loop3A_519] {strides = array<i32>} : memref<8x64xf32, #tpu.memory_space<vmem>>, vector<16xf32>,
        %parallel_loop3A_521 = arith.addf %parallel_loop3A_517, %parallel_loop3A_520 : vector<16xf32>
        %parallel_loop3A_522 = arith.constant 64 : i32
        %parallel_loop3A_523 = arith.muli %parallel_loop3A_488, %parallel_loop3A_522 : i32
        %parallel_loop3A_524 = arith.constant 32 : i32
        %parallel_loop3A_525 = arith.addi %parallel_loop3A_523, %parallel_loop3A_524 : i32
        %parallel_loop3A_526 = arith.index_cast %parallel_loop3A_525 : i32 to index
        %parallel_loop3A_527 = tpu.vector_load %arg12[%parallel_loop3A_526] {strides = array<i32>} : memref<512xf32, #tpu.memory_space<vmem>>, vector<16xf32>,
        tpu.vector_store %arg12[%parallel_loop3A_526], %parallel_loop3A_521 {strides = array<i32>} : memref<512xf32, #tpu.memory_space<vmem>>, vector<16xf32>,
        %parallel_loop3A_528 = arith.index_cast %add3A_106 : i32 to index
        %parallel_loop3A_529 = arith.constant 48 : index
        %parallel_loop3A_530 = tpu.vector_load %arg10[%parallel_loop3A_528, %parallel_loop3A_529] {strides = array<i32>} : memref<200x64xf32, #tpu.memory_space<vmem>>, vector<16xf32>,
        %parallel_loop3A_531 = arith.index_cast %parallel_loop3A_488 : i32 to index
        %parallel_loop3A_532 = arith.constant 48 : index
        %parallel_loop3A_533 = tpu.vector_load %arg11[%parallel_loop3A_531, %parallel_loop3A_532] {strides = array<i32>} : memref<8x64xf32, #tpu.memory_space<vmem>>, vector<16xf32>,
        %parallel_loop3A_534 = arith.addf %parallel_loop3A_530, %parallel_loop3A_533 : vector<16xf32>
        %parallel_loop3A_535 = arith.constant 64 : i32
        %parallel_loop3A_536 = arith.muli %parallel_loop3A_488, %parallel_loop3A_535 : i32
        %parallel_loop3A_537 = arith.constant 48 : i32
        %parallel_loop3A_538 = arith.addi %parallel_loop3A_536, %parallel_loop3A_537 : i32
        %parallel_loop3A_539 = arith.index_cast %parallel_loop3A_538 : i32 to index
        %parallel_loop3A_540 = tpu.vector_load %arg12[%parallel_loop3A_539] {strides = array<i32>} : memref<512xf32, #tpu.memory_space<vmem>>, vector<16xf32>,
        tpu.vector_store %arg12[%parallel_loop3A_539], %parallel_loop3A_534 {strides = array<i32>} : memref<512xf32, #tpu.memory_space<vmem>>, vector<16xf32>,
      } {sc.loop_unroll_factor = 1 : i64, sc.parallel_access}
      %get3A = arith.index_cast %add3A_106 : i32 to index
      %get3A_109 = arith.constant 0 : index
      %get3A_110 = tpu.vector_load %arg9[%get3A, %get3A_109] {strides = array<i32>} : memref<200x128xi32, #tpu.memory_space<vmem>>, vector<16xi32>,
      %shift_left3A = arith.constant 6 : i32
      %shift_left3A_111 = vector.broadcast %shift_left3A : i32 to vector<16xi32>
      %shift_left3A_112 = arith.shli %get3A_110, %shift_left3A_111 : vector<16xi32>
      %get3A_113 = arith.index_cast %add3A_106 : i32 to index
      %get3A_114 = arith.constant 16 : index
      %get3A_115 = tpu.vector_load %arg9[%get3A_113, %get3A_114] {strides = array<i32>} : memref<200x128xi32, #tpu.memory_space<vmem>>, vector<16xi32>,
      %shift_left3A_116 = arith.constant 6 : i32
      %shift_left3A_117 = vector.broadcast %shift_left3A_116 : i32 to vector<16xi32>
      %shift_left3A_118 = arith.shli %get3A_115, %shift_left3A_117 : vector<16xi32>
      %get3A_119 = arith.index_cast %add3A_106 : i32 to index
      %get3A_120 = arith.constant 32 : index
      %get3A_121 = tpu.vector_load %arg9[%get3A_119, %get3A_120] {strides = array<i32>} : memref<200x128xi32, #tpu.memory_space<vmem>>, vector<16xi32>,
      %shift_left3A_122 = arith.constant 6 : i32
      %shift_left3A_123 = vector.broadcast %shift_left3A_122 : i32 to vector<16xi32>
      %shift_left3A_124 = arith.shli %get3A_121, %shift_left3A_123 : vector<16xi32>
      %get3A_125 = arith.index_cast %add3A_106 : i32 to index
      %get3A_126 = arith.constant 48 : index
      %get3A_127 = tpu.vector_load %arg9[%get3A_125, %get3A_126] {strides = array<i32>} : memref<200x128xi32, #tpu.memory_space<vmem>>, vector<16xi32>,
      %shift_left3A_128 = arith.constant 6 : i32
      %shift_left3A_129 = vector.broadcast %shift_left3A_128 : i32 to vector<16xi32>
      %shift_left3A_130 = arith.shli %get3A_127, %shift_left3A_129 : vector<16xi32>
      %get3A_131 = arith.index_cast %add3A_106 : i32 to index
      %get3A_132 = arith.constant 64 : index
      %get3A_133 = tpu.vector_load %arg9[%get3A_131, %get3A_132] {strides = array<i32>} : memref<200x128xi32, #tpu.memory_space<vmem>>, vector<16xi32>,
      %shift_left3A_134 = arith.constant 6 : i32
      %shift_left3A_135 = vector.broadcast %shift_left3A_134 : i32 to vector<16xi32>
      %shift_left3A_136 = arith.shli %get3A_133, %shift_left3A_135 : vector<16xi32>
      %get3A_137 = arith.index_cast %add3A_106 : i32 to index
      %get3A_138 = arith.constant 80 : index
      %get3A_139 = tpu.vector_load %arg9[%get3A_137, %get3A_138] {strides = array<i32>} : memref<200x128xi32, #tpu.memory_space<vmem>>, vector<16xi32>,
      %shift_left3A_140 = arith.constant 6 : i32
      %shift_left3A_141 = vector.broadcast %shift_left3A_140 : i32 to vector<16xi32>
      %shift_left3A_142 = arith.shli %get3A_139, %shift_left3A_141 : vector<16xi32>
      %get3A_143 = arith.index_cast %add3A_106 : i32 to index
      %get3A_144 = arith.constant 96 : index
      %get3A_145 = tpu.vector_load %arg9[%get3A_143, %get3A_144] {strides = array<i32>} : memref<200x128xi32, #tpu.memory_space<vmem>>, vector<16xi32>,
      %shift_left3A_146 = arith.constant 6 : i32
      %shift_left3A_147 = vector.broadcast %shift_left3A_146 : i32 to vector<16xi32>
      %shift_left3A_148 = arith.shli %get3A_145, %shift_left3A_147 : vector<16xi32>
      %get3A_149 = arith.index_cast %add3A_106 : i32 to index
      %get3A_150 = arith.constant 112 : index
      %get3A_151 = tpu.vector_load %arg9[%get3A_149, %get3A_150] {strides = array<i32>} : memref<200x128xi32, #tpu.memory_space<vmem>>, vector<16xi32>,
      %shift_left3A_152 = arith.constant 6 : i32
      %shift_left3A_153 = vector.broadcast %shift_left3A_152 : i32 to vector<16xi32>
      %shift_left3A_154 = arith.shli %get3A_151, %shift_left3A_153 : vector<16xi32>
      %ge3A = arith.constant 2 : i32
      %ge3A_155 = arith.cmpi sge, %add3A_106, %ge3A : i32
      %convert_element_type3A = arith.extui %ge3A_155 : i1 to i32
      %cond3A = arith.constant 0 : i32
      %cond3A_156 = arith.cmpi ne, %convert_element_type3A, %cond3A : i32
      scf.if %cond3A_156 {
        %sub3A = arith.constant 2 : i32
        %sub3A_488 = arith.subi %add3A_106, %sub3A : i32
        %dma_wait3A_489 = arith.constant 0 : i32
        %dma_wait3A_490 = arith.constant 0 : i32
        %dma_wait3A_491 = arith.constant 0 : i32
        %dma_wait3A_492 = tpu.memref_slice %arg14[%dma_wait3A_489, %dma_wait3A_490, %dma_wait3A_491] : memref<2x8x1024xf32, #tpu.memory_space<vmem>> -> memref<1x8x1024xf32, #tpu.memory_space<vmem>>
        %dma_wait3A_493 = tpu.memref_squeeze %dma_wait3A_492 : memref<1x8x1024xf32, #tpu.memory_space<vmem>> -> memref<8x1024xf32, #tpu.memory_space<vmem>>
        %dma_wait3A_494 = arith.constant 0 : i32
        %dma_wait3A_495 = arith.constant 0 : i32
        %dma_wait3A_496 = tpu.memref_slice %arg7[%sub3A_488, %dma_wait3A_494, %add3A, %dma_wait3A_495] : memref<200x8x32x1024xf32, #tpu.memory_space<hbm>> -> memref<1x8x1x1024xf32, #tpu.memory_space<hbm>>
        %dma_wait3A_497 = tpu.memref_squeeze %dma_wait3A_496 : memref<1x8x1x1024xf32, #tpu.memory_space<hbm>> -> memref<8x1024xf32, #tpu.memory_space<hbm>>
        %dma_wait3A_498 = arith.constant 0 : i32
        %dma_wait3A_499 = arith.constant 0 : i32
        %dma_wait3A_500 = tpu.memref_slice %arg7[%sub3A_488, %dma_wait3A_498, %add3A, %dma_wait3A_499] : memref<200x8x32x1024xf32, #tpu.memory_space<hbm>> -> memref<1x8x1x1024xf32, #tpu.memory_space<hbm>>
        %dma_wait3A_501 = tpu.memref_squeeze %dma_wait3A_500 : memref<1x8x1x1024xf32, #tpu.memory_space<hbm>> -> memref<8x1024xf32, #tpu.memory_space<hbm>>
        %dma_wait3A_502 = arith.constant 0 : i32
        %dma_wait3A_503 = arith.constant 0 : i32
        %dma_wait3A_504 = tpu.memref_slice %arg14[%dma_wait3A_489, %dma_wait3A_502, %dma_wait3A_503] : memref<2x8x1024xf32, #tpu.memory_space<vmem>> -> memref<1x8x1024xf32, #tpu.memory_space<vmem>>
        %dma_wait3A_505 = tpu.memref_squeeze %dma_wait3A_504 : memref<1x8x1024xf32, #tpu.memory_space<vmem>> -> memref<8x1024xf32, #tpu.memory_space<vmem>>
        tpu.wait_dma2 semaphore(%arg16 : memref<!tpu.dma_semaphore, #tpu.memory_space<semaphore_mem>>) src(%dma_wait3A_505 : memref<8x1024xf32, #tpu.memory_space<vmem>>) dst(%dma_wait3A_501 : memref<8x1024xf32, #tpu.memory_space<hbm>>)
      } else {
      }
      %dma_wait3A_157 = arith.constant 0 : i32
      %dma_wait3A_158 = arith.constant 0 : i32
      %dma_wait3A_159 = arith.constant 0 : i32
      %dma_wait3A_160 = tpu.memref_slice %arg13[%dma_wait3A_157, %dma_wait3A_158, %dma_wait3A_159] : memref<4x128x64xf32, #tpu.memory_space<vmem>> -> memref<1x128x64xf32, #tpu.memory_space<vmem>>
      %dma_wait3A_161 = tpu.memref_squeeze %dma_wait3A_160 : memref<1x128x64xf32, #tpu.memory_space<vmem>> -> memref<128x64xf32, #tpu.memory_space<vmem>>
      %dma_wait3A_162 = arith.constant 0 : i32
      %dma_wait3A_163 = tpu.memref_slice %arg8[%add3A_106, %dma_wait3A_162] : memref<200x128xi32, #tpu.memory_space<vmem>> -> memref<1x128xi32, #tpu.memory_space<vmem>>
      %dma_wait3A_164 = tpu.memref_squeeze %dma_wait3A_163 : memref<1x128xi32, #tpu.memory_space<vmem>> -> memref<128xi32, #tpu.memory_space<vmem>>
      %dma_wait3A_165 = arith.constant 0 : i32
      %dma_wait3A_166 = arith.constant 0 : i32
      %dma_wait3A_167 = tpu.memref_slice %arg5[%dma_wait3A_165, %dma_wait3A_166] : memref<100000x64xf32, #tpu.memory_space<hbm>> -> memref<100000x64xf32, #tpu.memory_space<hbm>>
      tpu.wait_indirect_dma semaphore(%arg15 : memref<!tpu.dma_semaphore, #tpu.memory_space<semaphore_mem>>) src(%dma_wait3A_167 : memref<100000x64xf32, #tpu.memory_space<hbm>>) dst(%dma_wait3A_161 : memref<128x64xf32, #tpu.memory_space<vmem>>)
      %add3A_168 = arith.constant 3 : i32
      %add3A_169 = arith.addi %add3A_106, %add3A_168 : i32
      %lt3A = arith.constant 200 : i32
      %lt3A_170 = arith.cmpi slt, %add3A_169, %lt3A : i32
      %convert_element_type3A_171 = arith.extui %lt3A_170 : i1 to i32
      %cond3A_172 = arith.constant 0 : i32
      %cond3A_173 = arith.cmpi ne, %convert_element_type3A_171, %cond3A_172 : i32
      scf.if %cond3A_173 {
        %add3A_488 = arith.constant 3 : i32
        %add3A_489 = arith.addi %add3A_106, %add3A_488 : i32
        %dma_start3A_490 = arith.constant 3 : i32
        %dma_start3A_491 = arith.constant 0 : i32
        %dma_start3A_492 = arith.constant 0 : i32
        %dma_start3A_493 = tpu.memref_slice %arg13[%dma_start3A_490, %dma_start3A_491, %dma_start3A_492] : memref<4x128x64xf32, #tpu.memory_space<vmem>> -> memref<1x128x64xf32, #tpu.memory_space<vmem>>
        %dma_start3A_494 = tpu.memref_squeeze %dma_start3A_493 : memref<1x128x64xf32, #tpu.memory_space<vmem>> -> memref<128x64xf32, #tpu.memory_space<vmem>>
        %dma_start3A_495 = arith.constant 0 : i32
        %dma_start3A_496 = tpu.memref_slice %arg8[%add3A_489, %dma_start3A_495] : memref<200x128xi32, #tpu.memory_space<vmem>> -> memref<1x128xi32, #tpu.memory_space<vmem>>
        %dma_start3A_497 = tpu.memref_squeeze %dma_start3A_496 : memref<1x128xi32, #tpu.memory_space<vmem>> -> memref<128xi32, #tpu.memory_space<vmem>>
        %dma_start3A_498 = arith.constant 0 : i32
        %dma_start3A_499 = arith.constant 0 : i32
        %dma_start3A_500 = tpu.memref_slice %arg5[%dma_start3A_498, %dma_start3A_499] : memref<100000x64xf32, #tpu.memory_space<hbm>> -> memref<100000x64xf32, #tpu.memory_space<hbm>>
        tpu.enqueue_indirect_dma source(%dma_start3A_500 : memref<100000x64xf32, #tpu.memory_space<hbm>>) target(%dma_start3A_494 : memref<128x64xf32, #tpu.memory_space<vmem>>) offsets(%dma_start3A_497 : memref<128xi32, #tpu.memory_space<vmem>>) semaphore(%arg15 : memref<!tpu.dma_semaphore, #tpu.memory_space<semaphore_mem>>)
      } else {
      }
      %parallel_loop3A_174 = arith.constant 0 : i32
      %parallel_loop3A_175 = arith.constant 64 : i32
      %parallel_loop3A_176 = arith.constant 1 : i32
      scf.for %parallel_loop3A_488 = %parallel_loop3A_174 to %parallel_loop3A_175 step %parallel_loop3A_176  : i32 {
        %parallel_loop3A_489 = vector.broadcast %parallel_loop3A_488 : i32 to vector<16xi32>
        %parallel_loop3A_490 = arith.addi %iota3A, %parallel_loop3A_489 : vector<16xi32>
        %parallel_loop3A_491 = arith.constant 15 : i32
        %parallel_loop3A_492 = vector.broadcast %parallel_loop3A_491 : i32 to vector<16xi32>
        %parallel_loop3A_493 = arith.andi %parallel_loop3A_490, %parallel_loop3A_492 : vector<16xi32>
        %parallel_loop3A_494 = arith.constant -16 : i32
        %parallel_loop3A_495 = arith.andi %parallel_loop3A_488, %parallel_loop3A_494 : i32
        %parallel_loop3A_496 = vector.broadcast %parallel_loop3A_495 : i32 to vector<16xi32>
        %parallel_loop3A_497 = arith.addi %parallel_loop3A_493, %parallel_loop3A_496 : vector<16xi32>
        %parallel_loop3A_498 = arith.constant 3 : i32
        %parallel_loop3A_499 = vector.broadcast %parallel_loop3A_498 : i32 to vector<16xi32>
        %parallel_loop3A_500 = arith.shrsi %parallel_loop3A_497, %parallel_loop3A_499 : vector<16xi32>
        %parallel_loop3A_501 = arith.constant 7 : i32
        %parallel_loop3A_502 = vector.broadcast %parallel_loop3A_501 : i32 to vector<16xi32>
        %parallel_loop3A_503 = arith.andi %parallel_loop3A_497, %parallel_loop3A_502 : vector<16xi32>
        %parallel_loop3A_504 = arith.constant 7 : i32
        %parallel_loop3A_505 = vector.broadcast %parallel_loop3A_504 : i32 to vector<16xi32>
        %parallel_loop3A_506 = arith.shli %parallel_loop3A_503, %parallel_loop3A_505 : vector<16xi32>
        %parallel_loop3A_507 = arith.constant 0 : i32
        %parallel_loop3A_508 = arith.constant 0 : i32
        %parallel_loop3A_509 = arith.constant 0 : i32
        %parallel_loop3A_510 = tpu.memref_slice %arg13[%parallel_loop3A_507, %parallel_loop3A_508, %parallel_loop3A_509] : memref<4x128x64xf32, #tpu.memory_space<vmem>> -> memref<1x128x64xf32, #tpu.memory_space<vmem>>
        %parallel_loop3A_511 = tpu.memref_squeeze %parallel_loop3A_510 : memref<1x128x64xf32, #tpu.memory_space<vmem>> -> memref<128x64xf32, #tpu.memory_space<vmem>>
        %parallel_loop3A_512 = tpu.vector_load_idx %parallel_loop3A_511[%add3A_5, %parallel_loop3A_497] : memref<128x64xf32, #tpu.memory_space<vmem>>[vector<16xi32>, vector<16xi32>], vector<16xf32>,
        %parallel_loop3A_513 = arith.addi %shift_left3A_112, %parallel_loop3A_497 : vector<16xi32>
        %parallel_loop3A_514 = tpu.vector_load_idx %arg12[%parallel_loop3A_513] : memref<512xf32, #tpu.memory_space<vmem>>[vector<16xi32>], vector<16xf32>,
        %parallel_loop3A_515 = arith.addi %parallel_loop3A_506, %add3A_5 : vector<16xi32>
        %parallel_loop3A_516 = arith.addf %parallel_loop3A_512, %parallel_loop3A_514 : vector<16xf32>
        %parallel_loop3A_517 = arith.constant 0 : i32
        %parallel_loop3A_518 = arith.constant 0 : i32
        %parallel_loop3A_519 = arith.constant 0 : i32
        %parallel_loop3A_520 = tpu.memref_slice %arg14[%parallel_loop3A_517, %parallel_loop3A_518, %parallel_loop3A_519] : memref<2x8x1024xf32, #tpu.memory_space<vmem>> -> memref<1x8x1024xf32, #tpu.memory_space<vmem>>
        %parallel_loop3A_521 = tpu.memref_squeeze %parallel_loop3A_520 : memref<1x8x1024xf32, #tpu.memory_space<vmem>> -> memref<8x1024xf32, #tpu.memory_space<vmem>>
        tpu.vector_store_idx %parallel_loop3A_521[%parallel_loop3A_500, %parallel_loop3A_515], %parallel_loop3A_516 : memref<8x1024xf32, #tpu.memory_space<vmem>>[vector<16xi32>, vector<16xi32>], vector<16xf32>,
        %parallel_loop3A_522 = arith.constant 0 : i32
        %parallel_loop3A_523 = arith.constant 0 : i32
        %parallel_loop3A_524 = arith.constant 0 : i32
        %parallel_loop3A_525 = tpu.memref_slice %arg13[%parallel_loop3A_522, %parallel_loop3A_523, %parallel_loop3A_524] : memref<4x128x64xf32, #tpu.memory_space<vmem>> -> memref<1x128x64xf32, #tpu.memory_space<vmem>>
        %parallel_loop3A_526 = tpu.memref_squeeze %parallel_loop3A_525 : memref<1x128x64xf32, #tpu.memory_space<vmem>> -> memref<128x64xf32, #tpu.memory_space<vmem>>
        %parallel_loop3A_527 = tpu.vector_load_idx %parallel_loop3A_526[%add3A_8, %parallel_loop3A_497] : memref<128x64xf32, #tpu.memory_space<vmem>>[vector<16xi32>, vector<16xi32>], vector<16xf32>,
        %parallel_loop3A_528 = arith.addi %shift_left3A_118, %parallel_loop3A_497 : vector<16xi32>
        %parallel_loop3A_529 = tpu.vector_load_idx %arg12[%parallel_loop3A_528] : memref<512xf32, #tpu.memory_space<vmem>>[vector<16xi32>], vector<16xf32>,
        %parallel_loop3A_530 = arith.addi %parallel_loop3A_506, %add3A_8 : vector<16xi32>
        %parallel_loop3A_531 = arith.addf %parallel_loop3A_527, %parallel_loop3A_529 : vector<16xf32>
        %parallel_loop3A_532 = arith.constant 0 : i32
        %parallel_loop3A_533 = arith.constant 0 : i32
        %parallel_loop3A_534 = arith.constant 0 : i32
        %parallel_loop3A_535 = tpu.memref_slice %arg14[%parallel_loop3A_532, %parallel_loop3A_533, %parallel_loop3A_534] : memref<2x8x1024xf32, #tpu.memory_space<vmem>> -> memref<1x8x1024xf32, #tpu.memory_space<vmem>>
        %parallel_loop3A_536 = tpu.memref_squeeze %parallel_loop3A_535 : memref<1x8x1024xf32, #tpu.memory_space<vmem>> -> memref<8x1024xf32, #tpu.memory_space<vmem>>
        tpu.vector_store_idx %parallel_loop3A_536[%parallel_loop3A_500, %parallel_loop3A_530], %parallel_loop3A_531 : memref<8x1024xf32, #tpu.memory_space<vmem>>[vector<16xi32>, vector<16xi32>], vector<16xf32>,
        %parallel_loop3A_537 = arith.constant 0 : i32
        %parallel_loop3A_538 = arith.constant 0 : i32
        %parallel_loop3A_539 = arith.constant 0 : i32
        %parallel_loop3A_540 = tpu.memref_slice %arg13[%parallel_loop3A_537, %parallel_loop3A_538, %parallel_loop3A_539] : memref<4x128x64xf32, #tpu.memory_space<vmem>> -> memref<1x128x64xf32, #tpu.memory_space<vmem>>
        %parallel_loop3A_541 = tpu.memref_squeeze %parallel_loop3A_540 : memref<1x128x64xf32, #tpu.memory_space<vmem>> -> memref<128x64xf32, #tpu.memory_space<vmem>>
        %parallel_loop3A_542 = tpu.vector_load_idx %parallel_loop3A_541[%add3A_11, %parallel_loop3A_497] : memref<128x64xf32, #tpu.memory_space<vmem>>[vector<16xi32>, vector<16xi32>], vector<16xf32>,
        %parallel_loop3A_543 = arith.addi %shift_left3A_124, %parallel_loop3A_497 : vector<16xi32>
        %parallel_loop3A_544 = tpu.vector_load_idx %arg12[%parallel_loop3A_543] : memref<512xf32, #tpu.memory_space<vmem>>[vector<16xi32>], vector<16xf32>,
        %parallel_loop3A_545 = arith.addi %parallel_loop3A_506, %add3A_11 : vector<16xi32>
        %parallel_loop3A_546 = arith.addf %parallel_loop3A_542, %parallel_loop3A_544 : vector<16xf32>
        %parallel_loop3A_547 = arith.constant 0 : i32
        %parallel_loop3A_548 = arith.constant 0 : i32
        %parallel_loop3A_549 = arith.constant 0 : i32
        %parallel_loop3A_550 = tpu.memref_slice %arg14[%parallel_loop3A_547, %parallel_loop3A_548, %parallel_loop3A_549] : memref<2x8x1024xf32, #tpu.memory_space<vmem>> -> memref<1x8x1024xf32, #tpu.memory_space<vmem>>
        %parallel_loop3A_551 = tpu.memref_squeeze %parallel_loop3A_550 : memref<1x8x1024xf32, #tpu.memory_space<vmem>> -> memref<8x1024xf32, #tpu.memory_space<vmem>>
        tpu.vector_store_idx %parallel_loop3A_551[%parallel_loop3A_500, %parallel_loop3A_545], %parallel_loop3A_546 : memref<8x1024xf32, #tpu.memory_space<vmem>>[vector<16xi32>, vector<16xi32>], vector<16xf32>,
        %parallel_loop3A_552 = arith.constant 0 : i32
        %parallel_loop3A_553 = arith.constant 0 : i32
        %parallel_loop3A_554 = arith.constant 0 : i32
        %parallel_loop3A_555 = tpu.memref_slice %arg13[%parallel_loop3A_552, %parallel_loop3A_553, %parallel_loop3A_554] : memref<4x128x64xf32, #tpu.memory_space<vmem>> -> memref<1x128x64xf32, #tpu.memory_space<vmem>>
        %parallel_loop3A_556 = tpu.memref_squeeze %parallel_loop3A_555 : memref<1x128x64xf32, #tpu.memory_space<vmem>> -> memref<128x64xf32, #tpu.memory_space<vmem>>
        %parallel_loop3A_557 = tpu.vector_load_idx %parallel_loop3A_556[%add3A_14, %parallel_loop3A_497] : memref<128x64xf32, #tpu.memory_space<vmem>>[vector<16xi32>, vector<16xi32>], vector<16xf32>,
        %parallel_loop3A_558 = arith.addi %shift_left3A_130, %parallel_loop3A_497 : vector<16xi32>
        %parallel_loop3A_559 = tpu.vector_load_idx %arg12[%parallel_loop3A_558] : memref<512xf32, #tpu.memory_space<vmem>>[vector<16xi32>], vector<16xf32>,
        %parallel_loop3A_560 = arith.addi %parallel_loop3A_506, %add3A_14 : vector<16xi32>
        %parallel_loop3A_561 = arith.addf %parallel_loop3A_557, %parallel_loop3A_559 : vector<16xf32>
        %parallel_loop3A_562 = arith.constant 0 : i32
        %parallel_loop3A_563 = arith.constant 0 : i32
        %parallel_loop3A_564 = arith.constant 0 : i32
        %parallel_loop3A_565 = tpu.memref_slice %arg14[%parallel_loop3A_562, %parallel_loop3A_563, %parallel_loop3A_564] : memref<2x8x1024xf32, #tpu.memory_space<vmem>> -> memref<1x8x1024xf32, #tpu.memory_space<vmem>>
        %parallel_loop3A_566 = tpu.memref_squeeze %parallel_loop3A_565 : memref<1x8x1024xf32, #tpu.memory_space<vmem>> -> memref<8x1024xf32, #tpu.memory_space<vmem>>
        tpu.vector_store_idx %parallel_loop3A_566[%parallel_loop3A_500, %parallel_loop3A_560], %parallel_loop3A_561 : memref<8x1024xf32, #tpu.memory_space<vmem>>[vector<16xi32>, vector<16xi32>], vector<16xf32>,
        %parallel_loop3A_567 = arith.constant 0 : i32
        %parallel_loop3A_568 = arith.constant 0 : i32
        %parallel_loop3A_569 = arith.constant 0 : i32
        %parallel_loop3A_570 = tpu.memref_slice %arg13[%parallel_loop3A_567, %parallel_loop3A_568, %parallel_loop3A_569] : memref<4x128x64xf32, #tpu.memory_space<vmem>> -> memref<1x128x64xf32, #tpu.memory_space<vmem>>
        %parallel_loop3A_571 = tpu.memref_squeeze %parallel_loop3A_570 : memref<1x128x64xf32, #tpu.memory_space<vmem>> -> memref<128x64xf32, #tpu.memory_space<vmem>>
        %parallel_loop3A_572 = tpu.vector_load_idx %parallel_loop3A_571[%add3A_17, %parallel_loop3A_497] : memref<128x64xf32, #tpu.memory_space<vmem>>[vector<16xi32>, vector<16xi32>], vector<16xf32>,
        %parallel_loop3A_573 = arith.addi %shift_left3A_136, %parallel_loop3A_497 : vector<16xi32>
        %parallel_loop3A_574 = tpu.vector_load_idx %arg12[%parallel_loop3A_573] : memref<512xf32, #tpu.memory_space<vmem>>[vector<16xi32>], vector<16xf32>,
        %parallel_loop3A_575 = arith.addi %parallel_loop3A_506, %add3A_17 : vector<16xi32>
        %parallel_loop3A_576 = arith.addf %parallel_loop3A_572, %parallel_loop3A_574 : vector<16xf32>
        %parallel_loop3A_577 = arith.constant 0 : i32
        %parallel_loop3A_578 = arith.constant 0 : i32
        %parallel_loop3A_579 = arith.constant 0 : i32
        %parallel_loop3A_580 = tpu.memref_slice %arg14[%parallel_loop3A_577, %parallel_loop3A_578, %parallel_loop3A_579] : memref<2x8x1024xf32, #tpu.memory_space<vmem>> -> memref<1x8x1024xf32, #tpu.memory_space<vmem>>
        %parallel_loop3A_581 = tpu.memref_squeeze %parallel_loop3A_580 : memref<1x8x1024xf32, #tpu.memory_space<vmem>> -> memref<8x1024xf32, #tpu.memory_space<vmem>>
        tpu.vector_store_idx %parallel_loop3A_581[%parallel_loop3A_500, %parallel_loop3A_575], %parallel_loop3A_576 : memref<8x1024xf32, #tpu.memory_space<vmem>>[vector<16xi32>, vector<16xi32>], vector<16xf32>,
        %parallel_loop3A_582 = arith.constant 0 : i32
        %parallel_loop3A_583 = arith.constant 0 : i32
        %parallel_loop3A_584 = arith.constant 0 : i32
        %parallel_loop3A_585 = tpu.memref_slice %arg13[%parallel_loop3A_582, %parallel_loop3A_583, %parallel_loop3A_584] : memref<4x128x64xf32, #tpu.memory_space<vmem>> -> memref<1x128x64xf32, #tpu.memory_space<vmem>>
        %parallel_loop3A_586 = tpu.memref_squeeze %parallel_loop3A_585 : memref<1x128x64xf32, #tpu.memory_space<vmem>> -> memref<128x64xf32, #tpu.memory_space<vmem>>
        %parallel_loop3A_587 = tpu.vector_load_idx %parallel_loop3A_586[%add3A_20, %parallel_loop3A_497] : memref<128x64xf32, #tpu.memory_space<vmem>>[vector<16xi32>, vector<16xi32>], vector<16xf32>,
        %parallel_loop3A_588 = arith.addi %shift_left3A_142, %parallel_loop3A_497 : vector<16xi32>
        %parallel_loop3A_589 = tpu.vector_load_idx %arg12[%parallel_loop3A_588] : memref<512xf32, #tpu.memory_space<vmem>>[vector<16xi32>], vector<16xf32>,
        %parallel_loop3A_590 = arith.addi %parallel_loop3A_506, %add3A_20 : vector<16xi32>
        %parallel_loop3A_591 = arith.addf %parallel_loop3A_587, %parallel_loop3A_589 : vector<16xf32>
        %parallel_loop3A_592 = arith.constant 0 : i32
        %parallel_loop3A_593 = arith.constant 0 : i32
        %parallel_loop3A_594 = arith.constant 0 : i32
        %parallel_loop3A_595 = tpu.memref_slice %arg14[%parallel_loop3A_592, %parallel_loop3A_593, %parallel_loop3A_594] : memref<2x8x1024xf32, #tpu.memory_space<vmem>> -> memref<1x8x1024xf32, #tpu.memory_space<vmem>>
        %parallel_loop3A_596 = tpu.memref_squeeze %parallel_loop3A_595 : memref<1x8x1024xf32, #tpu.memory_space<vmem>> -> memref<8x1024xf32, #tpu.memory_space<vmem>>
        tpu.vector_store_idx %parallel_loop3A_596[%parallel_loop3A_500, %parallel_loop3A_590], %parallel_loop3A_591 : memref<8x1024xf32, #tpu.memory_space<vmem>>[vector<16xi32>, vector<16xi32>], vector<16xf32>,
        %parallel_loop3A_597 = arith.constant 0 : i32
        %parallel_loop3A_598 = arith.constant 0 : i32
        %parallel_loop3A_599 = arith.constant 0 : i32
        %parallel_loop3A_600 = tpu.memref_slice %arg13[%parallel_loop3A_597, %parallel_loop3A_598, %parallel_loop3A_599] : memref<4x128x64xf32, #tpu.memory_space<vmem>> -> memref<1x128x64xf32, #tpu.memory_space<vmem>>
        %parallel_loop3A_601 = tpu.memref_squeeze %parallel_loop3A_600 : memref<1x128x64xf32, #tpu.memory_space<vmem>> -> memref<128x64xf32, #tpu.memory_space<vmem>>
        %parallel_loop3A_602 = tpu.vector_load_idx %parallel_loop3A_601[%add3A_23, %parallel_loop3A_497] : memref<128x64xf32, #tpu.memory_space<vmem>>[vector<16xi32>, vector<16xi32>], vector<16xf32>,
        %parallel_loop3A_603 = arith.addi %shift_left3A_148, %parallel_loop3A_497 : vector<16xi32>
        %parallel_loop3A_604 = tpu.vector_load_idx %arg12[%parallel_loop3A_603] : memref<512xf32, #tpu.memory_space<vmem>>[vector<16xi32>], vector<16xf32>,
        %parallel_loop3A_605 = arith.addi %parallel_loop3A_506, %add3A_23 : vector<16xi32>
        %parallel_loop3A_606 = arith.addf %parallel_loop3A_602, %parallel_loop3A_604 : vector<16xf32>
        %parallel_loop3A_607 = arith.constant 0 : i32
        %parallel_loop3A_608 = arith.constant 0 : i32
        %parallel_loop3A_609 = arith.constant 0 : i32
        %parallel_loop3A_610 = tpu.memref_slice %arg14[%parallel_loop3A_607, %parallel_loop3A_608, %parallel_loop3A_609] : memref<2x8x1024xf32, #tpu.memory_space<vmem>> -> memref<1x8x1024xf32, #tpu.memory_space<vmem>>
        %parallel_loop3A_611 = tpu.memref_squeeze %parallel_loop3A_610 : memref<1x8x1024xf32, #tpu.memory_space<vmem>> -> memref<8x1024xf32, #tpu.memory_space<vmem>>
        tpu.vector_store_idx %parallel_loop3A_611[%parallel_loop3A_500, %parallel_loop3A_605], %parallel_loop3A_606 : memref<8x1024xf32, #tpu.memory_space<vmem>>[vector<16xi32>, vector<16xi32>], vector<16xf32>,
        %parallel_loop3A_612 = arith.constant 0 : i32
        %parallel_loop3A_613 = arith.constant 0 : i32
        %parallel_loop3A_614 = arith.constant 0 : i32
        %parallel_loop3A_615 = tpu.memref_slice %arg13[%parallel_loop3A_612, %parallel_loop3A_613, %parallel_loop3A_614] : memref<4x128x64xf32, #tpu.memory_space<vmem>> -> memref<1x128x64xf32, #tpu.memory_space<vmem>>
        %parallel_loop3A_616 = tpu.memref_squeeze %parallel_loop3A_615 : memref<1x128x64xf32, #tpu.memory_space<vmem>> -> memref<128x64xf32, #tpu.memory_space<vmem>>
        %parallel_loop3A_617 = tpu.vector_load_idx %parallel_loop3A_616[%add3A_26, %parallel_loop3A_497] : memref<128x64xf32, #tpu.memory_space<vmem>>[vector<16xi32>, vector<16xi32>], vector<16xf32>,
        %parallel_loop3A_618 = arith.addi %shift_left3A_154, %parallel_loop3A_497 : vector<16xi32>
        %parallel_loop3A_619 = tpu.vector_load_idx %arg12[%parallel_loop3A_618] : memref<512xf32, #tpu.memory_space<vmem>>[vector<16xi32>], vector<16xf32>,
        %parallel_loop3A_620 = arith.addi %parallel_loop3A_506, %add3A_26 : vector<16xi32>
        %parallel_loop3A_621 = arith.addf %parallel_loop3A_617, %parallel_loop3A_619 : vector<16xf32>
        %parallel_loop3A_622 = arith.constant 0 : i32
        %parallel_loop3A_623 = arith.constant 0 : i32
        %parallel_loop3A_624 = arith.constant 0 : i32
        %parallel_loop3A_625 = tpu.memref_slice %arg14[%parallel_loop3A_622, %parallel_loop3A_623, %parallel_loop3A_624] : memref<2x8x1024xf32, #tpu.memory_space<vmem>> -> memref<1x8x1024xf32, #tpu.memory_space<vmem>>
        %parallel_loop3A_626 = tpu.memref_squeeze %parallel_loop3A_625 : memref<1x8x1024xf32, #tpu.memory_space<vmem>> -> memref<8x1024xf32, #tpu.memory_space<vmem>>
        tpu.vector_store_idx %parallel_loop3A_626[%parallel_loop3A_500, %parallel_loop3A_620], %parallel_loop3A_621 : memref<8x1024xf32, #tpu.memory_space<vmem>>[vector<16xi32>, vector<16xi32>], vector<16xf32>,
      } {sc.loop_unroll_factor = 4 : i64, sc.parallel_access}
      %dma_start3A_177 = arith.constant 0 : i32
      %dma_start3A_178 = arith.constant 0 : i32
      %dma_start3A_179 = arith.constant 0 : i32
      %dma_start3A_180 = tpu.memref_slice %arg14[%dma_start3A_177, %dma_start3A_178, %dma_start3A_179] : memref<2x8x1024xf32, #tpu.memory_space<vmem>> -> memref<1x8x1024xf32, #tpu.memory_space<vmem>>
      %dma_start3A_181 = tpu.memref_squeeze %dma_start3A_180 : memref<1x8x1024xf32, #tpu.memory_space<vmem>> -> memref<8x1024xf32, #tpu.memory_space<vmem>>
      %dma_start3A_182 = arith.constant 0 : i32
      %dma_start3A_183 = arith.constant 0 : i32
      %dma_start3A_184 = tpu.memref_slice %arg7[%add3A_106, %dma_start3A_182, %add3A, %dma_start3A_183] : memref<200x8x32x1024xf32, #tpu.memory_space<hbm>> -> memref<1x8x1x1024xf32, #tpu.memory_space<hbm>>
      %dma_start3A_185 = tpu.memref_squeeze %dma_start3A_184 : memref<1x8x1x1024xf32, #tpu.memory_space<hbm>> -> memref<8x1024xf32, #tpu.memory_space<hbm>>
      %dma_start3A_186 = arith.constant 0 : i32
      %dma_start3A_187 = arith.constant 0 : i32
      %dma_start3A_188 = tpu.memref_slice %arg7[%add3A_106, %dma_start3A_186, %add3A, %dma_start3A_187] : memref<200x8x32x1024xf32, #tpu.memory_space<hbm>> -> memref<1x8x1x1024xf32, #tpu.memory_space<hbm>>
      %dma_start3A_189 = tpu.memref_squeeze %dma_start3A_188 : memref<1x8x1x1024xf32, #tpu.memory_space<hbm>> -> memref<8x1024xf32, #tpu.memory_space<hbm>>
      %dma_start3A_190 = arith.constant 0 : i32
      %dma_start3A_191 = arith.constant 0 : i32
      %dma_start3A_192 = tpu.memref_slice %arg14[%dma_start3A_177, %dma_start3A_190, %dma_start3A_191] : memref<2x8x1024xf32, #tpu.memory_space<vmem>> -> memref<1x8x1024xf32, #tpu.memory_space<vmem>>
      %dma_start3A_193 = tpu.memref_squeeze %dma_start3A_192 : memref<1x8x1024xf32, #tpu.memory_space<vmem>> -> memref<8x1024xf32, #tpu.memory_space<vmem>>
      tpu.enqueue_dma source(%dma_start3A_193 : memref<8x1024xf32, #tpu.memory_space<vmem>>) target(%dma_start3A_189 : memref<8x1024xf32, #tpu.memory_space<hbm>>) target_semaphore(%arg16 : memref<!tpu.dma_semaphore, #tpu.memory_space<semaphore_mem>>)
      %mul3A_194 = arith.constant 4 : i32
      %mul3A_195 = arith.muli %mul3A_194, %scan3A_102 : i32
      %add3A_196 = arith.constant 1 : i32
      %add3A_197 = arith.addi %mul3A_195, %add3A_196 : i32
      %parallel_loop3A_198 = arith.constant 0 : i32
      %parallel_loop3A_199 = arith.constant 8 : i32
      %parallel_loop3A_200 = arith.constant 1 : i32
      scf.for %parallel_loop3A_488 = %parallel_loop3A_198 to %parallel_loop3A_199 step %parallel_loop3A_200  : i32 {
        %parallel_loop3A_489 = arith.index_cast %add3A_197 : i32 to index
        %parallel_loop3A_490 = arith.constant 0 : index
        %parallel_loop3A_491 = tpu.vector_load %arg10[%parallel_loop3A_489, %parallel_loop3A_490] {strides = array<i32>} : memref<200x64xf32, #tpu.memory_space<vmem>>, vector<16xf32>,
        %parallel_loop3A_492 = arith.index_cast %parallel_loop3A_488 : i32 to index
        %parallel_loop3A_493 = arith.constant 0 : index
        %parallel_loop3A_494 = tpu.vector_load %arg11[%parallel_loop3A_492, %parallel_loop3A_493] {strides = array<i32>} : memref<8x64xf32, #tpu.memory_space<vmem>>, vector<16xf32>,
        %parallel_loop3A_495 = arith.addf %parallel_loop3A_491, %parallel_loop3A_494 : vector<16xf32>
        %parallel_loop3A_496 = arith.constant 64 : i32
        %parallel_loop3A_497 = arith.muli %parallel_loop3A_488, %parallel_loop3A_496 : i32
        %parallel_loop3A_498 = arith.constant 0 : i32
        %parallel_loop3A_499 = arith.addi %parallel_loop3A_497, %parallel_loop3A_498 : i32
        %parallel_loop3A_500 = arith.index_cast %parallel_loop3A_499 : i32 to index
        %parallel_loop3A_501 = tpu.vector_load %arg12[%parallel_loop3A_500] {strides = array<i32>} : memref<512xf32, #tpu.memory_space<vmem>>, vector<16xf32>,
        tpu.vector_store %arg12[%parallel_loop3A_500], %parallel_loop3A_495 {strides = array<i32>} : memref<512xf32, #tpu.memory_space<vmem>>, vector<16xf32>,
        %parallel_loop3A_502 = arith.index_cast %add3A_197 : i32 to index
        %parallel_loop3A_503 = arith.constant 16 : index
        %parallel_loop3A_504 = tpu.vector_load %arg10[%parallel_loop3A_502, %parallel_loop3A_503] {strides = array<i32>} : memref<200x64xf32, #tpu.memory_space<vmem>>, vector<16xf32>,
        %parallel_loop3A_505 = arith.index_cast %parallel_loop3A_488 : i32 to index
        %parallel_loop3A_506 = arith.constant 16 : index
        %parallel_loop3A_507 = tpu.vector_load %arg11[%parallel_loop3A_505, %parallel_loop3A_506] {strides = array<i32>} : memref<8x64xf32, #tpu.memory_space<vmem>>, vector<16xf32>,
        %parallel_loop3A_508 = arith.addf %parallel_loop3A_504, %parallel_loop3A_507 : vector<16xf32>
        %parallel_loop3A_509 = arith.constant 64 : i32
        %parallel_loop3A_510 = arith.muli %parallel_loop3A_488, %parallel_loop3A_509 : i32
        %parallel_loop3A_511 = arith.constant 16 : i32
        %parallel_loop3A_512 = arith.addi %parallel_loop3A_510, %parallel_loop3A_511 : i32
        %parallel_loop3A_513 = arith.index_cast %parallel_loop3A_512 : i32 to index
        %parallel_loop3A_514 = tpu.vector_load %arg12[%parallel_loop3A_513] {strides = array<i32>} : memref<512xf32, #tpu.memory_space<vmem>>, vector<16xf32>,
        tpu.vector_store %arg12[%parallel_loop3A_513], %parallel_loop3A_508 {strides = array<i32>} : memref<512xf32, #tpu.memory_space<vmem>>, vector<16xf32>,
        %parallel_loop3A_515 = arith.index_cast %add3A_197 : i32 to index
        %parallel_loop3A_516 = arith.constant 32 : index
        %parallel_loop3A_517 = tpu.vector_load %arg10[%parallel_loop3A_515, %parallel_loop3A_516] {strides = array<i32>} : memref<200x64xf32, #tpu.memory_space<vmem>>, vector<16xf32>,
        %parallel_loop3A_518 = arith.index_cast %parallel_loop3A_488 : i32 to index
        %parallel_loop3A_519 = arith.constant 32 : index
        %parallel_loop3A_520 = tpu.vector_load %arg11[%parallel_loop3A_518, %parallel_loop3A_519] {strides = array<i32>} : memref<8x64xf32, #tpu.memory_space<vmem>>, vector<16xf32>,
        %parallel_loop3A_521 = arith.addf %parallel_loop3A_517, %parallel_loop3A_520 : vector<16xf32>
        %parallel_loop3A_522 = arith.constant 64 : i32
        %parallel_loop3A_523 = arith.muli %parallel_loop3A_488, %parallel_loop3A_522 : i32
        %parallel_loop3A_524 = arith.constant 32 : i32
        %parallel_loop3A_525 = arith.addi %parallel_loop3A_523, %parallel_loop3A_524 : i32
        %parallel_loop3A_526 = arith.index_cast %parallel_loop3A_525 : i32 to index
        %parallel_loop3A_527 = tpu.vector_load %arg12[%parallel_loop3A_526] {strides = array<i32>} : memref<512xf32, #tpu.memory_space<vmem>>, vector<16xf32>,
        tpu.vector_store %arg12[%parallel_loop3A_526], %parallel_loop3A_521 {strides = array<i32>} : memref<512xf32, #tpu.memory_space<vmem>>, vector<16xf32>,
        %parallel_loop3A_528 = arith.index_cast %add3A_197 : i32 to index
        %parallel_loop3A_529 = arith.constant 48 : index
        %parallel_loop3A_530 = tpu.vector_load %arg10[%parallel_loop3A_528, %parallel_loop3A_529] {strides = array<i32>} : memref<200x64xf32, #tpu.memory_space<vmem>>, vector<16xf32>,
        %parallel_loop3A_531 = arith.index_cast %parallel_loop3A_488 : i32 to index
        %parallel_loop3A_532 = arith.constant 48 : index
        %parallel_loop3A_533 = tpu.vector_load %arg11[%parallel_loop3A_531, %parallel_loop3A_532] {strides = array<i32>} : memref<8x64xf32, #tpu.memory_space<vmem>>, vector<16xf32>,
        %parallel_loop3A_534 = arith.addf %parallel_loop3A_530, %parallel_loop3A_533 : vector<16xf32>
        %parallel_loop3A_535 = arith.constant 64 : i32
        %parallel_loop3A_536 = arith.muli %parallel_loop3A_488, %parallel_loop3A_535 : i32
        %parallel_loop3A_537 = arith.constant 48 : i32
        %parallel_loop3A_538 = arith.addi %parallel_loop3A_536, %parallel_loop3A_537 : i32
        %parallel_loop3A_539 = arith.index_cast %parallel_loop3A_538 : i32 to index
        %parallel_loop3A_540 = tpu.vector_load %arg12[%parallel_loop3A_539] {strides = array<i32>} : memref<512xf32, #tpu.memory_space<vmem>>, vector<16xf32>,
        tpu.vector_store %arg12[%parallel_loop3A_539], %parallel_loop3A_534 {strides = array<i32>} : memref<512xf32, #tpu.memory_space<vmem>>, vector<16xf32>,
      } {sc.loop_unroll_factor = 1 : i64, sc.parallel_access}
      %get3A_201 = arith.index_cast %add3A_197 : i32 to index
      %get3A_202 = arith.constant 0 : index
      %get3A_203 = tpu.vector_load %arg9[%get3A_201, %get3A_202] {strides = array<i32>} : memref<200x128xi32, #tpu.memory_space<vmem>>, vector<16xi32>,
      %shift_left3A_204 = arith.constant 6 : i32
      %shift_left3A_205 = vector.broadcast %shift_left3A_204 : i32 to vector<16xi32>
      %shift_left3A_206 = arith.shli %get3A_203, %shift_left3A_205 : vector<16xi32>
      %get3A_207 = arith.index_cast %add3A_197 : i32 to index
      %get3A_208 = arith.constant 16 : index
      %get3A_209 = tpu.vector_load %arg9[%get3A_207, %get3A_208] {strides = array<i32>} : memref<200x128xi32, #tpu.memory_space<vmem>>, vector<16xi32>,
      %shift_left3A_210 = arith.constant 6 : i32
      %shift_left3A_211 = vector.broadcast %shift_left3A_210 : i32 to vector<16xi32>
      %shift_left3A_212 = arith.shli %get3A_209, %shift_left3A_211 : vector<16xi32>
      %get3A_213 = arith.index_cast %add3A_197 : i32 to index
      %get3A_214 = arith.constant 32 : index
      %get3A_215 = tpu.vector_load %arg9[%get3A_213, %get3A_214] {strides = array<i32>} : memref<200x128xi32, #tpu.memory_space<vmem>>, vector<16xi32>,
      %shift_left3A_216 = arith.constant 6 : i32
      %shift_left3A_217 = vector.broadcast %shift_left3A_216 : i32 to vector<16xi32>
      %shift_left3A_218 = arith.shli %get3A_215, %shift_left3A_217 : vector<16xi32>
      %get3A_219 = arith.index_cast %add3A_197 : i32 to index
      %get3A_220 = arith.constant 48 : index
      %get3A_221 = tpu.vector_load %arg9[%get3A_219, %get3A_220] {strides = array<i32>} : memref<200x128xi32, #tpu.memory_space<vmem>>, vector<16xi32>,
      %shift_left3A_222 = arith.constant 6 : i32
      %shift_left3A_223 = vector.broadcast %shift_left3A_222 : i32 to vector<16xi32>
      %shift_left3A_224 = arith.shli %get3A_221, %shift_left3A_223 : vector<16xi32>
      %get3A_225 = arith.index_cast %add3A_197 : i32 to index
      %get3A_226 = arith.constant 64 : index
      %get3A_227 = tpu.vector_load %arg9[%get3A_225, %get3A_226] {strides = array<i32>} : memref<200x128xi32, #tpu.memory_space<vmem>>, vector<16xi32>,
      %shift_left3A_228 = arith.constant 6 : i32
      %shift_left3A_229 = vector.broadcast %shift_left3A_228 : i32 to vector<16xi32>
      %shift_left3A_230 = arith.shli %get3A_227, %shift_left3A_229 : vector<16xi32>
      %get3A_231 = arith.index_cast %add3A_197 : i32 to index
      %get3A_232 = arith.constant 80 : index
      %get3A_233 = tpu.vector_load %arg9[%get3A_231, %get3A_232] {strides = array<i32>} : memref<200x128xi32, #tpu.memory_space<vmem>>, vector<16xi32>,
      %shift_left3A_234 = arith.constant 6 : i32
      %shift_left3A_235 = vector.broadcast %shift_left3A_234 : i32 to vector<16xi32>
      %shift_left3A_236 = arith.shli %get3A_233, %shift_left3A_235 : vector<16xi32>
      %get3A_237 = arith.index_cast %add3A_197 : i32 to index
      %get3A_238 = arith.constant 96 : index
      %get3A_239 = tpu.vector_load %arg9[%get3A_237, %get3A_238] {strides = array<i32>} : memref<200x128xi32, #tpu.memory_space<vmem>>, vector<16xi32>,
      %shift_left3A_240 = arith.constant 6 : i32
      %shift_left3A_241 = vector.broadcast %shift_left3A_240 : i32 to vector<16xi32>
      %shift_left3A_242 = arith.shli %get3A_239, %shift_left3A_241 : vector<16xi32>
      %get3A_243 = arith.index_cast %add3A_197 : i32 to index
      %get3A_244 = arith.constant 112 : index
      %get3A_245 = tpu.vector_load %arg9[%get3A_243, %get3A_244] {strides = array<i32>} : memref<200x128xi32, #tpu.memory_space<vmem>>, vector<16xi32>,
      %shift_left3A_246 = arith.constant 6 : i32
      %shift_left3A_247 = vector.broadcast %shift_left3A_246 : i32 to vector<16xi32>
      %shift_left3A_248 = arith.shli %get3A_245, %shift_left3A_247 : vector<16xi32>
      %ge3A_249 = arith.constant 2 : i32
      %ge3A_250 = arith.cmpi sge, %add3A_197, %ge3A_249 : i32
      %convert_element_type3A_251 = arith.extui %ge3A_250 : i1 to i32
      %cond3A_252 = arith.constant 0 : i32
      %cond3A_253 = arith.cmpi ne, %convert_element_type3A_251, %cond3A_252 : i32
      scf.if %cond3A_253 {
        %sub3A = arith.constant 2 : i32
        %sub3A_488 = arith.subi %add3A_197, %sub3A : i32
        %dma_wait3A_489 = arith.constant 1 : i32
        %dma_wait3A_490 = arith.constant 0 : i32
        %dma_wait3A_491 = arith.constant 0 : i32
        %dma_wait3A_492 = tpu.memref_slice %arg14[%dma_wait3A_489, %dma_wait3A_490, %dma_wait3A_491] : memref<2x8x1024xf32, #tpu.memory_space<vmem>> -> memref<1x8x1024xf32, #tpu.memory_space<vmem>>
        %dma_wait3A_493 = tpu.memref_squeeze %dma_wait3A_492 : memref<1x8x1024xf32, #tpu.memory_space<vmem>> -> memref<8x1024xf32, #tpu.memory_space<vmem>>
        %dma_wait3A_494 = arith.constant 0 : i32
        %dma_wait3A_495 = arith.constant 0 : i32
        %dma_wait3A_496 = tpu.memref_slice %arg7[%sub3A_488, %dma_wait3A_494, %add3A, %dma_wait3A_495] : memref<200x8x32x1024xf32, #tpu.memory_space<hbm>> -> memref<1x8x1x1024xf32, #tpu.memory_space<hbm>>
        %dma_wait3A_497 = tpu.memref_squeeze %dma_wait3A_496 : memref<1x8x1x1024xf32, #tpu.memory_space<hbm>> -> memref<8x1024xf32, #tpu.memory_space<hbm>>
        %dma_wait3A_498 = arith.constant 0 : i32
        %dma_wait3A_499 = arith.constant 0 : i32
        %dma_wait3A_500 = tpu.memref_slice %arg7[%sub3A_488, %dma_wait3A_498, %add3A, %dma_wait3A_499] : memref<200x8x32x1024xf32, #tpu.memory_space<hbm>> -> memref<1x8x1x1024xf32, #tpu.memory_space<hbm>>
        %dma_wait3A_501 = tpu.memref_squeeze %dma_wait3A_500 : memref<1x8x1x1024xf32, #tpu.memory_space<hbm>> -> memref<8x1024xf32, #tpu.memory_space<hbm>>
        %dma_wait3A_502 = arith.constant 0 : i32
        %dma_wait3A_503 = arith.constant 0 : i32
        %dma_wait3A_504 = tpu.memref_slice %arg14[%dma_wait3A_489, %dma_wait3A_502, %dma_wait3A_503] : memref<2x8x1024xf32, #tpu.memory_space<vmem>> -> memref<1x8x1024xf32, #tpu.memory_space<vmem>>
        %dma_wait3A_505 = tpu.memref_squeeze %dma_wait3A_504 : memref<1x8x1024xf32, #tpu.memory_space<vmem>> -> memref<8x1024xf32, #tpu.memory_space<vmem>>
        tpu.wait_dma2 semaphore(%arg16 : memref<!tpu.dma_semaphore, #tpu.memory_space<semaphore_mem>>) src(%dma_wait3A_505 : memref<8x1024xf32, #tpu.memory_space<vmem>>) dst(%dma_wait3A_501 : memref<8x1024xf32, #tpu.memory_space<hbm>>)
      } else {
      }
      %dma_wait3A_254 = arith.constant 1 : i32
      %dma_wait3A_255 = arith.constant 0 : i32
      %dma_wait3A_256 = arith.constant 0 : i32
      %dma_wait3A_257 = tpu.memref_slice %arg13[%dma_wait3A_254, %dma_wait3A_255, %dma_wait3A_256] : memref<4x128x64xf32, #tpu.memory_space<vmem>> -> memref<1x128x64xf32, #tpu.memory_space<vmem>>
      %dma_wait3A_258 = tpu.memref_squeeze %dma_wait3A_257 : memref<1x128x64xf32, #tpu.memory_space<vmem>> -> memref<128x64xf32, #tpu.memory_space<vmem>>
      %dma_wait3A_259 = arith.constant 0 : i32
      %dma_wait3A_260 = tpu.memref_slice %arg8[%add3A_197, %dma_wait3A_259] : memref<200x128xi32, #tpu.memory_space<vmem>> -> memref<1x128xi32, #tpu.memory_space<vmem>>
      %dma_wait3A_261 = tpu.memref_squeeze %dma_wait3A_260 : memref<1x128xi32, #tpu.memory_space<vmem>> -> memref<128xi32, #tpu.memory_space<vmem>>
      %dma_wait3A_262 = arith.constant 0 : i32
      %dma_wait3A_263 = arith.constant 0 : i32
      %dma_wait3A_264 = tpu.memref_slice %arg5[%dma_wait3A_262, %dma_wait3A_263] : memref<100000x64xf32, #tpu.memory_space<hbm>> -> memref<100000x64xf32, #tpu.memory_space<hbm>>
      tpu.wait_indirect_dma semaphore(%arg15 : memref<!tpu.dma_semaphore, #tpu.memory_space<semaphore_mem>>) src(%dma_wait3A_264 : memref<100000x64xf32, #tpu.memory_space<hbm>>) dst(%dma_wait3A_258 : memref<128x64xf32, #tpu.memory_space<vmem>>)
      %add3A_265 = arith.constant 3 : i32
      %add3A_266 = arith.addi %add3A_197, %add3A_265 : i32
      %lt3A_267 = arith.constant 200 : i32
      %lt3A_268 = arith.cmpi slt, %add3A_266, %lt3A_267 : i32
      %convert_element_type3A_269 = arith.extui %lt3A_268 : i1 to i32
      %cond3A_270 = arith.constant 0 : i32
      %cond3A_271 = arith.cmpi ne, %convert_element_type3A_269, %cond3A_270 : i32
      scf.if %cond3A_271 {
        %add3A_488 = arith.constant 3 : i32
        %add3A_489 = arith.addi %add3A_197, %add3A_488 : i32
        %dma_start3A_490 = arith.constant 0 : i32
        %dma_start3A_491 = arith.constant 0 : i32
        %dma_start3A_492 = arith.constant 0 : i32
        %dma_start3A_493 = tpu.memref_slice %arg13[%dma_start3A_490, %dma_start3A_491, %dma_start3A_492] : memref<4x128x64xf32, #tpu.memory_space<vmem>> -> memref<1x128x64xf32, #tpu.memory_space<vmem>>
        %dma_start3A_494 = tpu.memref_squeeze %dma_start3A_493 : memref<1x128x64xf32, #tpu.memory_space<vmem>> -> memref<128x64xf32, #tpu.memory_space<vmem>>
        %dma_start3A_495 = arith.constant 0 : i32
        %dma_start3A_496 = tpu.memref_slice %arg8[%add3A_489, %dma_start3A_495] : memref<200x128xi32, #tpu.memory_space<vmem>> -> memref<1x128xi32, #tpu.memory_space<vmem>>
        %dma_start3A_497 = tpu.memref_squeeze %dma_start3A_496 : memref<1x128xi32, #tpu.memory_space<vmem>> -> memref<128xi32, #tpu.memory_space<vmem>>
        %dma_start3A_498 = arith.constant 0 : i32
        %dma_start3A_499 = arith.constant 0 : i32
        %dma_start3A_500 = tpu.memref_slice %arg5[%dma_start3A_498, %dma_start3A_499] : memref<100000x64xf32, #tpu.memory_space<hbm>> -> memref<100000x64xf32, #tpu.memory_space<hbm>>
        tpu.enqueue_indirect_dma source(%dma_start3A_500 : memref<100000x64xf32, #tpu.memory_space<hbm>>) target(%dma_start3A_494 : memref<128x64xf32, #tpu.memory_space<vmem>>) offsets(%dma_start3A_497 : memref<128xi32, #tpu.memory_space<vmem>>) semaphore(%arg15 : memref<!tpu.dma_semaphore, #tpu.memory_space<semaphore_mem>>)
      } else {
      }
      %parallel_loop3A_272 = arith.constant 0 : i32
      %parallel_loop3A_273 = arith.constant 64 : i32
      %parallel_loop3A_274 = arith.constant 1 : i32
      scf.for %parallel_loop3A_488 = %parallel_loop3A_272 to %parallel_loop3A_273 step %parallel_loop3A_274  : i32 {
        %parallel_loop3A_489 = vector.broadcast %parallel_loop3A_488 : i32 to vector<16xi32>
        %parallel_loop3A_490 = arith.addi %iota3A, %parallel_loop3A_489 : vector<16xi32>
        %parallel_loop3A_491 = arith.constant 15 : i32
        %parallel_loop3A_492 = vector.broadcast %parallel_loop3A_491 : i32 to vector<16xi32>
        %parallel_loop3A_493 = arith.andi %parallel_loop3A_490, %parallel_loop3A_492 : vector<16xi32>
        %parallel_loop3A_494 = arith.constant -16 : i32
        %parallel_loop3A_495 = arith.andi %parallel_loop3A_488, %parallel_loop3A_494 : i32
        %parallel_loop3A_496 = vector.broadcast %parallel_loop3A_495 : i32 to vector<16xi32>
        %parallel_loop3A_497 = arith.addi %parallel_loop3A_493, %parallel_loop3A_496 : vector<16xi32>
        %parallel_loop3A_498 = arith.constant 3 : i32
        %parallel_loop3A_499 = vector.broadcast %parallel_loop3A_498 : i32 to vector<16xi32>
        %parallel_loop3A_500 = arith.shrsi %parallel_loop3A_497, %parallel_loop3A_499 : vector<16xi32>
        %parallel_loop3A_501 = arith.constant 7 : i32
        %parallel_loop3A_502 = vector.broadcast %parallel_loop3A_501 : i32 to vector<16xi32>
        %parallel_loop3A_503 = arith.andi %parallel_loop3A_497, %parallel_loop3A_502 : vector<16xi32>
        %parallel_loop3A_504 = arith.constant 7 : i32
        %parallel_loop3A_505 = vector.broadcast %parallel_loop3A_504 : i32 to vector<16xi32>
        %parallel_loop3A_506 = arith.shli %parallel_loop3A_503, %parallel_loop3A_505 : vector<16xi32>
        %parallel_loop3A_507 = arith.constant 1 : i32
        %parallel_loop3A_508 = arith.constant 0 : i32
        %parallel_loop3A_509 = arith.constant 0 : i32
        %parallel_loop3A_510 = tpu.memref_slice %arg13[%parallel_loop3A_507, %parallel_loop3A_508, %parallel_loop3A_509] : memref<4x128x64xf32, #tpu.memory_space<vmem>> -> memref<1x128x64xf32, #tpu.memory_space<vmem>>
        %parallel_loop3A_511 = tpu.memref_squeeze %parallel_loop3A_510 : memref<1x128x64xf32, #tpu.memory_space<vmem>> -> memref<128x64xf32, #tpu.memory_space<vmem>>
        %parallel_loop3A_512 = tpu.vector_load_idx %parallel_loop3A_511[%add3A_5, %parallel_loop3A_497] : memref<128x64xf32, #tpu.memory_space<vmem>>[vector<16xi32>, vector<16xi32>], vector<16xf32>,
        %parallel_loop3A_513 = arith.addi %shift_left3A_206, %parallel_loop3A_497 : vector<16xi32>
        %parallel_loop3A_514 = tpu.vector_load_idx %arg12[%parallel_loop3A_513] : memref<512xf32, #tpu.memory_space<vmem>>[vector<16xi32>], vector<16xf32>,
        %parallel_loop3A_515 = arith.addi %parallel_loop3A_506, %add3A_5 : vector<16xi32>
        %parallel_loop3A_516 = arith.addf %parallel_loop3A_512, %parallel_loop3A_514 : vector<16xf32>
        %parallel_loop3A_517 = arith.constant 1 : i32
        %parallel_loop3A_518 = arith.constant 0 : i32
        %parallel_loop3A_519 = arith.constant 0 : i32
        %parallel_loop3A_520 = tpu.memref_slice %arg14[%parallel_loop3A_517, %parallel_loop3A_518, %parallel_loop3A_519] : memref<2x8x1024xf32, #tpu.memory_space<vmem>> -> memref<1x8x1024xf32, #tpu.memory_space<vmem>>
        %parallel_loop3A_521 = tpu.memref_squeeze %parallel_loop3A_520 : memref<1x8x1024xf32, #tpu.memory_space<vmem>> -> memref<8x1024xf32, #tpu.memory_space<vmem>>
        tpu.vector_store_idx %parallel_loop3A_521[%parallel_loop3A_500, %parallel_loop3A_515], %parallel_loop3A_516 : memref<8x1024xf32, #tpu.memory_space<vmem>>[vector<16xi32>, vector<16xi32>], vector<16xf32>,
        %parallel_loop3A_522 = arith.constant 1 : i32
        %parallel_loop3A_523 = arith.constant 0 : i32
        %parallel_loop3A_524 = arith.constant 0 : i32
        %parallel_loop3A_525 = tpu.memref_slice %arg13[%parallel_loop3A_522, %parallel_loop3A_523, %parallel_loop3A_524] : memref<4x128x64xf32, #tpu.memory_space<vmem>> -> memref<1x128x64xf32, #tpu.memory_space<vmem>>
        %parallel_loop3A_526 = tpu.memref_squeeze %parallel_loop3A_525 : memref<1x128x64xf32, #tpu.memory_space<vmem>> -> memref<128x64xf32, #tpu.memory_space<vmem>>
        %parallel_loop3A_527 = tpu.vector_load_idx %parallel_loop3A_526[%add3A_8, %parallel_loop3A_497] : memref<128x64xf32, #tpu.memory_space<vmem>>[vector<16xi32>, vector<16xi32>], vector<16xf32>,
        %parallel_loop3A_528 = arith.addi %shift_left3A_212, %parallel_loop3A_497 : vector<16xi32>
        %parallel_loop3A_529 = tpu.vector_load_idx %arg12[%parallel_loop3A_528] : memref<512xf32, #tpu.memory_space<vmem>>[vector<16xi32>], vector<16xf32>,
        %parallel_loop3A_530 = arith.addi %parallel_loop3A_506, %add3A_8 : vector<16xi32>
        %parallel_loop3A_531 = arith.addf %parallel_loop3A_527, %parallel_loop3A_529 : vector<16xf32>
        %parallel_loop3A_532 = arith.constant 1 : i32
        %parallel_loop3A_533 = arith.constant 0 : i32
        %parallel_loop3A_534 = arith.constant 0 : i32
        %parallel_loop3A_535 = tpu.memref_slice %arg14[%parallel_loop3A_532, %parallel_loop3A_533, %parallel_loop3A_534] : memref<2x8x1024xf32, #tpu.memory_space<vmem>> -> memref<1x8x1024xf32, #tpu.memory_space<vmem>>
        %parallel_loop3A_536 = tpu.memref_squeeze %parallel_loop3A_535 : memref<1x8x1024xf32, #tpu.memory_space<vmem>> -> memref<8x1024xf32, #tpu.memory_space<vmem>>
        tpu.vector_store_idx %parallel_loop3A_536[%parallel_loop3A_500, %parallel_loop3A_530], %parallel_loop3A_531 : memref<8x1024xf32, #tpu.memory_space<vmem>>[vector<16xi32>, vector<16xi32>], vector<16xf32>,
        %parallel_loop3A_537 = arith.constant 1 : i32
        %parallel_loop3A_538 = arith.constant 0 : i32
        %parallel_loop3A_539 = arith.constant 0 : i32
        %parallel_loop3A_540 = tpu.memref_slice %arg13[%parallel_loop3A_537, %parallel_loop3A_538, %parallel_loop3A_539] : memref<4x128x64xf32, #tpu.memory_space<vmem>> -> memref<1x128x64xf32, #tpu.memory_space<vmem>>
        %parallel_loop3A_541 = tpu.memref_squeeze %parallel_loop3A_540 : memref<1x128x64xf32, #tpu.memory_space<vmem>> -> memref<128x64xf32, #tpu.memory_space<vmem>>
        %parallel_loop3A_542 = tpu.vector_load_idx %parallel_loop3A_541[%add3A_11, %parallel_loop3A_497] : memref<128x64xf32, #tpu.memory_space<vmem>>[vector<16xi32>, vector<16xi32>], vector<16xf32>,
        %parallel_loop3A_543 = arith.addi %shift_left3A_218, %parallel_loop3A_497 : vector<16xi32>
        %parallel_loop3A_544 = tpu.vector_load_idx %arg12[%parallel_loop3A_543] : memref<512xf32, #tpu.memory_space<vmem>>[vector<16xi32>], vector<16xf32>,
        %parallel_loop3A_545 = arith.addi %parallel_loop3A_506, %add3A_11 : vector<16xi32>
        %parallel_loop3A_546 = arith.addf %parallel_loop3A_542, %parallel_loop3A_544 : vector<16xf32>
        %parallel_loop3A_547 = arith.constant 1 : i32
        %parallel_loop3A_548 = arith.constant 0 : i32
        %parallel_loop3A_549 = arith.constant 0 : i32
        %parallel_loop3A_550 = tpu.memref_slice %arg14[%parallel_loop3A_547, %parallel_loop3A_548, %parallel_loop3A_549] : memref<2x8x1024xf32, #tpu.memory_space<vmem>> -> memref<1x8x1024xf32, #tpu.memory_space<vmem>>
        %parallel_loop3A_551 = tpu.memref_squeeze %parallel_loop3A_550 : memref<1x8x1024xf32, #tpu.memory_space<vmem>> -> memref<8x1024xf32, #tpu.memory_space<vmem>>
        tpu.vector_store_idx %parallel_loop3A_551[%parallel_loop3A_500, %parallel_loop3A_545], %parallel_loop3A_546 : memref<8x1024xf32, #tpu.memory_space<vmem>>[vector<16xi32>, vector<16xi32>], vector<16xf32>,
        %parallel_loop3A_552 = arith.constant 1 : i32
        %parallel_loop3A_553 = arith.constant 0 : i32
        %parallel_loop3A_554 = arith.constant 0 : i32
        %parallel_loop3A_555 = tpu.memref_slice %arg13[%parallel_loop3A_552, %parallel_loop3A_553, %parallel_loop3A_554] : memref<4x128x64xf32, #tpu.memory_space<vmem>> -> memref<1x128x64xf32, #tpu.memory_space<vmem>>
        %parallel_loop3A_556 = tpu.memref_squeeze %parallel_loop3A_555 : memref<1x128x64xf32, #tpu.memory_space<vmem>> -> memref<128x64xf32, #tpu.memory_space<vmem>>
        %parallel_loop3A_557 = tpu.vector_load_idx %parallel_loop3A_556[%add3A_14, %parallel_loop3A_497] : memref<128x64xf32, #tpu.memory_space<vmem>>[vector<16xi32>, vector<16xi32>], vector<16xf32>,
        %parallel_loop3A_558 = arith.addi %shift_left3A_224, %parallel_loop3A_497 : vector<16xi32>
        %parallel_loop3A_559 = tpu.vector_load_idx %arg12[%parallel_loop3A_558] : memref<512xf32, #tpu.memory_space<vmem>>[vector<16xi32>], vector<16xf32>,
        %parallel_loop3A_560 = arith.addi %parallel_loop3A_506, %add3A_14 : vector<16xi32>
        %parallel_loop3A_561 = arith.addf %parallel_loop3A_557, %parallel_loop3A_559 : vector<16xf32>
        %parallel_loop3A_562 = arith.constant 1 : i32
        %parallel_loop3A_563 = arith.constant 0 : i32
        %parallel_loop3A_564 = arith.constant 0 : i32
        %parallel_loop3A_565 = tpu.memref_slice %arg14[%parallel_loop3A_562, %parallel_loop3A_563, %parallel_loop3A_564] : memref<2x8x1024xf32, #tpu.memory_space<vmem>> -> memref<1x8x1024xf32, #tpu.memory_space<vmem>>
        %parallel_loop3A_566 = tpu.memref_squeeze %parallel_loop3A_565 : memref<1x8x1024xf32, #tpu.memory_space<vmem>> -> memref<8x1024xf32, #tpu.memory_space<vmem>>
        tpu.vector_store_idx %parallel_loop3A_566[%parallel_loop3A_500, %parallel_loop3A_560], %parallel_loop3A_561 : memref<8x1024xf32, #tpu.memory_space<vmem>>[vector<16xi32>, vector<16xi32>], vector<16xf32>,
        %parallel_loop3A_567 = arith.constant 1 : i32
        %parallel_loop3A_568 = arith.constant 0 : i32
        %parallel_loop3A_569 = arith.constant 0 : i32
        %parallel_loop3A_570 = tpu.memref_slice %arg13[%parallel_loop3A_567, %parallel_loop3A_568, %parallel_loop3A_569] : memref<4x128x64xf32, #tpu.memory_space<vmem>> -> memref<1x128x64xf32, #tpu.memory_space<vmem>>
        %parallel_loop3A_571 = tpu.memref_squeeze %parallel_loop3A_570 : memref<1x128x64xf32, #tpu.memory_space<vmem>> -> memref<128x64xf32, #tpu.memory_space<vmem>>
        %parallel_loop3A_572 = tpu.vector_load_idx %parallel_loop3A_571[%add3A_17, %parallel_loop3A_497] : memref<128x64xf32, #tpu.memory_space<vmem>>[vector<16xi32>, vector<16xi32>], vector<16xf32>,
        %parallel_loop3A_573 = arith.addi %shift_left3A_230, %parallel_loop3A_497 : vector<16xi32>
        %parallel_loop3A_574 = tpu.vector_load_idx %arg12[%parallel_loop3A_573] : memref<512xf32, #tpu.memory_space<vmem>>[vector<16xi32>], vector<16xf32>,
        %parallel_loop3A_575 = arith.addi %parallel_loop3A_506, %add3A_17 : vector<16xi32>
        %parallel_loop3A_576 = arith.addf %parallel_loop3A_572, %parallel_loop3A_574 : vector<16xf32>
        %parallel_loop3A_577 = arith.constant 1 : i32
        %parallel_loop3A_578 = arith.constant 0 : i32
        %parallel_loop3A_579 = arith.constant 0 : i32
        %parallel_loop3A_580 = tpu.memref_slice %arg14[%parallel_loop3A_577, %parallel_loop3A_578, %parallel_loop3A_579] : memref<2x8x1024xf32, #tpu.memory_space<vmem>> -> memref<1x8x1024xf32, #tpu.memory_space<vmem>>
        %parallel_loop3A_581 = tpu.memref_squeeze %parallel_loop3A_580 : memref<1x8x1024xf32, #tpu.memory_space<vmem>> -> memref<8x1024xf32, #tpu.memory_space<vmem>>
        tpu.vector_store_idx %parallel_loop3A_581[%parallel_loop3A_500, %parallel_loop3A_575], %parallel_loop3A_576 : memref<8x1024xf32, #tpu.memory_space<vmem>>[vector<16xi32>, vector<16xi32>], vector<16xf32>,
        %parallel_loop3A_582 = arith.constant 1 : i32
        %parallel_loop3A_583 = arith.constant 0 : i32
        %parallel_loop3A_584 = arith.constant 0 : i32
        %parallel_loop3A_585 = tpu.memref_slice %arg13[%parallel_loop3A_582, %parallel_loop3A_583, %parallel_loop3A_584] : memref<4x128x64xf32, #tpu.memory_space<vmem>> -> memref<1x128x64xf32, #tpu.memory_space<vmem>>
        %parallel_loop3A_586 = tpu.memref_squeeze %parallel_loop3A_585 : memref<1x128x64xf32, #tpu.memory_space<vmem>> -> memref<128x64xf32, #tpu.memory_space<vmem>>
        %parallel_loop3A_587 = tpu.vector_load_idx %parallel_loop3A_586[%add3A_20, %parallel_loop3A_497] : memref<128x64xf32, #tpu.memory_space<vmem>>[vector<16xi32>, vector<16xi32>], vector<16xf32>,
        %parallel_loop3A_588 = arith.addi %shift_left3A_236, %parallel_loop3A_497 : vector<16xi32>
        %parallel_loop3A_589 = tpu.vector_load_idx %arg12[%parallel_loop3A_588] : memref<512xf32, #tpu.memory_space<vmem>>[vector<16xi32>], vector<16xf32>,
        %parallel_loop3A_590 = arith.addi %parallel_loop3A_506, %add3A_20 : vector<16xi32>
        %parallel_loop3A_591 = arith.addf %parallel_loop3A_587, %parallel_loop3A_589 : vector<16xf32>
        %parallel_loop3A_592 = arith.constant 1 : i32
        %parallel_loop3A_593 = arith.constant 0 : i32
        %parallel_loop3A_594 = arith.constant 0 : i32
        %parallel_loop3A_595 = tpu.memref_slice %arg14[%parallel_loop3A_592, %parallel_loop3A_593, %parallel_loop3A_594] : memref<2x8x1024xf32, #tpu.memory_space<vmem>> -> memref<1x8x1024xf32, #tpu.memory_space<vmem>>
        %parallel_loop3A_596 = tpu.memref_squeeze %parallel_loop3A_595 : memref<1x8x1024xf32, #tpu.memory_space<vmem>> -> memref<8x1024xf32, #tpu.memory_space<vmem>>
        tpu.vector_store_idx %parallel_loop3A_596[%parallel_loop3A_500, %parallel_loop3A_590], %parallel_loop3A_591 : memref<8x1024xf32, #tpu.memory_space<vmem>>[vector<16xi32>, vector<16xi32>], vector<16xf32>,
        %parallel_loop3A_597 = arith.constant 1 : i32
        %parallel_loop3A_598 = arith.constant 0 : i32
        %parallel_loop3A_599 = arith.constant 0 : i32
        %parallel_loop3A_600 = tpu.memref_slice %arg13[%parallel_loop3A_597, %parallel_loop3A_598, %parallel_loop3A_599] : memref<4x128x64xf32, #tpu.memory_space<vmem>> -> memref<1x128x64xf32, #tpu.memory_space<vmem>>
        %parallel_loop3A_601 = tpu.memref_squeeze %parallel_loop3A_600 : memref<1x128x64xf32, #tpu.memory_space<vmem>> -> memref<128x64xf32, #tpu.memory_space<vmem>>
        %parallel_loop3A_602 = tpu.vector_load_idx %parallel_loop3A_601[%add3A_23, %parallel_loop3A_497] : memref<128x64xf32, #tpu.memory_space<vmem>>[vector<16xi32>, vector<16xi32>], vector<16xf32>,
        %parallel_loop3A_603 = arith.addi %shift_left3A_242, %parallel_loop3A_497 : vector<16xi32>
        %parallel_loop3A_604 = tpu.vector_load_idx %arg12[%parallel_loop3A_603] : memref<512xf32, #tpu.memory_space<vmem>>[vector<16xi32>], vector<16xf32>,
        %parallel_loop3A_605 = arith.addi %parallel_loop3A_506, %add3A_23 : vector<16xi32>
        %parallel_loop3A_606 = arith.addf %parallel_loop3A_602, %parallel_loop3A_604 : vector<16xf32>
        %parallel_loop3A_607 = arith.constant 1 : i32
        %parallel_loop3A_608 = arith.constant 0 : i32
        %parallel_loop3A_609 = arith.constant 0 : i32
        %parallel_loop3A_610 = tpu.memref_slice %arg14[%parallel_loop3A_607, %parallel_loop3A_608, %parallel_loop3A_609] : memref<2x8x1024xf32, #tpu.memory_space<vmem>> -> memref<1x8x1024xf32, #tpu.memory_space<vmem>>
        %parallel_loop3A_611 = tpu.memref_squeeze %parallel_loop3A_610 : memref<1x8x1024xf32, #tpu.memory_space<vmem>> -> memref<8x1024xf32, #tpu.memory_space<vmem>>
        tpu.vector_store_idx %parallel_loop3A_611[%parallel_loop3A_500, %parallel_loop3A_605], %parallel_loop3A_606 : memref<8x1024xf32, #tpu.memory_space<vmem>>[vector<16xi32>, vector<16xi32>], vector<16xf32>,
        %parallel_loop3A_612 = arith.constant 1 : i32
        %parallel_loop3A_613 = arith.constant 0 : i32
        %parallel_loop3A_614 = arith.constant 0 : i32
        %parallel_loop3A_615 = tpu.memref_slice %arg13[%parallel_loop3A_612, %parallel_loop3A_613, %parallel_loop3A_614] : memref<4x128x64xf32, #tpu.memory_space<vmem>> -> memref<1x128x64xf32, #tpu.memory_space<vmem>>
        %parallel_loop3A_616 = tpu.memref_squeeze %parallel_loop3A_615 : memref<1x128x64xf32, #tpu.memory_space<vmem>> -> memref<128x64xf32, #tpu.memory_space<vmem>>
        %parallel_loop3A_617 = tpu.vector_load_idx %parallel_loop3A_616[%add3A_26, %parallel_loop3A_497] : memref<128x64xf32, #tpu.memory_space<vmem>>[vector<16xi32>, vector<16xi32>], vector<16xf32>,
        %parallel_loop3A_618 = arith.addi %shift_left3A_248, %parallel_loop3A_497 : vector<16xi32>
        %parallel_loop3A_619 = tpu.vector_load_idx %arg12[%parallel_loop3A_618] : memref<512xf32, #tpu.memory_space<vmem>>[vector<16xi32>], vector<16xf32>,
        %parallel_loop3A_620 = arith.addi %parallel_loop3A_506, %add3A_26 : vector<16xi32>
        %parallel_loop3A_621 = arith.addf %parallel_loop3A_617, %parallel_loop3A_619 : vector<16xf32>
        %parallel_loop3A_622 = arith.constant 1 : i32
        %parallel_loop3A_623 = arith.constant 0 : i32
        %parallel_loop3A_624 = arith.constant 0 : i32
        %parallel_loop3A_625 = tpu.memref_slice %arg14[%parallel_loop3A_622, %parallel_loop3A_623, %parallel_loop3A_624] : memref<2x8x1024xf32, #tpu.memory_space<vmem>> -> memref<1x8x1024xf32, #tpu.memory_space<vmem>>
        %parallel_loop3A_626 = tpu.memref_squeeze %parallel_loop3A_625 : memref<1x8x1024xf32, #tpu.memory_space<vmem>> -> memref<8x1024xf32, #tpu.memory_space<vmem>>
        tpu.vector_store_idx %parallel_loop3A_626[%parallel_loop3A_500, %parallel_loop3A_620], %parallel_loop3A_621 : memref<8x1024xf32, #tpu.memory_space<vmem>>[vector<16xi32>, vector<16xi32>], vector<16xf32>,
      } {sc.loop_unroll_factor = 4 : i64, sc.parallel_access}
      %dma_start3A_275 = arith.constant 1 : i32
      %dma_start3A_276 = arith.constant 0 : i32
      %dma_start3A_277 = arith.constant 0 : i32
      %dma_start3A_278 = tpu.memref_slice %arg14[%dma_start3A_275, %dma_start3A_276, %dma_start3A_277] : memref<2x8x1024xf32, #tpu.memory_space<vmem>> -> memref<1x8x1024xf32, #tpu.memory_space<vmem>>
      %dma_start3A_279 = tpu.memref_squeeze %dma_start3A_278 : memref<1x8x1024xf32, #tpu.memory_space<vmem>> -> memref<8x1024xf32, #tpu.memory_space<vmem>>
      %dma_start3A_280 = arith.constant 0 : i32
      %dma_start3A_281 = arith.constant 0 : i32
      %dma_start3A_282 = tpu.memref_slice %arg7[%add3A_197, %dma_start3A_280, %add3A, %dma_start3A_281] : memref<200x8x32x1024xf32, #tpu.memory_space<hbm>> -> memref<1x8x1x1024xf32, #tpu.memory_space<hbm>>
      %dma_start3A_283 = tpu.memref_squeeze %dma_start3A_282 : memref<1x8x1x1024xf32, #tpu.memory_space<hbm>> -> memref<8x1024xf32, #tpu.memory_space<hbm>>
      %dma_start3A_284 = arith.constant 0 : i32
      %dma_start3A_285 = arith.constant 0 : i32
      %dma_start3A_286 = tpu.memref_slice %arg7[%add3A_197, %dma_start3A_284, %add3A, %dma_start3A_285] : memref<200x8x32x1024xf32, #tpu.memory_space<hbm>> -> memref<1x8x1x1024xf32, #tpu.memory_space<hbm>>
      %dma_start3A_287 = tpu.memref_squeeze %dma_start3A_286 : memref<1x8x1x1024xf32, #tpu.memory_space<hbm>> -> memref<8x1024xf32, #tpu.memory_space<hbm>>
      %dma_start3A_288 = arith.constant 0 : i32
      %dma_start3A_289 = arith.constant 0 : i32
      %dma_start3A_290 = tpu.memref_slice %arg14[%dma_start3A_275, %dma_start3A_288, %dma_start3A_289] : memref<2x8x1024xf32, #tpu.memory_space<vmem>> -> memref<1x8x1024xf32, #tpu.memory_space<vmem>>
      %dma_start3A_291 = tpu.memref_squeeze %dma_start3A_290 : memref<1x8x1024xf32, #tpu.memory_space<vmem>> -> memref<8x1024xf32, #tpu.memory_space<vmem>>
      tpu.enqueue_dma source(%dma_start3A_291 : memref<8x1024xf32, #tpu.memory_space<vmem>>) target(%dma_start3A_287 : memref<8x1024xf32, #tpu.memory_space<hbm>>) target_semaphore(%arg16 : memref<!tpu.dma_semaphore, #tpu.memory_space<semaphore_mem>>)
      %mul3A_292 = arith.constant 4 : i32
      %mul3A_293 = arith.muli %mul3A_292, %scan3A_102 : i32
      %add3A_294 = arith.constant 2 : i32
      %add3A_295 = arith.addi %mul3A_293, %add3A_294 : i32
      %parallel_loop3A_296 = arith.constant 0 : i32
      %parallel_loop3A_297 = arith.constant 8 : i32
      %parallel_loop3A_298 = arith.constant 1 : i32
      scf.for %parallel_loop3A_488 = %parallel_loop3A_296 to %parallel_loop3A_297 step %parallel_loop3A_298  : i32 {
        %parallel_loop3A_489 = arith.index_cast %add3A_295 : i32 to index
        %parallel_loop3A_490 = arith.constant 0 : index
        %parallel_loop3A_491 = tpu.vector_load %arg10[%parallel_loop3A_489, %parallel_loop3A_490] {strides = array<i32>} : memref<200x64xf32, #tpu.memory_space<vmem>>, vector<16xf32>,
        %parallel_loop3A_492 = arith.index_cast %parallel_loop3A_488 : i32 to index
        %parallel_loop3A_493 = arith.constant 0 : index
        %parallel_loop3A_494 = tpu.vector_load %arg11[%parallel_loop3A_492, %parallel_loop3A_493] {strides = array<i32>} : memref<8x64xf32, #tpu.memory_space<vmem>>, vector<16xf32>,
        %parallel_loop3A_495 = arith.addf %parallel_loop3A_491, %parallel_loop3A_494 : vector<16xf32>
        %parallel_loop3A_496 = arith.constant 64 : i32
        %parallel_loop3A_497 = arith.muli %parallel_loop3A_488, %parallel_loop3A_496 : i32
        %parallel_loop3A_498 = arith.constant 0 : i32
        %parallel_loop3A_499 = arith.addi %parallel_loop3A_497, %parallel_loop3A_498 : i32
        %parallel_loop3A_500 = arith.index_cast %parallel_loop3A_499 : i32 to index
        %parallel_loop3A_501 = tpu.vector_load %arg12[%parallel_loop3A_500] {strides = array<i32>} : memref<512xf32, #tpu.memory_space<vmem>>, vector<16xf32>,
        tpu.vector_store %arg12[%parallel_loop3A_500], %parallel_loop3A_495 {strides = array<i32>} : memref<512xf32, #tpu.memory_space<vmem>>, vector<16xf32>,
        %parallel_loop3A_502 = arith.index_cast %add3A_295 : i32 to index
        %parallel_loop3A_503 = arith.constant 16 : index
        %parallel_loop3A_504 = tpu.vector_load %arg10[%parallel_loop3A_502, %parallel_loop3A_503] {strides = array<i32>} : memref<200x64xf32, #tpu.memory_space<vmem>>, vector<16xf32>,
        %parallel_loop3A_505 = arith.index_cast %parallel_loop3A_488 : i32 to index
        %parallel_loop3A_506 = arith.constant 16 : index
        %parallel_loop3A_507 = tpu.vector_load %arg11[%parallel_loop3A_505, %parallel_loop3A_506] {strides = array<i32>} : memref<8x64xf32, #tpu.memory_space<vmem>>, vector<16xf32>,
        %parallel_loop3A_508 = arith.addf %parallel_loop3A_504, %parallel_loop3A_507 : vector<16xf32>
        %parallel_loop3A_509 = arith.constant 64 : i32
        %parallel_loop3A_510 = arith.muli %parallel_loop3A_488, %parallel_loop3A_509 : i32
        %parallel_loop3A_511 = arith.constant 16 : i32
        %parallel_loop3A_512 = arith.addi %parallel_loop3A_510, %parallel_loop3A_511 : i32
        %parallel_loop3A_513 = arith.index_cast %parallel_loop3A_512 : i32 to index
        %parallel_loop3A_514 = tpu.vector_load %arg12[%parallel_loop3A_513] {strides = array<i32>} : memref<512xf32, #tpu.memory_space<vmem>>, vector<16xf32>,
        tpu.vector_store %arg12[%parallel_loop3A_513], %parallel_loop3A_508 {strides = array<i32>} : memref<512xf32, #tpu.memory_space<vmem>>, vector<16xf32>,
        %parallel_loop3A_515 = arith.index_cast %add3A_295 : i32 to index
        %parallel_loop3A_516 = arith.constant 32 : index
        %parallel_loop3A_517 = tpu.vector_load %arg10[%parallel_loop3A_515, %parallel_loop3A_516] {strides = array<i32>} : memref<200x64xf32, #tpu.memory_space<vmem>>, vector<16xf32>,
        %parallel_loop3A_518 = arith.index_cast %parallel_loop3A_488 : i32 to index
        %parallel_loop3A_519 = arith.constant 32 : index
        %parallel_loop3A_520 = tpu.vector_load %arg11[%parallel_loop3A_518, %parallel_loop3A_519] {strides = array<i32>} : memref<8x64xf32, #tpu.memory_space<vmem>>, vector<16xf32>,
        %parallel_loop3A_521 = arith.addf %parallel_loop3A_517, %parallel_loop3A_520 : vector<16xf32>
        %parallel_loop3A_522 = arith.constant 64 : i32
        %parallel_loop3A_523 = arith.muli %parallel_loop3A_488, %parallel_loop3A_522 : i32
        %parallel_loop3A_524 = arith.constant 32 : i32
        %parallel_loop3A_525 = arith.addi %parallel_loop3A_523, %parallel_loop3A_524 : i32
        %parallel_loop3A_526 = arith.index_cast %parallel_loop3A_525 : i32 to index
        %parallel_loop3A_527 = tpu.vector_load %arg12[%parallel_loop3A_526] {strides = array<i32>} : memref<512xf32, #tpu.memory_space<vmem>>, vector<16xf32>,
        tpu.vector_store %arg12[%parallel_loop3A_526], %parallel_loop3A_521 {strides = array<i32>} : memref<512xf32, #tpu.memory_space<vmem>>, vector<16xf32>,
        %parallel_loop3A_528 = arith.index_cast %add3A_295 : i32 to index
        %parallel_loop3A_529 = arith.constant 48 : index
        %parallel_loop3A_530 = tpu.vector_load %arg10[%parallel_loop3A_528, %parallel_loop3A_529] {strides = array<i32>} : memref<200x64xf32, #tpu.memory_space<vmem>>, vector<16xf32>,
        %parallel_loop3A_531 = arith.index_cast %parallel_loop3A_488 : i32 to index
        %parallel_loop3A_532 = arith.constant 48 : index
        %parallel_loop3A_533 = tpu.vector_load %arg11[%parallel_loop3A_531, %parallel_loop3A_532] {strides = array<i32>} : memref<8x64xf32, #tpu.memory_space<vmem>>, vector<16xf32>,
        %parallel_loop3A_534 = arith.addf %parallel_loop3A_530, %parallel_loop3A_533 : vector<16xf32>
        %parallel_loop3A_535 = arith.constant 64 : i32
        %parallel_loop3A_536 = arith.muli %parallel_loop3A_488, %parallel_loop3A_535 : i32
        %parallel_loop3A_537 = arith.constant 48 : i32
        %parallel_loop3A_538 = arith.addi %parallel_loop3A_536, %parallel_loop3A_537 : i32
        %parallel_loop3A_539 = arith.index_cast %parallel_loop3A_538 : i32 to index
        %parallel_loop3A_540 = tpu.vector_load %arg12[%parallel_loop3A_539] {strides = array<i32>} : memref<512xf32, #tpu.memory_space<vmem>>, vector<16xf32>,
        tpu.vector_store %arg12[%parallel_loop3A_539], %parallel_loop3A_534 {strides = array<i32>} : memref<512xf32, #tpu.memory_space<vmem>>, vector<16xf32>,
      } {sc.loop_unroll_factor = 1 : i64, sc.parallel_access}
      %get3A_299 = arith.index_cast %add3A_295 : i32 to index
      %get3A_300 = arith.constant 0 : index
      %get3A_301 = tpu.vector_load %arg9[%get3A_299, %get3A_300] {strides = array<i32>} : memref<200x128xi32, #tpu.memory_space<vmem>>, vector<16xi32>,
      %shift_left3A_302 = arith.constant 6 : i32
      %shift_left3A_303 = vector.broadcast %shift_left3A_302 : i32 to vector<16xi32>
      %shift_left3A_304 = arith.shli %get3A_301, %shift_left3A_303 : vector<16xi32>
      %get3A_305 = arith.index_cast %add3A_295 : i32 to index
      %get3A_306 = arith.constant 16 : index
      %get3A_307 = tpu.vector_load %arg9[%get3A_305, %get3A_306] {strides = array<i32>} : memref<200x128xi32, #tpu.memory_space<vmem>>, vector<16xi32>,
      %shift_left3A_308 = arith.constant 6 : i32
      %shift_left3A_309 = vector.broadcast %shift_left3A_308 : i32 to vector<16xi32>
      %shift_left3A_310 = arith.shli %get3A_307, %shift_left3A_309 : vector<16xi32>
      %get3A_311 = arith.index_cast %add3A_295 : i32 to index
      %get3A_312 = arith.constant 32 : index
      %get3A_313 = tpu.vector_load %arg9[%get3A_311, %get3A_312] {strides = array<i32>} : memref<200x128xi32, #tpu.memory_space<vmem>>, vector<16xi32>,
      %shift_left3A_314 = arith.constant 6 : i32
      %shift_left3A_315 = vector.broadcast %shift_left3A_314 : i32 to vector<16xi32>
      %shift_left3A_316 = arith.shli %get3A_313, %shift_left3A_315 : vector<16xi32>
      %get3A_317 = arith.index_cast %add3A_295 : i32 to index
      %get3A_318 = arith.constant 48 : index
      %get3A_319 = tpu.vector_load %arg9[%get3A_317, %get3A_318] {strides = array<i32>} : memref<200x128xi32, #tpu.memory_space<vmem>>, vector<16xi32>,
      %shift_left3A_320 = arith.constant 6 : i32
      %shift_left3A_321 = vector.broadcast %shift_left3A_320 : i32 to vector<16xi32>
      %shift_left3A_322 = arith.shli %get3A_319, %shift_left3A_321 : vector<16xi32>
      %get3A_323 = arith.index_cast %add3A_295 : i32 to index
      %get3A_324 = arith.constant 64 : index
      %get3A_325 = tpu.vector_load %arg9[%get3A_323, %get3A_324] {strides = array<i32>} : memref<200x128xi32, #tpu.memory_space<vmem>>, vector<16xi32>,
      %shift_left3A_326 = arith.constant 6 : i32
      %shift_left3A_327 = vector.broadcast %shift_left3A_326 : i32 to vector<16xi32>
      %shift_left3A_328 = arith.shli %get3A_325, %shift_left3A_327 : vector<16xi32>
      %get3A_329 = arith.index_cast %add3A_295 : i32 to index
      %get3A_330 = arith.constant 80 : index
      %get3A_331 = tpu.vector_load %arg9[%get3A_329, %get3A_330] {strides = array<i32>} : memref<200x128xi32, #tpu.memory_space<vmem>>, vector<16xi32>,
      %shift_left3A_332 = arith.constant 6 : i32
      %shift_left3A_333 = vector.broadcast %shift_left3A_332 : i32 to vector<16xi32>
      %shift_left3A_334 = arith.shli %get3A_331, %shift_left3A_333 : vector<16xi32>
      %get3A_335 = arith.index_cast %add3A_295 : i32 to index
      %get3A_336 = arith.constant 96 : index
      %get3A_337 = tpu.vector_load %arg9[%get3A_335, %get3A_336] {strides = array<i32>} : memref<200x128xi32, #tpu.memory_space<vmem>>, vector<16xi32>,
      %shift_left3A_338 = arith.constant 6 : i32
      %shift_left3A_339 = vector.broadcast %shift_left3A_338 : i32 to vector<16xi32>
      %shift_left3A_340 = arith.shli %get3A_337, %shift_left3A_339 : vector<16xi32>
      %get3A_341 = arith.index_cast %add3A_295 : i32 to index
      %get3A_342 = arith.constant 112 : index
      %get3A_343 = tpu.vector_load %arg9[%get3A_341, %get3A_342] {strides = array<i32>} : memref<200x128xi32, #tpu.memory_space<vmem>>, vector<16xi32>,
      %shift_left3A_344 = arith.constant 6 : i32
      %shift_left3A_345 = vector.broadcast %shift_left3A_344 : i32 to vector<16xi32>
      %shift_left3A_346 = arith.shli %get3A_343, %shift_left3A_345 : vector<16xi32>
      %ge3A_347 = arith.constant 2 : i32
      %ge3A_348 = arith.cmpi sge, %add3A_295, %ge3A_347 : i32
      %convert_element_type3A_349 = arith.extui %ge3A_348 : i1 to i32
      %cond3A_350 = arith.constant 0 : i32
      %cond3A_351 = arith.cmpi ne, %convert_element_type3A_349, %cond3A_350 : i32
      scf.if %cond3A_351 {
        %sub3A = arith.constant 2 : i32
        %sub3A_488 = arith.subi %add3A_295, %sub3A : i32
        %dma_wait3A_489 = arith.constant 0 : i32
        %dma_wait3A_490 = arith.constant 0 : i32
        %dma_wait3A_491 = arith.constant 0 : i32
        %dma_wait3A_492 = tpu.memref_slice %arg14[%dma_wait3A_489, %dma_wait3A_490, %dma_wait3A_491] : memref<2x8x1024xf32, #tpu.memory_space<vmem>> -> memref<1x8x1024xf32, #tpu.memory_space<vmem>>
        %dma_wait3A_493 = tpu.memref_squeeze %dma_wait3A_492 : memref<1x8x1024xf32, #tpu.memory_space<vmem>> -> memref<8x1024xf32, #tpu.memory_space<vmem>>
        %dma_wait3A_494 = arith.constant 0 : i32
        %dma_wait3A_495 = arith.constant 0 : i32
        %dma_wait3A_496 = tpu.memref_slice %arg7[%sub3A_488, %dma_wait3A_494, %add3A, %dma_wait3A_495] : memref<200x8x32x1024xf32, #tpu.memory_space<hbm>> -> memref<1x8x1x1024xf32, #tpu.memory_space<hbm>>
        %dma_wait3A_497 = tpu.memref_squeeze %dma_wait3A_496 : memref<1x8x1x1024xf32, #tpu.memory_space<hbm>> -> memref<8x1024xf32, #tpu.memory_space<hbm>>
        %dma_wait3A_498 = arith.constant 0 : i32
        %dma_wait3A_499 = arith.constant 0 : i32
        %dma_wait3A_500 = tpu.memref_slice %arg7[%sub3A_488, %dma_wait3A_498, %add3A, %dma_wait3A_499] : memref<200x8x32x1024xf32, #tpu.memory_space<hbm>> -> memref<1x8x1x1024xf32, #tpu.memory_space<hbm>>
        %dma_wait3A_501 = tpu.memref_squeeze %dma_wait3A_500 : memref<1x8x1x1024xf32, #tpu.memory_space<hbm>> -> memref<8x1024xf32, #tpu.memory_space<hbm>>
        %dma_wait3A_502 = arith.constant 0 : i32
        %dma_wait3A_503 = arith.constant 0 : i32
        %dma_wait3A_504 = tpu.memref_slice %arg14[%dma_wait3A_489, %dma_wait3A_502, %dma_wait3A_503] : memref<2x8x1024xf32, #tpu.memory_space<vmem>> -> memref<1x8x1024xf32, #tpu.memory_space<vmem>>
        %dma_wait3A_505 = tpu.memref_squeeze %dma_wait3A_504 : memref<1x8x1024xf32, #tpu.memory_space<vmem>> -> memref<8x1024xf32, #tpu.memory_space<vmem>>
        tpu.wait_dma2 semaphore(%arg16 : memref<!tpu.dma_semaphore, #tpu.memory_space<semaphore_mem>>) src(%dma_wait3A_505 : memref<8x1024xf32, #tpu.memory_space<vmem>>) dst(%dma_wait3A_501 : memref<8x1024xf32, #tpu.memory_space<hbm>>)
      } else {
      }
      %dma_wait3A_352 = arith.constant 2 : i32
      %dma_wait3A_353 = arith.constant 0 : i32
      %dma_wait3A_354 = arith.constant 0 : i32
      %dma_wait3A_355 = tpu.memref_slice %arg13[%dma_wait3A_352, %dma_wait3A_353, %dma_wait3A_354] : memref<4x128x64xf32, #tpu.memory_space<vmem>> -> memref<1x128x64xf32, #tpu.memory_space<vmem>>
      %dma_wait3A_356 = tpu.memref_squeeze %dma_wait3A_355 : memref<1x128x64xf32, #tpu.memory_space<vmem>> -> memref<128x64xf32, #tpu.memory_space<vmem>>
      %dma_wait3A_357 = arith.constant 0 : i32
      %dma_wait3A_358 = tpu.memref_slice %arg8[%add3A_295, %dma_wait3A_357] : memref<200x128xi32, #tpu.memory_space<vmem>> -> memref<1x128xi32, #tpu.memory_space<vmem>>
      %dma_wait3A_359 = tpu.memref_squeeze %dma_wait3A_358 : memref<1x128xi32, #tpu.memory_space<vmem>> -> memref<128xi32, #tpu.memory_space<vmem>>
      %dma_wait3A_360 = arith.constant 0 : i32
      %dma_wait3A_361 = arith.constant 0 : i32
      %dma_wait3A_362 = tpu.memref_slice %arg5[%dma_wait3A_360, %dma_wait3A_361] : memref<100000x64xf32, #tpu.memory_space<hbm>> -> memref<100000x64xf32, #tpu.memory_space<hbm>>
      tpu.wait_indirect_dma semaphore(%arg15 : memref<!tpu.dma_semaphore, #tpu.memory_space<semaphore_mem>>) src(%dma_wait3A_362 : memref<100000x64xf32, #tpu.memory_space<hbm>>) dst(%dma_wait3A_356 : memref<128x64xf32, #tpu.memory_space<vmem>>)
      %add3A_363 = arith.constant 3 : i32
      %add3A_364 = arith.addi %add3A_295, %add3A_363 : i32
      %lt3A_365 = arith.constant 200 : i32
      %lt3A_366 = arith.cmpi slt, %add3A_364, %lt3A_365 : i32
      %convert_element_type3A_367 = arith.extui %lt3A_366 : i1 to i32
      %cond3A_368 = arith.constant 0 : i32
      %cond3A_369 = arith.cmpi ne, %convert_element_type3A_367, %cond3A_368 : i32
      scf.if %cond3A_369 {
        %add3A_488 = arith.constant 3 : i32
        %add3A_489 = arith.addi %add3A_295, %add3A_488 : i32
        %dma_start3A_490 = arith.constant 1 : i32
        %dma_start3A_491 = arith.constant 0 : i32
        %dma_start3A_492 = arith.constant 0 : i32
        %dma_start3A_493 = tpu.memref_slice %arg13[%dma_start3A_490, %dma_start3A_491, %dma_start3A_492] : memref<4x128x64xf32, #tpu.memory_space<vmem>> -> memref<1x128x64xf32, #tpu.memory_space<vmem>>
        %dma_start3A_494 = tpu.memref_squeeze %dma_start3A_493 : memref<1x128x64xf32, #tpu.memory_space<vmem>> -> memref<128x64xf32, #tpu.memory_space<vmem>>
        %dma_start3A_495 = arith.constant 0 : i32
        %dma_start3A_496 = tpu.memref_slice %arg8[%add3A_489, %dma_start3A_495] : memref<200x128xi32, #tpu.memory_space<vmem>> -> memref<1x128xi32, #tpu.memory_space<vmem>>
        %dma_start3A_497 = tpu.memref_squeeze %dma_start3A_496 : memref<1x128xi32, #tpu.memory_space<vmem>> -> memref<128xi32, #tpu.memory_space<vmem>>
        %dma_start3A_498 = arith.constant 0 : i32
        %dma_start3A_499 = arith.constant 0 : i32
        %dma_start3A_500 = tpu.memref_slice %arg5[%dma_start3A_498, %dma_start3A_499] : memref<100000x64xf32, #tpu.memory_space<hbm>> -> memref<100000x64xf32, #tpu.memory_space<hbm>>
        tpu.enqueue_indirect_dma source(%dma_start3A_500 : memref<100000x64xf32, #tpu.memory_space<hbm>>) target(%dma_start3A_494 : memref<128x64xf32, #tpu.memory_space<vmem>>) offsets(%dma_start3A_497 : memref<128xi32, #tpu.memory_space<vmem>>) semaphore(%arg15 : memref<!tpu.dma_semaphore, #tpu.memory_space<semaphore_mem>>)
      } else {
      }
      %parallel_loop3A_370 = arith.constant 0 : i32
      %parallel_loop3A_371 = arith.constant 64 : i32
      %parallel_loop3A_372 = arith.constant 1 : i32
      scf.for %parallel_loop3A_488 = %parallel_loop3A_370 to %parallel_loop3A_371 step %parallel_loop3A_372  : i32 {
        %parallel_loop3A_489 = vector.broadcast %parallel_loop3A_488 : i32 to vector<16xi32>
        %parallel_loop3A_490 = arith.addi %iota3A, %parallel_loop3A_489 : vector<16xi32>
        %parallel_loop3A_491 = arith.constant 15 : i32
        %parallel_loop3A_492 = vector.broadcast %parallel_loop3A_491 : i32 to vector<16xi32>
        %parallel_loop3A_493 = arith.andi %parallel_loop3A_490, %parallel_loop3A_492 : vector<16xi32>
        %parallel_loop3A_494 = arith.constant -16 : i32
        %parallel_loop3A_495 = arith.andi %parallel_loop3A_488, %parallel_loop3A_494 : i32
        %parallel_loop3A_496 = vector.broadcast %parallel_loop3A_495 : i32 to vector<16xi32>
        %parallel_loop3A_497 = arith.addi %parallel_loop3A_493, %parallel_loop3A_496 : vector<16xi32>
        %parallel_loop3A_498 = arith.constant 3 : i32
        %parallel_loop3A_499 = vector.broadcast %parallel_loop3A_498 : i32 to vector<16xi32>
        %parallel_loop3A_500 = arith.shrsi %parallel_loop3A_497, %parallel_loop3A_499 : vector<16xi32>
        %parallel_loop3A_501 = arith.constant 7 : i32
        %parallel_loop3A_502 = vector.broadcast %parallel_loop3A_501 : i32 to vector<16xi32>
        %parallel_loop3A_503 = arith.andi %parallel_loop3A_497, %parallel_loop3A_502 : vector<16xi32>
        %parallel_loop3A_504 = arith.constant 7 : i32
        %parallel_loop3A_505 = vector.broadcast %parallel_loop3A_504 : i32 to vector<16xi32>
        %parallel_loop3A_506 = arith.shli %parallel_loop3A_503, %parallel_loop3A_505 : vector<16xi32>
        %parallel_loop3A_507 = arith.constant 2 : i32
        %parallel_loop3A_508 = arith.constant 0 : i32
        %parallel_loop3A_509 = arith.constant 0 : i32
        %parallel_loop3A_510 = tpu.memref_slice %arg13[%parallel_loop3A_507, %parallel_loop3A_508, %parallel_loop3A_509] : memref<4x128x64xf32, #tpu.memory_space<vmem>> -> memref<1x128x64xf32, #tpu.memory_space<vmem>>
        %parallel_loop3A_511 = tpu.memref_squeeze %parallel_loop3A_510 : memref<1x128x64xf32, #tpu.memory_space<vmem>> -> memref<128x64xf32, #tpu.memory_space<vmem>>
        %parallel_loop3A_512 = tpu.vector_load_idx %parallel_loop3A_511[%add3A_5, %parallel_loop3A_497] : memref<128x64xf32, #tpu.memory_space<vmem>>[vector<16xi32>, vector<16xi32>], vector<16xf32>,
        %parallel_loop3A_513 = arith.addi %shift_left3A_304, %parallel_loop3A_497 : vector<16xi32>
        %parallel_loop3A_514 = tpu.vector_load_idx %arg12[%parallel_loop3A_513] : memref<512xf32, #tpu.memory_space<vmem>>[vector<16xi32>], vector<16xf32>,
        %parallel_loop3A_515 = arith.addi %parallel_loop3A_506, %add3A_5 : vector<16xi32>
        %parallel_loop3A_516 = arith.addf %parallel_loop3A_512, %parallel_loop3A_514 : vector<16xf32>
        %parallel_loop3A_517 = arith.constant 0 : i32
        %parallel_loop3A_518 = arith.constant 0 : i32
        %parallel_loop3A_519 = arith.constant 0 : i32
        %parallel_loop3A_520 = tpu.memref_slice %arg14[%parallel_loop3A_517, %parallel_loop3A_518, %parallel_loop3A_519] : memref<2x8x1024xf32, #tpu.memory_space<vmem>> -> memref<1x8x1024xf32, #tpu.memory_space<vmem>>
        %parallel_loop3A_521 = tpu.memref_squeeze %parallel_loop3A_520 : memref<1x8x1024xf32, #tpu.memory_space<vmem>> -> memref<8x1024xf32, #tpu.memory_space<vmem>>
        tpu.vector_store_idx %parallel_loop3A_521[%parallel_loop3A_500, %parallel_loop3A_515], %parallel_loop3A_516 : memref<8x1024xf32, #tpu.memory_space<vmem>>[vector<16xi32>, vector<16xi32>], vector<16xf32>,
        %parallel_loop3A_522 = arith.constant 2 : i32
        %parallel_loop3A_523 = arith.constant 0 : i32
        %parallel_loop3A_524 = arith.constant 0 : i32
        %parallel_loop3A_525 = tpu.memref_slice %arg13[%parallel_loop3A_522, %parallel_loop3A_523, %parallel_loop3A_524] : memref<4x128x64xf32, #tpu.memory_space<vmem>> -> memref<1x128x64xf32, #tpu.memory_space<vmem>>
        %parallel_loop3A_526 = tpu.memref_squeeze %parallel_loop3A_525 : memref<1x128x64xf32, #tpu.memory_space<vmem>> -> memref<128x64xf32, #tpu.memory_space<vmem>>
        %parallel_loop3A_527 = tpu.vector_load_idx %parallel_loop3A_526[%add3A_8, %parallel_loop3A_497] : memref<128x64xf32, #tpu.memory_space<vmem>>[vector<16xi32>, vector<16xi32>], vector<16xf32>,
        %parallel_loop3A_528 = arith.addi %shift_left3A_310, %parallel_loop3A_497 : vector<16xi32>
        %parallel_loop3A_529 = tpu.vector_load_idx %arg12[%parallel_loop3A_528] : memref<512xf32, #tpu.memory_space<vmem>>[vector<16xi32>], vector<16xf32>,
        %parallel_loop3A_530 = arith.addi %parallel_loop3A_506, %add3A_8 : vector<16xi32>
        %parallel_loop3A_531 = arith.addf %parallel_loop3A_527, %parallel_loop3A_529 : vector<16xf32>
        %parallel_loop3A_532 = arith.constant 0 : i32
        %parallel_loop3A_533 = arith.constant 0 : i32
        %parallel_loop3A_534 = arith.constant 0 : i32
        %parallel_loop3A_535 = tpu.memref_slice %arg14[%parallel_loop3A_532, %parallel_loop3A_533, %parallel_loop3A_534] : memref<2x8x1024xf32, #tpu.memory_space<vmem>> -> memref<1x8x1024xf32, #tpu.memory_space<vmem>>
        %parallel_loop3A_536 = tpu.memref_squeeze %parallel_loop3A_535 : memref<1x8x1024xf32, #tpu.memory_space<vmem>> -> memref<8x1024xf32, #tpu.memory_space<vmem>>
        tpu.vector_store_idx %parallel_loop3A_536[%parallel_loop3A_500, %parallel_loop3A_530], %parallel_loop3A_531 : memref<8x1024xf32, #tpu.memory_space<vmem>>[vector<16xi32>, vector<16xi32>], vector<16xf32>,
        %parallel_loop3A_537 = arith.constant 2 : i32
        %parallel_loop3A_538 = arith.constant 0 : i32
        %parallel_loop3A_539 = arith.constant 0 : i32
        %parallel_loop3A_540 = tpu.memref_slice %arg13[%parallel_loop3A_537, %parallel_loop3A_538, %parallel_loop3A_539] : memref<4x128x64xf32, #tpu.memory_space<vmem>> -> memref<1x128x64xf32, #tpu.memory_space<vmem>>
        %parallel_loop3A_541 = tpu.memref_squeeze %parallel_loop3A_540 : memref<1x128x64xf32, #tpu.memory_space<vmem>> -> memref<128x64xf32, #tpu.memory_space<vmem>>
        %parallel_loop3A_542 = tpu.vector_load_idx %parallel_loop3A_541[%add3A_11, %parallel_loop3A_497] : memref<128x64xf32, #tpu.memory_space<vmem>>[vector<16xi32>, vector<16xi32>], vector<16xf32>,
        %parallel_loop3A_543 = arith.addi %shift_left3A_316, %parallel_loop3A_497 : vector<16xi32>
        %parallel_loop3A_544 = tpu.vector_load_idx %arg12[%parallel_loop3A_543] : memref<512xf32, #tpu.memory_space<vmem>>[vector<16xi32>], vector<16xf32>,
        %parallel_loop3A_545 = arith.addi %parallel_loop3A_506, %add3A_11 : vector<16xi32>
        %parallel_loop3A_546 = arith.addf %parallel_loop3A_542, %parallel_loop3A_544 : vector<16xf32>
        %parallel_loop3A_547 = arith.constant 0 : i32
        %parallel_loop3A_548 = arith.constant 0 : i32
        %parallel_loop3A_549 = arith.constant 0 : i32
        %parallel_loop3A_550 = tpu.memref_slice %arg14[%parallel_loop3A_547, %parallel_loop3A_548, %parallel_loop3A_549] : memref<2x8x1024xf32, #tpu.memory_space<vmem>> -> memref<1x8x1024xf32, #tpu.memory_space<vmem>>
        %parallel_loop3A_551 = tpu.memref_squeeze %parallel_loop3A_550 : memref<1x8x1024xf32, #tpu.memory_space<vmem>> -> memref<8x1024xf32, #tpu.memory_space<vmem>>
        tpu.vector_store_idx %parallel_loop3A_551[%parallel_loop3A_500, %parallel_loop3A_545], %parallel_loop3A_546 : memref<8x1024xf32, #tpu.memory_space<vmem>>[vector<16xi32>, vector<16xi32>], vector<16xf32>,
        %parallel_loop3A_552 = arith.constant 2 : i32
        %parallel_loop3A_553 = arith.constant 0 : i32
        %parallel_loop3A_554 = arith.constant 0 : i32
        %parallel_loop3A_555 = tpu.memref_slice %arg13[%parallel_loop3A_552, %parallel_loop3A_553, %parallel_loop3A_554] : memref<4x128x64xf32, #tpu.memory_space<vmem>> -> memref<1x128x64xf32, #tpu.memory_space<vmem>>
        %parallel_loop3A_556 = tpu.memref_squeeze %parallel_loop3A_555 : memref<1x128x64xf32, #tpu.memory_space<vmem>> -> memref<128x64xf32, #tpu.memory_space<vmem>>
        %parallel_loop3A_557 = tpu.vector_load_idx %parallel_loop3A_556[%add3A_14, %parallel_loop3A_497] : memref<128x64xf32, #tpu.memory_space<vmem>>[vector<16xi32>, vector<16xi32>], vector<16xf32>,
        %parallel_loop3A_558 = arith.addi %shift_left3A_322, %parallel_loop3A_497 : vector<16xi32>
        %parallel_loop3A_559 = tpu.vector_load_idx %arg12[%parallel_loop3A_558] : memref<512xf32, #tpu.memory_space<vmem>>[vector<16xi32>], vector<16xf32>,
        %parallel_loop3A_560 = arith.addi %parallel_loop3A_506, %add3A_14 : vector<16xi32>
        %parallel_loop3A_561 = arith.addf %parallel_loop3A_557, %parallel_loop3A_559 : vector<16xf32>
        %parallel_loop3A_562 = arith.constant 0 : i32
        %parallel_loop3A_563 = arith.constant 0 : i32
        %parallel_loop3A_564 = arith.constant 0 : i32
        %parallel_loop3A_565 = tpu.memref_slice %arg14[%parallel_loop3A_562, %parallel_loop3A_563, %parallel_loop3A_564] : memref<2x8x1024xf32, #tpu.memory_space<vmem>> -> memref<1x8x1024xf32, #tpu.memory_space<vmem>>
        %parallel_loop3A_566 = tpu.memref_squeeze %parallel_loop3A_565 : memref<1x8x1024xf32, #tpu.memory_space<vmem>> -> memref<8x1024xf32, #tpu.memory_space<vmem>>
        tpu.vector_store_idx %parallel_loop3A_566[%parallel_loop3A_500, %parallel_loop3A_560], %parallel_loop3A_561 : memref<8x1024xf32, #tpu.memory_space<vmem>>[vector<16xi32>, vector<16xi32>], vector<16xf32>,
        %parallel_loop3A_567 = arith.constant 2 : i32
        %parallel_loop3A_568 = arith.constant 0 : i32
        %parallel_loop3A_569 = arith.constant 0 : i32
        %parallel_loop3A_570 = tpu.memref_slice %arg13[%parallel_loop3A_567, %parallel_loop3A_568, %parallel_loop3A_569] : memref<4x128x64xf32, #tpu.memory_space<vmem>> -> memref<1x128x64xf32, #tpu.memory_space<vmem>>
        %parallel_loop3A_571 = tpu.memref_squeeze %parallel_loop3A_570 : memref<1x128x64xf32, #tpu.memory_space<vmem>> -> memref<128x64xf32, #tpu.memory_space<vmem>>
        %parallel_loop3A_572 = tpu.vector_load_idx %parallel_loop3A_571[%add3A_17, %parallel_loop3A_497] : memref<128x64xf32, #tpu.memory_space<vmem>>[vector<16xi32>, vector<16xi32>], vector<16xf32>,
        %parallel_loop3A_573 = arith.addi %shift_left3A_328, %parallel_loop3A_497 : vector<16xi32>
        %parallel_loop3A_574 = tpu.vector_load_idx %arg12[%parallel_loop3A_573] : memref<512xf32, #tpu.memory_space<vmem>>[vector<16xi32>], vector<16xf32>,
        %parallel_loop3A_575 = arith.addi %parallel_loop3A_506, %add3A_17 : vector<16xi32>
        %parallel_loop3A_576 = arith.addf %parallel_loop3A_572, %parallel_loop3A_574 : vector<16xf32>
        %parallel_loop3A_577 = arith.constant 0 : i32
        %parallel_loop3A_578 = arith.constant 0 : i32
        %parallel_loop3A_579 = arith.constant 0 : i32
        %parallel_loop3A_580 = tpu.memref_slice %arg14[%parallel_loop3A_577, %parallel_loop3A_578, %parallel_loop3A_579] : memref<2x8x1024xf32, #tpu.memory_space<vmem>> -> memref<1x8x1024xf32, #tpu.memory_space<vmem>>
        %parallel_loop3A_581 = tpu.memref_squeeze %parallel_loop3A_580 : memref<1x8x1024xf32, #tpu.memory_space<vmem>> -> memref<8x1024xf32, #tpu.memory_space<vmem>>
        tpu.vector_store_idx %parallel_loop3A_581[%parallel_loop3A_500, %parallel_loop3A_575], %parallel_loop3A_576 : memref<8x1024xf32, #tpu.memory_space<vmem>>[vector<16xi32>, vector<16xi32>], vector<16xf32>,
        %parallel_loop3A_582 = arith.constant 2 : i32
        %parallel_loop3A_583 = arith.constant 0 : i32
        %parallel_loop3A_584 = arith.constant 0 : i32
        %parallel_loop3A_585 = tpu.memref_slice %arg13[%parallel_loop3A_582, %parallel_loop3A_583, %parallel_loop3A_584] : memref<4x128x64xf32, #tpu.memory_space<vmem>> -> memref<1x128x64xf32, #tpu.memory_space<vmem>>
        %parallel_loop3A_586 = tpu.memref_squeeze %parallel_loop3A_585 : memref<1x128x64xf32, #tpu.memory_space<vmem>> -> memref<128x64xf32, #tpu.memory_space<vmem>>
        %parallel_loop3A_587 = tpu.vector_load_idx %parallel_loop3A_586[%add3A_20, %parallel_loop3A_497] : memref<128x64xf32, #tpu.memory_space<vmem>>[vector<16xi32>, vector<16xi32>], vector<16xf32>,
        %parallel_loop3A_588 = arith.addi %shift_left3A_334, %parallel_loop3A_497 : vector<16xi32>
        %parallel_loop3A_589 = tpu.vector_load_idx %arg12[%parallel_loop3A_588] : memref<512xf32, #tpu.memory_space<vmem>>[vector<16xi32>], vector<16xf32>,
        %parallel_loop3A_590 = arith.addi %parallel_loop3A_506, %add3A_20 : vector<16xi32>
        %parallel_loop3A_591 = arith.addf %parallel_loop3A_587, %parallel_loop3A_589 : vector<16xf32>
        %parallel_loop3A_592 = arith.constant 0 : i32
        %parallel_loop3A_593 = arith.constant 0 : i32
        %parallel_loop3A_594 = arith.constant 0 : i32
        %parallel_loop3A_595 = tpu.memref_slice %arg14[%parallel_loop3A_592, %parallel_loop3A_593, %parallel_loop3A_594] : memref<2x8x1024xf32, #tpu.memory_space<vmem>> -> memref<1x8x1024xf32, #tpu.memory_space<vmem>>
        %parallel_loop3A_596 = tpu.memref_squeeze %parallel_loop3A_595 : memref<1x8x1024xf32, #tpu.memory_space<vmem>> -> memref<8x1024xf32, #tpu.memory_space<vmem>>
        tpu.vector_store_idx %parallel_loop3A_596[%parallel_loop3A_500, %parallel_loop3A_590], %parallel_loop3A_591 : memref<8x1024xf32, #tpu.memory_space<vmem>>[vector<16xi32>, vector<16xi32>], vector<16xf32>,
        %parallel_loop3A_597 = arith.constant 2 : i32
        %parallel_loop3A_598 = arith.constant 0 : i32
        %parallel_loop3A_599 = arith.constant 0 : i32
        %parallel_loop3A_600 = tpu.memref_slice %arg13[%parallel_loop3A_597, %parallel_loop3A_598, %parallel_loop3A_599] : memref<4x128x64xf32, #tpu.memory_space<vmem>> -> memref<1x128x64xf32, #tpu.memory_space<vmem>>
        %parallel_loop3A_601 = tpu.memref_squeeze %parallel_loop3A_600 : memref<1x128x64xf32, #tpu.memory_space<vmem>> -> memref<128x64xf32, #tpu.memory_space<vmem>>
        %parallel_loop3A_602 = tpu.vector_load_idx %parallel_loop3A_601[%add3A_23, %parallel_loop3A_497] : memref<128x64xf32, #tpu.memory_space<vmem>>[vector<16xi32>, vector<16xi32>], vector<16xf32>,
        %parallel_loop3A_603 = arith.addi %shift_left3A_340, %parallel_loop3A_497 : vector<16xi32>
        %parallel_loop3A_604 = tpu.vector_load_idx %arg12[%parallel_loop3A_603] : memref<512xf32, #tpu.memory_space<vmem>>[vector<16xi32>], vector<16xf32>,
        %parallel_loop3A_605 = arith.addi %parallel_loop3A_506, %add3A_23 : vector<16xi32>
        %parallel_loop3A_606 = arith.addf %parallel_loop3A_602, %parallel_loop3A_604 : vector<16xf32>
        %parallel_loop3A_607 = arith.constant 0 : i32
        %parallel_loop3A_608 = arith.constant 0 : i32
        %parallel_loop3A_609 = arith.constant 0 : i32
        %parallel_loop3A_610 = tpu.memref_slice %arg14[%parallel_loop3A_607, %parallel_loop3A_608, %parallel_loop3A_609] : memref<2x8x1024xf32, #tpu.memory_space<vmem>> -> memref<1x8x1024xf32, #tpu.memory_space<vmem>>
        %parallel_loop3A_611 = tpu.memref_squeeze %parallel_loop3A_610 : memref<1x8x1024xf32, #tpu.memory_space<vmem>> -> memref<8x1024xf32, #tpu.memory_space<vmem>>
        tpu.vector_store_idx %parallel_loop3A_611[%parallel_loop3A_500, %parallel_loop3A_605], %parallel_loop3A_606 : memref<8x1024xf32, #tpu.memory_space<vmem>>[vector<16xi32>, vector<16xi32>], vector<16xf32>,
        %parallel_loop3A_612 = arith.constant 2 : i32
        %parallel_loop3A_613 = arith.constant 0 : i32
        %parallel_loop3A_614 = arith.constant 0 : i32
        %parallel_loop3A_615 = tpu.memref_slice %arg13[%parallel_loop3A_612, %parallel_loop3A_613, %parallel_loop3A_614] : memref<4x128x64xf32, #tpu.memory_space<vmem>> -> memref<1x128x64xf32, #tpu.memory_space<vmem>>
        %parallel_loop3A_616 = tpu.memref_squeeze %parallel_loop3A_615 : memref<1x128x64xf32, #tpu.memory_space<vmem>> -> memref<128x64xf32, #tpu.memory_space<vmem>>
        %parallel_loop3A_617 = tpu.vector_load_idx %parallel_loop3A_616[%add3A_26, %parallel_loop3A_497] : memref<128x64xf32, #tpu.memory_space<vmem>>[vector<16xi32>, vector<16xi32>], vector<16xf32>,
        %parallel_loop3A_618 = arith.addi %shift_left3A_346, %parallel_loop3A_497 : vector<16xi32>
        %parallel_loop3A_619 = tpu.vector_load_idx %arg12[%parallel_loop3A_618] : memref<512xf32, #tpu.memory_space<vmem>>[vector<16xi32>], vector<16xf32>,
        %parallel_loop3A_620 = arith.addi %parallel_loop3A_506, %add3A_26 : vector<16xi32>
        %parallel_loop3A_621 = arith.addf %parallel_loop3A_617, %parallel_loop3A_619 : vector<16xf32>
        %parallel_loop3A_622 = arith.constant 0 : i32
        %parallel_loop3A_623 = arith.constant 0 : i32
        %parallel_loop3A_624 = arith.constant 0 : i32
        %parallel_loop3A_625 = tpu.memref_slice %arg14[%parallel_loop3A_622, %parallel_loop3A_623, %parallel_loop3A_624] : memref<2x8x1024xf32, #tpu.memory_space<vmem>> -> memref<1x8x1024xf32, #tpu.memory_space<vmem>>
        %parallel_loop3A_626 = tpu.memref_squeeze %parallel_loop3A_625 : memref<1x8x1024xf32, #tpu.memory_space<vmem>> -> memref<8x1024xf32, #tpu.memory_space<vmem>>
        tpu.vector_store_idx %parallel_loop3A_626[%parallel_loop3A_500, %parallel_loop3A_620], %parallel_loop3A_621 : memref<8x1024xf32, #tpu.memory_space<vmem>>[vector<16xi32>, vector<16xi32>], vector<16xf32>,
      } {sc.loop_unroll_factor = 4 : i64, sc.parallel_access}
      %dma_start3A_373 = arith.constant 0 : i32
      %dma_start3A_374 = arith.constant 0 : i32
      %dma_start3A_375 = arith.constant 0 : i32
      %dma_start3A_376 = tpu.memref_slice %arg14[%dma_start3A_373, %dma_start3A_374, %dma_start3A_375] : memref<2x8x1024xf32, #tpu.memory_space<vmem>> -> memref<1x8x1024xf32, #tpu.memory_space<vmem>>
      %dma_start3A_377 = tpu.memref_squeeze %dma_start3A_376 : memref<1x8x1024xf32, #tpu.memory_space<vmem>> -> memref<8x1024xf32, #tpu.memory_space<vmem>>
      %dma_start3A_378 = arith.constant 0 : i32
      %dma_start3A_379 = arith.constant 0 : i32
      %dma_start3A_380 = tpu.memref_slice %arg7[%add3A_295, %dma_start3A_378, %add3A, %dma_start3A_379] : memref<200x8x32x1024xf32, #tpu.memory_space<hbm>> -> memref<1x8x1x1024xf32, #tpu.memory_space<hbm>>
      %dma_start3A_381 = tpu.memref_squeeze %dma_start3A_380 : memref<1x8x1x1024xf32, #tpu.memory_space<hbm>> -> memref<8x1024xf32, #tpu.memory_space<hbm>>
      %dma_start3A_382 = arith.constant 0 : i32
      %dma_start3A_383 = arith.constant 0 : i32
      %dma_start3A_384 = tpu.memref_slice %arg7[%add3A_295, %dma_start3A_382, %add3A, %dma_start3A_383] : memref<200x8x32x1024xf32, #tpu.memory_space<hbm>> -> memref<1x8x1x1024xf32, #tpu.memory_space<hbm>>
      %dma_start3A_385 = tpu.memref_squeeze %dma_start3A_384 : memref<1x8x1x1024xf32, #tpu.memory_space<hbm>> -> memref<8x1024xf32, #tpu.memory_space<hbm>>
      %dma_start3A_386 = arith.constant 0 : i32
      %dma_start3A_387 = arith.constant 0 : i32
      %dma_start3A_388 = tpu.memref_slice %arg14[%dma_start3A_373, %dma_start3A_386, %dma_start3A_387] : memref<2x8x1024xf32, #tpu.memory_space<vmem>> -> memref<1x8x1024xf32, #tpu.memory_space<vmem>>
      %dma_start3A_389 = tpu.memref_squeeze %dma_start3A_388 : memref<1x8x1024xf32, #tpu.memory_space<vmem>> -> memref<8x1024xf32, #tpu.memory_space<vmem>>
      tpu.enqueue_dma source(%dma_start3A_389 : memref<8x1024xf32, #tpu.memory_space<vmem>>) target(%dma_start3A_385 : memref<8x1024xf32, #tpu.memory_space<hbm>>) target_semaphore(%arg16 : memref<!tpu.dma_semaphore, #tpu.memory_space<semaphore_mem>>)
      %mul3A_390 = arith.constant 4 : i32
      %mul3A_391 = arith.muli %mul3A_390, %scan3A_102 : i32
      %add3A_392 = arith.constant 3 : i32
      %add3A_393 = arith.addi %mul3A_391, %add3A_392 : i32
      %parallel_loop3A_394 = arith.constant 0 : i32
      %parallel_loop3A_395 = arith.constant 8 : i32
      %parallel_loop3A_396 = arith.constant 1 : i32
      scf.for %parallel_loop3A_488 = %parallel_loop3A_394 to %parallel_loop3A_395 step %parallel_loop3A_396  : i32 {
        %parallel_loop3A_489 = arith.index_cast %add3A_393 : i32 to index
        %parallel_loop3A_490 = arith.constant 0 : index
        %parallel_loop3A_491 = tpu.vector_load %arg10[%parallel_loop3A_489, %parallel_loop3A_490] {strides = array<i32>} : memref<200x64xf32, #tpu.memory_space<vmem>>, vector<16xf32>,
        %parallel_loop3A_492 = arith.index_cast %parallel_loop3A_488 : i32 to index
        %parallel_loop3A_493 = arith.constant 0 : index
        %parallel_loop3A_494 = tpu.vector_load %arg11[%parallel_loop3A_492, %parallel_loop3A_493] {strides = array<i32>} : memref<8x64xf32, #tpu.memory_space<vmem>>, vector<16xf32>,
        %parallel_loop3A_495 = arith.addf %parallel_loop3A_491, %parallel_loop3A_494 : vector<16xf32>
        %parallel_loop3A_496 = arith.constant 64 : i32
        %parallel_loop3A_497 = arith.muli %parallel_loop3A_488, %parallel_loop3A_496 : i32
        %parallel_loop3A_498 = arith.constant 0 : i32
        %parallel_loop3A_499 = arith.addi %parallel_loop3A_497, %parallel_loop3A_498 : i32
        %parallel_loop3A_500 = arith.index_cast %parallel_loop3A_499 : i32 to index
        %parallel_loop3A_501 = tpu.vector_load %arg12[%parallel_loop3A_500] {strides = array<i32>} : memref<512xf32, #tpu.memory_space<vmem>>, vector<16xf32>,
        tpu.vector_store %arg12[%parallel_loop3A_500], %parallel_loop3A_495 {strides = array<i32>} : memref<512xf32, #tpu.memory_space<vmem>>, vector<16xf32>,
        %parallel_loop3A_502 = arith.index_cast %add3A_393 : i32 to index
        %parallel_loop3A_503 = arith.constant 16 : index
        %parallel_loop3A_504 = tpu.vector_load %arg10[%parallel_loop3A_502, %parallel_loop3A_503] {strides = array<i32>} : memref<200x64xf32, #tpu.memory_space<vmem>>, vector<16xf32>,
        %parallel_loop3A_505 = arith.index_cast %parallel_loop3A_488 : i32 to index
        %parallel_loop3A_506 = arith.constant 16 : index
        %parallel_loop3A_507 = tpu.vector_load %arg11[%parallel_loop3A_505, %parallel_loop3A_506] {strides = array<i32>} : memref<8x64xf32, #tpu.memory_space<vmem>>, vector<16xf32>,
        %parallel_loop3A_508 = arith.addf %parallel_loop3A_504, %parallel_loop3A_507 : vector<16xf32>
        %parallel_loop3A_509 = arith.constant 64 : i32
        %parallel_loop3A_510 = arith.muli %parallel_loop3A_488, %parallel_loop3A_509 : i32
        %parallel_loop3A_511 = arith.constant 16 : i32
        %parallel_loop3A_512 = arith.addi %parallel_loop3A_510, %parallel_loop3A_511 : i32
        %parallel_loop3A_513 = arith.index_cast %parallel_loop3A_512 : i32 to index
        %parallel_loop3A_514 = tpu.vector_load %arg12[%parallel_loop3A_513] {strides = array<i32>} : memref<512xf32, #tpu.memory_space<vmem>>, vector<16xf32>,
        tpu.vector_store %arg12[%parallel_loop3A_513], %parallel_loop3A_508 {strides = array<i32>} : memref<512xf32, #tpu.memory_space<vmem>>, vector<16xf32>,
        %parallel_loop3A_515 = arith.index_cast %add3A_393 : i32 to index
        %parallel_loop3A_516 = arith.constant 32 : index
        %parallel_loop3A_517 = tpu.vector_load %arg10[%parallel_loop3A_515, %parallel_loop3A_516] {strides = array<i32>} : memref<200x64xf32, #tpu.memory_space<vmem>>, vector<16xf32>,
        %parallel_loop3A_518 = arith.index_cast %parallel_loop3A_488 : i32 to index
        %parallel_loop3A_519 = arith.constant 32 : index
        %parallel_loop3A_520 = tpu.vector_load %arg11[%parallel_loop3A_518, %parallel_loop3A_519] {strides = array<i32>} : memref<8x64xf32, #tpu.memory_space<vmem>>, vector<16xf32>,
        %parallel_loop3A_521 = arith.addf %parallel_loop3A_517, %parallel_loop3A_520 : vector<16xf32>
        %parallel_loop3A_522 = arith.constant 64 : i32
        %parallel_loop3A_523 = arith.muli %parallel_loop3A_488, %parallel_loop3A_522 : i32
        %parallel_loop3A_524 = arith.constant 32 : i32
        %parallel_loop3A_525 = arith.addi %parallel_loop3A_523, %parallel_loop3A_524 : i32
        %parallel_loop3A_526 = arith.index_cast %parallel_loop3A_525 : i32 to index
        %parallel_loop3A_527 = tpu.vector_load %arg12[%parallel_loop3A_526] {strides = array<i32>} : memref<512xf32, #tpu.memory_space<vmem>>, vector<16xf32>,
        tpu.vector_store %arg12[%parallel_loop3A_526], %parallel_loop3A_521 {strides = array<i32>} : memref<512xf32, #tpu.memory_space<vmem>>, vector<16xf32>,
        %parallel_loop3A_528 = arith.index_cast %add3A_393 : i32 to index
        %parallel_loop3A_529 = arith.constant 48 : index
        %parallel_loop3A_530 = tpu.vector_load %arg10[%parallel_loop3A_528, %parallel_loop3A_529] {strides = array<i32>} : memref<200x64xf32, #tpu.memory_space<vmem>>, vector<16xf32>,
        %parallel_loop3A_531 = arith.index_cast %parallel_loop3A_488 : i32 to index
        %parallel_loop3A_532 = arith.constant 48 : index
        %parallel_loop3A_533 = tpu.vector_load %arg11[%parallel_loop3A_531, %parallel_loop3A_532] {strides = array<i32>} : memref<8x64xf32, #tpu.memory_space<vmem>>, vector<16xf32>,
        %parallel_loop3A_534 = arith.addf %parallel_loop3A_530, %parallel_loop3A_533 : vector<16xf32>
        %parallel_loop3A_535 = arith.constant 64 : i32
        %parallel_loop3A_536 = arith.muli %parallel_loop3A_488, %parallel_loop3A_535 : i32
        %parallel_loop3A_537 = arith.constant 48 : i32
        %parallel_loop3A_538 = arith.addi %parallel_loop3A_536, %parallel_loop3A_537 : i32
        %parallel_loop3A_539 = arith.index_cast %parallel_loop3A_538 : i32 to index
        %parallel_loop3A_540 = tpu.vector_load %arg12[%parallel_loop3A_539] {strides = array<i32>} : memref<512xf32, #tpu.memory_space<vmem>>, vector<16xf32>,
        tpu.vector_store %arg12[%parallel_loop3A_539], %parallel_loop3A_534 {strides = array<i32>} : memref<512xf32, #tpu.memory_space<vmem>>, vector<16xf32>,
      } {sc.loop_unroll_factor = 1 : i64, sc.parallel_access}
      %get3A_397 = arith.index_cast %add3A_393 : i32 to index
      %get3A_398 = arith.constant 0 : index
      %get3A_399 = tpu.vector_load %arg9[%get3A_397, %get3A_398] {strides = array<i32>} : memref<200x128xi32, #tpu.memory_space<vmem>>, vector<16xi32>,
      %shift_left3A_400 = arith.constant 6 : i32
      %shift_left3A_401 = vector.broadcast %shift_left3A_400 : i32 to vector<16xi32>
      %shift_left3A_402 = arith.shli %get3A_399, %shift_left3A_401 : vector<16xi32>
      %get3A_403 = arith.index_cast %add3A_393 : i32 to index
      %get3A_404 = arith.constant 16 : index
      %get3A_405 = tpu.vector_load %arg9[%get3A_403, %get3A_404] {strides = array<i32>} : memref<200x128xi32, #tpu.memory_space<vmem>>, vector<16xi32>,
      %shift_left3A_406 = arith.constant 6 : i32
      %shift_left3A_407 = vector.broadcast %shift_left3A_406 : i32 to vector<16xi32>
      %shift_left3A_408 = arith.shli %get3A_405, %shift_left3A_407 : vector<16xi32>
      %get3A_409 = arith.index_cast %add3A_393 : i32 to index
      %get3A_410 = arith.constant 32 : index
      %get3A_411 = tpu.vector_load %arg9[%get3A_409, %get3A_410] {strides = array<i32>} : memref<200x128xi32, #tpu.memory_space<vmem>>, vector<16xi32>,
      %shift_left3A_412 = arith.constant 6 : i32
      %shift_left3A_413 = vector.broadcast %shift_left3A_412 : i32 to vector<16xi32>
      %shift_left3A_414 = arith.shli %get3A_411, %shift_left3A_413 : vector<16xi32>
      %get3A_415 = arith.index_cast %add3A_393 : i32 to index
      %get3A_416 = arith.constant 48 : index
      %get3A_417 = tpu.vector_load %arg9[%get3A_415, %get3A_416] {strides = array<i32>} : memref<200x128xi32, #tpu.memory_space<vmem>>, vector<16xi32>,
      %shift_left3A_418 = arith.constant 6 : i32
      %shift_left3A_419 = vector.broadcast %shift_left3A_418 : i32 to vector<16xi32>
      %shift_left3A_420 = arith.shli %get3A_417, %shift_left3A_419 : vector<16xi32>
      %get3A_421 = arith.index_cast %add3A_393 : i32 to index
      %get3A_422 = arith.constant 64 : index
      %get3A_423 = tpu.vector_load %arg9[%get3A_421, %get3A_422] {strides = array<i32>} : memref<200x128xi32, #tpu.memory_space<vmem>>, vector<16xi32>,
      %shift_left3A_424 = arith.constant 6 : i32
      %shift_left3A_425 = vector.broadcast %shift_left3A_424 : i32 to vector<16xi32>
      %shift_left3A_426 = arith.shli %get3A_423, %shift_left3A_425 : vector<16xi32>
      %get3A_427 = arith.index_cast %add3A_393 : i32 to index
      %get3A_428 = arith.constant 80 : index
      %get3A_429 = tpu.vector_load %arg9[%get3A_427, %get3A_428] {strides = array<i32>} : memref<200x128xi32, #tpu.memory_space<vmem>>, vector<16xi32>,
      %shift_left3A_430 = arith.constant 6 : i32
      %shift_left3A_431 = vector.broadcast %shift_left3A_430 : i32 to vector<16xi32>
      %shift_left3A_432 = arith.shli %get3A_429, %shift_left3A_431 : vector<16xi32>
      %get3A_433 = arith.index_cast %add3A_393 : i32 to index
      %get3A_434 = arith.constant 96 : index
      %get3A_435 = tpu.vector_load %arg9[%get3A_433, %get3A_434] {strides = array<i32>} : memref<200x128xi32, #tpu.memory_space<vmem>>, vector<16xi32>,
      %shift_left3A_436 = arith.constant 6 : i32
      %shift_left3A_437 = vector.broadcast %shift_left3A_436 : i32 to vector<16xi32>
      %shift_left3A_438 = arith.shli %get3A_435, %shift_left3A_437 : vector<16xi32>
      %get3A_439 = arith.index_cast %add3A_393 : i32 to index
      %get3A_440 = arith.constant 112 : index
      %get3A_441 = tpu.vector_load %arg9[%get3A_439, %get3A_440] {strides = array<i32>} : memref<200x128xi32, #tpu.memory_space<vmem>>, vector<16xi32>,
      %shift_left3A_442 = arith.constant 6 : i32
      %shift_left3A_443 = vector.broadcast %shift_left3A_442 : i32 to vector<16xi32>
      %shift_left3A_444 = arith.shli %get3A_441, %shift_left3A_443 : vector<16xi32>
      %ge3A_445 = arith.constant 2 : i32
      %ge3A_446 = arith.cmpi sge, %add3A_393, %ge3A_445 : i32
      %convert_element_type3A_447 = arith.extui %ge3A_446 : i1 to i32
      %cond3A_448 = arith.constant 0 : i32
      %cond3A_449 = arith.cmpi ne, %convert_element_type3A_447, %cond3A_448 : i32
      scf.if %cond3A_449 {
        %sub3A = arith.constant 2 : i32
        %sub3A_488 = arith.subi %add3A_393, %sub3A : i32
        %dma_wait3A_489 = arith.constant 1 : i32
        %dma_wait3A_490 = arith.constant 0 : i32
        %dma_wait3A_491 = arith.constant 0 : i32
        %dma_wait3A_492 = tpu.memref_slice %arg14[%dma_wait3A_489, %dma_wait3A_490, %dma_wait3A_491] : memref<2x8x1024xf32, #tpu.memory_space<vmem>> -> memref<1x8x1024xf32, #tpu.memory_space<vmem>>
        %dma_wait3A_493 = tpu.memref_squeeze %dma_wait3A_492 : memref<1x8x1024xf32, #tpu.memory_space<vmem>> -> memref<8x1024xf32, #tpu.memory_space<vmem>>
        %dma_wait3A_494 = arith.constant 0 : i32
        %dma_wait3A_495 = arith.constant 0 : i32
        %dma_wait3A_496 = tpu.memref_slice %arg7[%sub3A_488, %dma_wait3A_494, %add3A, %dma_wait3A_495] : memref<200x8x32x1024xf32, #tpu.memory_space<hbm>> -> memref<1x8x1x1024xf32, #tpu.memory_space<hbm>>
        %dma_wait3A_497 = tpu.memref_squeeze %dma_wait3A_496 : memref<1x8x1x1024xf32, #tpu.memory_space<hbm>> -> memref<8x1024xf32, #tpu.memory_space<hbm>>
        %dma_wait3A_498 = arith.constant 0 : i32
        %dma_wait3A_499 = arith.constant 0 : i32
        %dma_wait3A_500 = tpu.memref_slice %arg7[%sub3A_488, %dma_wait3A_498, %add3A, %dma_wait3A_499] : memref<200x8x32x1024xf32, #tpu.memory_space<hbm>> -> memref<1x8x1x1024xf32, #tpu.memory_space<hbm>>
        %dma_wait3A_501 = tpu.memref_squeeze %dma_wait3A_500 : memref<1x8x1x1024xf32, #tpu.memory_space<hbm>> -> memref<8x1024xf32, #tpu.memory_space<hbm>>
        %dma_wait3A_502 = arith.constant 0 : i32
        %dma_wait3A_503 = arith.constant 0 : i32
        %dma_wait3A_504 = tpu.memref_slice %arg14[%dma_wait3A_489, %dma_wait3A_502, %dma_wait3A_503] : memref<2x8x1024xf32, #tpu.memory_space<vmem>> -> memref<1x8x1024xf32, #tpu.memory_space<vmem>>
        %dma_wait3A_505 = tpu.memref_squeeze %dma_wait3A_504 : memref<1x8x1024xf32, #tpu.memory_space<vmem>> -> memref<8x1024xf32, #tpu.memory_space<vmem>>
        tpu.wait_dma2 semaphore(%arg16 : memref<!tpu.dma_semaphore, #tpu.memory_space<semaphore_mem>>) src(%dma_wait3A_505 : memref<8x1024xf32, #tpu.memory_space<vmem>>) dst(%dma_wait3A_501 : memref<8x1024xf32, #tpu.memory_space<hbm>>)
      } else {
      }
      %dma_wait3A_450 = arith.constant 3 : i32
      %dma_wait3A_451 = arith.constant 0 : i32
      %dma_wait3A_452 = arith.constant 0 : i32
      %dma_wait3A_453 = tpu.memref_slice %arg13[%dma_wait3A_450, %dma_wait3A_451, %dma_wait3A_452] : memref<4x128x64xf32, #tpu.memory_space<vmem>> -> memref<1x128x64xf32, #tpu.memory_space<vmem>>
      %dma_wait3A_454 = tpu.memref_squeeze %dma_wait3A_453 : memref<1x128x64xf32, #tpu.memory_space<vmem>> -> memref<128x64xf32, #tpu.memory_space<vmem>>
      %dma_wait3A_455 = arith.constant 0 : i32
      %dma_wait3A_456 = tpu.memref_slice %arg8[%add3A_393, %dma_wait3A_455] : memref<200x128xi32, #tpu.memory_space<vmem>> -> memref<1x128xi32, #tpu.memory_space<vmem>>
      %dma_wait3A_457 = tpu.memref_squeeze %dma_wait3A_456 : memref<1x128xi32, #tpu.memory_space<vmem>> -> memref<128xi32, #tpu.memory_space<vmem>>
      %dma_wait3A_458 = arith.constant 0 : i32
      %dma_wait3A_459 = arith.constant 0 : i32
      %dma_wait3A_460 = tpu.memref_slice %arg5[%dma_wait3A_458, %dma_wait3A_459] : memref<100000x64xf32, #tpu.memory_space<hbm>> -> memref<100000x64xf32, #tpu.memory_space<hbm>>
      tpu.wait_indirect_dma semaphore(%arg15 : memref<!tpu.dma_semaphore, #tpu.memory_space<semaphore_mem>>) src(%dma_wait3A_460 : memref<100000x64xf32, #tpu.memory_space<hbm>>) dst(%dma_wait3A_454 : memref<128x64xf32, #tpu.memory_space<vmem>>)
      %add3A_461 = arith.constant 3 : i32
      %add3A_462 = arith.addi %add3A_393, %add3A_461 : i32
      %lt3A_463 = arith.constant 200 : i32
      %lt3A_464 = arith.cmpi slt, %add3A_462, %lt3A_463 : i32
      %convert_element_type3A_465 = arith.extui %lt3A_464 : i1 to i32
      %cond3A_466 = arith.constant 0 : i32
      %cond3A_467 = arith.cmpi ne, %convert_element_type3A_465, %cond3A_466 : i32
      scf.if %cond3A_467 {
        %add3A_488 = arith.constant 3 : i32
        %add3A_489 = arith.addi %add3A_393, %add3A_488 : i32
        %dma_start3A_490 = arith.constant 2 : i32
        %dma_start3A_491 = arith.constant 0 : i32
        %dma_start3A_492 = arith.constant 0 : i32
        %dma_start3A_493 = tpu.memref_slice %arg13[%dma_start3A_490, %dma_start3A_491, %dma_start3A_492] : memref<4x128x64xf32, #tpu.memory_space<vmem>> -> memref<1x128x64xf32, #tpu.memory_space<vmem>>
        %dma_start3A_494 = tpu.memref_squeeze %dma_start3A_493 : memref<1x128x64xf32, #tpu.memory_space<vmem>> -> memref<128x64xf32, #tpu.memory_space<vmem>>
        %dma_start3A_495 = arith.constant 0 : i32
        %dma_start3A_496 = tpu.memref_slice %arg8[%add3A_489, %dma_start3A_495] : memref<200x128xi32, #tpu.memory_space<vmem>> -> memref<1x128xi32, #tpu.memory_space<vmem>>
        %dma_start3A_497 = tpu.memref_squeeze %dma_start3A_496 : memref<1x128xi32, #tpu.memory_space<vmem>> -> memref<128xi32, #tpu.memory_space<vmem>>
        %dma_start3A_498 = arith.constant 0 : i32
        %dma_start3A_499 = arith.constant 0 : i32
        %dma_start3A_500 = tpu.memref_slice %arg5[%dma_start3A_498, %dma_start3A_499] : memref<100000x64xf32, #tpu.memory_space<hbm>> -> memref<100000x64xf32, #tpu.memory_space<hbm>>
        tpu.enqueue_indirect_dma source(%dma_start3A_500 : memref<100000x64xf32, #tpu.memory_space<hbm>>) target(%dma_start3A_494 : memref<128x64xf32, #tpu.memory_space<vmem>>) offsets(%dma_start3A_497 : memref<128xi32, #tpu.memory_space<vmem>>) semaphore(%arg15 : memref<!tpu.dma_semaphore, #tpu.memory_space<semaphore_mem>>)
      } else {
      }
      %parallel_loop3A_468 = arith.constant 0 : i32
      %parallel_loop3A_469 = arith.constant 64 : i32
      %parallel_loop3A_470 = arith.constant 1 : i32
      scf.for %parallel_loop3A_488 = %parallel_loop3A_468 to %parallel_loop3A_469 step %parallel_loop3A_470  : i32 {
        %parallel_loop3A_489 = vector.broadcast %parallel_loop3A_488 : i32 to vector<16xi32>
        %parallel_loop3A_490 = arith.addi %iota3A, %parallel_loop3A_489 : vector<16xi32>
        %parallel_loop3A_491 = arith.constant 15 : i32
        %parallel_loop3A_492 = vector.broadcast %parallel_loop3A_491 : i32 to vector<16xi32>
        %parallel_loop3A_493 = arith.andi %parallel_loop3A_490, %parallel_loop3A_492 : vector<16xi32>
        %parallel_loop3A_494 = arith.constant -16 : i32
        %parallel_loop3A_495 = arith.andi %parallel_loop3A_488, %parallel_loop3A_494 : i32
        %parallel_loop3A_496 = vector.broadcast %parallel_loop3A_495 : i32 to vector<16xi32>
        %parallel_loop3A_497 = arith.addi %parallel_loop3A_493, %parallel_loop3A_496 : vector<16xi32>
        %parallel_loop3A_498 = arith.constant 3 : i32
        %parallel_loop3A_499 = vector.broadcast %parallel_loop3A_498 : i32 to vector<16xi32>
        %parallel_loop3A_500 = arith.shrsi %parallel_loop3A_497, %parallel_loop3A_499 : vector<16xi32>
        %parallel_loop3A_501 = arith.constant 7 : i32
        %parallel_loop3A_502 = vector.broadcast %parallel_loop3A_501 : i32 to vector<16xi32>
        %parallel_loop3A_503 = arith.andi %parallel_loop3A_497, %parallel_loop3A_502 : vector<16xi32>
        %parallel_loop3A_504 = arith.constant 7 : i32
        %parallel_loop3A_505 = vector.broadcast %parallel_loop3A_504 : i32 to vector<16xi32>
        %parallel_loop3A_506 = arith.shli %parallel_loop3A_503, %parallel_loop3A_505 : vector<16xi32>
        %parallel_loop3A_507 = arith.constant 3 : i32
        %parallel_loop3A_508 = arith.constant 0 : i32
        %parallel_loop3A_509 = arith.constant 0 : i32
        %parallel_loop3A_510 = tpu.memref_slice %arg13[%parallel_loop3A_507, %parallel_loop3A_508, %parallel_loop3A_509] : memref<4x128x64xf32, #tpu.memory_space<vmem>> -> memref<1x128x64xf32, #tpu.memory_space<vmem>>
        %parallel_loop3A_511 = tpu.memref_squeeze %parallel_loop3A_510 : memref<1x128x64xf32, #tpu.memory_space<vmem>> -> memref<128x64xf32, #tpu.memory_space<vmem>>
        %parallel_loop3A_512 = tpu.vector_load_idx %parallel_loop3A_511[%add3A_5, %parallel_loop3A_497] : memref<128x64xf32, #tpu.memory_space<vmem>>[vector<16xi32>, vector<16xi32>], vector<16xf32>,
        %parallel_loop3A_513 = arith.addi %shift_left3A_402, %parallel_loop3A_497 : vector<16xi32>
        %parallel_loop3A_514 = tpu.vector_load_idx %arg12[%parallel_loop3A_513] : memref<512xf32, #tpu.memory_space<vmem>>[vector<16xi32>], vector<16xf32>,
        %parallel_loop3A_515 = arith.addi %parallel_loop3A_506, %add3A_5 : vector<16xi32>
        %parallel_loop3A_516 = arith.addf %parallel_loop3A_512, %parallel_loop3A_514 : vector<16xf32>
        %parallel_loop3A_517 = arith.constant 1 : i32
        %parallel_loop3A_518 = arith.constant 0 : i32
        %parallel_loop3A_519 = arith.constant 0 : i32
        %parallel_loop3A_520 = tpu.memref_slice %arg14[%parallel_loop3A_517, %parallel_loop3A_518, %parallel_loop3A_519] : memref<2x8x1024xf32, #tpu.memory_space<vmem>> -> memref<1x8x1024xf32, #tpu.memory_space<vmem>>
        %parallel_loop3A_521 = tpu.memref_squeeze %parallel_loop3A_520 : memref<1x8x1024xf32, #tpu.memory_space<vmem>> -> memref<8x1024xf32, #tpu.memory_space<vmem>>
        tpu.vector_store_idx %parallel_loop3A_521[%parallel_loop3A_500, %parallel_loop3A_515], %parallel_loop3A_516 : memref<8x1024xf32, #tpu.memory_space<vmem>>[vector<16xi32>, vector<16xi32>], vector<16xf32>,
        %parallel_loop3A_522 = arith.constant 3 : i32
        %parallel_loop3A_523 = arith.constant 0 : i32
        %parallel_loop3A_524 = arith.constant 0 : i32
        %parallel_loop3A_525 = tpu.memref_slice %arg13[%parallel_loop3A_522, %parallel_loop3A_523, %parallel_loop3A_524] : memref<4x128x64xf32, #tpu.memory_space<vmem>> -> memref<1x128x64xf32, #tpu.memory_space<vmem>>
        %parallel_loop3A_526 = tpu.memref_squeeze %parallel_loop3A_525 : memref<1x128x64xf32, #tpu.memory_space<vmem>> -> memref<128x64xf32, #tpu.memory_space<vmem>>
        %parallel_loop3A_527 = tpu.vector_load_idx %parallel_loop3A_526[%add3A_8, %parallel_loop3A_497] : memref<128x64xf32, #tpu.memory_space<vmem>>[vector<16xi32>, vector<16xi32>], vector<16xf32>,
        %parallel_loop3A_528 = arith.addi %shift_left3A_408, %parallel_loop3A_497 : vector<16xi32>
        %parallel_loop3A_529 = tpu.vector_load_idx %arg12[%parallel_loop3A_528] : memref<512xf32, #tpu.memory_space<vmem>>[vector<16xi32>], vector<16xf32>,
        %parallel_loop3A_530 = arith.addi %parallel_loop3A_506, %add3A_8 : vector<16xi32>
        %parallel_loop3A_531 = arith.addf %parallel_loop3A_527, %parallel_loop3A_529 : vector<16xf32>
        %parallel_loop3A_532 = arith.constant 1 : i32
        %parallel_loop3A_533 = arith.constant 0 : i32
        %parallel_loop3A_534 = arith.constant 0 : i32
        %parallel_loop3A_535 = tpu.memref_slice %arg14[%parallel_loop3A_532, %parallel_loop3A_533, %parallel_loop3A_534] : memref<2x8x1024xf32, #tpu.memory_space<vmem>> -> memref<1x8x1024xf32, #tpu.memory_space<vmem>>
        %parallel_loop3A_536 = tpu.memref_squeeze %parallel_loop3A_535 : memref<1x8x1024xf32, #tpu.memory_space<vmem>> -> memref<8x1024xf32, #tpu.memory_space<vmem>>
        tpu.vector_store_idx %parallel_loop3A_536[%parallel_loop3A_500, %parallel_loop3A_530], %parallel_loop3A_531 : memref<8x1024xf32, #tpu.memory_space<vmem>>[vector<16xi32>, vector<16xi32>], vector<16xf32>,
        %parallel_loop3A_537 = arith.constant 3 : i32
        %parallel_loop3A_538 = arith.constant 0 : i32
        %parallel_loop3A_539 = arith.constant 0 : i32
        %parallel_loop3A_540 = tpu.memref_slice %arg13[%parallel_loop3A_537, %parallel_loop3A_538, %parallel_loop3A_539] : memref<4x128x64xf32, #tpu.memory_space<vmem>> -> memref<1x128x64xf32, #tpu.memory_space<vmem>>
        %parallel_loop3A_541 = tpu.memref_squeeze %parallel_loop3A_540 : memref<1x128x64xf32, #tpu.memory_space<vmem>> -> memref<128x64xf32, #tpu.memory_space<vmem>>
        %parallel_loop3A_542 = tpu.vector_load_idx %parallel_loop3A_541[%add3A_11, %parallel_loop3A_497] : memref<128x64xf32, #tpu.memory_space<vmem>>[vector<16xi32>, vector<16xi32>], vector<16xf32>,
        %parallel_loop3A_543 = arith.addi %shift_left3A_414, %parallel_loop3A_497 : vector<16xi32>
        %parallel_loop3A_544 = tpu.vector_load_idx %arg12[%parallel_loop3A_543] : memref<512xf32, #tpu.memory_space<vmem>>[vector<16xi32>], vector<16xf32>,
        %parallel_loop3A_545 = arith.addi %parallel_loop3A_506, %add3A_11 : vector<16xi32>
        %parallel_loop3A_546 = arith.addf %parallel_loop3A_542, %parallel_loop3A_544 : vector<16xf32>
        %parallel_loop3A_547 = arith.constant 1 : i32
        %parallel_loop3A_548 = arith.constant 0 : i32
        %parallel_loop3A_549 = arith.constant 0 : i32
        %parallel_loop3A_550 = tpu.memref_slice %arg14[%parallel_loop3A_547, %parallel_loop3A_548, %parallel_loop3A_549] : memref<2x8x1024xf32, #tpu.memory_space<vmem>> -> memref<1x8x1024xf32, #tpu.memory_space<vmem>>
        %parallel_loop3A_551 = tpu.memref_squeeze %parallel_loop3A_550 : memref<1x8x1024xf32, #tpu.memory_space<vmem>> -> memref<8x1024xf32, #tpu.memory_space<vmem>>
        tpu.vector_store_idx %parallel_loop3A_551[%parallel_loop3A_500, %parallel_loop3A_545], %parallel_loop3A_546 : memref<8x1024xf32, #tpu.memory_space<vmem>>[vector<16xi32>, vector<16xi32>], vector<16xf32>,
        %parallel_loop3A_552 = arith.constant 3 : i32
        %parallel_loop3A_553 = arith.constant 0 : i32
        %parallel_loop3A_554 = arith.constant 0 : i32
        %parallel_loop3A_555 = tpu.memref_slice %arg13[%parallel_loop3A_552, %parallel_loop3A_553, %parallel_loop3A_554] : memref<4x128x64xf32, #tpu.memory_space<vmem>> -> memref<1x128x64xf32, #tpu.memory_space<vmem>>
        %parallel_loop3A_556 = tpu.memref_squeeze %parallel_loop3A_555 : memref<1x128x64xf32, #tpu.memory_space<vmem>> -> memref<128x64xf32, #tpu.memory_space<vmem>>
        %parallel_loop3A_557 = tpu.vector_load_idx %parallel_loop3A_556[%add3A_14, %parallel_loop3A_497] : memref<128x64xf32, #tpu.memory_space<vmem>>[vector<16xi32>, vector<16xi32>], vector<16xf32>,
        %parallel_loop3A_558 = arith.addi %shift_left3A_420, %parallel_loop3A_497 : vector<16xi32>
        %parallel_loop3A_559 = tpu.vector_load_idx %arg12[%parallel_loop3A_558] : memref<512xf32, #tpu.memory_space<vmem>>[vector<16xi32>], vector<16xf32>,
        %parallel_loop3A_560 = arith.addi %parallel_loop3A_506, %add3A_14 : vector<16xi32>
        %parallel_loop3A_561 = arith.addf %parallel_loop3A_557, %parallel_loop3A_559 : vector<16xf32>
        %parallel_loop3A_562 = arith.constant 1 : i32
        %parallel_loop3A_563 = arith.constant 0 : i32
        %parallel_loop3A_564 = arith.constant 0 : i32
        %parallel_loop3A_565 = tpu.memref_slice %arg14[%parallel_loop3A_562, %parallel_loop3A_563, %parallel_loop3A_564] : memref<2x8x1024xf32, #tpu.memory_space<vmem>> -> memref<1x8x1024xf32, #tpu.memory_space<vmem>>
        %parallel_loop3A_566 = tpu.memref_squeeze %parallel_loop3A_565 : memref<1x8x1024xf32, #tpu.memory_space<vmem>> -> memref<8x1024xf32, #tpu.memory_space<vmem>>
        tpu.vector_store_idx %parallel_loop3A_566[%parallel_loop3A_500, %parallel_loop3A_560], %parallel_loop3A_561 : memref<8x1024xf32, #tpu.memory_space<vmem>>[vector<16xi32>, vector<16xi32>], vector<16xf32>,
        %parallel_loop3A_567 = arith.constant 3 : i32
        %parallel_loop3A_568 = arith.constant 0 : i32
        %parallel_loop3A_569 = arith.constant 0 : i32
        %parallel_loop3A_570 = tpu.memref_slice %arg13[%parallel_loop3A_567, %parallel_loop3A_568, %parallel_loop3A_569] : memref<4x128x64xf32, #tpu.memory_space<vmem>> -> memref<1x128x64xf32, #tpu.memory_space<vmem>>
        %parallel_loop3A_571 = tpu.memref_squeeze %parallel_loop3A_570 : memref<1x128x64xf32, #tpu.memory_space<vmem>> -> memref<128x64xf32, #tpu.memory_space<vmem>>
        %parallel_loop3A_572 = tpu.vector_load_idx %parallel_loop3A_571[%add3A_17, %parallel_loop3A_497] : memref<128x64xf32, #tpu.memory_space<vmem>>[vector<16xi32>, vector<16xi32>], vector<16xf32>,
        %parallel_loop3A_573 = arith.addi %shift_left3A_426, %parallel_loop3A_497 : vector<16xi32>
        %parallel_loop3A_574 = tpu.vector_load_idx %arg12[%parallel_loop3A_573] : memref<512xf32, #tpu.memory_space<vmem>>[vector<16xi32>], vector<16xf32>,
        %parallel_loop3A_575 = arith.addi %parallel_loop3A_506, %add3A_17 : vector<16xi32>
        %parallel_loop3A_576 = arith.addf %parallel_loop3A_572, %parallel_loop3A_574 : vector<16xf32>
        %parallel_loop3A_577 = arith.constant 1 : i32
        %parallel_loop3A_578 = arith.constant 0 : i32
        %parallel_loop3A_579 = arith.constant 0 : i32
        %parallel_loop3A_580 = tpu.memref_slice %arg14[%parallel_loop3A_577, %parallel_loop3A_578, %parallel_loop3A_579] : memref<2x8x1024xf32, #tpu.memory_space<vmem>> -> memref<1x8x1024xf32, #tpu.memory_space<vmem>>
        %parallel_loop3A_581 = tpu.memref_squeeze %parallel_loop3A_580 : memref<1x8x1024xf32, #tpu.memory_space<vmem>> -> memref<8x1024xf32, #tpu.memory_space<vmem>>
        tpu.vector_store_idx %parallel_loop3A_581[%parallel_loop3A_500, %parallel_loop3A_575], %parallel_loop3A_576 : memref<8x1024xf32, #tpu.memory_space<vmem>>[vector<16xi32>, vector<16xi32>], vector<16xf32>,
        %parallel_loop3A_582 = arith.constant 3 : i32
        %parallel_loop3A_583 = arith.constant 0 : i32
        %parallel_loop3A_584 = arith.constant 0 : i32
        %parallel_loop3A_585 = tpu.memref_slice %arg13[%parallel_loop3A_582, %parallel_loop3A_583, %parallel_loop3A_584] : memref<4x128x64xf32, #tpu.memory_space<vmem>> -> memref<1x128x64xf32, #tpu.memory_space<vmem>>
        %parallel_loop3A_586 = tpu.memref_squeeze %parallel_loop3A_585 : memref<1x128x64xf32, #tpu.memory_space<vmem>> -> memref<128x64xf32, #tpu.memory_space<vmem>>
        %parallel_loop3A_587 = tpu.vector_load_idx %parallel_loop3A_586[%add3A_20, %parallel_loop3A_497] : memref<128x64xf32, #tpu.memory_space<vmem>>[vector<16xi32>, vector<16xi32>], vector<16xf32>,
        %parallel_loop3A_588 = arith.addi %shift_left3A_432, %parallel_loop3A_497 : vector<16xi32>
        %parallel_loop3A_589 = tpu.vector_load_idx %arg12[%parallel_loop3A_588] : memref<512xf32, #tpu.memory_space<vmem>>[vector<16xi32>], vector<16xf32>,
        %parallel_loop3A_590 = arith.addi %parallel_loop3A_506, %add3A_20 : vector<16xi32>
        %parallel_loop3A_591 = arith.addf %parallel_loop3A_587, %parallel_loop3A_589 : vector<16xf32>
        %parallel_loop3A_592 = arith.constant 1 : i32
        %parallel_loop3A_593 = arith.constant 0 : i32
        %parallel_loop3A_594 = arith.constant 0 : i32
        %parallel_loop3A_595 = tpu.memref_slice %arg14[%parallel_loop3A_592, %parallel_loop3A_593, %parallel_loop3A_594] : memref<2x8x1024xf32, #tpu.memory_space<vmem>> -> memref<1x8x1024xf32, #tpu.memory_space<vmem>>
        %parallel_loop3A_596 = tpu.memref_squeeze %parallel_loop3A_595 : memref<1x8x1024xf32, #tpu.memory_space<vmem>> -> memref<8x1024xf32, #tpu.memory_space<vmem>>
        tpu.vector_store_idx %parallel_loop3A_596[%parallel_loop3A_500, %parallel_loop3A_590], %parallel_loop3A_591 : memref<8x1024xf32, #tpu.memory_space<vmem>>[vector<16xi32>, vector<16xi32>], vector<16xf32>,
        %parallel_loop3A_597 = arith.constant 3 : i32
        %parallel_loop3A_598 = arith.constant 0 : i32
        %parallel_loop3A_599 = arith.constant 0 : i32
        %parallel_loop3A_600 = tpu.memref_slice %arg13[%parallel_loop3A_597, %parallel_loop3A_598, %parallel_loop3A_599] : memref<4x128x64xf32, #tpu.memory_space<vmem>> -> memref<1x128x64xf32, #tpu.memory_space<vmem>>
        %parallel_loop3A_601 = tpu.memref_squeeze %parallel_loop3A_600 : memref<1x128x64xf32, #tpu.memory_space<vmem>> -> memref<128x64xf32, #tpu.memory_space<vmem>>
        %parallel_loop3A_602 = tpu.vector_load_idx %parallel_loop3A_601[%add3A_23, %parallel_loop3A_497] : memref<128x64xf32, #tpu.memory_space<vmem>>[vector<16xi32>, vector<16xi32>], vector<16xf32>,
        %parallel_loop3A_603 = arith.addi %shift_left3A_438, %parallel_loop3A_497 : vector<16xi32>
        %parallel_loop3A_604 = tpu.vector_load_idx %arg12[%parallel_loop3A_603] : memref<512xf32, #tpu.memory_space<vmem>>[vector<16xi32>], vector<16xf32>,
        %parallel_loop3A_605 = arith.addi %parallel_loop3A_506, %add3A_23 : vector<16xi32>
        %parallel_loop3A_606 = arith.addf %parallel_loop3A_602, %parallel_loop3A_604 : vector<16xf32>
        %parallel_loop3A_607 = arith.constant 1 : i32
        %parallel_loop3A_608 = arith.constant 0 : i32
        %parallel_loop3A_609 = arith.constant 0 : i32
        %parallel_loop3A_610 = tpu.memref_slice %arg14[%parallel_loop3A_607, %parallel_loop3A_608, %parallel_loop3A_609] : memref<2x8x1024xf32, #tpu.memory_space<vmem>> -> memref<1x8x1024xf32, #tpu.memory_space<vmem>>
        %parallel_loop3A_611 = tpu.memref_squeeze %parallel_loop3A_610 : memref<1x8x1024xf32, #tpu.memory_space<vmem>> -> memref<8x1024xf32, #tpu.memory_space<vmem>>
        tpu.vector_store_idx %parallel_loop3A_611[%parallel_loop3A_500, %parallel_loop3A_605], %parallel_loop3A_606 : memref<8x1024xf32, #tpu.memory_space<vmem>>[vector<16xi32>, vector<16xi32>], vector<16xf32>,
        %parallel_loop3A_612 = arith.constant 3 : i32
        %parallel_loop3A_613 = arith.constant 0 : i32
        %parallel_loop3A_614 = arith.constant 0 : i32
        %parallel_loop3A_615 = tpu.memref_slice %arg13[%parallel_loop3A_612, %parallel_loop3A_613, %parallel_loop3A_614] : memref<4x128x64xf32, #tpu.memory_space<vmem>> -> memref<1x128x64xf32, #tpu.memory_space<vmem>>
        %parallel_loop3A_616 = tpu.memref_squeeze %parallel_loop3A_615 : memref<1x128x64xf32, #tpu.memory_space<vmem>> -> memref<128x64xf32, #tpu.memory_space<vmem>>
        %parallel_loop3A_617 = tpu.vector_load_idx %parallel_loop3A_616[%add3A_26, %parallel_loop3A_497] : memref<128x64xf32, #tpu.memory_space<vmem>>[vector<16xi32>, vector<16xi32>], vector<16xf32>,
        %parallel_loop3A_618 = arith.addi %shift_left3A_444, %parallel_loop3A_497 : vector<16xi32>
        %parallel_loop3A_619 = tpu.vector_load_idx %arg12[%parallel_loop3A_618] : memref<512xf32, #tpu.memory_space<vmem>>[vector<16xi32>], vector<16xf32>,
        %parallel_loop3A_620 = arith.addi %parallel_loop3A_506, %add3A_26 : vector<16xi32>
        %parallel_loop3A_621 = arith.addf %parallel_loop3A_617, %parallel_loop3A_619 : vector<16xf32>
        %parallel_loop3A_622 = arith.constant 1 : i32
        %parallel_loop3A_623 = arith.constant 0 : i32
        %parallel_loop3A_624 = arith.constant 0 : i32
        %parallel_loop3A_625 = tpu.memref_slice %arg14[%parallel_loop3A_622, %parallel_loop3A_623, %parallel_loop3A_624] : memref<2x8x1024xf32, #tpu.memory_space<vmem>> -> memref<1x8x1024xf32, #tpu.memory_space<vmem>>
        %parallel_loop3A_626 = tpu.memref_squeeze %parallel_loop3A_625 : memref<1x8x1024xf32, #tpu.memory_space<vmem>> -> memref<8x1024xf32, #tpu.memory_space<vmem>>
        tpu.vector_store_idx %parallel_loop3A_626[%parallel_loop3A_500, %parallel_loop3A_620], %parallel_loop3A_621 : memref<8x1024xf32, #tpu.memory_space<vmem>>[vector<16xi32>, vector<16xi32>], vector<16xf32>,
      } {sc.loop_unroll_factor = 4 : i64, sc.parallel_access}
      %dma_start3A_471 = arith.constant 1 : i32
      %dma_start3A_472 = arith.constant 0 : i32
      %dma_start3A_473 = arith.constant 0 : i32
      %dma_start3A_474 = tpu.memref_slice %arg14[%dma_start3A_471, %dma_start3A_472, %dma_start3A_473] : memref<2x8x1024xf32, #tpu.memory_space<vmem>> -> memref<1x8x1024xf32, #tpu.memory_space<vmem>>
      %dma_start3A_475 = tpu.memref_squeeze %dma_start3A_474 : memref<1x8x1024xf32, #tpu.memory_space<vmem>> -> memref<8x1024xf32, #tpu.memory_space<vmem>>
      %dma_start3A_476 = arith.constant 0 : i32
      %dma_start3A_477 = arith.constant 0 : i32
      %dma_start3A_478 = tpu.memref_slice %arg7[%add3A_393, %dma_start3A_476, %add3A, %dma_start3A_477] : memref<200x8x32x1024xf32, #tpu.memory_space<hbm>> -> memref<1x8x1x1024xf32, #tpu.memory_space<hbm>>
      %dma_start3A_479 = tpu.memref_squeeze %dma_start3A_478 : memref<1x8x1x1024xf32, #tpu.memory_space<hbm>> -> memref<8x1024xf32, #tpu.memory_space<hbm>>
      %dma_start3A_480 = arith.constant 0 : i32
      %dma_start3A_481 = arith.constant 0 : i32
      %dma_start3A_482 = tpu.memref_slice %arg7[%add3A_393, %dma_start3A_480, %add3A, %dma_start3A_481] : memref<200x8x32x1024xf32, #tpu.memory_space<hbm>> -> memref<1x8x1x1024xf32, #tpu.memory_space<hbm>>
      %dma_start3A_483 = tpu.memref_squeeze %dma_start3A_482 : memref<1x8x1x1024xf32, #tpu.memory_space<hbm>> -> memref<8x1024xf32, #tpu.memory_space<hbm>>
      %dma_start3A_484 = arith.constant 0 : i32
      %dma_start3A_485 = arith.constant 0 : i32
      %dma_start3A_486 = tpu.memref_slice %arg14[%dma_start3A_471, %dma_start3A_484, %dma_start3A_485] : memref<2x8x1024xf32, #tpu.memory_space<vmem>> -> memref<1x8x1024xf32, #tpu.memory_space<vmem>>
      %dma_start3A_487 = tpu.memref_squeeze %dma_start3A_486 : memref<1x8x1024xf32, #tpu.memory_space<vmem>> -> memref<8x1024xf32, #tpu.memory_space<vmem>>
      tpu.enqueue_dma source(%dma_start3A_487 : memref<8x1024xf32, #tpu.memory_space<vmem>>) target(%dma_start3A_483 : memref<8x1024xf32, #tpu.memory_space<hbm>>) target_semaphore(%arg16 : memref<!tpu.dma_semaphore, #tpu.memory_space<semaphore_mem>>)
    }
    %scan3A_66 = arith.constant 50 : i32
    %dma_wait3A = arith.constant 0 : i32
    %dma_wait3A_67 = arith.constant 198 : i32
    %dma_wait3A_68 = arith.constant 0 : i32
    %dma_wait3A_69 = arith.constant 0 : i32
    %dma_wait3A_70 = tpu.memref_slice %arg14[%dma_wait3A, %dma_wait3A_68, %dma_wait3A_69] : memref<2x8x1024xf32, #tpu.memory_space<vmem>> -> memref<1x8x1024xf32, #tpu.memory_space<vmem>>
    %dma_wait3A_71 = tpu.memref_squeeze %dma_wait3A_70 : memref<1x8x1024xf32, #tpu.memory_space<vmem>> -> memref<8x1024xf32, #tpu.memory_space<vmem>>
    %dma_wait3A_72 = arith.constant 0 : i32
    %dma_wait3A_73 = arith.constant 0 : i32
    %dma_wait3A_74 = tpu.memref_slice %arg7[%dma_wait3A_67, %dma_wait3A_72, %add3A, %dma_wait3A_73] : memref<200x8x32x1024xf32, #tpu.memory_space<hbm>> -> memref<1x8x1x1024xf32, #tpu.memory_space<hbm>>
    %dma_wait3A_75 = tpu.memref_squeeze %dma_wait3A_74 : memref<1x8x1x1024xf32, #tpu.memory_space<hbm>> -> memref<8x1024xf32, #tpu.memory_space<hbm>>
    %dma_wait3A_76 = arith.constant 0 : i32
    %dma_wait3A_77 = arith.constant 0 : i32
    %dma_wait3A_78 = tpu.memref_slice %arg7[%dma_wait3A_67, %dma_wait3A_76, %add3A, %dma_wait3A_77] : memref<200x8x32x1024xf32, #tpu.memory_space<hbm>> -> memref<1x8x1x1024xf32, #tpu.memory_space<hbm>>
    %dma_wait3A_79 = tpu.memref_squeeze %dma_wait3A_78 : memref<1x8x1x1024xf32, #tpu.memory_space<hbm>> -> memref<8x1024xf32, #tpu.memory_space<hbm>>
    %dma_wait3A_80 = arith.constant 0 : i32
    %dma_wait3A_81 = arith.constant 0 : i32
    %dma_wait3A_82 = tpu.memref_slice %arg14[%dma_wait3A, %dma_wait3A_80, %dma_wait3A_81] : memref<2x8x1024xf32, #tpu.memory_space<vmem>> -> memref<1x8x1024xf32, #tpu.memory_space<vmem>>
    %dma_wait3A_83 = tpu.memref_squeeze %dma_wait3A_82 : memref<1x8x1024xf32, #tpu.memory_space<vmem>> -> memref<8x1024xf32, #tpu.memory_space<vmem>>
    tpu.wait_dma2 semaphore(%arg16 : memref<!tpu.dma_semaphore, #tpu.memory_space<semaphore_mem>>) src(%dma_wait3A_83 : memref<8x1024xf32, #tpu.memory_space<vmem>>) dst(%dma_wait3A_79 : memref<8x1024xf32, #tpu.memory_space<hbm>>)
    %dma_wait3A_84 = arith.constant 1 : i32
    %dma_wait3A_85 = arith.constant 199 : i32
    %dma_wait3A_86 = arith.constant 0 : i32
    %dma_wait3A_87 = arith.constant 0 : i32
    %dma_wait3A_88 = tpu.memref_slice %arg14[%dma_wait3A_84, %dma_wait3A_86, %dma_wait3A_87] : memref<2x8x1024xf32, #tpu.memory_space<vmem>> -> memref<1x8x1024xf32, #tpu.memory_space<vmem>>
    %dma_wait3A_89 = tpu.memref_squeeze %dma_wait3A_88 : memref<1x8x1024xf32, #tpu.memory_space<vmem>> -> memref<8x1024xf32, #tpu.memory_space<vmem>>
    %dma_wait3A_90 = arith.constant 0 : i32
    %dma_wait3A_91 = arith.constant 0 : i32
    %dma_wait3A_92 = tpu.memref_slice %arg7[%dma_wait3A_85, %dma_wait3A_90, %add3A, %dma_wait3A_91] : memref<200x8x32x1024xf32, #tpu.memory_space<hbm>> -> memref<1x8x1x1024xf32, #tpu.memory_space<hbm>>
    %dma_wait3A_93 = tpu.memref_squeeze %dma_wait3A_92 : memref<1x8x1x1024xf32, #tpu.memory_space<hbm>> -> memref<8x1024xf32, #tpu.memory_space<hbm>>
    %dma_wait3A_94 = arith.constant 0 : i32
    %dma_wait3A_95 = arith.constant 0 : i32
    %dma_wait3A_96 = tpu.memref_slice %arg7[%dma_wait3A_85, %dma_wait3A_94, %add3A, %dma_wait3A_95] : memref<200x8x32x1024xf32, #tpu.memory_space<hbm>> -> memref<1x8x1x1024xf32, #tpu.memory_space<hbm>>
    %dma_wait3A_97 = tpu.memref_squeeze %dma_wait3A_96 : memref<1x8x1x1024xf32, #tpu.memory_space<hbm>> -> memref<8x1024xf32, #tpu.memory_space<hbm>>
    %dma_wait3A_98 = arith.constant 0 : i32
    %dma_wait3A_99 = arith.constant 0 : i32
    %dma_wait3A_100 = tpu.memref_slice %arg14[%dma_wait3A_84, %dma_wait3A_98, %dma_wait3A_99] : memref<2x8x1024xf32, #tpu.memory_space<vmem>> -> memref<1x8x1024xf32, #tpu.memory_space<vmem>>
    %dma_wait3A_101 = tpu.memref_squeeze %dma_wait3A_100 : memref<1x8x1024xf32, #tpu.memory_space<vmem>> -> memref<8x1024xf32, #tpu.memory_space<vmem>>
    tpu.wait_dma2 semaphore(%arg16 : memref<!tpu.dma_semaphore, #tpu.memory_space<semaphore_mem>>) src(%dma_wait3A_101 : memref<8x1024xf32, #tpu.memory_space<vmem>>) dst(%dma_wait3A_97 : memref<8x1024xf32, #tpu.memory_space<hbm>>)
    return
  }
}

</mosaic_0001>

<sc_bundles>
// kernel: kernel.3.cloned.1.call-start
scs
__scs_entry_jumppad:
0x0: {  	(pc) =	sbr.rel $0x88, $3  }
0x1: {  	(tag) =	ssettag $0x0;
	lr =	simm.s32 $0x1  }
0x2: {  	[smem:$0x3F9C] =	sst lr;
	_ =	strace $0xD0000000  }
0x3: {  	_ = 	snop  }
0x4: {  	_ = 	snop  }
0x5: {  	_ = 	snop  }
0x6: {  	_ = 	snop  }
0x7: {  	_ = 	snop  }
__scs_overlays_trampoline_lowered:
0x8: {  	[smem:$0x3FAB] =	sst s0  }
0x9: {  	[smem:$0x3FAC] =	sst s1  }
0xa: {  	[smem:$0x3FAD] =	sst s2  }
0xb: {  	[smem:$0x3FAE] =	sst s3  }
0xc: {  	[smem:$0x3FAF] =	sst s4  }
0xd: {  	[smem:$0x3FB0] =	sst s5  }
0xe: {  	[smem:$0x3FB1] =	sst s6  }
0xf: {  	[smem:$0x3FB2] =	sst s7  }
0x10: {  	[smem:$0x3FB3] =	sst s8  }
0x11: {  	[smem:$0x3FB4] =	sst s9;
	s0 =	simm.s32 @!p0 $0x0  }
0x12: {  	s1 =	sld [smem:$0x3F9A];
	s0 =	simm.s32 @p0 $0x1  }
0x13: {  	[smem:$0x3FB5] =	sst s0;
	s0 =	simm.s32 @!p1 $0x0  }
0x14: {  	s2 =	sld [smem:$0x3F99];
	s0 =	simm.s32 @p1 $0x1  }
0x15: {  	[smem:$0x3FB6] =	sst s0;
	s0 =	simm.s32 @!p2 $0x0  }
0x16: {  	s3 =	sld [smem:$0x3FDB];
	s0 =	simm.s32 @p2 $0x1  }
0x17: {  	s4 =	simm.s32 $0x1BF5;
	[smem:$0x3FB8] =	sst s0  }
0x18: {  	s0 =	sld [smem:$0x3F9B];
	_ =	swait.ge [sflag:s4], $0x0  }
0x19: {  	s7 =	sld [smem:$0x3F9C]  }
0x1a: {  	s8 =	sadd.s32 $0xFFFFE003, lr  }
0x1b: {  	s9 =	sadd.s32 $0xFFFFFEF7, lr;
	s5 =	simm.s32 $0xFFFFFFFF;
	p2 =	slt.u32 s8, $0xFFFFF086  }
0x1c: {  	p1 =	slt.u32 s9, $0xF7A;
	s5 =	simm.s32 @!p2 $0x0  }
0x1d: {  	s5 =	simm.s32 @p1 $0x1;
	p0 =	seq.s32 s7, s2  }
0x1e: {  	s7 =	smul.u32 @!p0 $0xF7A, s2;
	p2 =	seq.s32 @!p0 s5, $0x0  }
0x1f: {  	s9 =	smul.u32 $0xF7A, s1;
	s8 =	simm.s32 @!p0 $0x1BF5;
	p2 =	por !p2, p0  }
0x20: {  	[sflag:s8] =	ssyncset.s32 @!p0 $0xFFFFF086;
	s6 =	sadd.s32 @!p0 s3, s7;
	s7 =	simm.s32 @!p0 $0x108  }
0x21: {  	s3 =	sadd.s32 s3, s9;
	s6 =	sadd.s32 @!p0 $0x88, s6;
	s7 =	simm.s32 @p2 $0x1082  }
0x22: {  	[simem:s7], [sflag:s8] =	dma.local @!p0 [hbm:s6], $0xF7A  }
0x23: {  	s9 =	sor.u32 $0xD0000000, s2;
	s6 =	simm.s32 $0x108;
	_ =	swait.ge @!p0 [sflag:s8], $0x0  }
0x24: {  	s3 =	sadd.s32 $0x88, s3;
	s6 =	simm.s32 @!p1 $0x1082;
	[sflag:s4] =	ssyncset.s32 $0xFFFFF086  }
0x25: {  	[simem:s6], [sflag:s4] =	dma.local [hbm:s3], $0xF7A  }
0x26: {  	[smem:$0x3F9C] =	sst s1;
	(tag) =	ssettag s2;
	_ =	strace s9  }
0x27: {  	s1 =	sld [smem:$0x3FAC]  }
0x28: {  	s2 =	sld [smem:$0x3FAD]  }
0x29: {  	s4 =	sld [smem:$0x3FAF]  }
0x2a: {  	p0 =	seq.s32 s5, $0x0;
	s5 =	sld [smem:$0x3FB0]  }
0x2b: {  	s6 =	sld [smem:$0x3FB1]  }
0x2c: {  	s7 =	sld [smem:$0x3FB2]  }
0x2d: {  	s3 =	simm.s32 $0x108;
	s8 =	sld [smem:$0x3FB3]  }
0x2e: {  	s3 =	simm.s32 @!p0 $0x1082;
	s9 =	sld [smem:$0x3FB4]  }
0x2f: {  	lr =	sadd.s32 s0, s3;
	s0 =	sld [smem:$0x3FAB]  }
0x30: {  	s3 =	sld [smem:$0x3FAE]  }
0x31: {  	[smem:$0x3FB7] =	sst s10  }
0x32: {  	s10 =	sld [smem:$0x3FB5];
	_ =	sdelay $0x3  }
0x33: {  	p0 =	seq.s32 s10, $0x1;
	s10 =	sld [smem:$0x3FB7];
	_ =	sdelay $0x3  }
0x34: {  	[smem:$0x3FB7] =	sst s10  }
0x35: {  	s10 =	sld [smem:$0x3FB6];
	_ =	sdelay $0x3  }
0x36: {  	p1 =	seq.s32 s10, $0x1;
	s10 =	sld [smem:$0x3FB7];
	_ =	sdelay $0x3  }
0x37: {  	[smem:$0x3FB7] =	sst s10  }
0x38: {  	s10 =	sld [smem:$0x3FB8]  }
0x39: {  	_ = 	snop;
	(pc) =	sbr.ind lr, $3  }
0x3a: {  	_ = 	snop  }
0x3b: {  	_ = 	snop  }
0x3c: {  	p2 =	seq.s32 s10, $0x1;
	s10 =	sld [smem:$0x3FB7]  }
0x3d: {  	_ =	shalt  }
0x3e: {  	_ =	shalt  }
0x3f: {  	_ =	shalt  }
0x40: {  	_ =	shalt  }
0x41: {  	_ =	shalt  }
0x42: {  	_ =	shalt  }
0x43: {  	_ =	shalt  }
0x44: {  	_ =	shalt  }
0x45: {  	_ =	shalt  }
0x46: {  	_ =	shalt  }
0x47: {  	_ =	shalt  }
0x48: {  	_ =	shalt  }
0x49: {  	_ =	shalt  }
0x4a: {  	_ =	shalt  }
0x4b: {  	_ =	shalt  }
0x4c: {  	_ =	shalt  }
0x4d: {  	_ =	shalt  }
0x4e: {  	_ =	shalt  }
0x4f: {  	_ =	shalt  }
0x50: {  	_ =	shalt  }
0x51: {  	_ =	shalt  }
0x52: {  	_ =	shalt  }
0x53: {  	_ =	shalt  }
0x54: {  	_ =	shalt  }
0x55: {  	_ =	shalt  }
0x56: {  	_ =	shalt  }
0x57: {  	_ =	shalt  }
0x58: {  	_ =	shalt  }
0x59: {  	_ =	shalt  }
0x5a: {  	_ =	shalt  }
0x5b: {  	_ =	shalt  }
0x5c: {  	_ =	shalt  }
0x5d: {  	_ =	shalt  }
0x5e: {  	_ =	shalt  }
0x5f: {  	_ =	shalt  }
0x60: {  	_ =	shalt  }
0x61: {  	_ =	shalt  }
0x62: {  	_ =	shalt  }
0x63: {  	_ =	shalt  }
0x64: {  	_ =	shalt  }
0x65: {  	_ =	shalt  }
0x66: {  	_ =	shalt  }
0x67: {  	_ =	shalt  }
0x68: {  	_ =	shalt  }
0x69: {  	_ =	shalt  }
0x6a: {  	_ =	shalt  }
0x6b: {  	_ =	shalt  }
0x6c: {  	_ =	shalt  }
0x6d: {  	_ =	shalt  }
0x6e: {  	_ =	shalt  }
0x6f: {  	_ =	shalt  }
0x70: {  	_ =	shalt  }
0x71: {  	_ =	shalt  }
0x72: {  	_ =	shalt  }
0x73: {  	_ =	shalt  }
0x74: {  	_ =	shalt  }
0x75: {  	_ =	shalt  }
0x76: {  	_ =	shalt  }
0x77: {  	_ =	shalt  }
0x78: {  	_ =	shalt  }
0x79: {  	_ =	shalt  }
0x7a: {  	_ =	shalt  }
0x7b: {  	_ =	shalt  }
0x7c: {  	_ =	shalt  }
0x7d: {  	_ =	shalt  }
0x7e: {  	_ =	shalt  }
0x7f: {  	_ =	shalt  }
0x80: {  	_ =	shalt  }
0x81: {  	_ =	shalt  }
0x82: {  	_ =	shalt  }
0x83: {  	_ =	shalt  }
0x84: {  	_ =	shalt  }
0x85: {  	_ =	shalt  }
0x86: {  	_ =	shalt  }
0x87: {  	_ =	shalt  }
.Lfunc_end0:
.L_simem_size_0:
called_computation_lowered:
.L_overlay_start_0:
0x88: {  	s2 =	sld [smem:$0x3FD9]  }
0x89: {  	s3 =	sld [smem:$0x3FFE];
	_ =	sdelay $0x1  }
0x8a: {  	s1 =	srdreg.scid  }
0x8b: {  	s0 =	sand.u32 $0x1, s1  }
0x8c: {  	s17 =	sshll.u32 s0, $0xA;
	s2 =	sadd.s32 s3, s2  }
0x8d: {  	s2 =	sadd.s32 s2, s17  }
0x8e: {  	[smem:$0x3FC3] =	sst s2  }
0x8f: {  	_ = 	snop  }
0x90: {  	s2 =	sld [smem:$0x3FD0];
	(tm) =	ssettm $0x1  }
0x91: {  	s18 =	sld [smem:$0x3FFB];
	_ =	sdelay $0x3  }
0x92: {  	_ =	strace s18  }
0x93: {  	s3 =	sld [smem:$0x3FFC];
	_ =	sdelay $0x3  }
0x94: {  	_ =	strace s3  }
0x95: {  	s3 =	sld [smem:$0x3FFD];
	_ =	sdelay $0x3  }
0x96: {  	_ =	strace s3  }
0x97: {  	_ =	strace $0x8FFFFFFF  }
0x98: {  	s19 =	sld [smem:$0x3FDB];
	_ =	sdelay $0x1  }
0x99: {  	s4 =	simm.s32 $_scs_section_size  }
0x9a: {  	s5 =	simm.s32 $_size__tile_overlayer_lowered;
	s6 =	simm.s32 $_tile_overlayer_lowered  }
0x9b: {  	s22 =	simm.s32 $0x1BFF;
	s21 =	sshll.u32 s6, $0x1;
	s3 =	sadd.s32 s4, s19  }
0x9c: {  	s7 =	simm.s32 $0x0;
	s20 =	sshll.u32 s5, $0x1;
	s5 =	sadd.s32 s21, s3  }
0x9d: {  	[timem:s7], [sflag:s22] =	dma.local [hbm:s5], s20  }
0x9e: {  	_ =	swait.ge [sflag:s22], s20  }
0x9f: {  	s4 =	ssub.s32 $0x0, s20;
	[sflag:s22] =	ssyncset.done $0x0  }
0xa0: {  	[sflag:s22] =	ssyncadd.s32 s4;
	_ =	sdelay $0x1  }
0xa1: {  	s23 =	simm.s32 $0x1B8B  }
0xa2: {  	_ =	swait.ge [sflag:s23], $0x1  }
0xa3: {  	[sflag:s23] =	ssyncset.done $0x0  }
0xa4: {  	s25 =	simm.s32 $0x1B8E;
	s24 =	sld [smem:$0x3FFE];
	[sflag:s23] =	ssyncadd.s32 $0xFFFFFFFF  }
0xa5: {  	s26 =	simm.s32 $execute0_lowered;
	[smem:$0x3FD2] =	sst s25  }
0xa6: {  	s5 =	sshll.u32 s26, $0x1;
	_ =	strace $0x80000046;
	[dreg:$0x1] =	wrdreg $0xFFFFFFFF  }
0xa7: {  	s28 =	simm.s32 $_size_execute0_lowered;
	s3 =	sadd.s32 s3, s5;
	[dreg:$0x0] =	wrdreg $0x0  }
0xa8: {  	s5 =	sshll.u32 s28, $0x1;
	[dreg:$0x2] =	wrdreg s3  }
0xa9: {  	[dreg:$0x3] =	wrdreg s5  }
0xaa: {  	[dreg:$0x4] =	wrdreg $0xC0  }
0xab: {  	_ =	task [dreg:s7], $0x5FFFF  }
0xac: {  	[dreg:$0x1] =	wrdreg $0xFFFFFFFF  }
0xad: {  	[dreg:$0x0] =	wrdreg $0x60  }
0xae: {  	[dreg:$0x2] =	wrdreg s24  }
0xaf: {  	[dreg:$0x3] =	wrdreg s2  }
0xb0: {  	[dreg:$0x4] =	wrdreg $0x9  }
0xb1: {  	_ =	task.clear_ibuf [dreg:s7], $0x5FFFF;
	_ =	strace $0x90000046  }
0xb2: {  	s29 =	simm.s32 $0x9;
	_ =	strace $0x80000048  }
0xb3: {  	_ =	swait.ge [sflag:s29], $0x1  }
0xb4: {  	[sflag:s29] =	ssyncadd.s32 $0xFFFFFFFF  }
0xb5: {  	_ =	strace $0x90000048  }
0xb6: {  	_ =	sfence  }
0xb7: {  	s30 =	sld [smem:$0x0];
	_ =	sdelay $0x2  }
0xb8: {  	s31 =	sshll.u32 s1, $0xD;
	s1 =	sshrl.u32 s1, $0x2  }
0xb9: {  	s3 =	sand.u32 $0x4000, s31;
	s1 =	sadd.s32 s1, s30  }
0xba: {  	s0 =	sor.u32 s3, s0;
	s1 =	sshll.u32 s1, $0x11  }
0xbb: {  	s0 =	sor.u32 s1, s0  }
0xbc: {  	s0 =	sadd.s32 $0x8F2B, s0  }
0xbd: {  	[sflag:s0] =	ssyncadd.remote.s32 $0x1  }
0xbe: {  	_ =	sfence.sel $0xFFFF  }
0xbf: {  	[dreg:$0x0] =	wrdreg $0xFFFFFFFF;
	(pc) =	sbr.abs _section_cstart, $3  }
0xc0: {  	[dreg:$0x1] =	wrdreg $0xFFFFFFFF  }
0xc1: {  	_ =	task.clear_ibuf [dreg:s7], $0x2FFFF;
	_ =	strace $0x9FFFFFFF  }
0xc2: {  	(tm) =	ssettm $0x7FFFFFFF  }
0xc3: {  	_ =	shalt  }
tec
execute0_lowered:
.L_overlay_start_1:
0x0: {  	(tag) =	ssettag $0x1  }
0x1: {  	s0 =	rddreg [dreg:$0x0];
	s3 =	simm.s32 $0x0;
	v19 =	vlaneseq.u32  }
0x2: {  	[smem:$0x7FF] =	sst s3;
	v20 =	vand.u32 $0x7, v19  }
0x3: {  	s2 =	rddreg [dreg:$0x1];
	v22 =	vor.u32 $0x10, v19;
	_ =	strace $0x80000047;
	[tilespmem:$0x1FF10] =	vst v20  }
0x4: {  	v10 =	vor.u32 $0x20, v19;
	[tilespmem:$0x1FF30] =	vst v22  }
0x5: {  	v25 =	vor.u32 $0x70, v19;
	[tilespmem:$0x1FF70] =	vst v10  }
0x6: {  	v28 =	vor.u32 $0x30, v19;
	[tilespmem:$0x1FF80] =	vst v25  }
0x7: {  	s1 =	srdreg.scid;
	s4 =	stileid.u32;
	s11 =	simm.s32 $0x80;
	v15 =	vor.u32 $0x40, v19;
	[tilespmem:$0x1FF90] =	vst v28  }
0x8: {  	s13 =	simm.s32 $0x3;
	s17 =	simm.s32 $0xFE00;
	s18 =	simm.s32 $0x11E00;
	v16 =	vor.u32 $0x50, v19;
	[tilespmem:$0x1FFA0] =	vst v15  }
0x9: {  	s20 =	simm.s32 $0x13E00;
	s21 =	simm.s32 $0x1;
	s22 =	simm.s32 $0x15E00;
	v18 =	vmul.u32 $0x40, v19;
	v24 =	vor.u32 $0x60, v19;
	[tilespmem:$0x1FFB0] =	vst v16  }
0xa: {  	s23 =	simm.s32 $0xFC00;
	s28 =	simm.s32 $0x19E00;
	s29 =	simm.s32 $0x2;
	[tilespmem:$0x1FFC0] =	vst v24  }
0xb: {  	s1 =	sand.u32 $0x1, s1;
	s4 =	sshll.u32 s4, $0x1;
	s24 =	sadd.s32 $0x600, s0;
	v21 =	vor.u32 $0x400, v18;
	[tilespmem:$0x1FF00] =	vst v18  }
0xc: {  	s30 =	simm.s32 $0x0;
	s4 =	sor.u32 s1, s4;
	[dreg:$0x3] =	wrdreg s24;
	v23 =	vor.u32 $0x800, v18;
	[tilespmem:$0x1FF20] =	vst v21  }
0xd: {  	s1 =	ssub.s32 $0x2, s1;
	s24 =	simm.s32 $0x17E00;
	s5 =	sshll.u32 s4, $0x4;
	v0 =	vor.u32 $0x1800, v18;
	[tilespmem:$0x1FF40] =	vst v23  }
0xe: {  	v1 =	vor.u32 $0x1C00, v18;
	s6 =	sadd.s32 s5, s0;
	s5 =	sadd.s32 $0x32E00, s0;
	s0 =	sadd.s32 $0x400, s0;
	[tilespmem:$0x1FF50] =	vst v0  }
0xf: {  	s25 =	sshrl.u32 s1, $0x1;
	v2 =	vor.u32 $0x1400, v18;
	[tilespmem:$0x1FF60] =	vst v1;
	[dreg:$0x4] =	wrdreg s0;
	s26 =	sadd.s32 $0xE00, s6  }
0x10: {  	v3 =	vor.u32 $0x1000, v18;
	[tilespmem:$0x1FFD0] =	vst v2;
	s0 =	ssub.s32 s1, s25;
	s31 =	sadd.s32 $0x19E00, s6;
	[dreg:$0x5] =	wrdreg s26  }
0x11: {  	s9 =	sshll.u32 s4, $0xA;
	v11 =	vor.u32 $0xC00, v18;
	[tilespmem:$0x1FFE0] =	vst v3;
	[dreg:$0x6] =	wrdreg s31;
	s0 =	smax.u32 s0, $0x1  }
0x12: {  	[tilespmem:$0x1FFF0] =	vst v11;
	s25 =	simm.s32 $0x400;
	s26 =	simm.s32 $0x8000;
	[dreg:$0x7] =	wrdreg s0  }
.LBB2_1:
0x13: {  	s0 =	rddreg [dreg:$0x5];
	s1 =	simm.s32 $0x1000  }
0x14: {  	[tilespmem:s3], [sflag:$0x3] =	stream.strided.gather [hbm4b:s0+s11], $0x6400, s1, s11, $0x38;
	[tilespmem:$0x1BE00] =	vst v63  }
0x15: {  	_ =	swait.ge [sflag:s13], $0x6400  }
0x16: {  	[sflag:s13] =	ssyncset.done $0x0  }
0x17: {  	s4 =	simm.s32 $0x6400;
	s10 =	rddreg [dreg:$0x6];
	[sflag:s13] =	ssyncadd.s32 $0xFFFF9C00  }
0x18: {  	[tilespmem:s4], [sflag:$0x3] =	stream.strided.gather [hbm4b:s10+s11], $0x6400, s1, s11, $0x38;
	[tilespmem:$0x1BE00] =	vst v63  }
0x19: {  	_ =	swait.ge [sflag:s13], $0x6400  }
0x1a: {  	[sflag:s13] =	ssyncset.done $0x0  }
0x1b: {  	s14 =	simm.s32 $0xC800;
	s12 =	rddreg [dreg:$0x3];
	[sflag:s13] =	ssyncadd.s32 $0xFFFF9C00  }
0x1c: {  	[tilespmem:s14], [sflag:$0x3] =	stream.linear.gather [hbm4b:s12+s3], $0x3200, $0x38;
	[tilespmem:$0x1BE00] =	vst v63  }
0x1d: {  	_ =	swait.ge [sflag:s13], $0x3200  }
0x1e: {  	[sflag:s13] =	ssyncset.done $0x0  }
0x1f: {  	s16 =	simm.s32 $0xFA00;
	s15 =	rddreg [dreg:$0x4];
	[sflag:s13] =	ssyncadd.s32 $0xFFFFCE00  }
0x20: {  	[tilespmem:s16], [sflag:$0x3] =	stream.linear.gather [hbm4b:s15+s3], $0x200, $0x38;
	[tilespmem:$0x1BE00] =	vst v63  }
0x21: {  	_ =	swait.ge [sflag:s13], $0x200  }
0x22: {  	[sflag:s13] =	ssyncset.done $0x0  }
0x23: {  	[sflag:s13] =	ssyncadd.s32 $0xFFFFFE00  }
0x24: {  	[tilespmem:s17], [sflag:$0x1] =	stream.indirect.gather [hbm4b:s5+s11], $0x40, s3, s11, $0xb8;
	[tilespmem:$0x1BE00] =	vst v63  }
0x25: {  	_ = 	snop  }
0x26: {  	[tilespmem:s18], [sflag:$0x1] =	stream.indirect.gather [hbm4b:s5+s11], $0x40, s11, s11, $0xb8;
	[tilespmem:$0x1BE00] =	vst v63  }
0x27: {  	s19 =	simm.s32 $0x100;
	s31 =	simm.s32 $0x0  }
0x28: {  	[tilespmem:s20], [sflag:$0x1] =	stream.indirect.gather [hbm4b:s5+s11], $0x40, s19, s11, $0xb8;
	[tilespmem:$0x1BE00] =	vst v63  }
.LBB2_2:
0x29: {  	s0 =	sshll.u32 s31, $0x8;
	s1 =	simm.s32 $0x0  }
0x2a: {  	s0 =	sand.u32 $0x3FFFFF00, s0;
	v1 =	vld [tilespmem:s1+$0xFA00]  }
0x2b: {  	v0 =	vld [tilespmem:s0+$0xC800];
	_ =	sdelay $0x4  }
0x2c: {  	v2 =	vld [tilespmem:s1+$0xFA10];
	v0 =	vadd.f32 v1, v0  }
0x2d: {  	s12 =	simm.s32 $0x40;
	v1 =	vld [tilespmem:s0+$0xC800]  }
0x2e: {  	[tilespmem:s1+$0xFC00] =	vst v0;
	v0 =	vld [tilespmem:s12+$0xFA00]  }
0x2f: {  	v3 =	vld [tilespmem:s0+$0xC810];
	_ =	sdelay $0x2  }
0x30: {  	s4 =	simm.s32 $0x80;
	v5 =	vld [tilespmem:s0+$0xC800]  }
0x31: {  	v0 =	vadd.f32 v0, v1;
	v1 =	vld [tilespmem:s4+$0xFA00]  }
0x32: {  	v6 =	vld [tilespmem:s12+$0xFA10];
	v2 =	vadd.f32 v2, v3  }
0x33: {  	v3 =	vld [tilespmem:s1+$0xFA20];
	[tilespmem:s12+$0xFC00] =	vst v0  }
0x34: {  	[tilespmem:s1+$0xFC10] =	vst v2;
	v2 =	vld [tilespmem:s0+$0xC810]  }
0x35: {  	v7 =	vld [tilespmem:s0+$0xC820]  }
0x36: {  	v4 =	vld [tilespmem:s0+$0xC800];
	v1 =	vadd.f32 v1, v5  }
0x37: {  	v0 =	vld [tilespmem:s1+$0xFA30]  }
0x38: {  	[tilespmem:s4+$0xFC00] =	vst v1;
	v1 =	vld [tilespmem:s12+$0xFA20]  }
0x39: {  	s6 =	simm.s32 $0xC0;
	v5 =	vadd.f32 v6, v2;
	v2 =	vld [tilespmem:s4+$0xFA10]  }
0x3a: {  	v6 =	vld [tilespmem:s6+$0xFA00];
	v3 =	vadd.f32 v3, v7  }
0x3b: {  	[tilespmem:s12+$0xFC10] =	vst v5;
	v5 =	vld [tilespmem:s0+$0xC810]  }
0x3c: {  	s7 =	simm.s32 $0x400;
	[tilespmem:s1+$0xFC20] =	vst v3;
	v3 =	vld [tilespmem:s0+$0xC820]  }
.LBB2_3:
0x3d: {  	p0 =	sne.s32 s7, $0x700;
	v7 =	vld [tilespmem:s0+$0xC830];
	v8 =	vmov v1;
	s8 =	smov.u32 s4;
	s4 =	smov.u32 s6  }
0x3e: {  	v9 =	vld [tilespmem:s0+$0xC800]  }
0x3f: {  	v4 =	vadd.f32 v6, v4;
	v17 =	vld [tilespmem:s12+$0xFA30]  }
.Ltmp0:
0x40: {  	v5 =	vadd.f32 v2, v5;
	v1 =	vld [tilespmem:s8+$0xFA20];
	(pc) =	sbr.rel @p0 .LBB2_3-.Ltmp0, $4  }
0x41: {  	s6 =	sshra.s32 s7, $0x2;
	[tilespmem:s4+$0xFC00] =	vst v4;
	v2 =	vld [tilespmem:s4+$0xFA10];
	v3 =	vadd.f32 v8, v3  }
0x42: {  	v6 =	vld [tilespmem:s6+$0xFA00];
	[tilespmem:s8+$0xFC10] =	vst v5;
	v7 =	vadd.f32 v0, v7  }
0x43: {  	v5 =	vld [tilespmem:s0+$0xC810];
	[tilespmem:s12+$0xFC20] =	vst v3;
	v4 =	vmov v9  }
0x44: {  	s7 =	sadd.s32 $0x100, s7;
	v3 =	vld [tilespmem:s0+$0xC820];
	[tilespmem:s1+$0xFC30] =	vst v7;
	v0 =	vmov v17;
	s1 =	smov.u32 s12;
	s12 =	smov.u32 s8  }
0x45: {  	_ =	sdelay $0x1  }
0x46: {  	v4 =	vadd.f32 v6, v4;
	_ =	sdelay $0x1  }
0x47: {  	[tilespmem:s6+$0xFC00] =	vst v4;
	v4 =	vld [tilespmem:s6+$0xFA10]  }
0x48: {  	v6 =	vld [tilespmem:s0+$0xC810];
	_ =	sdelay $0x3  }
0x49: {  	v2 =	vadd.f32 v2, v5  }
0x4a: {  	v5 =	vld [tilespmem:s4+$0xFA20];
	v4 =	vadd.f32 v4, v6  }
0x4b: {  	[tilespmem:s4+$0xFC10] =	vst v2;
	v2 =	vld [tilespmem:s6+$0xFA20]  }
0x4c: {  	v6 =	vld [tilespmem:s0+$0xC820];
	[tilespmem:s6+$0xFC10] =	vst v4  }
0x4d: {  	v4 =	vld [tilespmem:s0+$0xC820]  }
0x4e: {  	v1 =	vadd.f32 v1, v3  }
0x4f: {  	v7 =	vld [tilespmem:s0+$0xC830]  }
0x50: {  	v3 =	vld [tilespmem:s12+$0xFA30];
	[tilespmem:s12+$0xFC20] =	vst v1  }
0x51: {  	v1 =	vld [tilespmem:s0+$0xC830];
	v5 =	vadd.f32 v5, v6  }
0x52: {  	v6 =	vld [tilespmem:s4+$0xFA30];
	v2 =	vadd.f32 v2, v4  }
0x53: {  	[tilespmem:s4+$0xFC20] =	vst v5;
	v4 =	vld [tilespmem:s6+$0xFA30]  }
0x54: {  	v5 =	vld [tilespmem:s0+$0xC830];
	[tilespmem:s6+$0xFC20] =	vst v2  }
0x55: {  	v2 =	vld [tilespmem:s0+$0xC830];
	_ =	sdelay $0x1  }
0x56: {  	v0 =	vadd.f32 v0, v7  }
0x57: {  	v1 =	vadd.f32 v3, v1  }
0x58: {  	[tilespmem:s1+$0xFC30] =	vst v0;
	v0 =	vadd.f32 v6, v5  }
0x59: {  	[tilespmem:s12+$0xFC30] =	vst v1;
	v1 =	vadd.f32 v4, v2  }
0x5a: {  	s14 =	sshll.u32 s31, $0xB;
	[tilespmem:s4+$0xFC30] =	vst v0  }
0x5b: {  	s15 =	sshrl.u32 s14, $0x2;
	[tilespmem:s6+$0xFC30] =	vst v1  }
0x5c: {  	v0 =	vld [tilespmem:s15+$0x6400]  }
0x5d: {  	v1 =	vld [tilespmem:s15+$0x6410]  }
0x5e: {  	v2 =	vld [tilespmem:s15+$0x6420]  }
0x5f: {  	v3 =	vld [tilespmem:s15+$0x6430]  }
0x60: {  	v4 =	vld [tilespmem:s15+$0x6440]  }
0x61: {  	v5 =	vld [tilespmem:s15+$0x6450]  }
0x62: {  	v6 =	vld [tilespmem:s15+$0x6460]  }
0x63: {  	v7 =	vld [tilespmem:s15+$0x6470];
	_ =	sdelay $0x1  }
0x64: {  	v53 =	vshll.u32 v0, $0x6;
	v63 =	vshll.u32 v1, $0x6  }
0x65: {  	s19 =	simm.s32 $0x1;
	v13 =	vshll.u32 v2, $0x6;
	v14 =	vshll.u32 v3, $0x6;
	v29 =	vshll.u32 v4, $0x6  }
0x66: {  	v12 =	vshll.u32 v5, $0x6;
	v0 =	vshll.u32 v6, $0x6;
	v6 =	vadd.s32 s19, v19  }
0x67: {  	s16 =	simm.s32 $0x0;
	[tilespmem:$0x1FD80] =	vst v0;
	v0 =	vshll.u32 v7, $0x6;
	v33 =	vshll.u32 v6, $0x7;
	v35 =	vand.u32 $0x7, v6  }
0x68: {  	s0 =	sand.u32 $0x30, s16;
	v40 =	vand.u32 $0xF, v6;
	[tilespmem:$0x1FDC0] =	vst v0;
	v0 =	vadd.s32 s16, v19;
	v30 =	vor.u32 v25, v33  }
0x69: {  	v34 =	vor.u32 v16, v33;
	v58 =	vor.u32 v22, v33;
	v60 =	vor.u32 s0, v40  }
0x6a: {  	v1 =	vshll.u32 v0, $0x7;
	v2 =	vand.u32 $0xF, v0;
	v4 =	vand.u32 $0x7, v0  }
0x6b: {  	v61 =	vand.u32 $0x38, v60;
	v0 =	vor.u32 v16, v1;
	v3 =	vor.u32 v24, v1  }
0x6c: {  	v5 =	vor.u32 v25, v1;
	v8 =	vor.u32 v10, v1;
	v9 =	vor.u32 v28, v1  }
0x6d: {  	s4 =	simm.s32 $0x2;
	v31 =	vor.u32 v19, v1;
	v32 =	vor.u32 v22, v1;
	v40 =	vor.u32 s0, v2  }
0x6e: {  	[tilespmem:$0x1FE00] =	vst v5;
	v5 =	vor.u32 v15, v1;
	v1 =	vadd.s32 s4, v19;
	v27 =	vand.u32 $0x3D8, v0  }
0x6f: {  	v6 =	vand.u32 $0x3B8, v9;
	v9 =	vor.u32 v10, v33;
	v44 =	vand.u32 $0x398, v32  }
0x70: {  	v37 =	vshll.u32 v1, $0x7;
	v41 =	vand.u32 $0x7, v1;
	v42 =	vand.u32 $0xF, v1  }
0x71: {  	v1 =	vor.u32 v25, v37;
	v0 =	vmovc v16;
	v16 =	vmovc v15;
	v15 =	vmov v28;
	v28 =	vor.u32 v24, v37  }
0x72: {  	v17 =	vmovc v25;
	v25 =	vand.u32 $0x3C8, v5;
	v43 =	vor.u32 v10, v37;
	v59 =	vor.u32 v22, v37  }
0x73: {  	[tilespmem:$0x1FDD0] =	vst v1;
	v1 =	vand.u32 $0x3E8, v3;
	v26 =	vor.u32 v0, v37;
	v3 =	vor.u32 v16, v33  }
0x74: {  	s6 =	simm.s32 $0x3;
	v36 =	vor.u32 v16, v37;
	v5 =	vor.u32 v15, v33;
	v7 =	vor.u32 v15, v37  }
0x75: {  	v37 =	vor.u32 v19, v37;
	v47 =	vand.u32 $0x3B8, v5;
	v5 =	vadd.s32 s6, v19  }
0x76: {  	p0 =	seq.s32 s31, $0x0;
	[tilespmem:$0x1FDB0] =	vst v1;
	v1 =	vor.u32 v24, v33;
	v38 =	vand.u32 $0x3C8, v3;
	v3 =	vand.u32 $0xF, v5  }
0x77: {  	s1 =	simm.s32 @!p0 $0x2;
	v45 =	vand.u32 $0x388, v31;
	v50 =	vand.u32 $0x388, v37;
	[tilespmem:$0x1FDA0] =	vst v1;
	v37 =	vor.u32 s0, v3  }
0x78: {  	v31 =	vor.u32 v19, v33;
	_ =	swait.ge @!p0 [sflag:s1], $0x2000;
	v3 =	vand.u32 $0x7, v5;
	v2 =	vand.u32 $0x38, v37  }
0x79: {  	v48 =	vand.u32 $0x388, v31;
	v33 =	vor.u32 s0, v42;
	[sflag:s1] =	ssyncset.done @!p0 $0x0;
	v31 =	vor.u32 v3, v2  }
0x7a: {  	s15 =	sshll.u32 s31, $0x2;
	v32 =	vshll.u32 v60, $0x7;
	v51 =	vand.u32 $0x38, v33;
	[sflag:s1] =	ssyncadd.s32 @!p0 $0xFFFFE000;
	v52 =	vor.u32 v18, v31  }
0x7b: {  	s0 =	sor.u32 $0x3, s15;
	v2 =	vand.u32 $0x38, v40;
	v3 =	vor.u32 v35, v61;
	_ =	swait.ge [sflag:s21], $0x2000;
	v62 =	vor.u32 v53, v31  }
0x7c: {  	s7 =	sshll.u32 s0, $0x9;
	v2 =	vor.u32 v4, v2;
	v4 =	vor.u32 v41, v51;
	v41 =	vor.u32 v18, v3;
	[sflag:s21] =	ssyncset.done $0x0  }
0x7d: {  	v46 =	vand.u32 $0x398, v58;
	v32 =	vand.u32 $0x1C00, v32;
	s1 =	sshrl.u32 s7, $0x2;
	v60 =	vor.u32 v53, v3;
	[tilespmem:$0x1FEF0] =	vst v53;
	[sflag:s21] =	ssyncadd.s32 $0xFFFFE000  }
0x7e: {  	v0 =	vmovc v53;
	v40 =	vshll.u32 v40, $0x7;
	v35 =	vshll.u32 v5, $0x7;
	v61 =	vor.u32 v18, v4;
	[tilespmem:s22], [sflag:$0x1] =	stream.indirect.gather [hbm4b:s5+s11], $0x40, s1, s11, $0xb8;
	[tilespmem:$0x1BE00] =	vst v63  }
0x7f: {  	v5 =	vshll.u32 v37, $0x7;
	v40 =	vand.u32 $0x1C00, v40;
	v54 =	vor.u32 v0, v4;
	v52 =	vld.idx.msk [tilespmem:v52+s17+$0x0], $0xffff  }
0x80: {  	v5 =	vand.u32 $0x1C00, v5;
	v55 =	vor.u32 v18, v2;
	v42 =	vld.idx.msk [tilespmem:v62+s23+$0x0], $0xffff;
	v62 =	vor.u32 v19, v35  }
0x81: {  	v56 =	vor.u32 v0, v2;
	v37 =	vor.u32 v20, v5;
	v41 =	vld.idx.msk [tilespmem:v41+s17+$0x0], $0xffff;
	v57 =	vand.u32 $0x388, v62  }
0x82: {  	v32 =	vor.u32 v20, v32;
	v5 =	vor.u32 v20, v40;
	v51 =	vld.idx.msk [tilespmem:v60+s23+$0x0], $0xffff;
	v40 =	vor.u32 v57, v37  }
0x83: {  	v49 =	vand.u32 $0x398, v59;
	v33 =	vshll.u32 v33, $0x7;
	v53 =	vld.idx.msk [tilespmem:v61+s17+$0x0], $0xffff;
	v57 =	vor.u32 v21, v31  }
0x84: {  	v48 =	vor.u32 v48, v32;
	v33 =	vand.u32 $0x1C00, v33;
	v59 =	vor.u32 v63, v31;
	v54 =	vld.idx.msk [tilespmem:v54+s23+$0x0], $0xffff  }
0x85: {  	v33 =	vor.u32 v20, v33;
	v58 =	vor.u32 v21, v3;
	v55 =	vld.idx.msk [tilespmem:v55+s17+$0x0], $0xffff;
	v42 =	vadd.f32 v42, v52  }
0x86: {  	v50 =	vor.u32 v50, v33;
	v60 =	vor.u32 v63, v3;
	v52 =	vld.idx.msk [tilespmem:v56+s23+$0x0], $0xffff;
	[tilespmem:$0x1FD50] =	vst v63  }
0x87: {  	v61 =	vor.u32 v21, v4;
	v41 =	vadd.f32 v51, v41;
	[tilespmem:v40+s24+$0x0] =	vst.idx.msk $0xffff, v42  }
0x88: {  	v45 =	vor.u32 v45, v5;
	v56 =	vor.u32 v63, v4;
	v40 =	vor.u32 v49, v33;
	v49 =	vld.idx.msk [tilespmem:v57+s17+$0x0], $0xffff  }
0x89: {  	v62 =	vor.u32 v21, v2;
	[tilespmem:v48+s24+$0x0] =	vst.idx.msk $0xffff, v41;
	v41 =	vadd.f32 v54, v53;
	v48 =	vld.idx.msk [tilespmem:v59+s23+$0x0], $0xffff  }
0x8a: {  	v39 =	vor.u32 v22, v35;
	v63 =	vor.u32 v63, v2;
	v57 =	vld.idx.msk [tilespmem:v58+s17+$0x0], $0xffff  }
0x8b: {  	[tilespmem:v50+s24+$0x0] =	vst.idx.msk $0xffff, v41;
	v52 =	vadd.f32 v52, v55;
	v55 =	vld.idx.msk [tilespmem:v60+s23+$0x0], $0xffff;
	v60 =	vand.u32 $0x398, v39  }
0x8c: {  	v59 =	vld.idx.msk [tilespmem:v61+s17+$0x0], $0xffff;
	v41 =	vor.u32 v60, v37  }
0x8d: {  	[tilespmem:v45+s24+$0x0] =	vst.idx.msk $0xffff, v52;
	v45 =	vld.idx.msk [tilespmem:v56+s23+$0x0], $0xffff  }
0x8e: {  	v52 =	vor.u32 v23, v31;
	v60 =	vld.idx.msk [tilespmem:v62+s17+$0x0], $0xffff;
	[tilespmem:$0x1FD60] =	vst v13  }
0x8f: {  	v46 =	vor.u32 v46, v32;
	v61 =	vor.u32 v13, v31;
	v48 =	vadd.f32 v48, v49;
	v63 =	vld.idx.msk [tilespmem:v63+s23+$0x0], $0xffff  }
0x90: {  	v6 =	vor.u32 v6, v5;
	v42 =	vor.u32 v44, v5;
	v44 =	vor.u32 v23, v3  }
0x91: {  	v7 =	vand.u32 $0x3B8, v7;
	v51 =	vor.u32 v13, v3;
	v53 =	vor.u32 v23, v4;
	[tilespmem:v41+s24+$0x0] =	vst.idx.msk $0xffff, v48  }
0x92: {  	v58 =	vor.u32 v13, v4;
	v50 =	vor.u32 v13, v2;
	v55 =	vadd.f32 v55, v57;
	[tilespmem:$0x1FE10] =	vst v6;
	v13 =	vld [tilespmem:$0x1FFE0]  }
0x93: {  	v57 =	vor.u32 v7, v33;
	v41 =	vadd.f32 v45, v59;
	v7 =	vld.idx.msk [tilespmem:v52+s17+$0x0], $0xffff  }
0x94: {  	[tilespmem:v46+s24+$0x0] =	vst.idx.msk $0xffff, v55;
	v45 =	vld.idx.msk [tilespmem:v61+s23+$0x0], $0xffff;
	v55 =	vor.u32 v10, v35;
	v60 =	vadd.f32 v63, v60  }
0x95: {  	v54 =	vor.u32 v23, v2;
	v44 =	vld.idx.msk [tilespmem:v44+s17+$0x0], $0xffff;
	v55 =	vand.u32 $0x3A8, v55;
	[tilespmem:v40+s24+$0x0] =	vst.idx.msk $0xffff, v41  }
0x96: {  	v9 =	vand.u32 $0x3A8, v9;
	v51 =	vld.idx.msk [tilespmem:v51+s23+$0x0], $0xffff;
	v40 =	vor.u32 v55, v37;
	[tilespmem:v42+s24+$0x0] =	vst.idx.msk $0xffff, v60  }
0x97: {  	v43 =	vand.u32 $0x3A8, v43;
	v9 =	vor.u32 v9, v32;
	v41 =	vor.u32 v11, v31;
	v53 =	vld.idx.msk [tilespmem:v53+s17+$0x0], $0xffff;
	[tilespmem:$0x1FD70] =	vst v14  }
0x98: {  	v1 =	vor.u32 v14, v4;
	v39 =	vor.u32 v14, v2;
	v62 =	vor.u32 v14, v3;
	v42 =	vld.idx.msk [tilespmem:v58+s23+$0x0], $0xffff  }
0x99: {  	v60 =	vor.u32 v38, v32;
	v38 =	vor.u32 v14, v31;
	v14 =	vld [tilespmem:$0x1FFD0];
	v7 =	vadd.f32 v45, v7  }
0x9a: {  	v43 =	vor.u32 v43, v33;
	v58 =	vor.u32 v25, v5;
	v25 =	vld.idx.msk [tilespmem:v54+s17+$0x0], $0xffff  }
0x9b: {  	v6 =	vor.u32 v27, v5;
	v45 =	vld.idx.msk [tilespmem:v50+s23+$0x0], $0xffff;
	v44 =	vadd.f32 v51, v44;
	[tilespmem:v40+s24+$0x0] =	vst.idx.msk $0xffff, v7  }
0x9c: {  	v34 =	vand.u32 $0x3D8, v34;
	v56 =	vor.u32 v11, v3;
	v41 =	vld.idx.msk [tilespmem:v41+s17+$0x0], $0xffff;
	[tilespmem:$0x1FE80] =	vst v6  }
0x9d: {  	[tilespmem:v9+s24+$0x0] =	vst.idx.msk $0xffff, v44;
	v44 =	vor.u32 v34, v32;
	v34 =	vadd.f32 v42, v53  }
0x9e: {  	v40 =	vor.u32 v15, v35  }
0x9f: {  	v27 =	vand.u32 $0x3B8, v40;
	v40 =	vld [tilespmem:$0x1FF50];
	[tilespmem:v43+s24+$0x0] =	vst.idx.msk $0xffff, v34  }
0xa0: {  	v8 =	vand.u32 $0x3A8, v8;
	v0 =	vor.u32 v11, v4;
	v6 =	vld [tilespmem:$0x1FDA0]  }
0xa1: {  	v8 =	vor.u32 v8, v5;
	v9 =	vld.idx.msk [tilespmem:v38+s23+$0x0], $0xffff  }
0xa2: {  	v26 =	vand.u32 $0x3D8, v26;
	v49 =	vor.u32 v11, v2;
	v48 =	vor.u32 v13, v3;
	v38 =	vld.idx.msk [tilespmem:v56+s17+$0x0], $0xffff  }
0xa3: {  	v52 =	vor.u32 v13, v4;
	v27 =	vor.u32 v27, v37;
	v53 =	vor.u32 v26, v33;
	v26 =	vld.idx.msk [tilespmem:v62+s23+$0x0], $0xffff  }
0xa4: {  	v55 =	vor.u32 v13, v2;
	v25 =	vadd.f32 v45, v25;
	v34 =	vor.u32 v13, v31;
	v13 =	vld [tilespmem:$0x1FD80]  }
0xa5: {  	v0 =	vld.idx.msk [tilespmem:v0+s17+$0x0], $0xffff;
	[tilespmem:$0x1FD90] =	vst v29;
	v45 =	vand.u32 $0x3E8, v6  }
0xa6: {  	[tilespmem:v8+s24+$0x0] =	vst.idx.msk $0xffff, v25;
	v8 =	vld.idx.msk [tilespmem:v1+s23+$0x0], $0xffff;
	v1 =	vadd.f32 v9, v41;
	v45 =	vor.u32 v45, v32  }
0xa7: {  	v28 =	vand.u32 $0x3E8, v28;
	v25 =	vld.idx.msk [tilespmem:v49+s17+$0x0], $0xffff;
	[tilespmem:$0x1FE90] =	vst v45  }
0xa8: {  	v49 =	vld.idx.msk [tilespmem:v39+s23+$0x0], $0xffff;
	[tilespmem:v27+s24+$0x0] =	vst.idx.msk $0xffff, v1;
	v1 =	vor.u32 v28, v33  }
0xa9: {  	[tilespmem:$0x1FEA0] =	vst v1;
	v1 =	vld [tilespmem:$0x1FDB0]  }
0xaa: {  	v43 =	vor.u32 v13, v3;
	v9 =	vor.u32 v13, v4;
	v41 =	vor.u32 v13, v2;
	v6 =	vmovc v13;
	v13 =	vld [tilespmem:$0x1FF60]  }
0xab: {  	v27 =	vld [tilespmem:$0x1FDC0];
	_ =	sdelay $0x1  }
0xac: {  	v47 =	vor.u32 v47, v32;
	v46 =	vor.u32 v29, v3  }
0xad: {  	v63 =	vor.u32 v12, v3;
	v54 =	vor.u32 v14, v3;
	v42 =	vor.u32 v29, v31  }
0xae: {  	v56 =	vor.u32 v40, v3;
	v26 =	vadd.f32 v26, v38;
	v1 =	vor.u32 v1, v5  }
0xaf: {  	v45 =	vor.u32 v13, v3;
	v38 =	vor.u32 v27, v3;
	v3 =	vor.u32 v13, v4;
	[tilespmem:$0x1FEB0] =	vst v1  }
0xb0: {  	v28 =	vld.idx.msk [tilespmem:v34+s17+$0x0], $0xffff;
	[tilespmem:$0x1FEC0] =	vst v3  }
0xb1: {  	[tilespmem:v47+s24+$0x0] =	vst.idx.msk $0xffff, v26  }
0xb2: {  	v1 =	vld [tilespmem:$0x1FDD0]  }
0xb3: {  	v59 =	vor.u32 v29, v4;
	v61 =	vor.u32 v29, v2;
	v7 =	vor.u32 v12, v2  }
0xb4: {  	v11 =	vor.u32 v14, v2;
	v29 =	vor.u32 v40, v2;
	v3 =	vor.u32 v13, v2;
	v34 =	vld.idx.msk [tilespmem:v42+s23+$0x0], $0xffff  }
0xb5: {  	v0 =	vadd.f32 v8, v0;
	v2 =	vor.u32 v27, v2;
	v8 =	vld.idx.msk [tilespmem:v48+s17+$0x0], $0xffff;
	[tilespmem:$0x1FED0] =	vst v3  }
0xb6: {  	v30 =	vand.u32 $0x3F8, v30;
	[tilespmem:$0x1FEE0] =	vst v2  }
0xb7: {  	[tilespmem:v57+s24+$0x0] =	vst.idx.msk $0xffff, v0;
	v48 =	vand.u32 $0x3F8, v1;
	v1 =	vor.u32 v30, v32  }
0xb8: {  	v2 =	vld.idx.msk [tilespmem:v46+s23+$0x0], $0xffff;
	[tilespmem:$0x1FDE0] =	vst v1;
	v1 =	vor.u32 v48, v33  }
0xb9: {  	[tilespmem:$0x1FDF0] =	vst v1;
	v1 =	vld [tilespmem:$0x1FE00];
	_ =	sdelay $0x4  }
0xba: {  	v46 =	vand.u32 $0x3F8, v1;
	v1 =	vld [tilespmem:$0x1FE10];
	_ =	sdelay $0x3  }
0xbb: {  	v47 =	vor.u32 v16, v35  }
0xbc: {  	v26 =	vand.u32 $0x3C8, v47  }
0xbd: {  	v39 =	vadd.f32 v49, v25;
	v0 =	vor.u32 v26, v37;
	_ =	sdelay $0x1  }
0xbe: {  	v30 =	vld.idx.msk [tilespmem:v52+s17+$0x0], $0xffff;
	[tilespmem:v1+s24+$0x0] =	vst.idx.msk $0xffff, v39  }
0xbf: {  	v28 =	vadd.f32 v34, v28;
	v48 =	vld.idx.msk [tilespmem:v59+s23+$0x0], $0xffff;
	v1 =	vor.u32 v46, v5;
	[tilespmem:$0x1FE20] =	vst v12  }
0xc0: {  	[tilespmem:$0x1FE30] =	vst v1  }
0xc1: {  	s16 =	simm.s32 $0x4;
	v36 =	vand.u32 $0x3C8, v36;
	v32 =	vor.u32 v14, v31;
	[tilespmem:v0+s24+$0x0] =	vst.idx.msk $0xffff, v28  }
0xc2: {  	v51 =	vor.u32 v12, v4;
	v49 =	vor.u32 v12, v31;
	v25 =	vadd.s32 s16, v19;
	v12 =	vld [tilespmem:$0x1FFB0]  }
0xc3: {  	v36 =	vor.u32 v36, v33;
	v26 =	vld.idx.msk [tilespmem:v61+s23+$0x0], $0xffff;
	v61 =	vshll.u32 v25, $0x7  }
0xc4: {  	s10 =	simm.s32 $0x6;
	v50 =	vor.u32 v14, v4;
	v62 =	vor.u32 v40, v4;
	v5 =	vld.idx.msk [tilespmem:v55+s17+$0x0], $0xffff;
	v1 =	vor.u32 v17, v61  }
0xc5: {  	v40 =	vor.u32 v40, v31;
	v14 =	vadd.s32 s10, v19;
	v2 =	vadd.f32 v2, v8;
	[tilespmem:$0x1FE40] =	vst v1  }
0xc6: {  	v52 =	vand.u32 $0xF, v25;
	v59 =	vand.u32 $0x7, v25;
	v8 =	vor.u32 v24, v61;
	v32 =	vld.idx.msk [tilespmem:v32+s17+$0x0], $0xffff  }
0xc7: {  	[tilespmem:v60+s24+$0x0] =	vst.idx.msk $0xffff, v2;
	v2 =	vadd.f32 v48, v30;
	v30 =	vld.idx.msk [tilespmem:v49+s23+$0x0], $0xffff;
	v25 =	vor.u32 v12, v35  }
0xc8: {  	v46 =	vor.u32 v16, v61;
	v47 =	vor.u32 v22, v61;
	v54 =	vld.idx.msk [tilespmem:v54+s17+$0x0], $0xffff;
	v39 =	vand.u32 $0x3D8, v25  }
0xc9: {  	v5 =	vadd.f32 v26, v5;
	v26 =	vld.idx.msk [tilespmem:v63+s23+$0x0], $0xffff;
	[tilespmem:v36+s24+$0x0] =	vst.idx.msk $0xffff, v2;
	v2 =	vor.u32 v39, v37  }
0xca: {  	v1 =	vor.u32 v10, v61;
	v49 =	vor.u32 v15, v61;
	v0 =	vor.u32 v12, v61;
	v36 =	vld.idx.msk [tilespmem:v50+s17+$0x0], $0xffff  }
0xcb: {  	[tilespmem:v58+s24+$0x0] =	vst.idx.msk $0xffff, v5;
	v5 =	vld.idx.msk [tilespmem:v51+s23+$0x0], $0xffff;
	v39 =	vor.u32 v19, v61;
	v61 =	vshll.u32 v14, $0x7  }
0xcc: {  	v25 =	vor.u32 v6, v31;
	v58 =	vld.idx.msk [tilespmem:v11+s17+$0x0], $0xffff;
	v30 =	vadd.f32 v30, v32;
	v3 =	vor.u32 v17, v61  }
0xcd: {  	v7 =	vld.idx.msk [tilespmem:v7+s23+$0x0], $0xffff;
	[tilespmem:$0x1FE50] =	vst v3  }
0xce: {  	v26 =	vadd.f32 v26, v54;
	[tilespmem:v2+s24+$0x0] =	vst.idx.msk $0xffff, v30;
	v2 =	vand.u32 $0x3E8, v8  }
0xcf: {  	v11 =	vand.u32 $0x3D8, v0;
	[tilespmem:$0x1FE60] =	vst v2  }
0xd0: {  	v0 =	vor.u32 v24, v61;
	v5 =	vadd.f32 v5, v36;
	v40 =	vld.idx.msk [tilespmem:v40+s17+$0x0], $0xffff;
	[tilespmem:v44+s24+$0x0] =	vst.idx.msk $0xffff, v26  }
0xd1: {  	v8 =	vld.idx.msk [tilespmem:v25+s23+$0x0], $0xffff;
	[tilespmem:$0x1FE70] =	vst v0  }
0xd2: {  	v25 =	vor.u32 v24, v35;
	v26 =	vld.idx.msk [tilespmem:v56+s17+$0x0], $0xffff;
	[tilespmem:v53+s24+$0x0] =	vst.idx.msk $0xffff, v5  }
0xd3: {  	v32 =	vand.u32 $0x3E8, v25;
	v25 =	vld [tilespmem:$0x1FE80]  }
0xd4: {  	v0 =	vld.idx.msk [tilespmem:v43+s23+$0x0], $0xffff  }
0xd5: {  	v5 =	vor.u32 v32, v37;
	v34 =	vld.idx.msk [tilespmem:v62+s17+$0x0], $0xffff  }
0xd6: {  	v9 =	vld.idx.msk [tilespmem:v9+s23+$0x0], $0xffff;
	_ =	sdelay $0x1  }
0xd7: {  	v8 =	vadd.f32 v8, v40  }
0xd8: {  	v7 =	vadd.f32 v7, v58  }
0xd9: {  	[tilespmem:v5+s24+$0x0] =	vst.idx.msk $0xffff, v8;
	v5 =	vadd.f32 v0, v26  }
0xda: {  	v26 =	vadd.f32 v9, v34;
	v9 =	vor.u32 v22, v61;
	[tilespmem:v25+s24+$0x0] =	vst.idx.msk $0xffff, v7  }
0xdb: {  	v62 =	vand.u32 $0x398, v9;
	v9 =	vld [tilespmem:$0x1FE90];
	_ =	sdelay $0x6  }
0xdc: {  	v54 =	vand.u32 $0x3A8, v1;
	v1 =	vor.u32 v13, v31  }
0xdd: {  	s19 =	sand.u32 $0x30, s16;
	v42 =	vor.u32 v27, v4;
	v4 =	vand.u32 $0xF, v14;
	v7 =	vor.u32 v27, v31;
	[tilespmem:v9+s24+$0x0] =	vst.idx.msk $0xffff, v5  }
0xde: {  	s8 =	simm.s32 $0x5;
	v9 =	vor.u32 s19, v4;
	v4 =	vld [tilespmem:$0x1FEA0]  }
0xdf: {  	v55 =	vadd.s32 s8, v19  }
0xe0: {  	v60 =	vshll.u32 v55, $0x7  }
0xe1: {  	v2 =	vor.u32 v12, v60;
	v1 =	vld.idx.msk [tilespmem:v1+s17+$0x0], $0xffff  }
0xe2: {  	v40 =	vand.u32 $0x3D8, v2;
	v2 =	vld.idx.msk [tilespmem:v7+s23+$0x0], $0xffff;
	_ =	sdelay $0x3  }
0xe3: {  	v31 =	vld.idx.msk [tilespmem:v29+s17+$0x0], $0xffff;
	[tilespmem:v4+s24+$0x0] =	vst.idx.msk $0xffff, v26  }
0xe4: {  	v1 =	vadd.f32 v2, v1;
	v2 =	vld [tilespmem:$0x1FEB0]  }
0xe5: {  	v41 =	vld.idx.msk [tilespmem:v41+s23+$0x0], $0xffff;
	_ =	sdelay $0x4  }
0xe6: {  	v31 =	vadd.f32 v41, v31;
	_ =	sdelay $0x1  }
0xe7: {  	[tilespmem:v2+s24+$0x0] =	vst.idx.msk $0xffff, v31  }
0xe8: {  	v2 =	vld [tilespmem:$0x1FEC0]  }
0xe9: {  	v3 =	vor.u32 v24, v60  }
0xea: {  	v0 =	vand.u32 $0x388, v39;
	v39 =	vand.u32 $0x3E8, v3;
	v3 =	vor.u32 v17, v35  }
0xeb: {  	v3 =	vand.u32 $0x3F8, v3  }
0xec: {  	v3 =	vor.u32 v3, v37;
	_ =	sdelay $0x2  }
0xed: {  	v37 =	vld.idx.msk [tilespmem:v38+s23+$0x0], $0xffff  }
0xee: {  	v38 =	vld.idx.msk [tilespmem:v2+s17+$0x0], $0xffff;
	v2 =	vor.u32 s19, v52  }
0xef: {  	v34 =	vld.idx.msk [tilespmem:v45+s17+$0x0], $0xffff;
	[tilespmem:v3+s24+$0x0] =	vst.idx.msk $0xffff, v1;
	v1 =	vand.u32 $0x38, v2  }
0xf0: {  	v45 =	vor.u32 v59, v1;
	v1 =	vld [tilespmem:$0x1FEE0];
	_ =	sdelay $0x1  }
0xf1: {  	v46 =	vand.u32 $0x3C8, v46;
	v48 =	vand.u32 $0x7, v14  }
0xf2: {  	v63 =	vand.u32 $0x7, v55;
	v6 =	vand.u32 $0xF, v55;
	v55 =	vor.u32 v17, v60  }
0xf3: {  	v57 =	vor.u32 v10, v60;
	v33 =	vand.u32 $0x3F8, v55;
	v6 =	vor.u32 s19, v6  }
0xf4: {  	v50 =	vor.u32 v15, v61;
	v36 =	vor.u32 v12, v61;
	v30 =	vand.u32 $0x3B8, v49  }
0xf5: {  	v58 =	vand.u32 $0x398, v47;
	v44 =	vor.u32 v16, v61;
	v24 =	vor.u32 v15, v60;
	v3 =	vld [tilespmem:$0x1FED0]  }
0xf6: {  	s12 =	simm.s32 $0x7;
	v53 =	vor.u32 v16, v60;
	v56 =	vor.u32 v10, v61;
	v8 =	vor.u32 v22, v60  }
0xf7: {  	v27 =	vor.u32 v19, v61;
	v61 =	vand.u32 $0x398, v8;
	v8 =	vadd.s32 s12, v19;
	v51 =	vld.idx.msk [tilespmem:v1+s23+$0x0], $0xffff  }
0xf8: {  	v10 =	vor.u32 v19, v60;
	v32 =	vand.u32 $0x3B8, v24;
	v55 =	vand.u32 $0xF, v8;
	v1 =	vld [tilespmem:$0x1FEF0]  }
0xf9: {  	v49 =	vand.u32 $0x3C8, v53;
	v53 =	vor.u32 s19, v55;
	v7 =	vand.u32 $0x388, v10  }
0xfa: {  	v10 =	vand.u32 $0x7, v8;
	v5 =	vand.u32 $0x388, v27;
	v4 =	vand.u32 $0x38, v53  }
0xfb: {  	v60 =	vand.u32 $0x38, v9;
	v31 =	vor.u32 v10, v4;
	v4 =	vand.u32 $0x38, v6  }
0xfc: {  	v48 =	vor.u32 v48, v60;
	v43 =	vld.idx.msk [tilespmem:v42+s23+$0x0], $0xffff;
	v47 =	vor.u32 v63, v4;
	v4 =	vor.u32 v18, v31  }
0xfd: {  	s16 =	simm.s32 $0x8;
	v42 =	vmovc v11;
	v41 =	vld.idx.msk [tilespmem:v3+s17+$0x0], $0xffff;
	v3 =	vshll.u32 v6, $0x7;
	v6 =	vor.u32 v1, v31;
	v1 =	vor.u32 v18, v47  }
.LBB2_5:
0xfe: {  	v12 =	vld [tilespmem:$0x1FEF0];
	_ =	sdelay $0x4  }
0xff: {  	v63 =	vor.u32 v18, v48;
	v4 =	vld.idx.msk [tilespmem:v4+s17+$0x0], $0xffff;
	v59 =	vor.u32 v12, v47  }
0x100: {  	v11 =	vor.u32 v18, v45;
	v9 =	vshll.u32 v9, $0x7;
	v2 =	vshll.u32 v2, $0x7;
	v6 =	vld.idx.msk [tilespmem:v6+s23+$0x0], $0xffff  }
0x101: {  	v52 =	vshll.u32 v8, $0x7;
	v8 =	vshll.u32 v53, $0x7;
	v13 =	vld.idx.msk [tilespmem:v1+s17+$0x0], $0xffff;
	v10 =	vor.u32 v12, v48  }
0x102: {  	v3 =	vand.u32 $0x1C00, v3;
	v18 =	vld [tilespmem:$0x1FD50];
	v9 =	vand.u32 $0x1C00, v9;
	v8 =	vand.u32 $0x1C00, v8  }
0x103: {  	v29 =	vld [tilespmem:$0x1FFF0];
	v60 =	vor.u32 v20, v3;
	v3 =	vor.u32 v19, v52;
	v12 =	vor.u32 v12, v45  }
0x104: {  	v2 =	vand.u32 $0x1C00, v2;
	v53 =	vor.u32 v20, v8;
	v3 =	vand.u32 $0x388, v3;
	v14 =	vld.idx.msk [tilespmem:v59+s23+$0x0], $0xffff  }
0x105: {  	v3 =	vor.u32 v3, v53;
	v59 =	vor.u32 v20, v2;
	v2 =	vor.u32 v7, v60;
	v7 =	vld.idx.msk [tilespmem:v63+s17+$0x0], $0xffff  }
0x106: {  	v1 =	vor.u32 v20, v9;
	v9 =	vor.u32 v21, v31;
	v8 =	vld.idx.msk [tilespmem:v10+s23+$0x0], $0xffff  }
0x107: {  	v15 =	vor.u32 v18, v31;
	v10 =	vld.idx.msk [tilespmem:v11+s17+$0x0], $0xffff  }
0x108: {  	v5 =	vor.u32 v5, v1;
	v4 =	vadd.f32 v6, v4;
	v12 =	vld.idx.msk [tilespmem:v12+s23+$0x0], $0xffff  }
0x109: {  	v28 =	vmov v33;
	v33 =	vld [tilespmem:$0x1FD70];
	v11 =	vor.u32 v21, v47;
	v13 =	vadd.f32 v14, v13  }
0x10a: {  	v35 =	vld [tilespmem:$0x1FFE0];
	v55 =	vor.u32 v18, v47;
	v0 =	vor.u32 v0, v59;
	[tilespmem:v3+s24+$0x0] =	vst.idx.msk $0xffff, v4  }
0x10b: {  	v6 =	vor.u32 v21, v45;
	v9 =	vld.idx.msk [tilespmem:v9+s17+$0x0], $0xffff;
	[tilespmem:v2+s24+$0x0] =	vst.idx.msk $0xffff, v13;
	v2 =	vadd.f32 v8, v7  }
0x10c: {  	v25 =	vor.u32 v22, v52;
	v17 =	vor.u32 v18, v48;
	v18 =	vor.u32 v18, v45;
	v8 =	vld.idx.msk [tilespmem:v15+s23+$0x0], $0xffff  }
0x10d: {  	v19 =	vld [tilespmem:$0x1FD60];
	v10 =	vadd.f32 v12, v10;
	[tilespmem:v5+s24+$0x0] =	vst.idx.msk $0xffff, v2;
	v5 =	vand.u32 $0x398, v25  }
0x10e: {  	v16 =	vor.u32 v21, v48;
	v11 =	vld.idx.msk [tilespmem:v11+s17+$0x0], $0xffff;
	v5 =	vor.u32 v5, v53  }
0x10f: {  	[tilespmem:v0+s24+$0x0] =	vst.idx.msk $0xffff, v10;
	v10 =	vor.u32 v23, v31;
	v26 =	vld.idx.msk [tilespmem:v55+s23+$0x0], $0xffff  }
0x110: {  	v6 =	vld.idx.msk [tilespmem:v6+s17+$0x0], $0xffff  }
0x111: {  	v18 =	vld.idx.msk [tilespmem:v18+s23+$0x0], $0xffff;
	v8 =	vadd.f32 v8, v9  }
0x112: {  	v61 =	vor.u32 v61, v60;
	v0 =	vld.idx.msk [tilespmem:v17+s23+$0x0], $0xffff;
	v17 =	vor.u32 v54, v59;
	v54 =	vor.u32 v19, v31  }
0x113: {  	v4 =	vor.u32 v23, v47;
	v16 =	vld.idx.msk [tilespmem:v16+s17+$0x0], $0xffff;
	[tilespmem:v5+s24+$0x0] =	vst.idx.msk $0xffff, v8  }
0x114: {  	v24 =	vand.u32 $0x3A8, v57;
	v3 =	vor.u32 v58, v59;
	v58 =	vor.u32 v19, v47;
	v5 =	vld.idx.msk [tilespmem:v10+s17+$0x0], $0xffff  }
0x115: {  	v57 =	vor.u32 v62, v1;
	v13 =	vor.u32 v23, v45;
	v9 =	vadd.f32 v26, v11;
	v10 =	vmovc v34;
	v34 =	vld [tilespmem:$0x1FF70]  }
0x116: {  	v7 =	vor.u32 v23, v48;
	v11 =	vor.u32 v32, v60;
	v32 =	vor.u32 v30, v59;
	v30 =	vld [tilespmem:$0x1FD90]  }
0x117: {  	v15 =	vor.u32 v19, v48;
	v6 =	vadd.f32 v18, v6;
	[tilespmem:v61+s24+$0x0] =	vst.idx.msk $0xffff, v9;
	v8 =	vld.idx.msk [tilespmem:v54+s23+$0x0], $0xffff  }
0x118: {  	v50 =	vand.u32 $0x3B8, v50;
	v0 =	vadd.f32 v0, v16;
	v4 =	vld.idx.msk [tilespmem:v4+s17+$0x0], $0xffff  }
0x119: {  	v62 =	vor.u32 v29, v47;
	v14 =	vor.u32 v24, v60;
	[tilespmem:v3+s24+$0x0] =	vst.idx.msk $0xffff, v6;
	v18 =	vld.idx.msk [tilespmem:v58+s23+$0x0], $0xffff  }
0x11a: {  	v23 =	vor.u32 v50, v1;
	v13 =	vld.idx.msk [tilespmem:v13+s17+$0x0], $0xffff;
	[tilespmem:v57+s24+$0x0] =	vst.idx.msk $0xffff, v0;
	v9 =	vor.u32 v34, v52  }
0x11b: {  	v2 =	vand.u32 $0x3A8, v56;
	v56 =	vor.u32 v19, v45;
	v50 =	vld.idx.msk [tilespmem:v7+s17+$0x0], $0xffff;
	v9 =	vand.u32 $0x3A8, v9  }
0x11c: {  	v22 =	vor.u32 v33, v48;
	v0 =	vand.u32 $0x3C8, v44;
	v3 =	vld.idx.msk [tilespmem:v15+s23+$0x0], $0xffff;
	v44 =	vor.u32 v9, v53  }
0x11d: {  	v63 =	vor.u32 v33, v47;
	v21 =	vor.u32 v33, v45;
	v2 =	vor.u32 v2, v1;
	v7 =	vmovc v37;
	v37 =	vld [tilespmem:$0x1FFD0]  }
0x11e: {  	v19 =	vor.u32 v29, v48;
	v15 =	vor.u32 v33, v31;
	v33 =	vld [tilespmem:$0x1FE20];
	v4 =	vadd.f32 v18, v4  }
0x11f: {  	v61 =	vor.u32 v0, v1;
	v0 =	vadd.f32 v8, v5;
	v5 =	vand.u32 $0x3D8, v36;
	v36 =	vld [tilespmem:$0x1FD80]  }
0x120: {  	v9 =	vor.u32 v49, v60;
	v49 =	vld.idx.msk [tilespmem:v56+s23+$0x0], $0xffff;
	[tilespmem:v14+s24+$0x0] =	vst.idx.msk $0xffff, v4  }
0x121: {  	v3 =	vadd.f32 v3, v50;
	[tilespmem:v44+s24+$0x0] =	vst.idx.msk $0xffff, v0;
	v0 =	vor.u32 v42, v59;
	v42 =	vld [tilespmem:$0x1FF50]  }
0x122: {  	v14 =	vld.idx.msk [tilespmem:v62+s17+$0x0], $0xffff  }
0x123: {  	[tilespmem:v2+s24+$0x0] =	vst.idx.msk $0xffff, v3;
	v2 =	vld [tilespmem:$0x1FE70]  }
0x124: {  	v20 =	vor.u32 v29, v45;
	v18 =	vld.idx.msk [tilespmem:v19+s17+$0x0], $0xffff  }
0x125: {  	v6 =	vor.u32 v29, v31;
	[tilespmem:$0x1FD20] =	vst v0;
	v0 =	vor.u32 v5, v1;
	v4 =	vld.idx.msk [tilespmem:v15+s23+$0x0], $0xffff  }
0x126: {  	v24 =	vor.u32 v35, v47;
	v15 =	vld.idx.msk [tilespmem:v63+s23+$0x0], $0xffff;
	[tilespmem:$0x1FD10] =	vst v0;
	v0 =	vor.u32 v42, v47  }
0x127: {  	v26 =	vor.u32 v35, v45;
	v16 =	vor.u32 v35, v48;
	v13 =	vadd.f32 v49, v13;
	[tilespmem:$0x1FD00] =	vst v0;
	v0 =	vld [tilespmem:$0x1FF90]  }
0x128: {  	v29 =	vor.u32 v46, v59;
	v12 =	vor.u32 v30, v47;
	v44 =	vor.u32 v40, v60;
	v40 =	vld [tilespmem:$0x1FF60]  }
0x129: {  	v25 =	vor.u32 v30, v48;
	v27 =	vor.u32 v30, v45;
	[tilespmem:v17+s24+$0x0] =	vst.idx.msk $0xffff, v13;
	v13 =	vld.idx.msk [tilespmem:v22+s23+$0x0], $0xffff  }
0x12a: {  	[tilespmem:$0x1FCF0] =	vst v29;
	v29 =	vor.u32 v37, v47;
	v46 =	vor.u32 v33, v47;
	v5 =	vld.idx.msk [tilespmem:v6+s17+$0x0], $0xffff;
	v2 =	vand.u32 $0x3E8, v2  }
0x12b: {  	v8 =	vor.u32 v37, v48;
	v54 =	vor.u32 v33, v48;
	v63 =	vor.u32 v2, v1;
	v2 =	vld [tilespmem:$0x1FE60]  }
0x12c: {  	v17 =	vor.u32 v35, v31;
	v35 =	vld [tilespmem:$0x1FE50];
	v14 =	vadd.f32 v15, v14;
	v6 =	vor.u32 v0, v52  }
0x12d: {  	v50 =	vor.u32 v36, v47;
	v3 =	vand.u32 $0x3B8, v6;
	v6 =	vor.u32 v39, v60;
	v39 =	vld [tilespmem:$0x1FDC0]  }
0x12e: {  	v56 =	vor.u32 v36, v48;
	v20 =	vld.idx.msk [tilespmem:v20+s17+$0x0], $0xffff;
	[tilespmem:v11+s24+$0x0] =	vst.idx.msk $0xffff, v14;
	v11 =	vadd.f32 v13, v18  }
0x12f: {  	v22 =	vor.u32 v30, v31;
	v21 =	vld.idx.msk [tilespmem:v21+s23+$0x0], $0xffff;
	v62 =	vor.u32 v42, v48;
	v19 =	vor.u32 v3, v53  }
0x130: {  	v30 =	vadd.f32 v4, v5;
	v2 =	vor.u32 v2, v59;
	v18 =	vld.idx.msk [tilespmem:v24+s17+$0x0], $0xffff;
	[tilespmem:v23+s24+$0x0] =	vst.idx.msk $0xffff, v11  }
0x131: {  	v4 =	vor.u32 v40, v48;
	[tilespmem:$0x1FD30] =	vst v2;
	v2 =	vor.u32 v40, v47;
	v24 =	vld.idx.msk [tilespmem:v16+s17+$0x0], $0xffff  }
0x132: {  	v16 =	vld [tilespmem:$0x1FDE0];
	v5 =	vor.u32 v39, v47;
	v47 =	vor.u32 v39, v48;
	v48 =	vor.u32 v40, v45  }
0x133: {  	[tilespmem:$0x1FD40] =	vst v48;
	v48 =	vld [tilespmem:$0x1FFA0]  }
0x134: {  	[tilespmem:v19+s24+$0x0] =	vst.idx.msk $0xffff, v30;
	v19 =	vadd.f32 v7, v10;
	v10 =	vld.idx.msk [tilespmem:v12+s23+$0x0], $0xffff  }
0x135: {  	v30 =	vadd.f32 v43, v38;
	v38 =	vld.idx.msk [tilespmem:v22+s23+$0x0], $0xffff;
	v22 =	vor.u32 v28, v60  }
0x136: {  	v7 =	vadd.f32 v21, v20;
	v20 =	vmov v22;
	v22 =	vld [tilespmem:$0x1FDF0]  }
0x137: {  	v17 =	vld.idx.msk [tilespmem:v17+s17+$0x0], $0xffff  }
0x138: {  	v15 =	vand.u32 $0x3F8, v35;
	v35 =	vld [tilespmem:$0x1FFC0]  }
0x139: {  	v43 =	vadd.f32 v51, v41;
	v21 =	vld [tilespmem:$0x1FE40];
	v51 =	vor.u32 v48, v52  }
0x13a: {  	[tilespmem:v16+s24+$0x0] =	vst.idx.msk $0xffff, v19;
	v16 =	vld.idx.msk [tilespmem:v25+s23+$0x0], $0xffff;
	v11 =	vand.u32 $0x3C8, v51  }
0x13b: {  	[tilespmem:v32+s24+$0x0] =	vst.idx.msk $0xffff, v7;
	v7 =	vld [tilespmem:$0x1FCF0];
	v10 =	vadd.f32 v10, v18;
	v11 =	vor.u32 v11, v53  }
0x13c: {  	v19 =	vor.u32 v37, v31;
	[tilespmem:$0x1FDE0] =	vst v20;
	v13 =	vadd.f32 v38, v17;
	v17 =	vld [tilespmem:$0x1FE30]  }
0x13d: {  	v1 =	vor.u32 v15, v1;
	v20 =	vld.idx.msk [tilespmem:v26+s17+$0x0], $0xffff;
	[tilespmem:v9+s24+$0x0] =	vst.idx.msk $0xffff, v10  }
0x13e: {  	v21 =	vand.u32 $0x3F8, v21;
	v9 =	vld.idx.msk [tilespmem:v46+s23+$0x0], $0xffff;
	[tilespmem:v22+s24+$0x0] =	vst.idx.msk $0xffff, v30;
	v22 =	vmov v1  }
0x13f: {  	v55 =	vlaneseq.u32;
	v60 =	vor.u32 v21, v59;
	v21 =	vor.u32 v33, v31;
	v30 =	vld [tilespmem:$0x1FFB0];
	[tilespmem:$0x1FDF0] =	vst v22  }
0x140: {  	v1 =	vadd.s32 s16, v55;
	v22 =	vld.idx.msk [tilespmem:v27+s23+$0x0], $0xffff;
	[tilespmem:v11+s24+$0x0] =	vst.idx.msk $0xffff, v13  }
0x141: {  	v59 =	vshll.u32 v1, $0x7;
	v38 =	vld.idx.msk [tilespmem:v19+s17+$0x0], $0xffff  }
0x142: {  	v51 =	vmov v60;
	v60 =	vor.u32 v35, v59;
	v19 =	vld.idx.msk [tilespmem:v29+s17+$0x0], $0xffff  }
0x143: {  	v10 =	vadd.f32 v16, v24;
	v13 =	vand.u32 $0x3E8, v60;
	v60 =	vld [tilespmem:$0x1FD00]  }
0x144: {  	[tilespmem:v17+s24+$0x0] =	vst.idx.msk $0xffff, v43;
	v43 =	vld.idx.msk [tilespmem:v21+s23+$0x0], $0xffff;
	v21 =	vor.u32 v30, v52  }
0x145: {  	v58 =	vor.u32 v37, v45;
	[tilespmem:v61+s24+$0x0] =	vst.idx.msk $0xffff, v10;
	v61 =	vld [tilespmem:$0x1FD10];
	v20 =	vadd.f32 v22, v20;
	v10 =	vand.u32 $0x3D8, v21  }
0x146: {  	v8 =	vld.idx.msk [tilespmem:v8+s17+$0x0], $0xffff;
	v10 =	vor.u32 v10, v53  }
0x147: {  	[tilespmem:v7+s24+$0x0] =	vst.idx.msk $0xffff, v20;
	v7 =	vld.idx.msk [tilespmem:v54+s23+$0x0], $0xffff;
	v20 =	vor.u32 v42, v31  }
0x148: {  	s10 =	sadd.s32 $0x2, s16;
	v57 =	vor.u32 v33, v45;
	v49 =	vor.u32 v42, v45;
	v22 =	vld [tilespmem:$0x1FF30];
	v9 =	vadd.f32 v9, v19  }
0x149: {  	v28 =	vor.u32 v36, v31;
	[tilespmem:$0x1FE30] =	vst v51;
	v51 =	vadd.s32 s10, v55;
	v14 =	vadd.f32 v43, v38  }
0x14a: {  	v26 =	vshll.u32 v51, $0x7;
	v11 =	vor.u32 v30, v59;
	v54 =	vld.idx.msk [tilespmem:v58+s17+$0x0], $0xffff;
	[tilespmem:v44+s24+$0x0] =	vst.idx.msk $0xffff, v9  }
0x14b: {  	s4 =	sadd.s32 $0x1, s16;
	v42 =	vand.u32 $0x3D8, v11;
	v11 =	vor.u32 v35, v26;
	[tilespmem:v10+s24+$0x0] =	vst.idx.msk $0xffff, v14;
	v14 =	vld.idx.msk [tilespmem:v60+s17+$0x0], $0xffff  }
0x14c: {  	v23 =	vadd.s32 s4, v55;
	v18 =	vor.u32 v0, v59;
	[tilespmem:$0x1FE70] =	vst v11;
	v11 =	vld.idx.msk [tilespmem:v20+s17+$0x0], $0xffff;
	v7 =	vadd.f32 v7, v8  }
0x14d: {  	v19 =	vor.u32 v35, v52;
	v12 =	vor.u32 v22, v59;
	v22 =	vshll.u32 v23, $0x7;
	v20 =	vld.idx.msk [tilespmem:v50+s23+$0x0], $0xffff  }
0x14e: {  	v50 =	vor.u32 v0, v26;
	[tilespmem:v61+s24+$0x0] =	vst.idx.msk $0xffff, v7;
	v7 =	vand.u32 $0x3E8, v19;
	v19 =	vor.u32 v0, v22;
	v0 =	vld [tilespmem:$0x1FD20]  }
0x14f: {  	v58 =	vld.idx.msk [tilespmem:v57+s23+$0x0], $0xffff;
	_ =	sdelay $0x2  }
0x150: {  	v3 =	vor.u32 v36, v45;
	v37 =	vld [tilespmem:$0x1FF80];
	v14 =	vadd.f32 v20, v14  }
0x151: {  	v45 =	vor.u32 v39, v45;
	v16 =	vor.u32 v34, v59;
	v17 =	vor.u32 v48, v59;
	v8 =	vld.idx.msk [tilespmem:v28+s23+$0x0], $0xffff  }
0x152: {  	v46 =	vand.u32 $0x3C8, v17;
	v17 =	vadd.f32 v58, v54;
	v54 =	vand.u32 $0x3A8, v16;
	v16 =	vld.idx.msk [tilespmem:v56+s23+$0x0], $0xffff;
	[tilespmem:v6+s24+$0x0] =	vst.idx.msk $0xffff, v14  }
0x153: {  	v25 =	vand.u32 $0x7, v23;
	v57 =	vor.u32 v34, v22;
	v56 =	vor.u32 v34, v26;
	v34 =	vld.idx.msk [tilespmem:v2+s17+$0x0], $0xffff  }
0x154: {  	v24 =	vand.u32 $0xF, v51;
	v41 =	vand.u32 $0xF, v1;
	v1 =	vand.u32 $0x7, v1;
	v2 =	vld [tilespmem:$0x1FD30];
	[tilespmem:v0+s24+$0x0] =	vst.idx.msk $0xffff, v17  }
0x155: {  	v36 =	vor.u32 v30, v26;
	v10 =	vor.u32 v30, v22;
	v30 =	vand.u32 $0x3B8, v18;
	v18 =	vld.idx.msk [tilespmem:v49+s17+$0x0], $0xffff  }
0x156: {  	v28 =	vor.u32 v39, v31;
	v7 =	vor.u32 v7, v53;
	v17 =	vor.u32 v40, v31;
	v31 =	vld.idx.msk [tilespmem:v3+s23+$0x0], $0xffff  }
0x157: {  	v33 =	vor.u32 v37, v59;
	v29 =	vand.u32 $0x7, v51;
	v21 =	vor.u32 v55, v59;
	v27 =	vld.idx.msk [tilespmem:v62+s17+$0x0], $0xffff  }
0x158: {  	v44 =	vor.u32 v48, v26;
	v23 =	vand.u32 $0xF, v23;
	v59 =	vor.u32 v37, v26  }
0x159: {  	[tilespmem:$0x1FE60] =	vst v13;
	v15 =	vor.u32 v37, v22;
	v13 =	vor.u32 v35, v22;
	v8 =	vadd.f32 v8, v11;
	v0 =	vld [tilespmem:$0x1FF30]  }
0x15a: {  	[tilespmem:$0x1FE40] =	vst v33;
	v9 =	vor.u32 v48, v22;
	v11 =	vor.u32 v55, v22;
	v20 =	vld [tilespmem:$0x1FF10];
	v6 =	vor.u32 v37, v52  }
0x15b: {  	v33 =	vand.u32 $0x3F8, v15;
	[tilespmem:v7+s24+$0x0] =	vst.idx.msk $0xffff, v8;
	v7 =	vand.u32 $0x388, v11;
	v37 =	vld.idx.msk [tilespmem:v5+s23+$0x0], $0xffff;
	v11 =	vadd.f32 v31, v18  }
0x15c: {  	v39 =	vand.u32 $0x3E8, v13;
	v49 =	vand.u32 $0x3C8, v9;
	v9 =	vadd.f32 v16, v27;
	v27 =	vld.idx.msk [tilespmem:v28+s23+$0x0], $0xffff  }
0x15d: {  	s12 =	sadd.s32 $0x3, s16;
	v58 =	vand.u32 $0x398, v12;
	v32 =	vand.u32 $0x3B8, v19;
	v19 =	vlaneseq.u32;
	[tilespmem:v2+s24+$0x0] =	vst.idx.msk $0xffff, v11;
	v11 =	vld [tilespmem:$0x1FD40]  }
0x15e: {  	[tilespmem:$0x1FE50] =	vst v59;
	v8 =	vadd.s32 s12, v19;
	v3 =	vand.u32 $0x3F8, v6;
	v62 =	vor.u32 v0, v22;
	v22 =	vld [tilespmem:$0x1FF30]  }
0x15f: {  	s19 =	sand.u32 $0x30, s16;
	v40 =	vand.u32 $0x3D8, v10;
	v6 =	vand.u32 $0xF, v8;
	v59 =	vor.u32 v3, v53;
	[tilespmem:v63+s24+$0x0] =	vst.idx.msk $0xffff, v9;
	v10 =	vld.idx.msk [tilespmem:v17+s17+$0x0], $0xffff  }
0x160: {  	v3 =	vor.u32 s19, v23;
	v53 =	vor.u32 s19, v6;
	v9 =	vor.u32 s19, v24;
	v38 =	vld.idx.msk [tilespmem:v4+s17+$0x0], $0xffff  }
0x161: {  	v6 =	vand.u32 $0x7, v8;
	v4 =	vand.u32 $0x38, v53;
	v63 =	vand.u32 $0x38, v9;
	v18 =	vld [tilespmem:$0x1FF00]  }
0x162: {  	p1 =	slt.u32 s16, $0x3C;
	v0 =	vand.u32 $0x388, v21;
	v31 =	vor.u32 v6, v4;
	v6 =	vld [tilespmem:$0x1FEF0];
	v2 =	vor.u32 s19, v41  }
.Ltmp1:
0x163: {  	v23 =	vld [tilespmem:$0x1FF40];
	v48 =	vor.u32 v29, v63;
	v61 =	vand.u32 $0x398, v62;
	v60 =	vand.u32 $0x38, v2;
	(pc) =	sbr.rel @p1 .LBB2_5-.Ltmp1, $4  }
0x164: {  	v51 =	vld.idx.msk [tilespmem:v45+s23+$0x0], $0xffff;
	v21 =	vor.u32 v22, v26;
	v26 =	vor.u32 v55, v26;
	v10 =	vadd.f32 v27, v10  }
0x165: {  	v45 =	vor.u32 v1, v60;
	v62 =	vand.u32 $0x398, v21;
	v41 =	vld.idx.msk [tilespmem:v11+s17+$0x0], $0xffff;
	v11 =	vand.u32 $0x38, v3  }
0x166: {  	v43 =	vld.idx.msk [tilespmem:v47+s23+$0x0], $0xffff;
	v5 =	vand.u32 $0x388, v26;
	v4 =	vor.u32 v18, v31;
	v47 =	vor.u32 v25, v11  }
0x167: {  	s16 =	sadd.s32 $0x4, s16;
	v21 =	vld [tilespmem:$0x1FF20];
	v6 =	vor.u32 v6, v31;
	[tilespmem:v59+s24+$0x0] =	vst.idx.msk $0xffff, v10;
	v3 =	vshll.u32 v3, $0x7;
	v1 =	vor.u32 v18, v47  }
0x168: {  	v14 =	vld [tilespmem:$0x1FEF0];
	_ =	sdelay $0x4  }
0x169: {  	v4 =	vld.idx.msk [tilespmem:v4+s17+$0x0], $0xffff;
	v52 =	vshll.u32 v8, $0x7;
	v8 =	vshll.u32 v53, $0x7;
	v10 =	vor.u32 v14, v47  }
0x16a: {  	v6 =	vld.idx.msk [tilespmem:v6+s23+$0x0], $0xffff;
	v12 =	vor.u32 v18, v48;
	v11 =	vor.u32 v19, v52;
	v8 =	vand.u32 $0x1C00, v8  }
0x16b: {  	v15 =	vld [tilespmem:$0x1FD50];
	v11 =	vand.u32 $0x388, v11;
	v53 =	vor.u32 v20, v8;
	v8 =	vor.u32 v14, v48  }
0x16c: {  	v11 =	vor.u32 v11, v53  }
0x16d: {  	v13 =	vor.u32 v18, v45;
	v1 =	vld.idx.msk [tilespmem:v1+s17+$0x0], $0xffff;
	v3 =	vand.u32 $0x1C00, v3  }
0x16e: {  	v2 =	vshll.u32 v2, $0x7;
	v24 =	vor.u32 v20, v3;
	v3 =	vor.u32 v21, v31;
	v10 =	vld.idx.msk [tilespmem:v10+s23+$0x0], $0xffff  }
0x16f: {  	v14 =	vor.u32 v14, v45;
	v4 =	vadd.f32 v6, v4;
	v6 =	vshll.u32 v9, $0x7;
	v9 =	vld.idx.msk [tilespmem:v12+s17+$0x0], $0xffff  }
0x170: {  	v7 =	vor.u32 v7, v24;
	v55 =	vor.u32 v15, v31;
	v6 =	vand.u32 $0x1C00, v6;
	v8 =	vld.idx.msk [tilespmem:v8+s23+$0x0], $0xffff  }
0x171: {  	v2 =	vand.u32 $0x1C00, v2;
	v59 =	vor.u32 v20, v6;
	[tilespmem:v11+s24+$0x0] =	vst.idx.msk $0xffff, v4;
	v4 =	vor.u32 v21, v47  }
0x172: {  	v60 =	vor.u32 v20, v2;
	v6 =	vld.idx.msk [tilespmem:v13+s17+$0x0], $0xffff;
	v11 =	vor.u32 v15, v47;
	v2 =	vor.u32 v5, v59  }
0x173: {  	v63 =	vor.u32 v21, v48;
	v3 =	vld.idx.msk [tilespmem:v3+s17+$0x0], $0xffff;
	v1 =	vadd.f32 v10, v1  }
0x174: {  	v5 =	vld.idx.msk [tilespmem:v14+s23+$0x0], $0xffff  }
0x175: {  	v8 =	vadd.f32 v8, v9;
	[tilespmem:v7+s24+$0x0] =	vst.idx.msk $0xffff, v1;
	v7 =	vld.idx.msk [tilespmem:v55+s23+$0x0], $0xffff  }
0x176: {  	v4 =	vld.idx.msk [tilespmem:v4+s17+$0x0], $0xffff  }
0x177: {  	[tilespmem:v2+s24+$0x0] =	vst.idx.msk $0xffff, v8;
	v11 =	vld.idx.msk [tilespmem:v11+s23+$0x0], $0xffff  }
0x178: {  	v35 =	vor.u32 v22, v52;
	v0 =	vor.u32 v0, v60;
	v1 =	vor.u32 v15, v48;
	v8 =	vld.idx.msk [tilespmem:v63+s17+$0x0], $0xffff  }
0x179: {  	v12 =	vand.u32 $0x398, v35;
	v9 =	vor.u32 v21, v45;
	v63 =	vld [tilespmem:$0x1FD60]  }
0x17a: {  	v12 =	vor.u32 v12, v53;
	v55 =	vor.u32 v15, v45  }
0x17b: {  	v5 =	vadd.f32 v5, v6;
	v6 =	vor.u32 v61, v24;
	v2 =	vor.u32 v23, v31;
	_ =	sdelay $0x1  }
0x17c: {  	[tilespmem:v0+s24+$0x0] =	vst.idx.msk $0xffff, v5;
	v0 =	vor.u32 v23, v47;
	v1 =	vld.idx.msk [tilespmem:v1+s23+$0x0], $0xffff;
	v3 =	vadd.f32 v7, v3  }
0x17d: {  	v7 =	vld.idx.msk [tilespmem:v9+s17+$0x0], $0xffff;
	v35 =	vor.u32 v63, v31;
	v4 =	vadd.f32 v11, v4  }
0x17e: {  	v55 =	vld.idx.msk [tilespmem:v55+s23+$0x0], $0xffff;
	v5 =	vor.u32 v63, v47;
	[tilespmem:v12+s24+$0x0] =	vst.idx.msk $0xffff, v3;
	v3 =	vor.u32 v62, v59  }
0x17f: {  	v2 =	vld.idx.msk [tilespmem:v2+s17+$0x0], $0xffff;
	[tilespmem:v6+s24+$0x0] =	vst.idx.msk $0xffff, v4  }
0x180: {  	v17 =	vld [tilespmem:$0x1FF70]  }
0x181: {  	v0 =	vld.idx.msk [tilespmem:v0+s17+$0x0], $0xffff;
	v1 =	vadd.f32 v1, v8  }
0x182: {  	v6 =	vld.idx.msk [tilespmem:v35+s23+$0x0], $0xffff  }
0x183: {  	v5 =	vld.idx.msk [tilespmem:v5+s23+$0x0], $0xffff;
	[tilespmem:v3+s24+$0x0] =	vst.idx.msk $0xffff, v1  }
0x184: {  	v58 =	vor.u32 v58, v60;
	v61 =	vor.u32 v23, v48;
	v26 =	vld [tilespmem:$0x1FFF0]  }
0x185: {  	v4 =	vor.u32 v63, v48;
	v35 =	vand.u32 $0x3A8, v57;
	v14 =	vld [tilespmem:$0x1FD70];
	v62 =	vor.u32 v17, v52  }
0x186: {  	v8 =	vor.u32 v23, v45;
	v3 =	vor.u32 v35, v24;
	v10 =	vand.u32 $0x3A8, v62  }
0x187: {  	v63 =	vor.u32 v63, v45;
	v10 =	vor.u32 v10, v53  }
0x188: {  	v7 =	vadd.f32 v55, v7  }
0x189: {  	v55 =	vld.idx.msk [tilespmem:v61+s17+$0x0], $0xffff;
	v0 =	vadd.f32 v5, v0;
	v1 =	vor.u32 v26, v31  }
0x18a: {  	[tilespmem:v58+s24+$0x0] =	vst.idx.msk $0xffff, v7;
	v4 =	vld.idx.msk [tilespmem:v4+s23+$0x0], $0xffff;
	v2 =	vadd.f32 v6, v2;
	v57 =	vor.u32 v14, v31  }
0x18b: {  	v8 =	vld.idx.msk [tilespmem:v8+s17+$0x0], $0xffff;
	v6 =	vand.u32 $0x3A8, v56;
	v7 =	vor.u32 v26, v47;
	[tilespmem:v3+s24+$0x0] =	vst.idx.msk $0xffff, v0  }
0x18c: {  	v58 =	vor.u32 v14, v47;
	[tilespmem:v10+s24+$0x0] =	vst.idx.msk $0xffff, v2;
	v2 =	vor.u32 v6, v59;
	v6 =	vld.idx.msk [tilespmem:v63+s23+$0x0], $0xffff  }
0x18d: {  	v63 =	vld [tilespmem:$0x1FF90]  }
0x18e: {  	v1 =	vld.idx.msk [tilespmem:v1+s17+$0x0], $0xffff  }
0x18f: {  	v4 =	vadd.f32 v4, v55;
	v3 =	vld.idx.msk [tilespmem:v57+s23+$0x0], $0xffff  }
0x190: {  	v7 =	vld.idx.msk [tilespmem:v7+s17+$0x0], $0xffff  }
0x191: {  	v11 =	vld.idx.msk [tilespmem:v58+s23+$0x0], $0xffff;
	[tilespmem:v2+s24+$0x0] =	vst.idx.msk $0xffff, v4  }
0x192: {  	v35 =	vor.u32 v26, v48;
	v15 =	vld [tilespmem:$0x1FFE0]  }
0x193: {  	v5 =	vor.u32 v54, v60;
	v0 =	vor.u32 v14, v48;
	v54 =	vor.u32 v63, v52;
	v57 =	vld [tilespmem:$0x1FD90]  }
0x194: {  	v55 =	vor.u32 v26, v45;
	v4 =	vor.u32 v32, v24;
	v12 =	vand.u32 $0x3B8, v54  }
0x195: {  	v56 =	vor.u32 v14, v45;
	v12 =	vor.u32 v12, v53  }
0x196: {  	v6 =	vadd.f32 v6, v8  }
0x197: {  	v8 =	vld.idx.msk [tilespmem:v35+s17+$0x0], $0xffff;
	v7 =	vadd.f32 v11, v7;
	v2 =	vor.u32 v15, v31  }
0x198: {  	v0 =	vld.idx.msk [tilespmem:v0+s23+$0x0], $0xffff;
	[tilespmem:v5+s24+$0x0] =	vst.idx.msk $0xffff, v6;
	v1 =	vadd.f32 v3, v1;
	v58 =	vor.u32 v57, v31  }
0x199: {  	v3 =	vand.u32 $0x3B8, v50;
	v9 =	vld.idx.msk [tilespmem:v55+s17+$0x0], $0xffff;
	[tilespmem:v4+s24+$0x0] =	vst.idx.msk $0xffff, v7;
	v5 =	vor.u32 v15, v47  }
0x19a: {  	v6 =	vor.u32 v57, v47;
	[tilespmem:v12+s24+$0x0] =	vst.idx.msk $0xffff, v1;
	v1 =	vor.u32 v3, v59;
	v3 =	vld.idx.msk [tilespmem:v56+s23+$0x0], $0xffff  }
0x19b: {  	v61 =	vor.u32 v30, v60;
	v30 =	vld [tilespmem:$0x1FFA0]  }
0x19c: {  	v2 =	vld.idx.msk [tilespmem:v2+s17+$0x0], $0xffff  }
0x19d: {  	v0 =	vadd.f32 v0, v8;
	v7 =	vld.idx.msk [tilespmem:v58+s23+$0x0], $0xffff  }
0x19e: {  	v5 =	vld.idx.msk [tilespmem:v5+s17+$0x0], $0xffff  }
0x19f: {  	v62 =	vor.u32 v15, v48;
	v6 =	vld.idx.msk [tilespmem:v6+s23+$0x0], $0xffff;
	[tilespmem:v1+s24+$0x0] =	vst.idx.msk $0xffff, v0  }
0x1a0: {  	v4 =	vor.u32 v57, v48;
	v13 =	vor.u32 v30, v52;
	v27 =	vld [tilespmem:$0x1FFD0]  }
0x1a1: {  	v8 =	vor.u32 v15, v45;
	v1 =	vor.u32 v49, v24;
	v10 =	vand.u32 $0x3C8, v13  }
0x1a2: {  	v32 =	vor.u32 v57, v45;
	v49 =	vld [tilespmem:$0x1FE20];
	v10 =	vor.u32 v10, v53  }
0x1a3: {  	v3 =	vadd.f32 v3, v9  }
0x1a4: {  	v35 =	vld.idx.msk [tilespmem:v62+s17+$0x0], $0xffff;
	v5 =	vadd.f32 v6, v5  }
0x1a5: {  	v4 =	vld.idx.msk [tilespmem:v4+s23+$0x0], $0xffff;
	[tilespmem:v61+s24+$0x0] =	vst.idx.msk $0xffff, v3;
	v2 =	vadd.f32 v7, v2;
	v0 =	vor.u32 v27, v31  }
0x1a6: {  	v7 =	vand.u32 $0x3C8, v44;
	v8 =	vld.idx.msk [tilespmem:v8+s17+$0x0], $0xffff;
	[tilespmem:v1+s24+$0x0] =	vst.idx.msk $0xffff, v5;
	v3 =	vor.u32 v27, v47  }
0x1a7: {  	v54 =	vor.u32 v49, v47;
	[tilespmem:v10+s24+$0x0] =	vst.idx.msk $0xffff, v2;
	v2 =	vor.u32 v7, v59;
	v7 =	vld.idx.msk [tilespmem:v32+s23+$0x0], $0xffff  }
0x1a8: {  	v50 =	vor.u32 v49, v31;
	v28 =	vld [tilespmem:$0x1FFB0];
	_ =	sdelay $0x1  }
0x1a9: {  	v55 =	vor.u32 v46, v60;
	v0 =	vld.idx.msk [tilespmem:v0+s17+$0x0], $0xffff  }
0x1aa: {  	v4 =	vadd.f32 v4, v35;
	v3 =	vld.idx.msk [tilespmem:v3+s17+$0x0], $0xffff  }
0x1ab: {  	v6 =	vor.u32 v27, v48;
	v11 =	vld.idx.msk [tilespmem:v54+s23+$0x0], $0xffff  }
0x1ac: {  	v5 =	vld.idx.msk [tilespmem:v50+s23+$0x0], $0xffff;
	[tilespmem:v2+s24+$0x0] =	vst.idx.msk $0xffff, v4;
	v2 =	vadd.f32 v7, v8;
	v57 =	vor.u32 v28, v52  }
0x1ad: {  	v1 =	vor.u32 v49, v48;
	v7 =	vor.u32 v40, v24;
	v9 =	vand.u32 $0x3D8, v57  }
0x1ae: {  	v58 =	vor.u32 v49, v45;
	v16 =	vld [tilespmem:$0x1FF50];
	[tilespmem:v55+s24+$0x0] =	vst.idx.msk $0xffff, v2;
	v4 =	vor.u32 v9, v53  }
0x1af: {  	v61 =	vld [tilespmem:$0x1FD80]  }
0x1b0: {  	v3 =	vadd.f32 v11, v3  }
0x1b1: {  	v56 =	vor.u32 v27, v45;
	v6 =	vld.idx.msk [tilespmem:v6+s17+$0x0], $0xffff;
	v0 =	vadd.f32 v5, v0  }
0x1b2: {  	v1 =	vld.idx.msk [tilespmem:v1+s23+$0x0], $0xffff;
	[tilespmem:v7+s24+$0x0] =	vst.idx.msk $0xffff, v3  }
0x1b3: {  	v35 =	vld.idx.msk [tilespmem:v58+s23+$0x0], $0xffff;
	v8 =	vor.u32 v16, v31;
	[tilespmem:v4+s24+$0x0] =	vst.idx.msk $0xffff, v0  }
0x1b4: {  	v2 =	vor.u32 v61, v31;
	v58 =	vld [tilespmem:$0x1FFC0]  }
0x1b5: {  	v62 =	vand.u32 $0x3D8, v36  }
0x1b6: {  	v10 =	vld.idx.msk [tilespmem:v56+s17+$0x0], $0xffff;
	v9 =	vor.u32 v62, v59;
	v5 =	vor.u32 v16, v47;
	_ =	sdelay $0x1  }
0x1b7: {  	v32 =	vor.u32 v61, v47;
	v4 =	vor.u32 v42, v60;
	v7 =	vld.idx.msk [tilespmem:v8+s17+$0x0], $0xffff  }
0x1b8: {  	v1 =	vadd.f32 v1, v6;
	v2 =	vld.idx.msk [tilespmem:v2+s23+$0x0], $0xffff;
	v6 =	vor.u32 v58, v52  }
0x1b9: {  	v0 =	vor.u32 v16, v48;
	v6 =	vand.u32 $0x3E8, v6  }
0x1ba: {  	[tilespmem:v9+s24+$0x0] =	vst.idx.msk $0xffff, v1;
	v1 =	vadd.f32 v35, v10;
	v5 =	vld.idx.msk [tilespmem:v5+s17+$0x0], $0xffff;
	v6 =	vor.u32 v6, v53  }
0x1bb: {  	v8 =	vor.u32 v16, v45;
	v16 =	vld [tilespmem:$0x1FF60]  }
0x1bc: {  	v3 =	vor.u32 v61, v48;
	v40 =	vld.idx.msk [tilespmem:v32+s23+$0x0], $0xffff;
	[tilespmem:v4+s24+$0x0] =	vst.idx.msk $0xffff, v1  }
0x1bd: {  	v36 =	vor.u32 v61, v45;
	v46 =	vld [tilespmem:$0x1FE70];
	v2 =	vadd.f32 v2, v7  }
0x1be: {  	v0 =	vld.idx.msk [tilespmem:v0+s17+$0x0], $0xffff  }
0x1bf: {  	v44 =	vld [tilespmem:$0x1FDC0];
	[tilespmem:v6+s24+$0x0] =	vst.idx.msk $0xffff, v2  }
0x1c0: {  	v6 =	vld [tilespmem:$0x1FE60]  }
0x1c1: {  	v3 =	vld.idx.msk [tilespmem:v3+s23+$0x0], $0xffff  }
0x1c2: {  	v13 =	vld.idx.msk [tilespmem:v36+s23+$0x0], $0xffff;
	v11 =	vand.u32 $0x3E8, v46  }
0x1c3: {  	v8 =	vld.idx.msk [tilespmem:v8+s17+$0x0], $0xffff;
	v11 =	vor.u32 v11, v59  }
0x1c4: {  	v1 =	vor.u32 v39, v24  }
0x1c5: {  	v6 =	vor.u32 v6, v60  }
0x1c6: {  	v0 =	vadd.f32 v3, v0  }
0x1c7: {  	v2 =	vadd.f32 v40, v5  }
0x1c8: {  	[tilespmem:v11+s24+$0x0] =	vst.idx.msk $0xffff, v0;
	v0 =	vadd.f32 v13, v8  }
0x1c9: {  	[tilespmem:v1+s24+$0x0] =	vst.idx.msk $0xffff, v2  }
0x1ca: {  	v62 =	vld [tilespmem:$0x1FF80];
	[tilespmem:v6+s24+$0x0] =	vst.idx.msk $0xffff, v0  }
0x1cb: {  	v57 =	vld [tilespmem:$0x1FDE0];
	_ =	sdelay $0x2  }
0x1cc: {  	v42 =	vor.u32 v16, v31;
	v56 =	vld [tilespmem:$0x1FE50];
	_ =	sdelay $0x1  }
0x1cd: {  	v4 =	vor.u32 v44, v31;
	v8 =	vor.u32 v62, v52  }
0x1ce: {  	v7 =	vor.u32 v16, v47;
	v0 =	vand.u32 $0x3F8, v8;
	v8 =	vadd.f32 v37, v34  }
0x1cf: {  	v49 =	vor.u32 v44, v47  }
0x1d0: {  	v5 =	vor.u32 v16, v48;
	v10 =	vld.idx.msk [tilespmem:v42+s17+$0x0], $0xffff;
	v12 =	vand.u32 $0x3F8, v56;
	[tilespmem:v57+s24+$0x0] =	vst.idx.msk $0xffff, v8  }
0x1d1: {  	v12 =	vor.u32 v12, v59;
	v59 =	vld [tilespmem:$0x1FDF0]  }
0x1d2: {  	v50 =	vor.u32 v44, v48;
	v2 =	vld.idx.msk [tilespmem:v4+s23+$0x0], $0xffff  }
0x1d3: {  	v1 =	vor.u32 v16, v45;
	v4 =	vld.idx.msk [tilespmem:v7+s17+$0x0], $0xffff  }
0x1d4: {  	v3 =	vor.u32 v44, v45;
	v7 =	vld.idx.msk [tilespmem:v49+s23+$0x0], $0xffff  }
0x1d5: {  	v5 =	vld.idx.msk [tilespmem:v5+s17+$0x0], $0xffff  }
0x1d6: {  	v13 =	vld [tilespmem:$0x1FE40]  }
0x1d7: {  	v54 =	vadd.f32 v43, v38;
	v6 =	vld.idx.msk [tilespmem:v50+s23+$0x0], $0xffff  }
0x1d8: {  	v1 =	vld.idx.msk [tilespmem:v1+s17+$0x0], $0xffff  }
0x1d9: {  	v0 =	vor.u32 v0, v53;
	v3 =	vld.idx.msk [tilespmem:v3+s23+$0x0], $0xffff;
	[tilespmem:v59+s24+$0x0] =	vst.idx.msk $0xffff, v54  }
0x1da: {  	v55 =	vor.u32 v33, v24;
	v61 =	vld [tilespmem:$0x1FE30]  }
0x1db: {  	v13 =	vand.u32 $0x3F8, v13  }
0x1dc: {  	v2 =	vadd.f32 v2, v10;
	v60 =	vor.u32 v13, v60  }
0x1dd: {  	v4 =	vadd.f32 v7, v4  }
0x1de: {  	[tilespmem:v0+s24+$0x0] =	vst.idx.msk $0xffff, v2;
	v0 =	vadd.f32 v6, v5  }
0x1df: {  	s4 =	sshll.u32 s31, $0x14;
	v1 =	vadd.f32 v3, v1;
	[tilespmem:v55+s24+$0x0] =	vst.idx.msk $0xffff, v4  }
0x1e0: {  	s16 =	sor.u32 $0x1, s15;
	s4 =	sor.u32 s9, s4;
	v8 =	vadd.f32 v51, v41;
	[tilespmem:v12+s24+$0x0] =	vst.idx.msk $0xffff, v0  }
0x1e1: {  	s19 =	sshll.u32 s16, $0x6;
	s4 =	sshrl.u32 s4, $0x3;
	[tilespmem:v60+s24+$0x0] =	vst.idx.msk $0xffff, v1  }
0x1e2: {  	s19 =	sand.u32 $0x3FFFFFC0, s19;
	s4 =	sadd.s32 s2, s4;
	[tilespmem:v61+s24+$0x0] =	vst.idx.msk $0xffff, v8  }
0x1e3: {  	[hbm4b:s4+s25] =	stream.strided.scatter [tilespmem:s24], [sflag:$0x2], $0x2000, s26, s25, $0x38;
	[tilespmem:$0x1BE00] =	vst v63  }
0x1e4: {  	s12 =	simm.s32 $0x0;
	v0 =	vld [tilespmem:s19+$0xC800]  }
0x1e5: {  	v1 =	vld [tilespmem:s12+$0xFA00];
	_ =	sdelay $0x4  }
0x1e6: {  	v2 =	vld [tilespmem:s12+$0xFA10];
	v0 =	vadd.f32 v1, v0  }
0x1e7: {  	s4 =	simm.s32 $0x40;
	v1 =	vld [tilespmem:s19+$0xC800]  }
0x1e8: {  	[tilespmem:s12+$0xFC00] =	vst v0;
	v0 =	vld [tilespmem:s4+$0xFA00]  }
0x1e9: {  	v3 =	vld [tilespmem:s19+$0xC810];
	_ =	sdelay $0x2  }
0x1ea: {  	s6 =	simm.s32 $0x80;
	v5 =	vld [tilespmem:s19+$0xC800]  }
0x1eb: {  	v0 =	vadd.f32 v0, v1;
	v1 =	vld [tilespmem:s6+$0xFA00]  }
0x1ec: {  	v6 =	vld [tilespmem:s4+$0xFA10];
	v2 =	vadd.f32 v2, v3  }
0x1ed: {  	v3 =	vld [tilespmem:s12+$0xFA20];
	[tilespmem:s4+$0xFC00] =	vst v0  }
0x1ee: {  	[tilespmem:s12+$0xFC10] =	vst v2;
	v2 =	vld [tilespmem:s19+$0xC810]  }
0x1ef: {  	v7 =	vld [tilespmem:s19+$0xC820]  }
0x1f0: {  	v4 =	vld [tilespmem:s19+$0xC800];
	v1 =	vadd.f32 v1, v5  }
0x1f1: {  	v0 =	vld [tilespmem:s12+$0xFA30]  }
0x1f2: {  	[tilespmem:s6+$0xFC00] =	vst v1;
	v1 =	vld [tilespmem:s4+$0xFA20]  }
0x1f3: {  	s7 =	simm.s32 $0xC0;
	v5 =	vadd.f32 v6, v2;
	v2 =	vld [tilespmem:s6+$0xFA10]  }
0x1f4: {  	v6 =	vld [tilespmem:s7+$0xFA00];
	v3 =	vadd.f32 v3, v7  }
0x1f5: {  	[tilespmem:s4+$0xFC10] =	vst v5;
	v5 =	vld [tilespmem:s19+$0xC810]  }
0x1f6: {  	s8 =	simm.s32 $0x400;
	v24 =	vmov v30;
	v16 =	vmov v28;
	[tilespmem:s12+$0xFC20] =	vst v3;
	v3 =	vld [tilespmem:s19+$0xC820]  }
.LBB2_7:
0x1f7: {  	p1 =	sne.s32 s8, $0x700;
	v7 =	vld [tilespmem:s19+$0xC830];
	v8 =	vmov v1;
	s10 =	smov.u32 s6;
	s6 =	smov.u32 s7  }
0x1f8: {  	v9 =	vld [tilespmem:s19+$0xC800]  }
0x1f9: {  	v4 =	vadd.f32 v6, v4;
	v10 =	vld [tilespmem:s4+$0xFA30]  }
.Ltmp2:
0x1fa: {  	v5 =	vadd.f32 v2, v5;
	v1 =	vld [tilespmem:s10+$0xFA20];
	(pc) =	sbr.rel @p1 .LBB2_7-.Ltmp2, $4  }
0x1fb: {  	s7 =	sshra.s32 s8, $0x2;
	[tilespmem:s6+$0xFC00] =	vst v4;
	v2 =	vld [tilespmem:s6+$0xFA10];
	v3 =	vadd.f32 v8, v3  }
0x1fc: {  	v6 =	vld [tilespmem:s7+$0xFA00];
	[tilespmem:s10+$0xFC10] =	vst v5;
	v7 =	vadd.f32 v0, v7  }
0x1fd: {  	v5 =	vld [tilespmem:s19+$0xC810];
	[tilespmem:s4+$0xFC20] =	vst v3;
	v4 =	vmov v9  }
0x1fe: {  	s8 =	sadd.s32 $0x100, s8;
	v3 =	vld [tilespmem:s19+$0xC820];
	[tilespmem:s12+$0xFC30] =	vst v7;
	v0 =	vmov v10;
	s12 =	smov.u32 s4;
	s4 =	smov.u32 s10  }
0x1ff: {  	_ =	sdelay $0x1  }
0x200: {  	v4 =	vadd.f32 v6, v4;
	_ =	sdelay $0x1  }
0x201: {  	[tilespmem:s7+$0xFC00] =	vst v4;
	v4 =	vld [tilespmem:s7+$0xFA10]  }
0x202: {  	v6 =	vld [tilespmem:s19+$0xC810];
	_ =	sdelay $0x3  }
0x203: {  	v2 =	vadd.f32 v2, v5  }
0x204: {  	v5 =	vld [tilespmem:s6+$0xFA20];
	v4 =	vadd.f32 v4, v6  }
0x205: {  	[tilespmem:s6+$0xFC10] =	vst v2;
	v2 =	vld [tilespmem:s7+$0xFA20]  }
0x206: {  	v6 =	vld [tilespmem:s19+$0xC820];
	[tilespmem:s7+$0xFC10] =	vst v4  }
0x207: {  	v4 =	vld [tilespmem:s19+$0xC820]  }
0x208: {  	v1 =	vadd.f32 v1, v3  }
0x209: {  	v7 =	vld [tilespmem:s19+$0xC830]  }
0x20a: {  	v3 =	vld [tilespmem:s4+$0xFA30];
	[tilespmem:s4+$0xFC20] =	vst v1  }
0x20b: {  	v1 =	vld [tilespmem:s19+$0xC830];
	v5 =	vadd.f32 v5, v6  }
0x20c: {  	v6 =	vld [tilespmem:s6+$0xFA30];
	v2 =	vadd.f32 v2, v4  }
0x20d: {  	[tilespmem:s6+$0xFC20] =	vst v5;
	v4 =	vld [tilespmem:s7+$0xFA30]  }
0x20e: {  	v5 =	vld [tilespmem:s19+$0xC830];
	[tilespmem:s7+$0xFC20] =	vst v2  }
0x20f: {  	v2 =	vld [tilespmem:s19+$0xC830];
	_ =	sdelay $0x1  }
0x210: {  	v0 =	vadd.f32 v0, v7  }
0x211: {  	v1 =	vadd.f32 v3, v1  }
0x212: {  	[tilespmem:s12+$0xFC30] =	vst v0;
	v0 =	vadd.f32 v6, v5  }
0x213: {  	[tilespmem:s4+$0xFC30] =	vst v1;
	v1 =	vadd.f32 v4, v2  }
0x214: {  	[tilespmem:s6+$0xFC30] =	vst v0;
	s6 =	sshll.u32 s16, $0x7  }
0x215: {  	s4 =	sand.u32 $0x3FFFFF80, s6;
	[tilespmem:s7+$0xFC30] =	vst v1  }
0x216: {  	v0 =	vld [tilespmem:s4+$0x6400]  }
0x217: {  	v1 =	vld [tilespmem:s4+$0x6410]  }
0x218: {  	v2 =	vld [tilespmem:s4+$0x6420]  }
0x219: {  	v3 =	vld [tilespmem:s4+$0x6430]  }
0x21a: {  	v4 =	vld [tilespmem:s4+$0x6440]  }
0x21b: {  	v5 =	vld [tilespmem:s4+$0x6450]  }
0x21c: {  	v6 =	vld [tilespmem:s4+$0x6460]  }
0x21d: {  	v7 =	vld [tilespmem:s4+$0x6470];
	_ =	sdelay $0x2  }
0x21e: {  	v46 =	vshll.u32 v0, $0x6;
	v56 =	vshll.u32 v1, $0x6;
	v57 =	vshll.u32 v2, $0x6  }
0x21f: {  	s10 =	simm.s32 $0x1;
	v30 =	vshll.u32 v3, $0x6;
	v28 =	vshll.u32 v4, $0x6;
	v43 =	vshll.u32 v5, $0x6  }
0x220: {  	s8 =	simm.s32 $0x0;
	s12 =	simm.s32 $0x2;
	v61 =	vshll.u32 v6, $0x6;
	v0 =	vshll.u32 v7, $0x6;
	v6 =	vadd.s32 s10, v19  }
0x221: {  	v7 =	vadd.s32 s12, v19;
	[tilespmem:$0x1FB80] =	vst v0;
	v0 =	vadd.s32 s8, v19;
	v11 =	vshll.u32 v6, $0x7  }
0x222: {  	v12 =	vand.u32 $0x7, v6;
	v13 =	vshll.u32 v7, $0x7;
	v14 =	vand.u32 $0xF, v6  }
0x223: {  	v15 =	vand.u32 $0x7, v7;
	v1 =	vshll.u32 v0, $0x7;
	v3 =	vand.u32 $0xF, v0  }
0x224: {  	v32 =	vmovc v17;
	v4 =	vand.u32 $0x7, v0;
	v6 =	vor.u32 v62, v11;
	v31 =	vor.u32 v24, v11  }
0x225: {  	s4 =	sand.u32 $0x30, s8;
	v36 =	vor.u32 v24, v13;
	v40 =	vor.u32 v32, v13;
	v52 =	vor.u32 v22, v13  }
0x226: {  	v14 =	vor.u32 s4, v14;
	v0 =	vor.u32 v16, v1;
	v2 =	vor.u32 v58, v1  }
0x227: {  	v5 =	vor.u32 v62, v1;
	v8 =	vor.u32 v17, v1;
	v9 =	vor.u32 v63, v1  }
0x228: {  	v10 =	vor.u32 v19, v1;
	[tilespmem:$0x1FB30] =	vst v6;
	v17 =	vmovc v16;
	v16 =	vand.u32 $0xF, v7;
	v6 =	vor.u32 v62, v13  }
0x229: {  	v7 =	vor.u32 v63, v13;
	v38 =	vand.u32 $0x3C8, v31;
	v44 =	vand.u32 $0x398, v52  }
0x22a: {  	v33 =	vor.u32 s4, v3;
	v35 =	vand.u32 $0x38, v14;
	v55 =	vshll.u32 v14, $0x7  }
0x22b: {  	[tilespmem:$0x1FBC0] =	vst v5;
	v5 =	vor.u32 v24, v1;
	v1 =	vor.u32 v22, v1;
	v2 =	vand.u32 $0x3E8, v2  }
0x22c: {  	v0 =	vand.u32 $0x3D8, v0;
	v34 =	vor.u32 v17, v11;
	[tilespmem:$0x1FB70] =	vst v2;
	v2 =	vor.u32 v58, v11  }
0x22d: {  	s19 =	simm.s32 $0x3;
	[tilespmem:$0x1FB90] =	vst v6;
	v6 =	vand.u32 $0x3C8, v5;
	v5 =	vor.u32 v63, v11;
	v41 =	vand.u32 $0x398, v1  }
0x22e: {  	[tilespmem:$0x1FB20] =	vst v0;
	v1 =	vor.u32 v22, v11;
	v60 =	vand.u32 $0x3B8, v5;
	v5 =	vadd.s32 s19, v19  }
0x22f: {  	v0 =	vor.u32 v58, v13;
	[tilespmem:$0x1FB50] =	vst v2;
	v42 =	vand.u32 $0x398, v1;
	v1 =	vand.u32 $0xF, v5  }
0x230: {  	s6 =	simm.s32 @!p0 $0x2;
	v29 =	vor.u32 v17, v13;
	v39 =	vand.u32 $0x3B8, v9;
	[tilespmem:$0x1FB60] =	vst v0;
	v53 =	vor.u32 s4, v1  }
0x231: {  	v9 =	vor.u32 v32, v11;
	_ =	swait.ge @!p0 [sflag:s6], $0x2000;
	v3 =	vand.u32 $0x7, v5;
	v1 =	vand.u32 $0x38, v53  }
0x232: {  	v10 =	vand.u32 $0x388, v10;
	v16 =	vor.u32 s4, v16;
	[sflag:s6] =	ssyncset.done @!p0 $0x0;
	v31 =	vor.u32 v3, v1  }
0x233: {  	v11 =	vor.u32 v19, v11;
	v13 =	vor.u32 v19, v13;
	[sflag:s6] =	ssyncadd.s32 @!p0 $0xFFFFE000;
	v45 =	vor.u32 v18, v31  }
0x234: {  	v37 =	vand.u32 $0x38, v16;
	p0 =	seq.s32 s31, $0x31;
	_ =	swait.ge [sflag:s21], $0x2000;
	v3 =	vor.u32 v12, v35;
	v59 =	vor.u32 v46, v31  }
0x235: {  	v16 =	vshll.u32 v16, $0x7;
	v0 =	vmovc v46;
	v1 =	vand.u32 $0x38, v33;
	s14 =	sshrl.u32 @!p0 s14, $0x2;
	s6 =	simm.s32 @!p0 $0x80;
	[sflag:s21] =	ssyncset.done $0x0;
	v54 =	vor.u32 v18, v3  }
0x236: {  	s7 =	simm.s32 @!p0 $0xFE00;
	[tilespmem:$0x1FCE0] =	vst v46;
	v1 =	vor.u32 v4, v1;
	v4 =	vor.u32 v15, v37;
	v46 =	vor.u32 v46, v3;
	s4 =	sadd.s32 @!p0 $0x200, s14;
	[sflag:s21] =	ssyncadd.s32 $0xFFFFE000  }
0x237: {  	v11 =	vand.u32 $0x388, v11;
	v16 =	vand.u32 $0x1C00, v16;
	v47 =	vor.u32 v18, v4;
	[tilespmem:s7], [sflag:$0x1] =	stream.indirect.gather @!p0 [hbm4b:s5+s6], $0x40, s4, s6, $0xb8;
	[tilespmem:$0x1BE00] =	vst v63  }
0x238: {  	v33 =	vshll.u32 v33, $0x7;
	v12 =	vand.u32 $0x1C00, v55;
	v48 =	vor.u32 v0, v4;
	v45 =	vld.idx.msk [tilespmem:v45+s18+$0x0], $0xffff  }
0x239: {  	v35 =	vshll.u32 v5, $0x7;
	v5 =	vshll.u32 v53, $0x7;
	v51 =	vand.u32 $0x1C00, v33;
	v14 =	vld.idx.msk [tilespmem:v59+s23+$0x0], $0xffff  }
0x23a: {  	v55 =	vor.u32 v19, v35;
	v5 =	vand.u32 $0x1C00, v5;
	v49 =	vor.u32 v18, v1;
	v15 =	vld.idx.msk [tilespmem:v54+s18+$0x0], $0xffff  }
0x23b: {  	v2 =	vmovc v32;
	v50 =	vor.u32 v0, v1;
	v37 =	vor.u32 v20, v5;
	v59 =	vand.u32 $0x388, v55;
	v46 =	vld.idx.msk [tilespmem:v46+s23+$0x0], $0xffff  }
0x23c: {  	v32 =	vor.u32 v20, v12;
	v33 =	vor.u32 v20, v16;
	v12 =	vor.u32 v59, v37;
	v16 =	vld.idx.msk [tilespmem:v47+s18+$0x0], $0xffff  }
0x23d: {  	v13 =	vand.u32 $0x388, v13;
	v11 =	vor.u32 v11, v32;
	v47 =	vor.u32 v21, v31;
	v48 =	vld.idx.msk [tilespmem:v48+s23+$0x0], $0xffff  }
0x23e: {  	v52 =	vor.u32 v56, v31;
	v53 =	vor.u32 v56, v3;
	v5 =	vor.u32 v20, v51  }
0x23f: {  	v13 =	vor.u32 v13, v33;
	v51 =	vor.u32 v21, v3;
	v49 =	vld.idx.msk [tilespmem:v49+s18+$0x0], $0xffff;
	v14 =	vadd.f32 v14, v45  }
0x240: {  	v10 =	vor.u32 v10, v5;
	v45 =	vld.idx.msk [tilespmem:v50+s23+$0x0], $0xffff;
	[tilespmem:$0x1FAF0] =	vst v56;
	v15 =	vadd.f32 v46, v15  }
0x241: {  	v54 =	vor.u32 v21, v4;
	v50 =	vor.u32 v56, v4;
	[tilespmem:v12+s28+$0x0] =	vst.idx.msk $0xffff, v14  }
0x242: {  	v12 =	vor.u32 v44, v33;
	[tilespmem:v11+s28+$0x0] =	vst.idx.msk $0xffff, v15;
	v11 =	vadd.f32 v48, v16;
	v44 =	vld.idx.msk [tilespmem:v47+s18+$0x0], $0xffff  }
0x243: {  	v55 =	vor.u32 v21, v1;
	v14 =	vor.u32 v22, v35;
	v15 =	vld.idx.msk [tilespmem:v52+s23+$0x0], $0xffff  }
0x244: {  	v56 =	vor.u32 v56, v1;
	v48 =	vld.idx.msk [tilespmem:v51+s18+$0x0], $0xffff;
	[tilespmem:v13+s28+$0x0] =	vst.idx.msk $0xffff, v11;
	v11 =	vand.u32 $0x398, v14  }
0x245: {  	v45 =	vadd.f32 v45, v49;
	v49 =	vld.idx.msk [tilespmem:v53+s23+$0x0], $0xffff;
	v11 =	vor.u32 v11, v37  }
0x246: {  	v40 =	vand.u32 $0x3A8, v40;
	v42 =	vor.u32 v42, v32;
	v52 =	vld.idx.msk [tilespmem:v54+s18+$0x0], $0xffff  }
0x247: {  	[tilespmem:v10+s28+$0x0] =	vst.idx.msk $0xffff, v45;
	v10 =	vor.u32 v40, v33;
	v40 =	vld.idx.msk [tilespmem:v50+s23+$0x0], $0xffff;
	v45 =	vor.u32 v23, v31  }
0x248: {  	v54 =	vor.u32 v57, v31;
	v53 =	vld.idx.msk [tilespmem:v55+s18+$0x0], $0xffff;
	[tilespmem:$0x1FB00] =	vst v57;
	v15 =	vadd.f32 v15, v44  }
0x249: {  	v56 =	vld.idx.msk [tilespmem:v56+s23+$0x0], $0xffff  }
0x24a: {  	v0 =	vor.u32 v41, v5;
	v41 =	vor.u32 v23, v3;
	[tilespmem:v11+s28+$0x0] =	vst.idx.msk $0xffff, v15  }
0x24b: {  	v46 =	vor.u32 v57, v3;
	v48 =	vadd.f32 v49, v48;
	v14 =	vld [tilespmem:$0x1FFE0]  }
0x24c: {  	v16 =	vor.u32 v23, v4;
	v51 =	vor.u32 v57, v4;
	v11 =	vor.u32 v39, v5;
	v39 =	vld.idx.msk [tilespmem:v45+s18+$0x0], $0xffff  }
0x24d: {  	v49 =	vor.u32 v2, v35;
	[tilespmem:v42+s28+$0x0] =	vst.idx.msk $0xffff, v48;
	v40 =	vadd.f32 v40, v52;
	v42 =	vld.idx.msk [tilespmem:v54+s23+$0x0], $0xffff  }
0x24e: {  	v47 =	vor.u32 v23, v1;
	v49 =	vand.u32 $0x3A8, v49;
	v53 =	vadd.f32 v56, v53  }
0x24f: {  	v41 =	vld.idx.msk [tilespmem:v41+s18+$0x0], $0xffff;
	[tilespmem:v12+s28+$0x0] =	vst.idx.msk $0xffff, v40;
	v12 =	vand.u32 $0x3C8, v36;
	v36 =	vor.u32 v49, v37  }
0x250: {  	v46 =	vld.idx.msk [tilespmem:v46+s23+$0x0], $0xffff;
	[tilespmem:v0+s28+$0x0] =	vst.idx.msk $0xffff, v53  }
0x251: {  	v16 =	vld.idx.msk [tilespmem:v16+s18+$0x0], $0xffff;
	v0 =	vor.u32 v6, v5;
	[tilespmem:$0x1FB10] =	vst v30  }
0x252: {  	v6 =	vadd.f32 v42, v39;
	v51 =	vld.idx.msk [tilespmem:v51+s23+$0x0], $0xffff;
	[tilespmem:$0x1FC00] =	vst v0;
	v0 =	vor.u32 v27, v1  }
0x253: {  	v39 =	vld.idx.msk [tilespmem:v47+s18+$0x0], $0xffff;
	[tilespmem:$0x1FC20] =	vst v0  }
0x254: {  	[tilespmem:v36+s28+$0x0] =	vst.idx.msk $0xffff, v6  }
0x255: {  	v13 =	vor.u32 v57, v1;
	v0 =	vld [tilespmem:$0x1FB20]  }
0x256: {  	v9 =	vand.u32 $0x3A8, v9;
	v40 =	vor.u32 v26, v31  }
0x257: {  	v9 =	vor.u32 v9, v32;
	_ =	sdelay $0x2  }
0x258: {  	v41 =	vadd.f32 v46, v41;
	v13 =	vld.idx.msk [tilespmem:v13+s23+$0x0], $0xffff;
	v0 =	vor.u32 v0, v5  }
0x259: {  	v6 =	vld.idx.msk [tilespmem:v40+s18+$0x0], $0xffff;
	[tilespmem:$0x1FC70] =	vst v0  }
0x25a: {  	v50 =	vor.u32 v26, v3;
	v57 =	vor.u32 v26, v4;
	[tilespmem:v9+s28+$0x0] =	vst.idx.msk $0xffff, v41  }
0x25b: {  	v44 =	vor.u32 v26, v1;
	v26 =	vmovc v27;
	v46 =	vor.u32 v27, v4;
	v47 =	vor.u32 v27, v3;
	v27 =	vld [tilespmem:$0x1FB30]  }
0x25c: {  	v53 =	vor.u32 v38, v32;
	v38 =	vor.u32 v30, v31  }
0x25d: {  	v16 =	vadd.f32 v51, v16  }
0x25e: {  	v55 =	vor.u32 v30, v3  }
0x25f: {  	v0 =	vld [tilespmem:$0x1FF50];
	[tilespmem:v10+s28+$0x0] =	vst.idx.msk $0xffff, v16  }
0x260: {  	v25 =	vor.u32 v30, v1;
	v59 =	vor.u32 v30, v4;
	v30 =	vand.u32 $0x3F8, v27;
	v27 =	vld [tilespmem:$0x1FB50]  }
0x261: {  	v34 =	vand.u32 $0x3D8, v34;
	v9 =	vld.idx.msk [tilespmem:v38+s23+$0x0], $0xffff  }
0x262: {  	v8 =	vand.u32 $0x3A8, v8;
	v2 =	vand.u32 $0x3D8, v29;
	v40 =	vor.u32 v34, v32;
	v34 =	vld.idx.msk [tilespmem:v50+s18+$0x0], $0xffff  }
0x263: {  	v8 =	vor.u32 v8, v5;
	v45 =	vor.u32 v28, v3;
	v50 =	vor.u32 v2, v33;
	v2 =	vld.idx.msk [tilespmem:v55+s23+$0x0], $0xffff  }
0x264: {  	v52 =	vor.u32 v28, v4;
	v54 =	vor.u32 v28, v1;
	v38 =	vor.u32 v63, v35;
	v55 =	vld.idx.msk [tilespmem:v57+s18+$0x0], $0xffff  }
0x265: {  	v38 =	vand.u32 $0x3B8, v38;
	[tilespmem:$0x1FB40] =	vst v28;
	v57 =	vor.u32 v28, v31;
	v28 =	vand.u32 $0x3E8, v27;
	v27 =	vld [tilespmem:$0x1FB60]  }
0x266: {  	v38 =	vor.u32 v38, v37  }
0x267: {  	v13 =	vadd.f32 v13, v39;
	_ =	sdelay $0x1  }
0x268: {  	v6 =	vadd.f32 v9, v6;
	[tilespmem:v8+s28+$0x0] =	vst.idx.msk $0xffff, v13;
	v8 =	vld.idx.msk [tilespmem:v59+s23+$0x0], $0xffff  }
0x269: {  	v34 =	vadd.f32 v2, v34;
	v44 =	vld.idx.msk [tilespmem:v44+s18+$0x0], $0xffff;
	v29 =	vand.u32 $0x3E8, v27  }
0x26a: {  	[tilespmem:v38+s28+$0x0] =	vst.idx.msk $0xffff, v6;
	v41 =	vor.u32 v28, v32;
	v28 =	vld.idx.msk [tilespmem:v25+s23+$0x0], $0xffff;
	v2 =	vor.u32 v29, v33  }
0x26b: {  	[tilespmem:$0x1FC90] =	vst v2;
	v2 =	vld [tilespmem:$0x1FB70];
	_ =	sdelay $0x4  }
0x26c: {  	v25 =	vld [tilespmem:$0x1FB80];
	v2 =	vor.u32 v2, v5  }
0x26d: {  	[tilespmem:$0x1FCA0] =	vst v2;
	v2 =	vld [tilespmem:$0x1FF60]  }
0x26e: {  	v10 =	vor.u32 v14, v31  }
0x26f: {  	v60 =	vor.u32 v60, v32  }
0x270: {  	v15 =	vor.u32 v14, v3  }
0x271: {  	v56 =	vor.u32 v43, v3;
	v16 =	vor.u32 v61, v3;
	v51 =	vor.u32 v0, v3  }
0x272: {  	v38 =	vor.u32 v25, v3;
	v6 =	vor.u32 v2, v3;
	v3 =	vor.u32 v2, v4  }
0x273: {  	v7 =	vand.u32 $0x3B8, v7;
	v49 =	vor.u32 v14, v1;
	v10 =	vld.idx.msk [tilespmem:v10+s18+$0x0], $0xffff;
	[tilespmem:$0x1FCB0] =	vst v3  }
0x274: {  	v42 =	vor.u32 v43, v1;
	v9 =	vor.u32 v0, v1;
	[tilespmem:v60+s28+$0x0] =	vst.idx.msk $0xffff, v34;
	v29 =	vld.idx.msk [tilespmem:v57+s23+$0x0], $0xffff  }
0x275: {  	v59 =	vor.u32 v61, v1;
	v3 =	vor.u32 v2, v1;
	v1 =	vor.u32 v25, v1;
	v15 =	vld.idx.msk [tilespmem:v15+s18+$0x0], $0xffff  }
0x276: {  	v7 =	vor.u32 v7, v33;
	[tilespmem:$0x1FCD0] =	vst v1;
	v1 =	vld [tilespmem:$0x1FB90];
	_ =	sdelay $0x2  }
0x277: {  	v48 =	vor.u32 v14, v4;
	v36 =	vor.u32 v43, v4;
	v8 =	vadd.f32 v8, v55  }
0x278: {  	v39 =	vor.u32 v0, v4;
	v13 =	vor.u32 v61, v4;
	v4 =	vor.u32 v25, v4;
	[tilespmem:$0x1FCC0] =	vst v3  }
0x279: {  	v3 =	vmov v25;
	[tilespmem:v7+s28+$0x0] =	vst.idx.msk $0xffff, v8;
	v25 =	vand.u32 $0x3F8, v1;
	v1 =	vor.u32 v30, v32  }
0x27a: {  	v34 =	vld.idx.msk [tilespmem:v45+s23+$0x0], $0xffff;
	[tilespmem:$0x1FBA0] =	vst v1;
	v1 =	vor.u32 v25, v33  }
0x27b: {  	[tilespmem:$0x1FBB0] =	vst v1;
	v1 =	vld [tilespmem:$0x1FBC0]  }
0x27c: {  	v27 =	vor.u32 v24, v35  }
0x27d: {  	v27 =	vand.u32 $0x3C8, v27;
	v28 =	vadd.f32 v28, v44  }
0x27e: {  	v7 =	vor.u32 v27, v37;
	v8 =	vld.idx.msk [tilespmem:v48+s18+$0x0], $0xffff  }
0x27f: {  	[tilespmem:v11+s28+$0x0] =	vst.idx.msk $0xffff, v28;
	v11 =	vld.idx.msk [tilespmem:v52+s23+$0x0], $0xffff  }
0x280: {  	s7 =	simm.s32 $0x4;
	v12 =	vor.u32 v12, v33;
	v30 =	vor.u32 v26, v31;
	v26 =	vand.u32 $0x3F8, v1  }
0x281: {  	v10 =	vadd.f32 v29, v10;
	v28 =	vadd.s32 s7, v19;
	[tilespmem:$0x1FBD0] =	vst v43;
	v1 =	vor.u32 v26, v5  }
0x282: {  	v55 =	vshll.u32 v28, $0x7;
	[tilespmem:$0x1FBE0] =	vst v1  }
0x283: {  	v15 =	vadd.f32 v34, v15;
	v1 =	vor.u32 v62, v55;
	v5 =	vld.idx.msk [tilespmem:v49+s18+$0x0], $0xffff;
	[tilespmem:v7+s28+$0x0] =	vst.idx.msk $0xffff, v10  }
0x284: {  	v8 =	vadd.f32 v11, v8;
	v29 =	vld.idx.msk [tilespmem:v54+s23+$0x0], $0xffff;
	[tilespmem:$0x1FBF0] =	vst v1  }
0x285: {  	[tilespmem:v53+s28+$0x0] =	vst.idx.msk $0xffff, v15  }
0x286: {  	v27 =	vld [tilespmem:$0x1FF70];
	[tilespmem:v12+s28+$0x0] =	vst.idx.msk $0xffff, v8  }
0x287: {  	v33 =	vld.idx.msk [tilespmem:v46+s18+$0x0], $0xffff  }
0x288: {  	v46 =	vor.u32 v0, v31;
	v0 =	vld [tilespmem:$0x1FC00];
	_ =	sdelay $0x5  }
0x289: {  	v5 =	vadd.f32 v29, v5  }
0x28a: {  	v52 =	vor.u32 v43, v31  }
0x28b: {  	[tilespmem:v0+s28+$0x0] =	vst.idx.msk $0xffff, v5  }
0x28c: {  	v0 =	vld [tilespmem:$0x1FC20];
	_ =	sdelay $0x1  }
0x28d: {  	v30 =	vld.idx.msk [tilespmem:v30+s18+$0x0], $0xffff  }
0x28e: {  	v57 =	vor.u32 v17, v35;
	v11 =	vld.idx.msk [tilespmem:v52+s23+$0x0], $0xffff  }
0x28f: {  	v15 =	vand.u32 $0x3D8, v57  }
0x290: {  	s10 =	simm.s32 $0x6;
	v32 =	vld.idx.msk [tilespmem:v47+s18+$0x0], $0xffff;
	v8 =	vor.u32 v15, v37  }
0x291: {  	v44 =	vld.idx.msk [tilespmem:v56+s23+$0x0], $0xffff;
	v29 =	vadd.s32 s10, v19  }
0x292: {  	v53 =	vshll.u32 v29, $0x7;
	v5 =	vld.idx.msk [tilespmem:v36+s23+$0x0], $0xffff;
	[tilespmem:$0x1FC10] =	vst v61  }
0x293: {  	v11 =	vadd.f32 v11, v30;
	v57 =	vld.idx.msk [tilespmem:v0+s18+$0x0], $0xffff;
	v0 =	vor.u32 v62, v53  }
0x294: {  	v10 =	vor.u32 v58, v55;
	v36 =	vor.u32 v61, v31;
	v14 =	vld.idx.msk [tilespmem:v42+s23+$0x0], $0xffff;
	[tilespmem:$0x1FC30] =	vst v0  }
0x295: {  	v7 =	vor.u32 v17, v55;
	v0 =	vand.u32 $0x3E8, v10;
	[tilespmem:v8+s28+$0x0] =	vst.idx.msk $0xffff, v11  }
0x296: {  	[tilespmem:$0x1FC40] =	vst v0;
	v0 =	vand.u32 $0x3D8, v7  }
0x297: {  	[tilespmem:$0x1FC50] =	vst v0  }
0x298: {  	v7 =	vld.idx.msk [tilespmem:v46+s18+$0x0], $0xffff  }
0x299: {  	v32 =	vadd.f32 v44, v32;
	v10 =	vld.idx.msk [tilespmem:v36+s23+$0x0], $0xffff;
	_ =	sdelay $0x1  }
0x29a: {  	v5 =	vadd.f32 v5, v33;
	v0 =	vor.u32 v58, v53;
	[tilespmem:v40+s28+$0x0] =	vst.idx.msk $0xffff, v32  }
0x29b: {  	[tilespmem:$0x1FC60] =	vst v0  }
0x29c: {  	[tilespmem:v50+s28+$0x0] =	vst.idx.msk $0xffff, v5  }
0x29d: {  	v7 =	vadd.f32 v10, v7;
	v10 =	vor.u32 v2, v31;
	v2 =	vld [tilespmem:$0x1FC70];
	_ =	sdelay $0x4  }
0x29e: {  	v11 =	vor.u32 v58, v35  }
0x29f: {  	v11 =	vand.u32 $0x3E8, v11;
	v32 =	vadd.f32 v14, v57;
	v33 =	vld.idx.msk [tilespmem:v51+s18+$0x0], $0xffff  }
0x2a0: {  	v16 =	vld.idx.msk [tilespmem:v16+s23+$0x0], $0xffff;
	v5 =	vor.u32 v11, v37  }
0x2a1: {  	s8 =	simm.s32 $0x5;
	[tilespmem:v2+s28+$0x0] =	vst.idx.msk $0xffff, v32  }
0x2a2: {  	v60 =	vadd.s32 s8, v19;
	v9 =	vld.idx.msk [tilespmem:v9+s18+$0x0], $0xffff  }
0x2a3: {  	v47 =	vshll.u32 v60, $0x7;
	v36 =	vld.idx.msk [tilespmem:v59+s23+$0x0], $0xffff  }
0x2a4: {  	v61 =	vor.u32 v62, v47  }
0x2a5: {  	v39 =	vld.idx.msk [tilespmem:v39+s18+$0x0], $0xffff;
	[tilespmem:v5+s28+$0x0] =	vst.idx.msk $0xffff, v7;
	v5 =	vadd.f32 v16, v33;
	v2 =	vand.u32 $0x3F8, v61  }
0x2a6: {  	v13 =	vld.idx.msk [tilespmem:v13+s23+$0x0], $0xffff;
	[tilespmem:$0x1FC80] =	vst v2  }
0x2a7: {  	s19 =	sand.u32 $0x30, s7;
	v1 =	vand.u32 $0xF, v29;
	[tilespmem:v41+s28+$0x0] =	vst.idx.msk $0xffff, v5  }
0x2a8: {  	v59 =	vadd.f32 v36, v9;
	v9 =	vor.u32 s19, v1;
	v1 =	vld [tilespmem:$0x1FC90];
	_ =	sdelay $0x4  }
0x2a9: {  	v43 =	vor.u32 v24, v55  }
0x2aa: {  	v49 =	vor.u32 v63, v55;
	v14 =	vor.u32 v3, v31;
	v13 =	vadd.f32 v13, v39  }
0x2ab: {  	v34 =	vand.u32 $0x3B8, v49;
	v52 =	vand.u32 $0x7, v60;
	v12 =	vor.u32 v19, v55  }
0x2ac: {  	v15 =	vor.u32 v22, v55;
	v60 =	vand.u32 $0xF, v60;
	v30 =	vor.u32 v17, v53;
	[tilespmem:v1+s28+$0x0] =	vst.idx.msk $0xffff, v13  }
0x2ad: {  	v26 =	vor.u32 v27, v55;
	v44 =	vor.u32 v24, v53;
	v46 =	vor.u32 v17, v47;
	v2 =	vld [tilespmem:$0x1FCA0]  }
0x2ae: {  	v8 =	vor.u32 v58, v47;
	v40 =	vand.u32 $0x3D8, v46;
	v11 =	vor.u32 v24, v47;
	v10 =	vld.idx.msk [tilespmem:v10+s18+$0x0], $0xffff  }
0x2af: {  	v46 =	vand.u32 $0x3E8, v8;
	v8 =	vor.u32 v62, v35;
	v49 =	vand.u32 $0x3C8, v11;
	v11 =	vld.idx.msk [tilespmem:v14+s23+$0x0], $0xffff  }
0x2b0: {  	v55 =	vor.u32 v63, v47;
	v57 =	vor.u32 v27, v47;
	v8 =	vand.u32 $0x3F8, v8  }
0x2b1: {  	s12 =	simm.s32 $0x7;
	v7 =	vor.u32 v22, v47;
	v33 =	vor.u32 v19, v47;
	v47 =	vor.u32 v8, v37  }
0x2b2: {  	v56 =	vor.u32 v27, v53;
	v50 =	vor.u32 v63, v53;
	v8 =	vadd.s32 s12, v19  }
0x2b3: {  	v31 =	vor.u32 v19, v53;
	v16 =	vor.u32 v22, v53;
	v63 =	vand.u32 $0xF, v8  }
0x2b4: {  	v62 =	vand.u32 $0x398, v16;
	v53 =	vor.u32 s19, v63;
	v10 =	vadd.f32 v11, v10  }
0x2b5: {  	v16 =	vor.u32 s19, v60;
	v11 =	vand.u32 $0x7, v8;
	v1 =	vand.u32 $0x38, v53;
	[tilespmem:v2+s28+$0x0] =	vst.idx.msk $0xffff, v59  }
0x2b6: {  	v5 =	vand.u32 $0x388, v31;
	v31 =	vor.u32 v11, v1;
	v1 =	vand.u32 $0x38, v16;
	v2 =	vld [tilespmem:$0x1FCB0];
	[tilespmem:v47+s28+$0x0] =	vst.idx.msk $0xffff, v10  }
0x2b7: {  	v47 =	vor.u32 v52, v1;
	v1 =	vld [tilespmem:$0x1FCC0];
	_ =	sdelay $0x7  }
0x2b8: {  	v39 =	vld.idx.msk [tilespmem:v1+s18+$0x0], $0xffff  }
0x2b9: {  	v1 =	vld [tilespmem:$0x1FCD0];
	_ =	sdelay $0x7  }
0x2ba: {  	v45 =	vand.u32 $0xF, v28;
	v41 =	vld.idx.msk [tilespmem:v1+s23+$0x0], $0xffff  }
0x2bb: {  	v48 =	vand.u32 $0x7, v28;
	v25 =	vand.u32 $0x7, v29;
	v54 =	vand.u32 $0x3A8, v26;
	v1 =	vld [tilespmem:$0x1FCE0]  }
0x2bc: {  	v26 =	vand.u32 $0x3B8, v55;
	v58 =	vand.u32 $0x398, v15;
	v0 =	vand.u32 $0x3C8, v43;
	v35 =	vld.idx.msk [tilespmem:v6+s18+$0x0], $0xffff  }
0x2bd: {  	v51 =	vmovc v0;
	v0 =	vand.u32 $0x388, v12;
	v3 =	vshll.u32 v16, $0x7;
	v6 =	vor.u32 s19, v45;
	v36 =	vld.idx.msk [tilespmem:v38+s23+$0x0], $0xffff  }
0x2be: {  	v61 =	vand.u32 $0x398, v7;
	v7 =	vand.u32 $0x388, v33;
	v38 =	vld.idx.msk [tilespmem:v2+s18+$0x0], $0xffff;
	v2 =	vand.u32 $0x38, v6  }
0x2bf: {  	v32 =	vld.idx.msk [tilespmem:v4+s23+$0x0], $0xffff;
	v4 =	vor.u32 v18, v31;
	v10 =	vand.u32 $0x38, v9;
	v45 =	vor.u32 v48, v2  }
0x2c0: {  	s19 =	simm.s32 $0x8;
	v48 =	vor.u32 v25, v10;
	v59 =	vor.u32 v1, v31;
	v1 =	vor.u32 v18, v47  }
.LBB2_9:
0x2c1: {  	v13 =	vld [tilespmem:$0x1FCE0];
	_ =	sdelay $0x3  }
0x2c2: {  	v10 =	vor.u32 v18, v48  }
0x2c3: {  	v12 =	vor.u32 v18, v45;
	v9 =	vshll.u32 v9, $0x7;
	v4 =	vld.idx.msk [tilespmem:v4+s18+$0x0], $0xffff;
	v2 =	vor.u32 v13, v47  }
0x2c4: {  	v6 =	vshll.u32 v6, $0x7;
	v52 =	vshll.u32 v8, $0x7;
	v8 =	vld.idx.msk [tilespmem:v59+s23+$0x0], $0xffff;
	v11 =	vor.u32 v13, v48  }
0x2c5: {  	v3 =	vand.u32 $0x1C00, v3;
	v14 =	vshll.u32 v53, $0x7;
	v1 =	vld.idx.msk [tilespmem:v1+s18+$0x0], $0xffff;
	v6 =	vand.u32 $0x1C00, v6  }
0x2c6: {  	v18 =	vld [tilespmem:$0x1FAF0];
	v14 =	vand.u32 $0x1C00, v14;
	v60 =	vor.u32 v20, v3;
	v13 =	vor.u32 v13, v45  }
0x2c7: {  	v3 =	vor.u32 v19, v52;
	v59 =	vor.u32 v20, v6;
	v6 =	vor.u32 v7, v60;
	v7 =	vld.idx.msk [tilespmem:v10+s18+$0x0], $0xffff  }
0x2c8: {  	v9 =	vand.u32 $0x1C00, v9;
	v53 =	vor.u32 v20, v14;
	v3 =	vand.u32 $0x388, v3;
	v15 =	vld.idx.msk [tilespmem:v2+s23+$0x0], $0xffff  }
0x2c9: {  	v3 =	vor.u32 v3, v53;
	v2 =	vor.u32 v20, v9;
	v9 =	vld.idx.msk [tilespmem:v11+s23+$0x0], $0xffff  }
0x2ca: {  	v10 =	vor.u32 v21, v31;
	v11 =	vld.idx.msk [tilespmem:v12+s18+$0x0], $0xffff  }
0x2cb: {  	v55 =	vor.u32 v21, v47;
	v13 =	vld.idx.msk [tilespmem:v13+s23+$0x0], $0xffff  }
0x2cc: {  	v29 =	vld [tilespmem:$0x1FB10];
	v42 =	vor.u32 v22, v52;
	v33 =	vor.u32 v18, v47;
	v4 =	vadd.f32 v8, v4  }
0x2cd: {  	v22 =	vmovc v39;
	v39 =	vld [tilespmem:$0x1FFE0];
	v0 =	vor.u32 v0, v59;
	v16 =	vor.u32 v18, v31;
	v1 =	vadd.f32 v15, v1  }
0x2ce: {  	v19 =	vld [tilespmem:$0x1FB00];
	v8 =	vor.u32 v21, v45;
	v5 =	vor.u32 v5, v2;
	[tilespmem:v3+s28+$0x0] =	vst.idx.msk $0xffff, v4  }
0x2cf: {  	v63 =	vor.u32 v21, v48;
	v10 =	vld.idx.msk [tilespmem:v10+s18+$0x0], $0xffff;
	[tilespmem:v6+s28+$0x0] =	vst.idx.msk $0xffff, v1  }
0x2d0: {  	v17 =	vor.u32 v18, v48;
	v11 =	vadd.f32 v13, v11;
	v12 =	vld.idx.msk [tilespmem:v55+s18+$0x0], $0xffff  }
0x2d1: {  	v1 =	vadd.f32 v9, v7;
	v43 =	vld.idx.msk [tilespmem:v33+s23+$0x0], $0xffff  }
0x2d2: {  	v18 =	vor.u32 v18, v45;
	v7 =	vld.idx.msk [tilespmem:v16+s23+$0x0], $0xffff;
	[tilespmem:v0+s28+$0x0] =	vst.idx.msk $0xffff, v11  }
0x2d3: {  	v8 =	vld.idx.msk [tilespmem:v8+s18+$0x0], $0xffff;
	[tilespmem:v5+s28+$0x0] =	vst.idx.msk $0xffff, v1;
	v5 =	vand.u32 $0x398, v42  }
0x2d4: {  	v37 =	vand.u32 $0x3A8, v57;
	v1 =	vand.u32 $0x3A8, v56;
	v56 =	vld.idx.msk [tilespmem:v63+s18+$0x0], $0xffff;
	v5 =	vor.u32 v5, v53  }
0x2d5: {  	v15 =	vor.u32 v37, v60;
	v11 =	vor.u32 v23, v31;
	v0 =	vld.idx.msk [tilespmem:v17+s23+$0x0], $0xffff  }
0x2d6: {  	v17 =	vor.u32 v54, v59;
	v54 =	vor.u32 v19, v31;
	v37 =	vadd.f32 v43, v12;
	v12 =	vmovc v41;
	v41 =	vld [tilespmem:$0x1FF70]  }
0x2d7: {  	v61 =	vor.u32 v61, v60;
	v18 =	vld.idx.msk [tilespmem:v18+s23+$0x0], $0xffff;
	v7 =	vadd.f32 v7, v10  }
0x2d8: {  	v25 =	vmovc v30;
	v30 =	vmov v35;
	v35 =	vld [tilespmem:$0x1FB40];
	v57 =	vor.u32 v62, v2;
	v4 =	vor.u32 v23, v47  }
0x2d9: {  	v3 =	vor.u32 v58, v59;
	v58 =	vor.u32 v19, v47;
	v33 =	vld [tilespmem:$0x1FFF0];
	[tilespmem:v5+s28+$0x0] =	vst.idx.msk $0xffff, v7  }
0x2da: {  	v9 =	vor.u32 v23, v45;
	v5 =	vld.idx.msk [tilespmem:v11+s18+$0x0], $0xffff  }
0x2db: {  	v14 =	vor.u32 v19, v45;
	v0 =	vadd.f32 v0, v56;
	v7 =	vld.idx.msk [tilespmem:v54+s23+$0x0], $0xffff;
	v56 =	vor.u32 v41, v52  }
0x2dc: {  	v8 =	vadd.f32 v18, v8;
	[tilespmem:v61+s28+$0x0] =	vst.idx.msk $0xffff, v37;
	v37 =	vld [tilespmem:$0x1FFD0];
	v61 =	vand.u32 $0x3A8, v56  }
0x2dd: {  	v4 =	vld.idx.msk [tilespmem:v4+s18+$0x0], $0xffff;
	[tilespmem:v57+s28+$0x0] =	vst.idx.msk $0xffff, v0;
	v0 =	vand.u32 $0x3C8, v44;
	v44 =	vor.u32 v61, v53  }
0x2de: {  	v6 =	vor.u32 v23, v48;
	[tilespmem:v3+s28+$0x0] =	vst.idx.msk $0xffff, v8;
	v18 =	vld.idx.msk [tilespmem:v58+s23+$0x0], $0xffff  }
0x2df: {  	v11 =	vmov v32;
	v32 =	vmov v46;
	v46 =	vor.u32 v49, v60;
	v49 =	vld.idx.msk [tilespmem:v9+s18+$0x0], $0xffff  }
0x2e0: {  	v16 =	vor.u32 v19, v48;
	v14 =	vld.idx.msk [tilespmem:v14+s23+$0x0], $0xffff;
	v61 =	vor.u32 v0, v2;
	v0 =	vadd.f32 v7, v5  }
0x2e1: {  	v8 =	vmov v36;
	v36 =	vld [tilespmem:$0x1FBD0]  }
0x2e2: {  	v27 =	vor.u32 v39, v48;
	v20 =	vor.u32 v29, v45;
	[tilespmem:v44+s28+$0x0] =	vst.idx.msk $0xffff, v0;
	v0 =	vld [tilespmem:$0x1FC50]  }
0x2e3: {  	v13 =	vor.u32 v26, v60;
	v26 =	vor.u32 v39, v45;
	v62 =	vor.u32 v33, v47;
	v6 =	vld.idx.msk [tilespmem:v6+s18+$0x0], $0xffff  }
0x2e4: {  	v10 =	vor.u32 v33, v45;
	v4 =	vadd.f32 v18, v4;
	v44 =	vor.u32 v40, v60;
	v40 =	vld [tilespmem:$0x1FF50]  }
0x2e5: {  	v23 =	vor.u32 v39, v47;
	v19 =	vor.u32 v33, v48;
	v3 =	vld.idx.msk [tilespmem:v16+s23+$0x0], $0xffff;
	v14 =	vadd.f32 v14, v49  }
0x2e6: {  	v16 =	vor.u32 v33, v31;
	v33 =	vor.u32 v29, v31;
	v5 =	vand.u32 $0x3D8, v25;
	v25 =	vld [tilespmem:$0x1FF90];
	[tilespmem:v15+s28+$0x0] =	vst.idx.msk $0xffff, v4  }
0x2e7: {  	[tilespmem:v17+s28+$0x0] =	vst.idx.msk $0xffff, v14;
	v17 =	vor.u32 v39, v31;
	v39 =	vld [tilespmem:$0x1FB80];
	v0 =	vor.u32 v0, v59  }
0x2e8: {  	v15 =	vld.idx.msk [tilespmem:v62+s18+$0x0], $0xffff;
	[tilespmem:$0x1FAD0] =	vst v0;
	v0 =	vor.u32 v5, v2  }
0x2e9: {  	v63 =	vor.u32 v29, v47;
	v10 =	vld.idx.msk [tilespmem:v10+s18+$0x0], $0xffff;
	[tilespmem:$0x1FAC0] =	vst v0;
	v0 =	vor.u32 v40, v47  }
0x2ea: {  	v1 =	vor.u32 v1, v2;
	[tilespmem:$0x1FAB0] =	vst v0;
	v0 =	vld [tilespmem:$0x1FC60]  }
0x2eb: {  	v20 =	vld.idx.msk [tilespmem:v20+s23+$0x0], $0xffff  }
0x2ec: {  	v4 =	vld.idx.msk [tilespmem:v33+s23+$0x0], $0xffff  }
0x2ed: {  	v21 =	vor.u32 v29, v48;
	v3 =	vadd.f32 v3, v6;
	v5 =	vld.idx.msk [tilespmem:v16+s18+$0x0], $0xffff  }
0x2ee: {  	v16 =	vld.idx.msk [tilespmem:v63+s23+$0x0], $0xffff  }
0x2ef: {  	[tilespmem:v1+s28+$0x0] =	vst.idx.msk $0xffff, v3;
	v1 =	vand.u32 $0x3E8, v0;
	v0 =	vld [tilespmem:$0x1FC40]  }
0x2f0: {  	v50 =	vand.u32 $0x3B8, v50;
	v24 =	vor.u32 v35, v47;
	v33 =	vld [tilespmem:$0x1FC10]  }
0x2f1: {  	v28 =	vor.u32 v35, v48;
	v42 =	vor.u32 v50, v2;
	v6 =	vor.u32 v25, v52;
	v18 =	vld.idx.msk [tilespmem:v19+s18+$0x0], $0xffff  }
0x2f2: {  	v43 =	vor.u32 v34, v59;
	v34 =	vor.u32 v35, v45;
	v14 =	vld.idx.msk [tilespmem:v21+s23+$0x0], $0xffff;
	v3 =	vand.u32 $0x3B8, v6  }
0x2f3: {  	v29 =	vor.u32 v37, v47;
	v19 =	vor.u32 v3, v53;
	v15 =	vadd.f32 v16, v15;
	v16 =	vld [tilespmem:$0x1FC30]  }
0x2f4: {  	v58 =	vor.u32 v37, v45;
	v21 =	vor.u32 v35, v31;
	v35 =	vld [tilespmem:$0x1FFA0];
	v0 =	vor.u32 v0, v59  }
0x2f5: {  	v9 =	vor.u32 v36, v47;
	v57 =	vor.u32 v36, v45;
	v6 =	vor.u32 v32, v60;
	[tilespmem:$0x1FAE0] =	vst v0;
	v0 =	vld [tilespmem:$0x1FF60]  }
0x2f6: {  	v10 =	vadd.f32 v20, v10;
	v20 =	vld [tilespmem:$0x1FBF0];
	v63 =	vor.u32 v1, v2;
	v1 =	vadd.f32 v4, v5  }
0x2f7: {  	v49 =	vor.u32 v40, v45;
	v50 =	vor.u32 v33, v47;
	v3 =	vor.u32 v33, v45  }
0x2f8: {  	v5 =	vor.u32 v39, v47;
	v16 =	vand.u32 $0x3F8, v16;
	[tilespmem:v19+s28+$0x0] =	vst.idx.msk $0xffff, v1;
	v19 =	vadd.f32 v8, v30  }
0x2f9: {  	v1 =	vor.u32 v39, v45;
	v30 =	vadd.f32 v11, v38;
	v38 =	vadd.f32 v12, v22  }
0x2fa: {  	v22 =	vld [tilespmem:$0x1FBB0];
	v32 =	vor.u32 v0, v47;
	v47 =	vor.u32 v0, v45;
	v45 =	vadd.f32 v14, v18  }
0x2fb: {  	v20 =	vand.u32 $0x3F8, v20;
	v8 =	vld [tilespmem:$0x1FC80];
	v2 =	vor.u32 v16, v2;
	v16 =	vor.u32 v35, v52  }
0x2fc: {  	[tilespmem:v42+s28+$0x0] =	vst.idx.msk $0xffff, v45;
	v45 =	vand.u32 $0x3C8, v16;
	v16 =	vor.u32 v20, v59;
	v20 =	vld [tilespmem:$0x1FBA0]  }
0x2fd: {  	v17 =	vld.idx.msk [tilespmem:v17+s18+$0x0], $0xffff  }
0x2fe: {  	[tilespmem:v13+s28+$0x0] =	vst.idx.msk $0xffff, v15;
	v14 =	vld.idx.msk [tilespmem:v21+s23+$0x0], $0xffff  }
0x2ff: {  	v11 =	vld.idx.msk [tilespmem:v24+s23+$0x0], $0xffff  }
0x300: {  	v18 =	vld.idx.msk [tilespmem:v23+s18+$0x0], $0xffff  }
0x301: {  	v54 =	vor.u32 v51, v59;
	[tilespmem:v43+s28+$0x0] =	vst.idx.msk $0xffff, v10;
	v59 =	vld.idx.msk [tilespmem:v27+s18+$0x0], $0xffff  }
0x302: {  	v10 =	vld.idx.msk [tilespmem:v28+s23+$0x0], $0xffff;
	[tilespmem:v22+s28+$0x0] =	vst.idx.msk $0xffff, v30;
	v22 =	vmov v2  }
0x303: {  	v21 =	vor.u32 v8, v60;
	v13 =	vor.u32 v45, v53;
	[tilespmem:$0x1FBB0] =	vst v22;
	v14 =	vadd.f32 v14, v17;
	v17 =	vld [tilespmem:$0x1FBE0]  }
0x304: {  	v22 =	vld.idx.msk [tilespmem:v34+s23+$0x0], $0xffff;
	[tilespmem:v20+s28+$0x0] =	vst.idx.msk $0xffff, v19;
	v20 =	vmov v21  }
0x305: {  	v7 =	vor.u32 v37, v48;
	[tilespmem:$0x1FBA0] =	vst v20;
	v20 =	vld.idx.msk [tilespmem:v26+s18+$0x0], $0xffff;
	_ =	sdelay $0x1  }
0x306: {  	v10 =	vadd.f32 v10, v59;
	v21 =	vor.u32 v36, v31  }
0x307: {  	v51 =	vor.u32 v36, v48;
	v11 =	vadd.f32 v11, v18;
	[tilespmem:v13+s28+$0x0] =	vst.idx.msk $0xffff, v14;
	v36 =	vld [tilespmem:$0x1FFB0]  }
0x308: {  	v19 =	vor.u32 v37, v31;
	v37 =	vld [tilespmem:$0x1FF80];
	[tilespmem:v61+s28+$0x0] =	vst.idx.msk $0xffff, v10  }
0x309: {  	[tilespmem:v46+s28+$0x0] =	vst.idx.msk $0xffff, v11;
	v8 =	vld.idx.msk [tilespmem:v7+s18+$0x0], $0xffff;
	v20 =	vadd.f32 v22, v20  }
0x30a: {  	v55 =	vlaneseq.u32;
	v9 =	vld.idx.msk [tilespmem:v9+s23+$0x0], $0xffff;
	[tilespmem:v17+s28+$0x0] =	vst.idx.msk $0xffff, v38  }
0x30b: {  	v2 =	vadd.s32 s19, v55;
	v11 =	vld.idx.msk [tilespmem:v21+s23+$0x0], $0xffff;
	[tilespmem:v54+s28+$0x0] =	vst.idx.msk $0xffff, v20  }
0x30c: {  	v60 =	vmov v16;
	v34 =	vshll.u32 v2, $0x7;
	v27 =	vld.idx.msk [tilespmem:v58+s18+$0x0], $0xffff  }
0x30d: {  	[tilespmem:$0x1FBE0] =	vst v60;
	v16 =	vor.u32 v37, v34;
	v60 =	vld.idx.msk [tilespmem:v57+s23+$0x0], $0xffff  }
0x30e: {  	[tilespmem:$0x1FBF0] =	vst v16;
	v16 =	vld.idx.msk [tilespmem:v19+s18+$0x0], $0xffff  }
0x30f: {  	s4 =	sadd.s32 $0x1, s19;
	s8 =	sadd.s32 $0x2, s19;
	v62 =	vor.u32 v40, v48;
	v19 =	vld.idx.msk [tilespmem:v29+s18+$0x0], $0xffff  }
0x310: {  	v56 =	vor.u32 v33, v48;
	v24 =	vadd.s32 s8, v55;
	v23 =	vadd.s32 s4, v55;
	v22 =	vld [tilespmem:$0x1FF30]  }
0x311: {  	v28 =	vor.u32 v33, v31;
	v7 =	vld.idx.msk [tilespmem:v51+s23+$0x0], $0xffff;
	v17 =	vor.u32 v35, v34;
	v21 =	vor.u32 v36, v52  }
0x312: {  	v51 =	vand.u32 $0x3C8, v17;
	v10 =	vand.u32 $0x3D8, v21;
	v17 =	vadd.f32 v60, v27;
	v27 =	vld [tilespmem:$0x1FAC0]  }
0x313: {  	v12 =	vor.u32 v41, v34;
	v18 =	vor.u32 v25, v34;
	v38 =	vld [tilespmem:$0x1FFC0];
	v10 =	vor.u32 v10, v53  }
0x314: {  	v26 =	vshll.u32 v24, $0x7;
	v20 =	vor.u32 v40, v31;
	v9 =	vadd.f32 v9, v19  }
0x315: {  	v15 =	vor.u32 v22, v34;
	v22 =	vshll.u32 v23, $0x7;
	v11 =	vadd.f32 v11, v16  }
0x316: {  	[tilespmem:v44+s28+$0x0] =	vst.idx.msk $0xffff, v9;
	v9 =	vor.u32 v35, v22;
	v44 =	vor.u32 v35, v26;
	v35 =	vld [tilespmem:$0x1FAD0]  }
0x317: {  	v42 =	vor.u32 v36, v34;
	v21 =	vor.u32 v55, v34;
	v7 =	vadd.f32 v7, v8  }
0x318: {  	v43 =	vor.u32 v38, v34;
	v34 =	vld [tilespmem:$0x1FAB0];
	[tilespmem:v10+s28+$0x0] =	vst.idx.msk $0xffff, v11;
	v11 =	vor.u32 v38, v26  }
0x319: {  	[tilespmem:$0x1FC60] =	vst v11  }
0x31a: {  	v30 =	vor.u32 v37, v26;
	v11 =	vld.idx.msk [tilespmem:v20+s18+$0x0], $0xffff;
	[tilespmem:v27+s28+$0x0] =	vst.idx.msk $0xffff, v7  }
0x31b: {  	v4 =	vor.u32 v0, v48;
	v48 =	vor.u32 v39, v48;
	[tilespmem:$0x1FC30] =	vst v30;
	v10 =	vand.u32 $0x3D8, v42;
	v27 =	vld.idx.msk [tilespmem:v62+s18+$0x0], $0xffff  }
0x31c: {  	v30 =	vor.u32 v36, v26;
	[tilespmem:$0x1FC50] =	vst v10;
	v10 =	vor.u32 v36, v22;
	v36 =	vld.idx.msk [tilespmem:v56+s23+$0x0], $0xffff  }
0x31d: {  	v45 =	vand.u32 $0xF, v2;
	v2 =	vand.u32 $0x7, v2;
	v59 =	vand.u32 $0x7, v23;
	v8 =	vld.idx.msk [tilespmem:v28+s23+$0x0], $0xffff  }
0x31e: {  	v29 =	vand.u32 $0x7, v24;
	v24 =	vand.u32 $0xF, v24;
	[tilespmem:v35+s28+$0x0] =	vst.idx.msk $0xffff, v17;
	v17 =	vor.u32 v0, v31;
	v0 =	vld [tilespmem:$0x1FF30]  }
0x31f: {  	v19 =	vor.u32 v38, v52;
	v16 =	vor.u32 v37, v22;
	v61 =	vor.u32 v38, v22;
	v20 =	vld.idx.msk [tilespmem:v50+s23+$0x0], $0xffff  }
0x320: {  	v57 =	vor.u32 v41, v22;
	v28 =	vor.u32 v39, v31;
	v13 =	vld.idx.msk [tilespmem:v34+s18+$0x0], $0xffff;
	v34 =	vand.u32 $0x3B8, v18  }
0x321: {  	v7 =	vand.u32 $0x3E8, v19;
	v18 =	vld.idx.msk [tilespmem:v49+s18+$0x0], $0xffff;
	v49 =	vand.u32 $0x3C8, v9;
	v9 =	vadd.f32 v36, v27  }
0x322: {  	v8 =	vadd.f32 v8, v11;
	v11 =	vor.u32 v55, v22;
	v31 =	vld.idx.msk [tilespmem:v3+s23+$0x0], $0xffff;
	v7 =	vor.u32 v7, v53  }
0x323: {  	v54 =	vand.u32 $0x3A8, v12;
	v19 =	vor.u32 v25, v22;
	v38 =	vor.u32 v0, v22;
	v22 =	vld [tilespmem:$0x1FF30];
	[tilespmem:v63+s28+$0x0] =	vst.idx.msk $0xffff, v9  }
0x324: {  	v14 =	vand.u32 $0x3E8, v43;
	v46 =	vand.u32 $0x3E8, v61;
	v61 =	vand.u32 $0x398, v38;
	v38 =	vld.idx.msk [tilespmem:v4+s18+$0x0], $0xffff  }
0x325: {  	v23 =	vand.u32 $0xF, v23;
	v58 =	vand.u32 $0x398, v15;
	v16 =	vand.u32 $0x3F8, v16;
	v4 =	vld [tilespmem:$0x1FAE0]  }
0x326: {  	v50 =	vor.u32 v25, v26;
	[tilespmem:$0x1FC80] =	vst v16;
	v16 =	vor.u32 v55, v26;
	v13 =	vadd.f32 v20, v13;
	v20 =	vld [tilespmem:$0x1FF10]  }
0x327: {  	v56 =	vor.u32 v41, v26;
	[tilespmem:v7+s28+$0x0] =	vst.idx.msk $0xffff, v8;
	v7 =	vand.u32 $0x388, v11;
	v11 =	vadd.f32 v31, v18;
	v18 =	vld [tilespmem:$0x1FF00]  }
0x328: {  	v40 =	vand.u32 $0x3D8, v10;
	v0 =	vand.u32 $0x388, v21;
	[tilespmem:v6+s28+$0x0] =	vst.idx.msk $0xffff, v13;
	v6 =	vor.u32 v37, v52;
	v10 =	vld.idx.msk [tilespmem:v17+s18+$0x0], $0xffff  }
0x329: {  	s10 =	sadd.s32 $0x3, s19;
	v12 =	vld.idx.msk [tilespmem:v28+s23+$0x0], $0xffff;
	v21 =	vor.u32 v22, v26;
	v26 =	vand.u32 $0x3B8, v19;
	v19 =	vlaneseq.u32  }
0x32a: {  	s12 =	sand.u32 $0x30, s19;
	v3 =	vand.u32 $0x3F8, v6;
	v36 =	vld.idx.msk [tilespmem:v5+s23+$0x0], $0xffff;
	v5 =	vand.u32 $0x388, v16;
	v8 =	vadd.s32 s10, v19  }
0x32b: {  	v13 =	vor.u32 v3, v53;
	v3 =	vor.u32 s12, v23;
	v63 =	vld [tilespmem:$0x1FCE0];
	v6 =	vand.u32 $0xF, v8  }
0x32c: {  	p1 =	slt.u32 s19, $0x3C;
	v35 =	vld.idx.msk [tilespmem:v32+s18+$0x0], $0xffff;
	v60 =	vand.u32 $0x38, v3;
	v3 =	vshll.u32 v3, $0x7;
	v53 =	vor.u32 s12, v6  }
.Ltmp3:
0x32d: {  	v23 =	vld [tilespmem:$0x1FF40];
	v9 =	vor.u32 s12, v24;
	[tilespmem:v4+s28+$0x0] =	vst.idx.msk $0xffff, v11;
	v4 =	vand.u32 $0x38, v53;
	v11 =	vand.u32 $0x7, v8;
	(pc) =	sbr.rel @p1 .LBB2_9-.Ltmp3, $4  }
0x32e: {  	v6 =	vor.u32 s12, v45;
	v31 =	vor.u32 v11, v4;
	v41 =	vld.idx.msk [tilespmem:v1+s23+$0x0], $0xffff;
	v1 =	vadd.f32 v12, v10  }
0x32f: {  	[tilespmem:$0x1FC40] =	vst v14;
	v39 =	vld.idx.msk [tilespmem:v47+s18+$0x0], $0xffff;
	v10 =	vand.u32 $0x38, v6;
	v11 =	vand.u32 $0x38, v9;
	v47 =	vor.u32 v59, v60  }
0x330: {  	v32 =	vld.idx.msk [tilespmem:v48+s23+$0x0], $0xffff;
	v4 =	vor.u32 v18, v31;
	v59 =	vor.u32 v63, v31;
	v45 =	vor.u32 v2, v10  }
0x331: {  	s19 =	sadd.s32 $0x4, s19;
	v62 =	vand.u32 $0x398, v21;
	v21 =	vld [tilespmem:$0x1FF20];
	v48 =	vor.u32 v29, v11;
	[tilespmem:v13+s28+$0x0] =	vst.idx.msk $0xffff, v1;
	v1 =	vor.u32 v18, v47  }
0x332: {  	v14 =	vld [tilespmem:$0x1FCE0];
	_ =	sdelay $0x4  }
0x333: {  	v4 =	vld.idx.msk [tilespmem:v4+s18+$0x0], $0xffff;
	v52 =	vshll.u32 v8, $0x7;
	v8 =	vshll.u32 v53, $0x7;
	v2 =	vor.u32 v14, v47  }
0x334: {  	v10 =	vld.idx.msk [tilespmem:v59+s23+$0x0], $0xffff;
	v12 =	vor.u32 v18, v48;
	v11 =	vor.u32 v19, v52;
	v8 =	vand.u32 $0x1C00, v8  }
0x335: {  	v15 =	vld [tilespmem:$0x1FAF0];
	v11 =	vand.u32 $0x388, v11;
	v53 =	vor.u32 v20, v8;
	v8 =	vor.u32 v14, v48  }
0x336: {  	v11 =	vor.u32 v11, v53  }
0x337: {  	v13 =	vor.u32 v18, v45;
	v1 =	vld.idx.msk [tilespmem:v1+s18+$0x0], $0xffff;
	v3 =	vand.u32 $0x1C00, v3  }
0x338: {  	v24 =	vor.u32 v20, v3;
	v3 =	vor.u32 v21, v31;
	v2 =	vld.idx.msk [tilespmem:v2+s23+$0x0], $0xffff  }
0x339: {  	v9 =	vshll.u32 v9, $0x7;
	v14 =	vor.u32 v14, v45;
	v4 =	vadd.f32 v10, v4;
	v55 =	vld.idx.msk [tilespmem:v12+s18+$0x0], $0xffff  }
0x33a: {  	v9 =	vand.u32 $0x1C00, v9;
	v7 =	vor.u32 v7, v24;
	v28 =	vor.u32 v15, v31;
	v8 =	vld.idx.msk [tilespmem:v8+s23+$0x0], $0xffff  }
0x33b: {  	v59 =	vor.u32 v20, v9;
	[tilespmem:v11+s28+$0x0] =	vst.idx.msk $0xffff, v4;
	v4 =	vor.u32 v21, v47  }
0x33c: {  	v6 =	vshll.u32 v6, $0x7;
	v5 =	vor.u32 v5, v59;
	v29 =	vld.idx.msk [tilespmem:v13+s18+$0x0], $0xffff;
	v33 =	vor.u32 v15, v47  }
0x33d: {  	v6 =	vand.u32 $0x1C00, v6;
	v3 =	vld.idx.msk [tilespmem:v3+s18+$0x0], $0xffff;
	v1 =	vadd.f32 v2, v1  }
0x33e: {  	v60 =	vor.u32 v20, v6;
	v6 =	vld.idx.msk [tilespmem:v14+s23+$0x0], $0xffff  }
0x33f: {  	v8 =	vadd.f32 v8, v55;
	[tilespmem:v7+s28+$0x0] =	vst.idx.msk $0xffff, v1;
	v7 =	vld.idx.msk [tilespmem:v28+s23+$0x0], $0xffff  }
0x340: {  	v37 =	vor.u32 v22, v52;
	v2 =	vor.u32 v21, v48;
	v4 =	vld.idx.msk [tilespmem:v4+s18+$0x0], $0xffff  }
0x341: {  	v0 =	vor.u32 v0, v60;
	v1 =	vor.u32 v15, v48;
	[tilespmem:v5+s28+$0x0] =	vst.idx.msk $0xffff, v8;
	v11 =	vld.idx.msk [tilespmem:v33+s23+$0x0], $0xffff  }
0x342: {  	v42 =	vor.u32 v21, v45;
	v12 =	vand.u32 $0x398, v37;
	v55 =	vld [tilespmem:$0x1FB00]  }
0x343: {  	v43 =	vor.u32 v15, v45;
	v12 =	vor.u32 v12, v53  }
0x344: {  	v6 =	vadd.f32 v6, v29;
	v5 =	vor.u32 v23, v31;
	v8 =	vor.u32 v61, v24  }
0x345: {  	v2 =	vld.idx.msk [tilespmem:v2+s18+$0x0], $0xffff  }
0x346: {  	[tilespmem:v0+s28+$0x0] =	vst.idx.msk $0xffff, v6;
	v0 =	vor.u32 v23, v47;
	v1 =	vld.idx.msk [tilespmem:v1+s23+$0x0], $0xffff;
	v3 =	vadd.f32 v7, v3  }
0x347: {  	v7 =	vld.idx.msk [tilespmem:v42+s18+$0x0], $0xffff;
	v61 =	vor.u32 v55, v31;
	v4 =	vadd.f32 v11, v4  }
0x348: {  	v6 =	vor.u32 v55, v47;
	[tilespmem:v12+s28+$0x0] =	vst.idx.msk $0xffff, v3;
	v3 =	vor.u32 v62, v59;
	v62 =	vld.idx.msk [tilespmem:v43+s23+$0x0], $0xffff  }
0x349: {  	v5 =	vld.idx.msk [tilespmem:v5+s18+$0x0], $0xffff;
	[tilespmem:v8+s28+$0x0] =	vst.idx.msk $0xffff, v4  }
0x34a: {  	v33 =	vld [tilespmem:$0x1FF70]  }
0x34b: {  	v0 =	vld.idx.msk [tilespmem:v0+s18+$0x0], $0xffff;
	v1 =	vadd.f32 v1, v2  }
0x34c: {  	v8 =	vld.idx.msk [tilespmem:v61+s23+$0x0], $0xffff  }
0x34d: {  	v6 =	vld.idx.msk [tilespmem:v6+s23+$0x0], $0xffff;
	[tilespmem:v3+s28+$0x0] =	vst.idx.msk $0xffff, v1  }
0x34e: {  	v63 =	vor.u32 v58, v60;
	v28 =	vor.u32 v23, v48;
	v58 =	vld [tilespmem:$0x1FFF0]  }
0x34f: {  	v42 =	vand.u32 $0x3A8, v57;
	v4 =	vor.u32 v55, v48;
	v15 =	vld [tilespmem:$0x1FB10];
	v29 =	vor.u32 v33, v52  }
0x350: {  	v2 =	vor.u32 v23, v45;
	v3 =	vor.u32 v42, v24;
	v9 =	vand.u32 $0x3A8, v29  }
0x351: {  	v37 =	vor.u32 v55, v45;
	v9 =	vor.u32 v9, v53  }
0x352: {  	v7 =	vadd.f32 v62, v7  }
0x353: {  	v43 =	vld.idx.msk [tilespmem:v28+s18+$0x0], $0xffff;
	v0 =	vadd.f32 v6, v0;
	v1 =	vor.u32 v58, v31  }
0x354: {  	v4 =	vld.idx.msk [tilespmem:v4+s23+$0x0], $0xffff;
	[tilespmem:v63+s28+$0x0] =	vst.idx.msk $0xffff, v7;
	v5 =	vadd.f32 v8, v5;
	v55 =	vor.u32 v15, v31  }
0x355: {  	v2 =	vld.idx.msk [tilespmem:v2+s18+$0x0], $0xffff;
	v8 =	vand.u32 $0x3A8, v56;
	v7 =	vor.u32 v58, v47;
	[tilespmem:v3+s28+$0x0] =	vst.idx.msk $0xffff, v0  }
0x356: {  	v57 =	vor.u32 v15, v47;
	[tilespmem:v9+s28+$0x0] =	vst.idx.msk $0xffff, v5;
	v5 =	vor.u32 v8, v59;
	v8 =	vld.idx.msk [tilespmem:v37+s23+$0x0], $0xffff  }
0x357: {  	v14 =	vld [tilespmem:$0x1FF90]  }
0x358: {  	v1 =	vld.idx.msk [tilespmem:v1+s18+$0x0], $0xffff  }
0x359: {  	v4 =	vadd.f32 v4, v43;
	v3 =	vld.idx.msk [tilespmem:v55+s23+$0x0], $0xffff  }
0x35a: {  	v7 =	vld.idx.msk [tilespmem:v7+s18+$0x0], $0xffff  }
0x35b: {  	v11 =	vld.idx.msk [tilespmem:v57+s23+$0x0], $0xffff;
	[tilespmem:v5+s28+$0x0] =	vst.idx.msk $0xffff, v4  }
0x35c: {  	v6 =	vor.u32 v54, v60;
	v61 =	vor.u32 v58, v48;
	v62 =	vor.u32 v14, v52;
	v17 =	vld [tilespmem:$0x1FFE0]  }
0x35d: {  	v0 =	vor.u32 v15, v48;
	v5 =	vor.u32 v26, v24;
	v12 =	vand.u32 $0x3B8, v62  }
0x35e: {  	v63 =	vor.u32 v58, v45;
	v16 =	vld [tilespmem:$0x1FB40];
	v12 =	vor.u32 v12, v53  }
0x35f: {  	v2 =	vadd.f32 v8, v2  }
0x360: {  	v28 =	vor.u32 v15, v45;
	v7 =	vadd.f32 v11, v7  }
0x361: {  	v8 =	vld.idx.msk [tilespmem:v61+s18+$0x0], $0xffff;
	[tilespmem:v6+s28+$0x0] =	vst.idx.msk $0xffff, v2;
	v1 =	vadd.f32 v3, v1;
	v4 =	vor.u32 v17, v31  }
0x362: {  	v0 =	vld.idx.msk [tilespmem:v0+s23+$0x0], $0xffff;
	[tilespmem:v5+s28+$0x0] =	vst.idx.msk $0xffff, v7;
	v2 =	vor.u32 v17, v47  }
0x363: {  	v3 =	vand.u32 $0x3B8, v50;
	v10 =	vld.idx.msk [tilespmem:v63+s18+$0x0], $0xffff;
	v6 =	vor.u32 v16, v47;
	[tilespmem:v12+s28+$0x0] =	vst.idx.msk $0xffff, v1  }
0x364: {  	v29 =	vor.u32 v16, v31;
	v1 =	vor.u32 v3, v59;
	v15 =	vld [tilespmem:$0x1FFA0]  }
0x365: {  	v3 =	vld.idx.msk [tilespmem:v28+s23+$0x0], $0xffff  }
0x366: {  	v4 =	vld.idx.msk [tilespmem:v4+s18+$0x0], $0xffff  }
0x367: {  	v0 =	vadd.f32 v0, v8;
	v2 =	vld.idx.msk [tilespmem:v2+s18+$0x0], $0xffff  }
0x368: {  	v34 =	vor.u32 v34, v60;
	v37 =	vor.u32 v17, v48;
	v6 =	vld.idx.msk [tilespmem:v6+s23+$0x0], $0xffff  }
0x369: {  	v5 =	vor.u32 v16, v48;
	v7 =	vld.idx.msk [tilespmem:v29+s23+$0x0], $0xffff;
	[tilespmem:v1+s28+$0x0] =	vst.idx.msk $0xffff, v0;
	v42 =	vor.u32 v15, v52  }
0x36a: {  	v43 =	vor.u32 v16, v45;
	v1 =	vor.u32 v49, v24;
	v16 =	vld [tilespmem:$0x1FFD0];
	v9 =	vand.u32 $0x3C8, v42  }
0x36b: {  	v8 =	vor.u32 v17, v45;
	v17 =	vld [tilespmem:$0x1FBD0];
	v9 =	vor.u32 v9, v53  }
0x36c: {  	v3 =	vadd.f32 v3, v10  }
0x36d: {  	v2 =	vadd.f32 v6, v2  }
0x36e: {  	v50 =	vld.idx.msk [tilespmem:v37+s18+$0x0], $0xffff;
	[tilespmem:v34+s28+$0x0] =	vst.idx.msk $0xffff, v3;
	v4 =	vadd.f32 v7, v4  }
0x36f: {  	v5 =	vld.idx.msk [tilespmem:v5+s23+$0x0], $0xffff;
	[tilespmem:v1+s28+$0x0] =	vst.idx.msk $0xffff, v2;
	v0 =	vor.u32 v16, v31  }
0x370: {  	v8 =	vld.idx.msk [tilespmem:v8+s18+$0x0], $0xffff;
	v54 =	vor.u32 v17, v31;
	[tilespmem:v9+s28+$0x0] =	vst.idx.msk $0xffff, v4  }
0x371: {  	v7 =	vand.u32 $0x3C8, v44;
	v3 =	vor.u32 v16, v47;
	v61 =	vld [tilespmem:$0x1FFB0]  }
0x372: {  	v55 =	vor.u32 v17, v47;
	v4 =	vor.u32 v7, v59;
	v7 =	vld.idx.msk [tilespmem:v43+s23+$0x0], $0xffff;
	_ =	sdelay $0x1  }
0x373: {  	v56 =	vor.u32 v51, v60;
	v0 =	vld.idx.msk [tilespmem:v0+s18+$0x0], $0xffff  }
0x374: {  	v5 =	vadd.f32 v5, v50;
	v2 =	vld.idx.msk [tilespmem:v54+s23+$0x0], $0xffff  }
0x375: {  	v6 =	vor.u32 v16, v48;
	v1 =	vor.u32 v17, v48;
	v3 =	vld.idx.msk [tilespmem:v3+s18+$0x0], $0xffff;
	v28 =	vor.u32 v61, v52  }
0x376: {  	v11 =	vld.idx.msk [tilespmem:v55+s23+$0x0], $0xffff;
	[tilespmem:v4+s28+$0x0] =	vst.idx.msk $0xffff, v5;
	v4 =	vadd.f32 v7, v8;
	v10 =	vand.u32 $0x3D8, v28  }
0x377: {  	v29 =	vor.u32 v17, v45;
	v5 =	vor.u32 v10, v53  }
0x378: {  	v7 =	vor.u32 v40, v24;
	v25 =	vld [tilespmem:$0x1FF50];
	[tilespmem:v56+s28+$0x0] =	vst.idx.msk $0xffff, v4  }
0x379: {  	v17 =	vld [tilespmem:$0x1FC10]  }
0x37a: {  	v6 =	vld.idx.msk [tilespmem:v6+s18+$0x0], $0xffff;
	v0 =	vadd.f32 v2, v0  }
0x37b: {  	v57 =	vor.u32 v16, v45;
	v1 =	vld.idx.msk [tilespmem:v1+s23+$0x0], $0xffff;
	v3 =	vadd.f32 v11, v3  }
0x37c: {  	v42 =	vld.idx.msk [tilespmem:v29+s23+$0x0], $0xffff;
	[tilespmem:v5+s28+$0x0] =	vst.idx.msk $0xffff, v0  }
0x37d: {  	v8 =	vor.u32 v25, v31;
	v5 =	vld [tilespmem:$0x1FC50];
	[tilespmem:v7+s28+$0x0] =	vst.idx.msk $0xffff, v3  }
0x37e: {  	v4 =	vor.u32 v17, v31;
	v29 =	vld [tilespmem:$0x1FFC0]  }
0x37f: {  	v34 =	vand.u32 $0x3D8, v30  }
0x380: {  	v9 =	vor.u32 v34, v59;
	v37 =	vld.idx.msk [tilespmem:v57+s18+$0x0], $0xffff;
	v2 =	vor.u32 v25, v47;
	_ =	sdelay $0x1  }
0x381: {  	v40 =	vor.u32 v17, v47;
	v7 =	vld.idx.msk [tilespmem:v8+s18+$0x0], $0xffff;
	v5 =	vor.u32 v5, v60  }
0x382: {  	v1 =	vadd.f32 v1, v6;
	v4 =	vld.idx.msk [tilespmem:v4+s23+$0x0], $0xffff;
	v6 =	vor.u32 v29, v52  }
0x383: {  	v0 =	vor.u32 v25, v48;
	v6 =	vand.u32 $0x3E8, v6  }
0x384: {  	[tilespmem:v9+s28+$0x0] =	vst.idx.msk $0xffff, v1;
	v1 =	vadd.f32 v42, v37;
	v2 =	vld.idx.msk [tilespmem:v2+s18+$0x0], $0xffff;
	v6 =	vor.u32 v6, v53  }
0x385: {  	v8 =	vor.u32 v25, v45;
	v25 =	vld [tilespmem:$0x1FF60]  }
0x386: {  	v3 =	vor.u32 v17, v48;
	v44 =	vld.idx.msk [tilespmem:v40+s23+$0x0], $0xffff;
	[tilespmem:v5+s28+$0x0] =	vst.idx.msk $0xffff, v1  }
0x387: {  	v4 =	vadd.f32 v4, v7;
	v50 =	vld [tilespmem:$0x1FC60]  }
0x388: {  	v43 =	vor.u32 v17, v45;
	v0 =	vld.idx.msk [tilespmem:v0+s18+$0x0], $0xffff  }
0x389: {  	v17 =	vld [tilespmem:$0x1FB80];
	[tilespmem:v6+s28+$0x0] =	vst.idx.msk $0xffff, v4  }
0x38a: {  	v6 =	vld [tilespmem:$0x1FC40]  }
0x38b: {  	v3 =	vld.idx.msk [tilespmem:v3+s23+$0x0], $0xffff  }
0x38c: {  	v8 =	vld.idx.msk [tilespmem:v8+s18+$0x0], $0xffff;
	v11 =	vand.u32 $0x3E8, v50  }
0x38d: {  	v13 =	vld.idx.msk [tilespmem:v43+s23+$0x0], $0xffff;
	v11 =	vor.u32 v11, v59  }
0x38e: {  	v1 =	vor.u32 v46, v24  }
0x38f: {  	v6 =	vor.u32 v6, v60  }
0x390: {  	v0 =	vadd.f32 v3, v0  }
0x391: {  	v2 =	vadd.f32 v44, v2  }
0x392: {  	[tilespmem:v11+s28+$0x0] =	vst.idx.msk $0xffff, v0;
	v0 =	vadd.f32 v13, v8  }
0x393: {  	[tilespmem:v1+s28+$0x0] =	vst.idx.msk $0xffff, v2  }
0x394: {  	v63 =	vld [tilespmem:$0x1FF80];
	[tilespmem:v6+s28+$0x0] =	vst.idx.msk $0xffff, v0  }
0x395: {  	v57 =	vld [tilespmem:$0x1FBA0]  }
0x396: {  	v49 =	vor.u32 v25, v31;
	_ =	sdelay $0x3  }
0x397: {  	v5 =	vor.u32 v17, v31;
	v8 =	vor.u32 v63, v52  }
0x398: {  	v7 =	vor.u32 v25, v47;
	v10 =	vld.idx.msk [tilespmem:v49+s18+$0x0], $0xffff;
	v0 =	vand.u32 $0x3F8, v8;
	v8 =	vadd.f32 v36, v35  }
0x399: {  	v51 =	vor.u32 v17, v47;
	v11 =	vld [tilespmem:$0x1FC80]  }
0x39a: {  	v4 =	vor.u32 v25, v48;
	v56 =	vld [tilespmem:$0x1FC30];
	[tilespmem:v57+s28+$0x0] =	vst.idx.msk $0xffff, v8  }
0x39b: {  	v54 =	vor.u32 v17, v48;
	v3 =	vor.u32 v17, v45;
	v17 =	vld [tilespmem:$0x1FBB0]  }
0x39c: {  	v2 =	vld.idx.msk [tilespmem:v5+s23+$0x0], $0xffff  }
0x39d: {  	v1 =	vor.u32 v25, v45;
	v5 =	vld.idx.msk [tilespmem:v7+s18+$0x0], $0xffff  }
0x39e: {  	v7 =	vld.idx.msk [tilespmem:v51+s23+$0x0], $0xffff  }
0x39f: {  	v4 =	vld.idx.msk [tilespmem:v4+s18+$0x0], $0xffff  }
0x3a0: {  	v13 =	vld [tilespmem:$0x1FBF0]  }
0x3a1: {  	v55 =	vadd.f32 v32, v38;
	v6 =	vld.idx.msk [tilespmem:v54+s23+$0x0], $0xffff  }
0x3a2: {  	v1 =	vld.idx.msk [tilespmem:v1+s18+$0x0], $0xffff  }
0x3a3: {  	v3 =	vld.idx.msk [tilespmem:v3+s23+$0x0], $0xffff;
	v0 =	vor.u32 v0, v53;
	[tilespmem:v17+s28+$0x0] =	vst.idx.msk $0xffff, v55  }
0x3a4: {  	v11 =	vor.u32 v11, v24;
	v12 =	vand.u32 $0x3F8, v56;
	v62 =	vld [tilespmem:$0x1FBE0]  }
0x3a5: {  	v12 =	vor.u32 v12, v59;
	v13 =	vand.u32 $0x3F8, v13  }
0x3a6: {  	v2 =	vadd.f32 v2, v10;
	v60 =	vor.u32 v13, v60  }
0x3a7: {  	v5 =	vadd.f32 v7, v5  }
0x3a8: {  	[tilespmem:v0+s28+$0x0] =	vst.idx.msk $0xffff, v2;
	v0 =	vadd.f32 v6, v4  }
0x3a9: {  	s4 =	sshll.u32 s16, $0x12;
	v1 =	vadd.f32 v3, v1;
	[tilespmem:v11+s28+$0x0] =	vst.idx.msk $0xffff, v5  }
0x3aa: {  	s15 =	sor.u32 $0x2, s15;
	s4 =	sor.u32 s9, s4;
	v8 =	vadd.f32 v41, v39;
	[tilespmem:v12+s28+$0x0] =	vst.idx.msk $0xffff, v0  }
0x3ab: {  	s19 =	sshll.u32 s15, $0x6;
	s4 =	sshrl.u32 s4, $0x3;
	[tilespmem:v60+s28+$0x0] =	vst.idx.msk $0xffff, v1  }
0x3ac: {  	s16 =	sand.u32 $0x3FFFFFC0, s19;
	s4 =	sadd.s32 s2, s4;
	[tilespmem:v62+s28+$0x0] =	vst.idx.msk $0xffff, v8  }
0x3ad: {  	[hbm4b:s4+s25] =	stream.strided.scatter [tilespmem:s28], [sflag:$0x2], $0x2000, s26, s25, $0x38;
	[tilespmem:$0x1BE00] =	vst v63  }
0x3ae: {  	s12 =	simm.s32 $0x0;
	v0 =	vld [tilespmem:s16+$0xC800]  }
0x3af: {  	v1 =	vld [tilespmem:s12+$0xFA00];
	_ =	sdelay $0x4  }
0x3b0: {  	v2 =	vld [tilespmem:s12+$0xFA10];
	v0 =	vadd.f32 v1, v0  }
0x3b1: {  	s4 =	simm.s32 $0x40;
	v1 =	vld [tilespmem:s16+$0xC800]  }
0x3b2: {  	[tilespmem:s12+$0xFC00] =	vst v0;
	v0 =	vld [tilespmem:s4+$0xFA00]  }
0x3b3: {  	v3 =	vld [tilespmem:s16+$0xC810];
	_ =	sdelay $0x2  }
0x3b4: {  	s6 =	simm.s32 $0x80;
	v5 =	vld [tilespmem:s16+$0xC800]  }
0x3b5: {  	v0 =	vadd.f32 v0, v1;
	v1 =	vld [tilespmem:s6+$0xFA00]  }
0x3b6: {  	v6 =	vld [tilespmem:s4+$0xFA10];
	v2 =	vadd.f32 v2, v3  }
0x3b7: {  	v3 =	vld [tilespmem:s12+$0xFA20];
	[tilespmem:s4+$0xFC00] =	vst v0  }
0x3b8: {  	[tilespmem:s12+$0xFC10] =	vst v2;
	v2 =	vld [tilespmem:s16+$0xC810]  }
0x3b9: {  	v7 =	vld [tilespmem:s16+$0xC820]  }
0x3ba: {  	v4 =	vld [tilespmem:s16+$0xC800];
	v1 =	vadd.f32 v1, v5  }
0x3bb: {  	v0 =	vld [tilespmem:s12+$0xFA30]  }
0x3bc: {  	[tilespmem:s6+$0xFC00] =	vst v1;
	v1 =	vld [tilespmem:s4+$0xFA20]  }
0x3bd: {  	s7 =	simm.s32 $0xC0;
	v5 =	vadd.f32 v6, v2;
	v2 =	vld [tilespmem:s6+$0xFA10]  }
0x3be: {  	v6 =	vld [tilespmem:s7+$0xFA00];
	v3 =	vadd.f32 v3, v7  }
0x3bf: {  	[tilespmem:s4+$0xFC10] =	vst v5;
	v5 =	vld [tilespmem:s16+$0xC810]  }
0x3c0: {  	s8 =	simm.s32 $0x400;
	v32 =	vmovc v15;
	v24 =	vmov v29;
	v17 =	vmov v14;
	v60 =	vmov v33;
	[tilespmem:s12+$0xFC20] =	vst v3;
	v3 =	vld [tilespmem:s16+$0xC820]  }
.LBB2_11:
0x3c1: {  	p1 =	sne.s32 s8, $0x700;
	v7 =	vld [tilespmem:s16+$0xC830];
	v8 =	vmov v1;
	s10 =	smov.u32 s6;
	s6 =	smov.u32 s7  }
0x3c2: {  	v9 =	vld [tilespmem:s16+$0xC800]  }
0x3c3: {  	v4 =	vadd.f32 v6, v4;
	v10 =	vld [tilespmem:s4+$0xFA30]  }
.Ltmp4:
0x3c4: {  	v5 =	vadd.f32 v2, v5;
	v1 =	vld [tilespmem:s10+$0xFA20];
	(pc) =	sbr.rel @p1 .LBB2_11-.Ltmp4, $4  }
0x3c5: {  	s7 =	sshra.s32 s8, $0x2;
	[tilespmem:s6+$0xFC00] =	vst v4;
	v2 =	vld [tilespmem:s6+$0xFA10];
	v3 =	vadd.f32 v8, v3  }
0x3c6: {  	v6 =	vld [tilespmem:s7+$0xFA00];
	[tilespmem:s10+$0xFC10] =	vst v5;
	v7 =	vadd.f32 v0, v7  }
0x3c7: {  	v5 =	vld [tilespmem:s16+$0xC810];
	[tilespmem:s4+$0xFC20] =	vst v3;
	v4 =	vmov v9  }
0x3c8: {  	s8 =	sadd.s32 $0x100, s8;
	v3 =	vld [tilespmem:s16+$0xC820];
	[tilespmem:s12+$0xFC30] =	vst v7;
	v0 =	vmov v10;
	s12 =	smov.u32 s4;
	s4 =	smov.u32 s10  }
0x3c9: {  	_ =	sdelay $0x1  }
0x3ca: {  	v4 =	vadd.f32 v6, v4;
	_ =	sdelay $0x1  }
0x3cb: {  	[tilespmem:s7+$0xFC00] =	vst v4;
	v4 =	vld [tilespmem:s7+$0xFA10]  }
0x3cc: {  	v6 =	vld [tilespmem:s16+$0xC810];
	_ =	sdelay $0x3  }
0x3cd: {  	v2 =	vadd.f32 v2, v5  }
0x3ce: {  	v5 =	vld [tilespmem:s6+$0xFA20];
	v4 =	vadd.f32 v4, v6  }
0x3cf: {  	[tilespmem:s6+$0xFC10] =	vst v2;
	v2 =	vld [tilespmem:s7+$0xFA20]  }
0x3d0: {  	v6 =	vld [tilespmem:s16+$0xC820];
	[tilespmem:s7+$0xFC10] =	vst v4  }
0x3d1: {  	v4 =	vld [tilespmem:s16+$0xC820]  }
0x3d2: {  	v1 =	vadd.f32 v1, v3  }
0x3d3: {  	v7 =	vld [tilespmem:s16+$0xC830]  }
0x3d4: {  	v3 =	vld [tilespmem:s4+$0xFA30];
	[tilespmem:s4+$0xFC20] =	vst v1  }
0x3d5: {  	v1 =	vld [tilespmem:s16+$0xC830];
	v5 =	vadd.f32 v5, v6  }
0x3d6: {  	v6 =	vld [tilespmem:s6+$0xFA30];
	v2 =	vadd.f32 v2, v4  }
0x3d7: {  	[tilespmem:s6+$0xFC20] =	vst v5;
	v4 =	vld [tilespmem:s7+$0xFA30]  }
0x3d8: {  	v5 =	vld [tilespmem:s16+$0xC830];
	[tilespmem:s7+$0xFC20] =	vst v2  }
0x3d9: {  	v2 =	vld [tilespmem:s16+$0xC830];
	_ =	sdelay $0x1  }
0x3da: {  	v0 =	vadd.f32 v0, v7  }
0x3db: {  	v1 =	vadd.f32 v3, v1  }
0x3dc: {  	[tilespmem:s12+$0xFC30] =	vst v0;
	v0 =	vadd.f32 v6, v5  }
0x3dd: {  	[tilespmem:s4+$0xFC30] =	vst v1;
	v1 =	vadd.f32 v4, v2  }
0x3de: {  	s8 =	sshll.u32 s15, $0x7;
	[tilespmem:s6+$0xFC30] =	vst v0  }
0x3df: {  	s4 =	sand.u32 $0x3FFFFF80, s8;
	[tilespmem:s7+$0xFC30] =	vst v1  }
0x3e0: {  	v0 =	vld [tilespmem:s4+$0x6400]  }
0x3e1: {  	v1 =	vld [tilespmem:s4+$0x6410]  }
0x3e2: {  	v2 =	vld [tilespmem:s4+$0x6420]  }
0x3e3: {  	v3 =	vld [tilespmem:s4+$0x6430]  }
0x3e4: {  	v4 =	vld [tilespmem:s4+$0x6440]  }
0x3e5: {  	s16 =	simm.s32 $0x2;
	v5 =	vld [tilespmem:s4+$0x6450]  }
0x3e6: {  	s10 =	simm.s32 $0x0;
	v11 =	vadd.s32 s16, v19;
	v6 =	vld [tilespmem:s4+$0x6460]  }
0x3e7: {  	v13 =	vshll.u32 v11, $0x7;
	v15 =	vand.u32 $0x7, v11;
	v11 =	vand.u32 $0xF, v11;
	v7 =	vld [tilespmem:s4+$0x6470];
	s4 =	sand.u32 $0x30, s10  }
0x3e8: {  	v29 =	vor.u32 v24, v13;
	v28 =	vor.u32 v61, v13;
	v11 =	vor.u32 s4, v11  }
0x3e9: {  	v36 =	vor.u32 v32, v13;
	v37 =	vand.u32 $0x38, v11;
	v11 =	vshll.u32 v11, $0x7  }
0x3ea: {  	v41 =	vor.u32 v60, v13;
	v11 =	vand.u32 $0x1C00, v11;
	v46 =	vshll.u32 v0, $0x6  }
0x3eb: {  	v56 =	vshll.u32 v1, $0x6;
	v57 =	vshll.u32 v2, $0x6;
	v0 =	vshll.u32 v6, $0x6  }
0x3ec: {  	s12 =	simm.s32 $0x1;
	v62 =	vshll.u32 v3, $0x6;
	v26 =	vshll.u32 v4, $0x6;
	[tilespmem:$0x1F8E0] =	vst v0;
	v0 =	vshll.u32 v7, $0x6  }
0x3ed: {  	v39 =	vshll.u32 v5, $0x6;
	v7 =	vadd.s32 s12, v19;
	[tilespmem:$0x1F920] =	vst v0;
	v0 =	vadd.s32 s10, v19  }
0x3ee: {  	v10 =	vshll.u32 v7, $0x7;
	v12 =	vand.u32 $0x7, v7;
	v14 =	vand.u32 $0xF, v7  }
0x3ef: {  	v1 =	vshll.u32 v0, $0x7;
	v3 =	vand.u32 $0xF, v0;
	v4 =	vand.u32 $0x7, v0  }
0x3f0: {  	v7 =	vor.u32 v63, v10;
	v34 =	vor.u32 v61, v10;
	v16 =	vor.u32 v32, v10  }
0x3f1: {  	v40 =	vor.u32 v60, v10;
	v0 =	vor.u32 v61, v1;
	v2 =	vor.u32 v24, v1  }
0x3f2: {  	v5 =	vor.u32 v63, v1;
	v6 =	vor.u32 v60, v1;
	v8 =	vor.u32 v17, v1  }
0x3f3: {  	v9 =	vor.u32 v19, v1;
	[tilespmem:$0x1F8D0] =	vst v7;
	v7 =	vor.u32 v63, v13;
	v38 =	vand.u32 $0x3C8, v16  }
0x3f4: {  	v33 =	vor.u32 s4, v3;
	[tilespmem:$0x1F960] =	vst v5;
	v5 =	vor.u32 v32, v1;
	v1 =	vor.u32 v22, v1  }
0x3f5: {  	[tilespmem:$0x1F930] =	vst v7;
	v2 =	vand.u32 $0x3E8, v2;
	v30 =	vand.u32 $0x3D8, v0;
	v7 =	vor.u32 v17, v13  }
0x3f6: {  	s19 =	simm.s32 $0x3;
	v25 =	vand.u32 $0x3C8, v5;
	v5 =	vor.u32 v17, v10;
	v42 =	vand.u32 $0x398, v1  }
0x3f7: {  	v1 =	vor.u32 v22, v10;
	v43 =	vand.u32 $0x3B8, v5;
	v5 =	vadd.s32 s19, v19  }
0x3f8: {  	[tilespmem:$0x1F910] =	vst v2;
	v2 =	vor.u32 v24, v10;
	v16 =	vand.u32 $0x398, v1;
	v1 =	vand.u32 $0xF, v5  }
0x3f9: {  	v0 =	vand.u32 $0x3A8, v6;
	v6 =	vor.u32 v19, v10;
	[tilespmem:$0x1F900] =	vst v2;
	v27 =	vor.u32 s4, v1  }
0x3fa: {  	v10 =	vor.u32 v22, v13;
	_ =	swait.ge [sflag:s29], $0x2000;
	v3 =	vand.u32 $0x7, v5;
	v1 =	vand.u32 $0x38, v27  }
0x3fb: {  	v44 =	vand.u32 $0x388, v6;
	v6 =	vor.u32 s4, v14;
	[sflag:s29] =	ssyncset.done $0x0;
	v31 =	vor.u32 v3, v1  }
0x3fc: {  	v2 =	vand.u32 $0x3B8, v8;
	v35 =	vand.u32 $0x38, v6;
	[sflag:s29] =	ssyncadd.s32 $0xFFFFE000;
	v45 =	vor.u32 v18, v31  }
0x3fd: {  	v6 =	vshll.u32 v6, $0x7;
	_ =	swait.ge [sflag:s21], $0x2000;
	v3 =	vor.u32 v12, v35;
	v52 =	vor.u32 v46, v31  }
0x3fe: {  	s6 =	simm.s32 @!p0 $0x80;
	v8 =	vmovc v46;
	v6 =	vand.u32 $0x1C00, v6;
	v1 =	vand.u32 $0x38, v33;
	[sflag:s21] =	ssyncset.done $0x0;
	v53 =	vor.u32 v18, v3  }
0x3ff: {  	s7 =	simm.s32 @!p0 $0x11E00;
	s4 =	sadd.s32 @!p0 $0x280, s14;
	[tilespmem:$0x1FAA0] =	vst v46;
	v1 =	vor.u32 v4, v1;
	v4 =	vor.u32 v15, v37;
	v46 =	vor.u32 v46, v3;
	[sflag:s21] =	ssyncadd.s32 $0xFFFFE000  }
0x400: {  	v6 =	vor.u32 v20, v6;
	v33 =	vshll.u32 v33, $0x7;
	v47 =	vor.u32 v18, v4;
	[tilespmem:s7], [sflag:$0x1] =	stream.indirect.gather @!p0 [hbm4b:s5+s6], $0x40, s4, s6, $0xb8;
	[tilespmem:$0x1BE00] =	vst v63  }
0x401: {  	v35 =	vshll.u32 v5, $0x7;
	v5 =	vshll.u32 v27, $0x7;
	v48 =	vor.u32 v8, v4;
	v45 =	vld.idx.msk [tilespmem:v45+s20+$0x0], $0xffff  }
0x402: {  	v55 =	vor.u32 v19, v35;
	v5 =	vand.u32 $0x1C00, v5;
	v49 =	vor.u32 v18, v1;
	v12 =	vld.idx.msk [tilespmem:v52+s23+$0x0], $0xffff  }
0x403: {  	v50 =	vor.u32 v8, v1;
	v51 =	vand.u32 $0x388, v55;
	v37 =	vor.u32 v20, v5;
	v15 =	vld.idx.msk [tilespmem:v53+s20+$0x0], $0xffff  }
0x404: {  	v54 =	vand.u32 $0x1C00, v33;
	v33 =	vor.u32 v20, v11;
	v11 =	vor.u32 v51, v37;
	v46 =	vld.idx.msk [tilespmem:v46+s23+$0x0], $0xffff  }
0x405: {  	v13 =	vor.u32 v19, v13;
	v14 =	vor.u32 v44, v6;
	v44 =	vld.idx.msk [tilespmem:v47+s20+$0x0], $0xffff;
	v47 =	vor.u32 v21, v31  }
0x406: {  	v13 =	vand.u32 $0x388, v13;
	v52 =	vor.u32 v56, v31;
	v48 =	vld.idx.msk [tilespmem:v48+s23+$0x0], $0xffff  }
0x407: {  	v5 =	vor.u32 v20, v54;
	v51 =	vor.u32 v21, v3;
	v49 =	vld.idx.msk [tilespmem:v49+s20+$0x0], $0xffff;
	v12 =	vadd.f32 v12, v45  }
0x408: {  	v13 =	vor.u32 v13, v33;
	v53 =	vor.u32 v56, v3;
	v45 =	vld.idx.msk [tilespmem:v50+s23+$0x0], $0xffff;
	[tilespmem:$0x1F8A0] =	vst v56  }
0x409: {  	v9 =	vand.u32 $0x388, v9;
	v54 =	vor.u32 v21, v4;
	v15 =	vadd.f32 v46, v15;
	[tilespmem:v11+s24+$0x0] =	vst.idx.msk $0xffff, v12  }
0x40a: {  	v9 =	vor.u32 v9, v5;
	v27 =	vor.u32 v42, v5;
	v50 =	vor.u32 v56, v4;
	v42 =	vld.idx.msk [tilespmem:v47+s20+$0x0], $0xffff  }
0x40b: {  	v55 =	vor.u32 v21, v1;
	[tilespmem:v14+s24+$0x0] =	vst.idx.msk $0xffff, v15;
	v14 =	vadd.f32 v48, v44;
	v15 =	vld.idx.msk [tilespmem:v52+s23+$0x0], $0xffff  }
0x40c: {  	v59 =	vor.u32 v22, v35;
	v56 =	vor.u32 v56, v1;
	v48 =	vld.idx.msk [tilespmem:v51+s20+$0x0], $0xffff  }
0x40d: {  	v59 =	vand.u32 $0x398, v59;
	[tilespmem:v13+s24+$0x0] =	vst.idx.msk $0xffff, v14;
	v45 =	vadd.f32 v45, v49;
	v49 =	vld.idx.msk [tilespmem:v53+s23+$0x0], $0xffff  }
0x40e: {  	v41 =	vand.u32 $0x3A8, v41;
	v13 =	vor.u32 v59, v37;
	v52 =	vld.idx.msk [tilespmem:v54+s20+$0x0], $0xffff  }
0x40f: {  	[tilespmem:v9+s24+$0x0] =	vst.idx.msk $0xffff, v45;
	v9 =	vor.u32 v41, v33;
	v41 =	vld.idx.msk [tilespmem:v50+s23+$0x0], $0xffff  }
0x410: {  	v10 =	vand.u32 $0x398, v10;
	v45 =	vor.u32 v23, v31;
	v53 =	vld.idx.msk [tilespmem:v55+s20+$0x0], $0xffff;
	[tilespmem:$0x1F8B0] =	vst v57  }
0x411: {  	v16 =	vor.u32 v16, v6;
	v54 =	vor.u32 v57, v31;
	v15 =	vadd.f32 v15, v42;
	v56 =	vld.idx.msk [tilespmem:v56+s23+$0x0], $0xffff  }
0x412: {  	v10 =	vor.u32 v10, v33;
	v12 =	vor.u32 v23, v3  }
0x413: {  	v2 =	vor.u32 v2, v5;
	v46 =	vor.u32 v57, v3;
	[tilespmem:v13+s24+$0x0] =	vst.idx.msk $0xffff, v15  }
0x414: {  	v44 =	vor.u32 v23, v4;
	v48 =	vadd.f32 v49, v48;
	[tilespmem:$0x1F970] =	vst v2;
	v11 =	vld [tilespmem:$0x1FFE0]  }
0x415: {  	v51 =	vor.u32 v57, v4;
	v15 =	vld.idx.msk [tilespmem:v45+s20+$0x0], $0xffff;
	v41 =	vadd.f32 v41, v52  }
0x416: {  	[tilespmem:v16+s24+$0x0] =	vst.idx.msk $0xffff, v48;
	v45 =	vld.idx.msk [tilespmem:v54+s23+$0x0], $0xffff;
	v53 =	vadd.f32 v56, v53  }
0x417: {  	v12 =	vld.idx.msk [tilespmem:v12+s20+$0x0], $0xffff;
	[tilespmem:v10+s24+$0x0] =	vst.idx.msk $0xffff, v41  }
0x418: {  	v46 =	vld.idx.msk [tilespmem:v46+s23+$0x0], $0xffff;
	[tilespmem:v27+s24+$0x0] =	vst.idx.msk $0xffff, v53  }
0x419: {  	v44 =	vld.idx.msk [tilespmem:v44+s20+$0x0], $0xffff;
	[tilespmem:$0x1F8C0] =	vst v62  }
0x41a: {  	v2 =	vor.u32 v25, v5;
	v10 =	vand.u32 $0x3C8, v36;
	v51 =	vld.idx.msk [tilespmem:v51+s23+$0x0], $0xffff  }
0x41b: {  	v49 =	vor.u32 v60, v35;
	[tilespmem:$0x1F9C0] =	vst v2;
	v2 =	vor.u32 v10, v33;
	v10 =	vld [tilespmem:$0x1FFD0]  }
0x41c: {  	v40 =	vand.u32 $0x3A8, v40;
	v47 =	vor.u32 v23, v1;
	v49 =	vand.u32 $0x3A8, v49  }
0x41d: {  	v40 =	vor.u32 v40, v6;
	v36 =	vor.u32 v49, v37  }
0x41e: {  	v8 =	vor.u32 v0, v5;
	v0 =	vor.u32 v62, v1;
	v14 =	vor.u32 v57, v1  }
0x41f: {  	v59 =	vor.u32 v62, v4;
	v55 =	vor.u32 v62, v3;
	v41 =	vor.u32 v58, v31  }
0x420: {  	v62 =	vor.u32 v62, v31;
	v15 =	vadd.f32 v45, v15;
	[tilespmem:$0x1F9B0] =	vst v2;
	v2 =	vor.u32 v10, v1  }
0x421: {  	v45 =	vld.idx.msk [tilespmem:v47+s20+$0x0], $0xffff;
	[tilespmem:$0x1F9D0] =	vst v2  }
0x422: {  	v50 =	vor.u32 v58, v3;
	v2 =	vor.u32 v39, v1;
	[tilespmem:v36+s24+$0x0] =	vst.idx.msk $0xffff, v15  }
0x423: {  	v25 =	vor.u32 v30, v5;
	v12 =	vadd.f32 v46, v12;
	v14 =	vld.idx.msk [tilespmem:v14+s23+$0x0], $0xffff;
	[tilespmem:$0x1F9E0] =	vst v2  }
0x424: {  	v41 =	vld.idx.msk [tilespmem:v41+s20+$0x0], $0xffff;
	[tilespmem:$0x1FA40] =	vst v25  }
0x425: {  	v34 =	vand.u32 $0x3D8, v34;
	v57 =	vor.u32 v58, v4;
	[tilespmem:v40+s24+$0x0] =	vst.idx.msk $0xffff, v12;
	v12 =	vld.idx.msk [tilespmem:v62+s23+$0x0], $0xffff  }
0x426: {  	v40 =	vor.u32 v34, v6;
	v25 =	vld [tilespmem:$0x1FF50]  }
0x427: {  	v42 =	vor.u32 v58, v1;
	v58 =	vadd.f32 v51, v44;
	[tilespmem:$0x1FA20] =	vst v40;
	v62 =	vld [tilespmem:$0x1F8D0]  }
0x428: {  	v2 =	vand.u32 $0x3D8, v28;
	v40 =	vld.idx.msk [tilespmem:v50+s20+$0x0], $0xffff  }
0x429: {  	v44 =	vor.u32 v2, v33;
	v2 =	vld.idx.msk [tilespmem:v55+s23+$0x0], $0xffff;
	[tilespmem:v9+s24+$0x0] =	vst.idx.msk $0xffff, v58  }
0x42a: {  	v16 =	vor.u32 v26, v3;
	v34 =	vld.idx.msk [tilespmem:v57+s20+$0x0], $0xffff  }
0x42b: {  	v52 =	vor.u32 v26, v4;
	v54 =	vor.u32 v26, v1;
	[tilespmem:$0x1F8F0] =	vst v26;
	v57 =	vor.u32 v26, v31;
	v26 =	vld [tilespmem:$0x1F900]  }
0x42c: {  	v27 =	vor.u32 v17, v35  }
0x42d: {  	v53 =	vor.u32 v38, v6;
	v38 =	vand.u32 $0x3B8, v27  }
0x42e: {  	v38 =	vor.u32 v38, v37  }
0x42f: {  	v14 =	vadd.f32 v14, v45  }
0x430: {  	v27 =	vld [tilespmem:$0x1F8E0];
	v28 =	vand.u32 $0x3E8, v26  }
0x431: {  	[tilespmem:v8+s24+$0x0] =	vst.idx.msk $0xffff, v14;
	v14 =	vld.idx.msk [tilespmem:v59+s23+$0x0], $0xffff;
	v12 =	vadd.f32 v12, v41;
	v8 =	vor.u32 v28, v6  }
0x432: {  	v30 =	vand.u32 $0x3F8, v62;
	v62 =	vld.idx.msk [tilespmem:v42+s20+$0x0], $0xffff;
	[tilespmem:$0x1FA60] =	vst v8  }
0x433: {  	v28 =	vld.idx.msk [tilespmem:v0+s23+$0x0], $0xffff;
	[tilespmem:v38+s24+$0x0] =	vst.idx.msk $0xffff, v12  }
0x434: {  	v0 =	vld [tilespmem:$0x1F910];
	_ =	sdelay $0x3  }
0x435: {  	v9 =	vor.u32 v11, v31  }
0x436: {  	v43 =	vor.u32 v43, v6;
	v42 =	vld [tilespmem:$0x1F920];
	v0 =	vor.u32 v0, v5  }
0x437: {  	v13 =	vor.u32 v11, v3;
	[tilespmem:$0x1FA70] =	vst v0;
	v0 =	vld [tilespmem:$0x1FF60]  }
0x438: {  	v51 =	vor.u32 v27, v3  }
0x439: {  	v59 =	vor.u32 v27, v4;
	v45 =	vor.u32 v27, v1;
	v15 =	vmovc v27;
	v27 =	vadd.f32 v2, v40  }
0x43a: {  	v9 =	vld.idx.msk [tilespmem:v9+s20+$0x0], $0xffff  }
0x43b: {  	v7 =	vand.u32 $0x3B8, v7;
	v49 =	vor.u32 v11, v1;
	[tilespmem:v43+s24+$0x0] =	vst.idx.msk $0xffff, v27;
	v12 =	vld.idx.msk [tilespmem:v57+s23+$0x0], $0xffff  }
0x43c: {  	v41 =	vor.u32 v25, v1;
	v13 =	vld.idx.msk [tilespmem:v13+s20+$0x0], $0xffff;
	v8 =	vor.u32 v0, v1;
	v1 =	vor.u32 v42, v1  }
0x43d: {  	v7 =	vor.u32 v7, v33;
	[tilespmem:$0x1FA90] =	vst v1;
	v1 =	vld [tilespmem:$0x1F930];
	_ =	sdelay $0x2  }
0x43e: {  	v14 =	vadd.f32 v14, v34  }
0x43f: {  	[tilespmem:$0x1FA80] =	vst v8  }
0x440: {  	[tilespmem:v7+s24+$0x0] =	vst.idx.msk $0xffff, v14;
	v43 =	vand.u32 $0x3F8, v1;
	v1 =	vor.u32 v30, v6  }
0x441: {  	v16 =	vld.idx.msk [tilespmem:v16+s23+$0x0], $0xffff;
	[tilespmem:$0x1F940] =	vst v1;
	v1 =	vor.u32 v43, v33  }
0x442: {  	[tilespmem:$0x1F950] =	vst v1;
	v1 =	vld [tilespmem:$0x1F960];
	_ =	sdelay $0x4  }
0x443: {  	v58 =	vand.u32 $0x3F8, v1;
	v1 =	vld [tilespmem:$0x1F970];
	_ =	sdelay $0x2  }
0x444: {  	v48 =	vor.u32 v11, v4  }
0x445: {  	v34 =	vor.u32 v32, v35  }
0x446: {  	v27 =	vand.u32 $0x3C8, v34  }
0x447: {  	v28 =	vadd.f32 v28, v62;
	v7 =	vor.u32 v27, v37;
	_ =	sdelay $0x1  }
0x448: {  	s7 =	simm.s32 $0x4;
	v6 =	vld.idx.msk [tilespmem:v48+s20+$0x0], $0xffff;
	[tilespmem:v1+s24+$0x0] =	vst.idx.msk $0xffff, v28  }
0x449: {  	v9 =	vadd.f32 v12, v9;
	v8 =	vld.idx.msk [tilespmem:v52+s23+$0x0], $0xffff;
	v1 =	vor.u32 v58, v5;
	v28 =	vadd.s32 s7, v19;
	[tilespmem:$0x1F980] =	vst v39  }
0x44a: {  	[tilespmem:$0x1F990] =	vst v1;
	v30 =	vshll.u32 v28, $0x7  }
0x44b: {  	v13 =	vadd.f32 v16, v13;
	v5 =	vld.idx.msk [tilespmem:v49+s20+$0x0], $0xffff;
	[tilespmem:v7+s24+$0x0] =	vst.idx.msk $0xffff, v9;
	v1 =	vor.u32 v63, v30  }
0x44c: {  	v62 =	vld.idx.msk [tilespmem:v54+s23+$0x0], $0xffff;
	[tilespmem:$0x1F9A0] =	vst v1  }
0x44d: {  	[tilespmem:v53+s24+$0x0] =	vst.idx.msk $0xffff, v13  }
0x44e: {  	v1 =	vld [tilespmem:$0x1F9B0];
	_ =	sdelay $0x5  }
0x44f: {  	v6 =	vadd.f32 v8, v6;
	_ =	sdelay $0x1  }
0x450: {  	[tilespmem:v1+s24+$0x0] =	vst.idx.msk $0xffff, v6  }
0x451: {  	v1 =	vld [tilespmem:$0x1F9C0];
	_ =	sdelay $0x5  }
0x452: {  	v5 =	vadd.f32 v62, v5;
	_ =	sdelay $0x1  }
0x453: {  	[tilespmem:v1+s24+$0x0] =	vst.idx.msk $0xffff, v5  }
0x454: {  	v1 =	vld [tilespmem:$0x1F9D0];
	_ =	sdelay $0x3  }
0x455: {  	v26 =	vmov v10  }
0x456: {  	v29 =	vand.u32 $0x3E8, v29;
	v57 =	vor.u32 v26, v31  }
0x457: {  	v40 =	vor.u32 v29, v33;
	v29 =	vor.u32 v39, v31;
	_ =	sdelay $0x1  }
0x458: {  	v47 =	vor.u32 v10, v3;
	v54 =	vld.idx.msk [tilespmem:v1+s20+$0x0], $0xffff  }
0x459: {  	v56 =	vor.u32 v39, v3;
	v1 =	vld [tilespmem:$0x1F9E0]  }
0x45a: {  	v46 =	vor.u32 v10, v4;
	v14 =	vld.idx.msk [tilespmem:v57+s20+$0x0], $0xffff  }
0x45b: {  	v36 =	vor.u32 v39, v4;
	v26 =	vor.u32 v61, v35;
	v7 =	vor.u32 v61, v30;
	v8 =	vld.idx.msk [tilespmem:v29+s23+$0x0], $0xffff  }
0x45c: {  	v9 =	vor.u32 v24, v30;
	v33 =	vor.u32 v32, v30;
	v13 =	vand.u32 $0x3D8, v26  }
0x45d: {  	s10 =	simm.s32 $0x6;
	v27 =	vor.u32 v60, v30;
	v49 =	vor.u32 v17, v30;
	v34 =	vld.idx.msk [tilespmem:v47+s20+$0x0], $0xffff;
	v6 =	vor.u32 v13, v37  }
0x45e: {  	v26 =	vor.u32 v19, v30;
	v12 =	vld.idx.msk [tilespmem:v56+s23+$0x0], $0xffff;
	v13 =	vor.u32 v22, v30;
	v30 =	vadd.s32 s10, v19  }
0x45f: {  	v10 =	vmov v25;
	v43 =	vld.idx.msk [tilespmem:v46+s20+$0x0], $0xffff;
	v53 =	vshll.u32 v30, $0x7  }
0x460: {  	v39 =	vor.u32 v10, v31;
	v8 =	vadd.f32 v8, v14;
	v10 =	vor.u32 v63, v53;
	v5 =	vld.idx.msk [tilespmem:v36+s23+$0x0], $0xffff  }
0x461: {  	v56 =	vld.idx.msk [tilespmem:v1+s23+$0x0], $0xffff;
	[tilespmem:$0x1F9F0] =	vst v10  }
0x462: {  	[tilespmem:v6+s24+$0x0] =	vst.idx.msk $0xffff, v8  }
0x463: {  	v8 =	vld [tilespmem:$0x1FA20];
	_ =	sdelay $0x2  }
0x464: {  	v15 =	vor.u32 v15, v31  }
0x465: {  	v6 =	vand.u32 $0x3E8, v9  }
0x466: {  	v7 =	vand.u32 $0x3D8, v7;
	[tilespmem:$0x1FA00] =	vst v6  }
0x467: {  	v12 =	vadd.f32 v12, v34;
	[tilespmem:$0x1FA10] =	vst v7  }
0x468: {  	v7 =	vld.idx.msk [tilespmem:v39+s20+$0x0], $0xffff  }
0x469: {  	[tilespmem:v8+s24+$0x0] =	vst.idx.msk $0xffff, v12;
	v8 =	vld.idx.msk [tilespmem:v15+s23+$0x0], $0xffff;
	_ =	sdelay $0x1  }
0x46a: {  	v5 =	vadd.f32 v5, v43;
	v10 =	vor.u32 v24, v53  }
0x46b: {  	[tilespmem:$0x1FA30] =	vst v10  }
0x46c: {  	v50 =	vor.u32 v25, v3;
	v2 =	vor.u32 v0, v3;
	[tilespmem:v44+s24+$0x0] =	vst.idx.msk $0xffff, v5  }
0x46d: {  	v38 =	vor.u32 v0, v4;
	v7 =	vadd.f32 v8, v7;
	v8 =	vor.u32 v0, v31;
	v0 =	vld [tilespmem:$0x1FA40];
	_ =	sdelay $0x1  }
0x46e: {  	v55 =	vor.u32 v25, v4;
	v9 =	vor.u32 v24, v35  }
0x46f: {  	s8 =	simm.s32 $0x5;
	v9 =	vand.u32 $0x3E8, v9  }
0x470: {  	v29 =	vadd.s32 s8, v19;
	v36 =	vld.idx.msk [tilespmem:v50+s20+$0x0], $0xffff;
	v5 =	vor.u32 v9, v37  }
0x471: {  	v47 =	vshll.u32 v29, $0x7;
	v25 =	vand.u32 $0x7, v30;
	v1 =	vand.u32 $0xF, v30;
	v39 =	vld.idx.msk [tilespmem:v51+s23+$0x0], $0xffff  }
0x472: {  	v30 =	vor.u32 v61, v53;
	v12 =	vor.u32 v61, v47;
	v61 =	vadd.f32 v56, v54  }
0x473: {  	v62 =	vor.u32 v63, v47;
	v43 =	vld.idx.msk [tilespmem:v55+s20+$0x0], $0xffff  }
0x474: {  	v6 =	vor.u32 v24, v47;
	v24 =	vor.u32 v17, v47;
	v59 =	vld.idx.msk [tilespmem:v59+s23+$0x0], $0xffff;
	[tilespmem:v0+s24+$0x0] =	vst.idx.msk $0xffff, v61  }
0x475: {  	v54 =	vand.u32 $0x3A8, v27;
	v50 =	vor.u32 v17, v53;
	v17 =	vand.u32 $0x3F8, v62;
	[tilespmem:v5+s24+$0x0] =	vst.idx.msk $0xffff, v7;
	v27 =	vld.idx.msk [tilespmem:v41+s20+$0x0], $0xffff  }
0x476: {  	v9 =	vor.u32 v32, v47;
	v5 =	vadd.f32 v39, v36;
	v36 =	vld.idx.msk [tilespmem:v45+s23+$0x0], $0xffff;
	[tilespmem:$0x1FA50] =	vst v17  }
0x477: {  	v34 =	vand.u32 $0x3B8, v49;
	v49 =	vand.u32 $0x3C8, v9;
	v9 =	vld.idx.msk [tilespmem:v8+s20+$0x0], $0xffff  }
0x478: {  	v8 =	vld [tilespmem:$0x1FA60];
	_ =	sdelay $0x2  }
0x479: {  	v11 =	vor.u32 v42, v31;
	_ =	sdelay $0x3  }
0x47a: {  	v31 =	vadd.f32 v59, v43  }
0x47b: {  	v11 =	vld.idx.msk [tilespmem:v11+s23+$0x0], $0xffff;
	[tilespmem:v8+s24+$0x0] =	vst.idx.msk $0xffff, v5  }
0x47c: {  	v46 =	vand.u32 $0x3E8, v6;
	v6 =	vor.u32 v63, v35;
	[tilespmem:v40+s24+$0x0] =	vst.idx.msk $0xffff, v31;
	v35 =	vld.idx.msk [tilespmem:v2+s20+$0x0], $0xffff  }
0x47d: {  	v14 =	vand.u32 $0xF, v29;
	v10 =	vand.u32 $0x3C8, v33;
	v2 =	vld [tilespmem:$0x1FA70]  }
0x47e: {  	v6 =	vand.u32 $0x3F8, v6;
	v51 =	vmovc v10;
	v10 =	vor.u32 v19, v47;
	v7 =	vor.u32 v22, v47  }
0x47f: {  	s19 =	sand.u32 $0x30, s7;
	v61 =	vand.u32 $0x398, v7;
	v7 =	vand.u32 $0x388, v10;
	v10 =	vor.u32 v6, v37  }
0x480: {  	s12 =	simm.s32 $0x7;
	v57 =	vor.u32 v60, v47;
	v14 =	vor.u32 s19, v14;
	v56 =	vor.u32 v60, v53  }
0x481: {  	v44 =	vor.u32 v32, v53;
	v39 =	vor.u32 v22, v53;
	v6 =	vadd.s32 s12, v19  }
0x482: {  	v53 =	vor.u32 v19, v53;
	v60 =	vand.u32 $0xF, v6;
	v11 =	vadd.f32 v11, v9  }
0x483: {  	v59 =	vadd.f32 v36, v27;
	v5 =	vand.u32 $0x388, v53;
	v53 =	vor.u32 s19, v60  }
0x484: {  	v63 =	vand.u32 $0x7, v6;
	v8 =	vor.u32 s19, v1;
	v1 =	vand.u32 $0x38, v53;
	[tilespmem:v10+s24+$0x0] =	vst.idx.msk $0xffff, v11  }
0x485: {  	v52 =	vand.u32 $0x7, v29;
	v31 =	vor.u32 v63, v1;
	v1 =	vand.u32 $0x38, v14;
	[tilespmem:v2+s24+$0x0] =	vst.idx.msk $0xffff, v59  }
0x486: {  	v47 =	vor.u32 v52, v1;
	v1 =	vld [tilespmem:$0x1FA80];
	_ =	sdelay $0x7  }
0x487: {  	v62 =	vand.u32 $0x398, v39;
	v39 =	vld.idx.msk [tilespmem:v1+s20+$0x0], $0xffff  }
0x488: {  	v1 =	vld [tilespmem:$0x1FA90];
	_ =	sdelay $0x6  }
0x489: {  	v3 =	vor.u32 v42, v3  }
0x48a: {  	v4 =	vor.u32 v42, v4;
	v41 =	vld.idx.msk [tilespmem:v1+s23+$0x0], $0xffff  }
0x48b: {  	v1 =	vld [tilespmem:$0x1FAA0]  }
0x48c: {  	v48 =	vand.u32 $0xF, v28;
	v16 =	vand.u32 $0x7, v28;
	v58 =	vand.u32 $0x398, v13  }
0x48d: {  	v42 =	vand.u32 $0x3B8, v24;
	v43 =	vand.u32 $0x3D8, v12;
	v0 =	vand.u32 $0x388, v26  }
0x48e: {  	v9 =	vor.u32 s19, v48;
	v36 =	vld.idx.msk [tilespmem:v3+s23+$0x0], $0xffff;
	v10 =	vand.u32 $0x38, v8;
	v3 =	vshll.u32 v14, $0x7  }
0x48f: {  	v32 =	vld.idx.msk [tilespmem:v4+s23+$0x0], $0xffff;
	v48 =	vor.u32 v25, v10;
	v4 =	vor.u32 v18, v31;
	v2 =	vand.u32 $0x38, v9  }
0x490: {  	s16 =	simm.s32 $0x8;
	v38 =	vld.idx.msk [tilespmem:v38+s20+$0x0], $0xffff;
	v45 =	vor.u32 v16, v2;
	v59 =	vor.u32 v1, v31;
	v1 =	vor.u32 v18, v47  }
.LBB2_13:
0x491: {  	v13 =	vld [tilespmem:$0x1FAA0];
	_ =	sdelay $0x4  }
0x492: {  	v4 =	vld.idx.msk [tilespmem:v4+s20+$0x0], $0xffff;
	v2 =	vor.u32 v13, v47  }
0x493: {  	v10 =	vor.u32 v18, v48;
	v52 =	vshll.u32 v6, $0x7;
	v6 =	vld.idx.msk [tilespmem:v59+s23+$0x0], $0xffff  }
0x494: {  	v12 =	vor.u32 v18, v45;
	v8 =	vshll.u32 v8, $0x7;
	v1 =	vld.idx.msk [tilespmem:v1+s20+$0x0], $0xffff;
	v11 =	vor.u32 v13, v48  }
0x495: {  	v9 =	vshll.u32 v9, $0x7;
	v3 =	vand.u32 $0x1C00, v3;
	v14 =	vshll.u32 v53, $0x7;
	v18 =	vld [tilespmem:$0x1F8A0]  }
0x496: {  	v29 =	vld [tilespmem:$0x1F8C0];
	v8 =	vand.u32 $0x1C00, v8;
	v9 =	vand.u32 $0x1C00, v9;
	v13 =	vor.u32 v13, v45  }
0x497: {  	v14 =	vand.u32 $0x1C00, v14;
	v60 =	vor.u32 v20, v3;
	v3 =	vor.u32 v19, v52;
	v15 =	vld.idx.msk [tilespmem:v2+s23+$0x0], $0xffff  }
0x498: {  	v53 =	vor.u32 v20, v14;
	v3 =	vand.u32 $0x388, v3;
	v2 =	vor.u32 v20, v8;
	v8 =	vld.idx.msk [tilespmem:v10+s20+$0x0], $0xffff  }
0x499: {  	v59 =	vor.u32 v20, v9;
	v3 =	vor.u32 v3, v53;
	v9 =	vld.idx.msk [tilespmem:v11+s23+$0x0], $0xffff  }
0x49a: {  	v10 =	vor.u32 v21, v31;
	v11 =	vld.idx.msk [tilespmem:v12+s20+$0x0], $0xffff  }
0x49b: {  	v7 =	vor.u32 v7, v60;
	v16 =	vor.u32 v18, v31;
	v13 =	vld.idx.msk [tilespmem:v13+s23+$0x0], $0xffff  }
0x49c: {  	v37 =	vor.u32 v22, v52;
	v22 =	vmovc v39;
	v39 =	vld [tilespmem:$0x1FFE0];
	v26 =	vor.u32 v21, v47;
	v4 =	vadd.f32 v6, v4  }
0x49d: {  	v25 =	vmovc v30;
	v19 =	vld [tilespmem:$0x1F8B0];
	v0 =	vor.u32 v0, v59;
	v27 =	vor.u32 v18, v47;
	v6 =	vor.u32 v21, v45  }
0x49e: {  	v30 =	vmov v35;
	v35 =	vld [tilespmem:$0x1F8F0];
	v5 =	vor.u32 v5, v2;
	[tilespmem:v3+s24+$0x0] =	vst.idx.msk $0xffff, v4;
	v1 =	vadd.f32 v15, v1  }
0x49f: {  	v63 =	vor.u32 v21, v48;
	v17 =	vor.u32 v18, v48;
	v18 =	vor.u32 v18, v45;
	v10 =	vld.idx.msk [tilespmem:v10+s20+$0x0], $0xffff  }
0x4a0: {  	v11 =	vadd.f32 v13, v11;
	[tilespmem:v7+s24+$0x0] =	vst.idx.msk $0xffff, v1;
	v1 =	vadd.f32 v9, v8;
	v8 =	vld.idx.msk [tilespmem:v16+s23+$0x0], $0xffff  }
0x4a1: {  	v12 =	vld.idx.msk [tilespmem:v26+s20+$0x0], $0xffff  }
0x4a2: {  	[tilespmem:v0+s24+$0x0] =	vst.idx.msk $0xffff, v11;
	v40 =	vld.idx.msk [tilespmem:v27+s23+$0x0], $0xffff  }
0x4a3: {  	v6 =	vld.idx.msk [tilespmem:v6+s20+$0x0], $0xffff;
	[tilespmem:v5+s24+$0x0] =	vst.idx.msk $0xffff, v1;
	v5 =	vand.u32 $0x398, v37  }
0x4a4: {  	v18 =	vld.idx.msk [tilespmem:v18+s23+$0x0], $0xffff;
	v5 =	vor.u32 v5, v53  }
0x4a5: {  	v33 =	vand.u32 $0x3A8, v57;
	v11 =	vor.u32 v23, v31;
	v1 =	vand.u32 $0x3A8, v56;
	v56 =	vld.idx.msk [tilespmem:v63+s20+$0x0], $0xffff  }
0x4a6: {  	v61 =	vor.u32 v61, v60;
	v0 =	vld.idx.msk [tilespmem:v17+s23+$0x0], $0xffff;
	v17 =	vor.u32 v54, v59;
	v54 =	vor.u32 v19, v31  }
0x4a7: {  	v4 =	vor.u32 v23, v47;
	v8 =	vadd.f32 v8, v10;
	v26 =	vadd.f32 v40, v12;
	v12 =	vmovc v41;
	v41 =	vld [tilespmem:$0x1FF70]  }
0x4a8: {  	v3 =	vor.u32 v58, v59;
	v58 =	vor.u32 v19, v47;
	v15 =	vor.u32 v33, v60;
	v33 =	vld [tilespmem:$0x1FFF0]  }
0x4a9: {  	v14 =	vor.u32 v19, v45;
	v57 =	vor.u32 v62, v2;
	v37 =	vld [tilespmem:$0x1FFD0];
	[tilespmem:v5+s24+$0x0] =	vst.idx.msk $0xffff, v8  }
0x4aa: {  	v7 =	vor.u32 v23, v48;
	v5 =	vld.idx.msk [tilespmem:v11+s20+$0x0], $0xffff  }
0x4ab: {  	v16 =	vor.u32 v19, v48;
	v6 =	vadd.f32 v18, v6;
	[tilespmem:v61+s24+$0x0] =	vst.idx.msk $0xffff, v26;
	v8 =	vld.idx.msk [tilespmem:v54+s23+$0x0], $0xffff  }
0x4ac: {  	v9 =	vor.u32 v23, v45;
	v0 =	vadd.f32 v0, v56;
	v4 =	vld.idx.msk [tilespmem:v4+s20+$0x0], $0xffff;
	v56 =	vor.u32 v41, v52  }
0x4ad: {  	[tilespmem:v3+s24+$0x0] =	vst.idx.msk $0xffff, v6;
	v18 =	vld.idx.msk [tilespmem:v58+s23+$0x0], $0xffff;
	v61 =	vand.u32 $0x3A8, v56  }
0x4ae: {  	v50 =	vand.u32 $0x3B8, v50;
	v14 =	vld.idx.msk [tilespmem:v14+s23+$0x0], $0xffff;
	[tilespmem:v57+s24+$0x0] =	vst.idx.msk $0xffff, v0;
	v0 =	vand.u32 $0x3C8, v44;
	v44 =	vor.u32 v61, v53  }
0x4af: {  	v13 =	vor.u32 v42, v60;
	v42 =	vor.u32 v50, v2;
	v50 =	vld.idx.msk [tilespmem:v7+s20+$0x0], $0xffff  }
0x4b0: {  	v1 =	vor.u32 v1, v2;
	v62 =	vor.u32 v33, v47;
	v3 =	vld.idx.msk [tilespmem:v16+s23+$0x0], $0xffff  }
0x4b1: {  	v63 =	vor.u32 v29, v47;
	v16 =	vld.idx.msk [tilespmem:v9+s20+$0x0], $0xffff;
	v61 =	vor.u32 v0, v2;
	v0 =	vadd.f32 v8, v5  }
0x4b2: {  	v19 =	vor.u32 v33, v48;
	v10 =	vor.u32 v33, v45;
	v6 =	vor.u32 v33, v31;
	v7 =	vmovc v36;
	v36 =	vld [tilespmem:$0x1F980]  }
0x4b3: {  	v33 =	vor.u32 v29, v31;
	v4 =	vadd.f32 v18, v4;
	[tilespmem:v44+s24+$0x0] =	vst.idx.msk $0xffff, v0;
	v0 =	vld [tilespmem:$0x1FA10]  }
0x4b4: {  	v21 =	vor.u32 v29, v48;
	v40 =	vmov v43;
	v5 =	vand.u32 $0x3D8, v25;
	v25 =	vld [tilespmem:$0x1FF90]  }
0x4b5: {  	[tilespmem:v15+s24+$0x0] =	vst.idx.msk $0xffff, v4;
	v3 =	vadd.f32 v3, v50;
	v44 =	vor.u32 v40, v60;
	v40 =	vld [tilespmem:$0x1FF50]  }
0x4b6: {  	v14 =	vadd.f32 v14, v16;
	v15 =	vld.idx.msk [tilespmem:v62+s20+$0x0], $0xffff  }
0x4b7: {  	v16 =	vld.idx.msk [tilespmem:v63+s23+$0x0], $0xffff;
	[tilespmem:v1+s24+$0x0] =	vst.idx.msk $0xffff, v3  }
0x4b8: {  	v20 =	vor.u32 v29, v45;
	[tilespmem:v17+s24+$0x0] =	vst.idx.msk $0xffff, v14;
	v4 =	vld.idx.msk [tilespmem:v33+s23+$0x0], $0xffff;
	v0 =	vor.u32 v0, v59  }
0x4b9: {  	v33 =	vld [tilespmem:$0x1F8E0];
	[tilespmem:$0x1F880] =	vst v0;
	v0 =	vor.u32 v5, v2  }
0x4ba: {  	v14 =	vld.idx.msk [tilespmem:v21+s23+$0x0], $0xffff;
	[tilespmem:$0x1F870] =	vst v0;
	v0 =	vor.u32 v40, v47  }
0x4bb: {  	[tilespmem:$0x1F860] =	vst v0;
	v0 =	vld [tilespmem:$0x1FA30]  }
0x4bc: {  	v10 =	vld.idx.msk [tilespmem:v10+s20+$0x0], $0xffff  }
0x4bd: {  	v24 =	vor.u32 v35, v47;
	v28 =	vor.u32 v35, v48;
	v20 =	vld.idx.msk [tilespmem:v20+s23+$0x0], $0xffff  }
0x4be: {  	v43 =	vor.u32 v34, v59;
	v34 =	vor.u32 v35, v45;
	v21 =	vor.u32 v35, v31;
	v35 =	vld [tilespmem:$0x1FFA0]  }
0x4bf: {  	v15 =	vadd.f32 v16, v15;
	v16 =	vld [tilespmem:$0x1F9F0]  }
0x4c0: {  	v23 =	vor.u32 v39, v47;
	v1 =	vand.u32 $0x3E8, v0;
	v0 =	vld [tilespmem:$0x1FA00]  }
0x4c1: {  	v27 =	vor.u32 v39, v48;
	v26 =	vor.u32 v39, v45;
	v5 =	vld.idx.msk [tilespmem:v6+s20+$0x0], $0xffff;
	v6 =	vor.u32 v25, v52  }
0x4c2: {  	v29 =	vor.u32 v37, v47;
	v10 =	vadd.f32 v20, v10;
	v20 =	vld [tilespmem:$0x1F9A0];
	v3 =	vand.u32 $0x3B8, v6  }
0x4c3: {  	v11 =	vmovc v32;
	v32 =	vmov v46;
	v58 =	vor.u32 v37, v45;
	v18 =	vld.idx.msk [tilespmem:v19+s20+$0x0], $0xffff;
	v19 =	vor.u32 v3, v53  }
0x4c4: {  	v9 =	vor.u32 v36, v47;
	v57 =	vor.u32 v36, v45;
	v62 =	vor.u32 v32, v60  }
0x4c5: {  	v17 =	vor.u32 v39, v31;
	v39 =	vld [tilespmem:$0x1F920];
	v50 =	vor.u32 v33, v47;
	v0 =	vor.u32 v0, v59  }
0x4c6: {  	v16 =	vand.u32 $0x3F8, v16;
	v63 =	vor.u32 v1, v2;
	v1 =	vadd.f32 v4, v5;
	[tilespmem:$0x1F890] =	vst v0;
	v0 =	vld [tilespmem:$0x1FF60]  }
0x4c7: {  	[tilespmem:v13+s24+$0x0] =	vst.idx.msk $0xffff, v15;
	v20 =	vand.u32 $0x3F8, v20;
	v2 =	vor.u32 v16, v2;
	v16 =	vor.u32 v35, v52  }
0x4c8: {  	[tilespmem:v19+s24+$0x0] =	vst.idx.msk $0xffff, v1;
	v19 =	vadd.f32 v7, v30;
	v30 =	vadd.f32 v11, v38;
	v11 =	vld.idx.msk [tilespmem:v24+s23+$0x0], $0xffff  }
0x4c9: {  	v6 =	vor.u32 v40, v45;
	v24 =	vand.u32 $0x3C8, v16;
	v16 =	vor.u32 v20, v59;
	v20 =	vld [tilespmem:$0x1F940]  }
0x4ca: {  	v3 =	vor.u32 v33, v45;
	v5 =	vor.u32 v39, v47;
	v1 =	vor.u32 v39, v45;
	v7 =	vld [tilespmem:$0x1FA50]  }
0x4cb: {  	v32 =	vor.u32 v0, v47;
	v47 =	vor.u32 v0, v45;
	v45 =	vadd.f32 v12, v22;
	v22 =	vld [tilespmem:$0x1F950]  }
0x4cc: {  	v13 =	vadd.f32 v14, v18;
	v17 =	vld.idx.msk [tilespmem:v17+s20+$0x0], $0xffff  }
0x4cd: {  	v38 =	vld.idx.msk [tilespmem:v21+s23+$0x0], $0xffff  }
0x4ce: {  	v18 =	vld.idx.msk [tilespmem:v23+s20+$0x0], $0xffff;
	[tilespmem:v42+s24+$0x0] =	vst.idx.msk $0xffff, v13  }
0x4cf: {  	v46 =	vor.u32 v49, v60;
	v27 =	vld.idx.msk [tilespmem:v27+s20+$0x0], $0xffff  }
0x4d0: {  	v8 =	vor.u32 v37, v48;
	[tilespmem:v43+s24+$0x0] =	vst.idx.msk $0xffff, v10;
	v10 =	vld.idx.msk [tilespmem:v28+s23+$0x0], $0xffff;
	v21 =	vor.u32 v7, v60  }
0x4d1: {  	v13 =	vor.u32 v24, v53;
	[tilespmem:v20+s24+$0x0] =	vst.idx.msk $0xffff, v19;
	v19 =	vor.u32 v37, v31;
	v20 =	vmov v21;
	v37 =	vld [tilespmem:$0x1FF80]  }
0x4d2: {  	v14 =	vadd.f32 v38, v17;
	v17 =	vld [tilespmem:$0x1F990];
	[tilespmem:$0x1F940] =	vst v20  }
0x4d3: {  	v55 =	vlaneseq.u32;
	v11 =	vadd.f32 v11, v18;
	v20 =	vld.idx.msk [tilespmem:v26+s20+$0x0], $0xffff;
	[tilespmem:v22+s24+$0x0] =	vst.idx.msk $0xffff, v30;
	v22 =	vmov v2  }
0x4d4: {  	v54 =	vor.u32 v51, v59;
	v2 =	vadd.s32 s16, v55;
	[tilespmem:$0x1F950] =	vst v22;
	v22 =	vld.idx.msk [tilespmem:v34+s23+$0x0], $0xffff  }
0x4d5: {  	v51 =	vor.u32 v36, v48;
	v21 =	vor.u32 v36, v31;
	v36 =	vld [tilespmem:$0x1FFB0];
	[tilespmem:v46+s24+$0x0] =	vst.idx.msk $0xffff, v11;
	v43 =	vshll.u32 v2, $0x7  }
0x4d6: {  	v42 =	vmov v16;
	[tilespmem:v13+s24+$0x0] =	vst.idx.msk $0xffff, v14;
	v9 =	vld.idx.msk [tilespmem:v9+s23+$0x0], $0xffff;
	v16 =	vor.u32 v37, v43  }
0x4d7: {  	[tilespmem:$0x1F9A0] =	vst v16;
	v16 =	vld.idx.msk [tilespmem:v19+s20+$0x0], $0xffff  }
0x4d8: {  	v19 =	vld.idx.msk [tilespmem:v29+s20+$0x0], $0xffff  }
0x4d9: {  	s10 =	sadd.s32 $0x2, s16;
	v20 =	vadd.f32 v22, v20;
	v22 =	vld [tilespmem:$0x1FF30]  }
0x4da: {  	v10 =	vadd.f32 v10, v27;
	v46 =	vadd.s32 s10, v55  }
0x4db: {  	v26 =	vshll.u32 v46, $0x7;
	v11 =	vld.idx.msk [tilespmem:v21+s23+$0x0], $0xffff;
	v21 =	vor.u32 v36, v52  }
0x4dc: {  	s4 =	sadd.s32 $0x1, s16;
	v30 =	vor.u32 v37, v26;
	[tilespmem:v61+s24+$0x0] =	vst.idx.msk $0xffff, v10;
	v10 =	vand.u32 $0x3D8, v21  }
0x4dd: {  	v23 =	vadd.s32 s4, v55;
	v38 =	vld [tilespmem:$0x1FFC0];
	[tilespmem:v17+s24+$0x0] =	vst.idx.msk $0xffff, v45;
	v10 =	vor.u32 v10, v53;
	v9 =	vadd.f32 v9, v19  }
0x4de: {  	v17 =	vor.u32 v35, v43;
	v8 =	vld.idx.msk [tilespmem:v8+s20+$0x0], $0xffff;
	v15 =	vor.u32 v22, v43;
	v22 =	vshll.u32 v23, $0x7  }
0x4df: {  	[tilespmem:v44+s24+$0x0] =	vst.idx.msk $0xffff, v9;
	v44 =	vor.u32 v35, v26;
	v9 =	vor.u32 v35, v22;
	v35 =	vld [tilespmem:$0x1F870]  }
0x4e0: {  	[tilespmem:$0x1F9F0] =	vst v30;
	v7 =	vld.idx.msk [tilespmem:v51+s23+$0x0], $0xffff;
	v11 =	vadd.f32 v11, v16  }
0x4e1: {  	v28 =	vor.u32 v33, v31;
	v34 =	vld [tilespmem:$0x1F860];
	v13 =	vor.u32 v36, v43;
	[tilespmem:v54+s24+$0x0] =	vst.idx.msk $0xffff, v20  }
0x4e2: {  	v20 =	vor.u32 v40, v31;
	v59 =	vld.idx.msk [tilespmem:v58+s20+$0x0], $0xffff;
	[tilespmem:v10+s24+$0x0] =	vst.idx.msk $0xffff, v11;
	v10 =	vand.u32 $0x3D8, v13  }
0x4e3: {  	v49 =	vor.u32 v40, v48;
	v30 =	vor.u32 v36, v26;
	[tilespmem:$0x1FA10] =	vst v10;
	v10 =	vor.u32 v36, v22;
	v36 =	vld [tilespmem:$0x1F880]  }
0x4e4: {  	v56 =	vor.u32 v33, v48;
	v60 =	vld.idx.msk [tilespmem:v57+s23+$0x0], $0xffff  }
0x4e5: {  	v7 =	vadd.f32 v7, v8;
	v11 =	vor.u32 v38, v26  }
0x4e6: {  	v4 =	vor.u32 v0, v48;
	[tilespmem:$0x1FA30] =	vst v11;
	v8 =	vld.idx.msk [tilespmem:v28+s23+$0x0], $0xffff  }
0x4e7: {  	v48 =	vor.u32 v39, v48;
	v19 =	vor.u32 v38, v52;
	v11 =	vld.idx.msk [tilespmem:v20+s20+$0x0], $0xffff;
	[tilespmem:v35+s24+$0x0] =	vst.idx.msk $0xffff, v7  }
0x4e8: {  	v14 =	vor.u32 v38, v43;
	v51 =	vand.u32 $0x3C8, v17;
	v7 =	vand.u32 $0x3E8, v19;
	v27 =	vld.idx.msk [tilespmem:v49+s20+$0x0], $0xffff  }
0x4e9: {  	v61 =	vor.u32 v38, v22;
	v17 =	vadd.f32 v60, v59;
	v7 =	vor.u32 v7, v53;
	v38 =	vld.idx.msk [tilespmem:v56+s23+$0x0], $0xffff  }
0x4ea: {  	v24 =	vand.u32 $0xF, v46;
	v45 =	vand.u32 $0xF, v2;
	v12 =	vor.u32 v41, v43;
	v13 =	vld.idx.msk [tilespmem:v34+s20+$0x0], $0xffff  }
0x4eb: {  	v2 =	vand.u32 $0x7, v2;
	v18 =	vor.u32 v25, v43;
	[tilespmem:v36+s24+$0x0] =	vst.idx.msk $0xffff, v17;
	v17 =	vor.u32 v0, v31;
	v0 =	vld [tilespmem:$0x1FF30]  }
0x4ec: {  	v21 =	vor.u32 v55, v43;
	v29 =	vand.u32 $0x7, v46;
	v20 =	vld.idx.msk [tilespmem:v50+s23+$0x0], $0xffff;
	v8 =	vadd.f32 v8, v11  }
0x4ed: {  	v14 =	vand.u32 $0x3E8, v14;
	v34 =	vand.u32 $0x3B8, v18;
	v28 =	vor.u32 v39, v31  }
0x4ee: {  	v16 =	vor.u32 v37, v22;
	v18 =	vld.idx.msk [tilespmem:v6+s20+$0x0], $0xffff;
	[tilespmem:v7+s24+$0x0] =	vst.idx.msk $0xffff, v8;
	v8 =	vadd.f32 v38, v27  }
0x4ef: {  	v57 =	vor.u32 v41, v22;
	v50 =	vor.u32 v25, v26;
	v11 =	vor.u32 v55, v22;
	v31 =	vld.idx.msk [tilespmem:v3+s23+$0x0], $0xffff  }
0x4f0: {  	v40 =	vand.u32 $0x7, v23;
	v19 =	vor.u32 v25, v22;
	v25 =	vor.u32 v0, v22;
	v22 =	vld [tilespmem:$0x1FF30];
	[tilespmem:v63+s24+$0x0] =	vst.idx.msk $0xffff, v8  }
0x4f1: {  	v54 =	vand.u32 $0x3A8, v12;
	v16 =	vand.u32 $0x3F8, v16;
	v13 =	vadd.f32 v20, v13;
	v38 =	vld.idx.msk [tilespmem:v4+s20+$0x0], $0xffff  }
0x4f2: {  	v23 =	vand.u32 $0xF, v23;
	v58 =	vand.u32 $0x398, v15;
	v43 =	vand.u32 $0x3D8, v10;
	[tilespmem:$0x1FA50] =	vst v16;
	v4 =	vld [tilespmem:$0x1F890]  }
0x4f3: {  	v46 =	vand.u32 $0x3E8, v61;
	v16 =	vor.u32 v55, v26;
	v20 =	vld [tilespmem:$0x1FF10];
	[tilespmem:v62+s24+$0x0] =	vst.idx.msk $0xffff, v13;
	v56 =	vor.u32 v41, v26  }
0x4f4: {  	s12 =	sadd.s32 $0x3, s16;
	[tilespmem:$0x1F990] =	vst v42;
	v49 =	vand.u32 $0x3C8, v9;
	v42 =	vand.u32 $0x3B8, v19;
	v19 =	vlaneseq.u32;
	v36 =	vld.idx.msk [tilespmem:v5+s23+$0x0], $0xffff  }
0x4f5: {  	v9 =	vor.u32 v37, v52;
	v5 =	vand.u32 $0x388, v16;
	v6 =	vadd.s32 s12, v19;
	v10 =	vld.idx.msk [tilespmem:v17+s20+$0x0], $0xffff  }
0x4f6: {  	v3 =	vand.u32 $0x3F8, v9;
	v0 =	vand.u32 $0x388, v21;
	v21 =	vor.u32 v22, v26;
	v26 =	vld.idx.msk [tilespmem:v28+s23+$0x0], $0xffff  }
0x4f7: {  	s19 =	sand.u32 $0x30, s16;
	v9 =	vand.u32 $0xF, v6;
	v7 =	vand.u32 $0x388, v11;
	v11 =	vadd.f32 v31, v18;
	v18 =	vld [tilespmem:$0x1FF00]  }
0x4f8: {  	v61 =	vand.u32 $0x398, v25;
	v27 =	vor.u32 v3, v53;
	v3 =	vor.u32 s19, v23;
	v63 =	vld [tilespmem:$0x1FAA0]  }
0x4f9: {  	p1 =	slt.u32 s16, $0x3C;
	v35 =	vld.idx.msk [tilespmem:v32+s20+$0x0], $0xffff;
	v53 =	vor.u32 s19, v9;
	v9 =	vor.u32 s19, v45;
	v60 =	vand.u32 $0x38, v3  }
.Ltmp5:
0x4fa: {  	v23 =	vld [tilespmem:$0x1FF40];
	v3 =	vshll.u32 v3, $0x7;
	[tilespmem:v4+s24+$0x0] =	vst.idx.msk $0xffff, v11;
	v4 =	vand.u32 $0x38, v53;
	v11 =	vand.u32 $0x7, v6;
	(pc) =	sbr.rel @p1 .LBB2_13-.Ltmp5, $4  }
0x4fb: {  	v8 =	vor.u32 s19, v24;
	v31 =	vor.u32 v11, v4;
	v41 =	vld.idx.msk [tilespmem:v1+s23+$0x0], $0xffff;
	v1 =	vadd.f32 v26, v10  }
0x4fc: {  	[tilespmem:$0x1FA00] =	vst v14;
	v39 =	vld.idx.msk [tilespmem:v47+s20+$0x0], $0xffff;
	v10 =	vand.u32 $0x38, v9;
	v11 =	vand.u32 $0x38, v8;
	v47 =	vor.u32 v40, v60  }
0x4fd: {  	v32 =	vld.idx.msk [tilespmem:v48+s23+$0x0], $0xffff;
	v4 =	vor.u32 v18, v31;
	v59 =	vor.u32 v63, v31;
	v45 =	vor.u32 v2, v10  }
0x4fe: {  	s16 =	sadd.s32 $0x4, s16;
	v62 =	vand.u32 $0x398, v21;
	v21 =	vld [tilespmem:$0x1FF20];
	v48 =	vor.u32 v29, v11;
	[tilespmem:v27+s24+$0x0] =	vst.idx.msk $0xffff, v1;
	v1 =	vor.u32 v18, v47  }
0x4ff: {  	v14 =	vld [tilespmem:$0x1FAA0];
	_ =	sdelay $0x4  }
0x500: {  	v4 =	vld.idx.msk [tilespmem:v4+s20+$0x0], $0xffff;
	v52 =	vshll.u32 v6, $0x7;
	v6 =	vshll.u32 v53, $0x7;
	v2 =	vor.u32 v14, v47  }
0x501: {  	v10 =	vld.idx.msk [tilespmem:v59+s23+$0x0], $0xffff;
	v12 =	vor.u32 v18, v48;
	v11 =	vor.u32 v19, v52;
	v6 =	vand.u32 $0x1C00, v6  }
0x502: {  	v15 =	vld [tilespmem:$0x1F8A0];
	v11 =	vand.u32 $0x388, v11;
	v53 =	vor.u32 v20, v6;
	v6 =	vor.u32 v14, v48  }
0x503: {  	v11 =	vor.u32 v11, v53  }
0x504: {  	v13 =	vor.u32 v18, v45;
	v1 =	vld.idx.msk [tilespmem:v1+s20+$0x0], $0xffff;
	v3 =	vand.u32 $0x1C00, v3  }
0x505: {  	v24 =	vor.u32 v20, v3;
	v3 =	vor.u32 v21, v31;
	v2 =	vld.idx.msk [tilespmem:v2+s23+$0x0], $0xffff  }
0x506: {  	v8 =	vshll.u32 v8, $0x7;
	v14 =	vor.u32 v14, v45;
	v4 =	vadd.f32 v10, v4;
	v37 =	vld.idx.msk [tilespmem:v12+s20+$0x0], $0xffff  }
0x507: {  	v8 =	vand.u32 $0x1C00, v8;
	v7 =	vor.u32 v7, v24;
	v40 =	vor.u32 v15, v31;
	v6 =	vld.idx.msk [tilespmem:v6+s23+$0x0], $0xffff  }
0x508: {  	v59 =	vor.u32 v20, v8;
	[tilespmem:v11+s24+$0x0] =	vst.idx.msk $0xffff, v4;
	v4 =	vor.u32 v21, v47  }
0x509: {  	v5 =	vor.u32 v5, v59;
	v8 =	vld.idx.msk [tilespmem:v13+s20+$0x0], $0xffff;
	v55 =	vor.u32 v15, v47  }
0x50a: {  	v3 =	vld.idx.msk [tilespmem:v3+s20+$0x0], $0xffff;
	v1 =	vadd.f32 v2, v1  }
0x50b: {  	v9 =	vshll.u32 v9, $0x7;
	v28 =	vld.idx.msk [tilespmem:v14+s23+$0x0], $0xffff  }
0x50c: {  	v9 =	vand.u32 $0x1C00, v9;
	v6 =	vadd.f32 v6, v37;
	[tilespmem:v7+s24+$0x0] =	vst.idx.msk $0xffff, v1;
	v7 =	vld.idx.msk [tilespmem:v40+s23+$0x0], $0xffff  }
0x50d: {  	v29 =	vor.u32 v22, v52;
	v60 =	vor.u32 v20, v9;
	v2 =	vor.u32 v21, v48;
	v4 =	vld.idx.msk [tilespmem:v4+s20+$0x0], $0xffff  }
0x50e: {  	v0 =	vor.u32 v0, v60;
	v1 =	vor.u32 v15, v48;
	[tilespmem:v5+s24+$0x0] =	vst.idx.msk $0xffff, v6;
	v11 =	vld.idx.msk [tilespmem:v55+s23+$0x0], $0xffff  }
0x50f: {  	v33 =	vor.u32 v21, v45;
	v12 =	vand.u32 $0x398, v29;
	v40 =	vld [tilespmem:$0x1F8B0]  }
0x510: {  	v12 =	vor.u32 v12, v53;
	v37 =	vor.u32 v15, v45  }
0x511: {  	v8 =	vadd.f32 v28, v8;
	v5 =	vor.u32 v23, v31;
	v6 =	vor.u32 v61, v24  }
0x512: {  	v2 =	vld.idx.msk [tilespmem:v2+s20+$0x0], $0xffff  }
0x513: {  	[tilespmem:v0+s24+$0x0] =	vst.idx.msk $0xffff, v8;
	v0 =	vor.u32 v23, v47;
	v1 =	vld.idx.msk [tilespmem:v1+s23+$0x0], $0xffff;
	v3 =	vadd.f32 v7, v3  }
0x514: {  	v8 =	vld.idx.msk [tilespmem:v33+s20+$0x0], $0xffff;
	v55 =	vor.u32 v40, v31;
	v4 =	vadd.f32 v11, v4  }
0x515: {  	v61 =	vld.idx.msk [tilespmem:v37+s23+$0x0], $0xffff;
	v7 =	vor.u32 v40, v47;
	[tilespmem:v12+s24+$0x0] =	vst.idx.msk $0xffff, v3;
	v3 =	vor.u32 v62, v59  }
0x516: {  	v5 =	vld.idx.msk [tilespmem:v5+s20+$0x0], $0xffff;
	[tilespmem:v6+s24+$0x0] =	vst.idx.msk $0xffff, v4  }
0x517: {  	v33 =	vld [tilespmem:$0x1FF70]  }
0x518: {  	v0 =	vld.idx.msk [tilespmem:v0+s20+$0x0], $0xffff;
	v1 =	vadd.f32 v1, v2  }
0x519: {  	v6 =	vld.idx.msk [tilespmem:v55+s23+$0x0], $0xffff  }
0x51a: {  	v7 =	vld.idx.msk [tilespmem:v7+s23+$0x0], $0xffff;
	[tilespmem:v3+s24+$0x0] =	vst.idx.msk $0xffff, v1  }
0x51b: {  	v63 =	vor.u32 v23, v48;
	v62 =	vor.u32 v58, v60;
	v58 =	vld [tilespmem:$0x1FFF0]  }
0x51c: {  	v37 =	vand.u32 $0x3A8, v57;
	v4 =	vor.u32 v40, v48;
	v15 =	vld [tilespmem:$0x1F8C0];
	v28 =	vor.u32 v33, v52  }
0x51d: {  	v2 =	vor.u32 v23, v45;
	v3 =	vor.u32 v37, v24;
	v9 =	vand.u32 $0x3A8, v28  }
0x51e: {  	v29 =	vor.u32 v40, v45;
	v9 =	vor.u32 v9, v53  }
0x51f: {  	v8 =	vadd.f32 v61, v8  }
0x520: {  	v40 =	vld.idx.msk [tilespmem:v63+s20+$0x0], $0xffff;
	v0 =	vadd.f32 v7, v0;
	v1 =	vor.u32 v58, v31  }
0x521: {  	[tilespmem:v62+s24+$0x0] =	vst.idx.msk $0xffff, v8;
	v4 =	vld.idx.msk [tilespmem:v4+s23+$0x0], $0xffff;
	v5 =	vadd.f32 v6, v5;
	v55 =	vor.u32 v15, v31  }
0x522: {  	v2 =	vld.idx.msk [tilespmem:v2+s20+$0x0], $0xffff;
	v6 =	vand.u32 $0x3A8, v56;
	v8 =	vor.u32 v58, v47;
	[tilespmem:v3+s24+$0x0] =	vst.idx.msk $0xffff, v0  }
0x523: {  	v57 =	vor.u32 v15, v47;
	[tilespmem:v9+s24+$0x0] =	vst.idx.msk $0xffff, v5;
	v5 =	vor.u32 v6, v59;
	v6 =	vld.idx.msk [tilespmem:v29+s23+$0x0], $0xffff  }
0x524: {  	v14 =	vld [tilespmem:$0x1FF90]  }
0x525: {  	v1 =	vld.idx.msk [tilespmem:v1+s20+$0x0], $0xffff  }
0x526: {  	v4 =	vadd.f32 v4, v40;
	v3 =	vld.idx.msk [tilespmem:v55+s23+$0x0], $0xffff  }
0x527: {  	v8 =	vld.idx.msk [tilespmem:v8+s20+$0x0], $0xffff  }
0x528: {  	v11 =	vld.idx.msk [tilespmem:v57+s23+$0x0], $0xffff;
	[tilespmem:v5+s24+$0x0] =	vst.idx.msk $0xffff, v4  }
0x529: {  	v7 =	vor.u32 v54, v60;
	v61 =	vor.u32 v58, v48;
	v62 =	vor.u32 v14, v52;
	v17 =	vld [tilespmem:$0x1FFE0]  }
0x52a: {  	v0 =	vor.u32 v15, v48;
	v5 =	vor.u32 v42, v24;
	v12 =	vand.u32 $0x3B8, v62  }
0x52b: {  	v63 =	vor.u32 v58, v45;
	v16 =	vld [tilespmem:$0x1F8F0];
	v12 =	vor.u32 v12, v53  }
0x52c: {  	v2 =	vadd.f32 v6, v2  }
0x52d: {  	v28 =	vor.u32 v15, v45;
	v8 =	vadd.f32 v11, v8  }
0x52e: {  	v6 =	vld.idx.msk [tilespmem:v61+s20+$0x0], $0xffff;
	[tilespmem:v7+s24+$0x0] =	vst.idx.msk $0xffff, v2;
	v1 =	vadd.f32 v3, v1;
	v4 =	vor.u32 v17, v31  }
0x52f: {  	v0 =	vld.idx.msk [tilespmem:v0+s23+$0x0], $0xffff;
	[tilespmem:v5+s24+$0x0] =	vst.idx.msk $0xffff, v8;
	v2 =	vor.u32 v17, v47  }
0x530: {  	v3 =	vand.u32 $0x3B8, v50;
	v10 =	vld.idx.msk [tilespmem:v63+s20+$0x0], $0xffff;
	v7 =	vor.u32 v16, v47;
	[tilespmem:v12+s24+$0x0] =	vst.idx.msk $0xffff, v1  }
0x531: {  	v29 =	vor.u32 v16, v31;
	v1 =	vor.u32 v3, v59;
	v15 =	vld [tilespmem:$0x1FFA0]  }
0x532: {  	v3 =	vld.idx.msk [tilespmem:v28+s23+$0x0], $0xffff  }
0x533: {  	v4 =	vld.idx.msk [tilespmem:v4+s20+$0x0], $0xffff  }
0x534: {  	v0 =	vadd.f32 v0, v6;
	v2 =	vld.idx.msk [tilespmem:v2+s20+$0x0], $0xffff  }
0x535: {  	v34 =	vor.u32 v34, v60;
	v37 =	vor.u32 v17, v48;
	v7 =	vld.idx.msk [tilespmem:v7+s23+$0x0], $0xffff  }
0x536: {  	v5 =	vor.u32 v16, v48;
	v8 =	vld.idx.msk [tilespmem:v29+s23+$0x0], $0xffff;
	[tilespmem:v1+s24+$0x0] =	vst.idx.msk $0xffff, v0;
	v40 =	vor.u32 v15, v52  }
0x537: {  	v42 =	vor.u32 v16, v45;
	v1 =	vor.u32 v49, v24;
	v16 =	vld [tilespmem:$0x1FFD0];
	v9 =	vand.u32 $0x3C8, v40  }
0x538: {  	v6 =	vor.u32 v17, v45;
	v17 =	vld [tilespmem:$0x1F980];
	v9 =	vor.u32 v9, v53  }
0x539: {  	v3 =	vadd.f32 v3, v10  }
0x53a: {  	v2 =	vadd.f32 v7, v2  }
0x53b: {  	v50 =	vld.idx.msk [tilespmem:v37+s20+$0x0], $0xffff;
	[tilespmem:v34+s24+$0x0] =	vst.idx.msk $0xffff, v3;
	v4 =	vadd.f32 v8, v4  }
0x53c: {  	v5 =	vld.idx.msk [tilespmem:v5+s23+$0x0], $0xffff;
	[tilespmem:v1+s24+$0x0] =	vst.idx.msk $0xffff, v2;
	v0 =	vor.u32 v16, v31  }
0x53d: {  	v6 =	vld.idx.msk [tilespmem:v6+s20+$0x0], $0xffff;
	v54 =	vor.u32 v17, v31;
	[tilespmem:v9+s24+$0x0] =	vst.idx.msk $0xffff, v4  }
0x53e: {  	v8 =	vand.u32 $0x3C8, v44;
	v3 =	vor.u32 v16, v47;
	v61 =	vld [tilespmem:$0x1FFB0]  }
0x53f: {  	v55 =	vor.u32 v17, v47;
	v4 =	vor.u32 v8, v59;
	v8 =	vld.idx.msk [tilespmem:v42+s23+$0x0], $0xffff;
	_ =	sdelay $0x1  }
0x540: {  	v56 =	vor.u32 v51, v60;
	v0 =	vld.idx.msk [tilespmem:v0+s20+$0x0], $0xffff  }
0x541: {  	v5 =	vadd.f32 v5, v50;
	v2 =	vld.idx.msk [tilespmem:v54+s23+$0x0], $0xffff  }
0x542: {  	v7 =	vor.u32 v16, v48;
	v1 =	vor.u32 v17, v48;
	v3 =	vld.idx.msk [tilespmem:v3+s20+$0x0], $0xffff;
	v28 =	vor.u32 v61, v52  }
0x543: {  	v11 =	vld.idx.msk [tilespmem:v55+s23+$0x0], $0xffff;
	[tilespmem:v4+s24+$0x0] =	vst.idx.msk $0xffff, v5;
	v4 =	vadd.f32 v8, v6;
	v10 =	vand.u32 $0x3D8, v28  }
0x544: {  	v29 =	vor.u32 v17, v45;
	v5 =	vor.u32 v10, v53  }
0x545: {  	v6 =	vor.u32 v43, v24;
	v25 =	vld [tilespmem:$0x1FF50];
	[tilespmem:v56+s24+$0x0] =	vst.idx.msk $0xffff, v4  }
0x546: {  	v17 =	vld [tilespmem:$0x1F8E0]  }
0x547: {  	v7 =	vld.idx.msk [tilespmem:v7+s20+$0x0], $0xffff;
	v0 =	vadd.f32 v2, v0  }
0x548: {  	v57 =	vor.u32 v16, v45;
	v1 =	vld.idx.msk [tilespmem:v1+s23+$0x0], $0xffff;
	v3 =	vadd.f32 v11, v3  }
0x549: {  	v42 =	vld.idx.msk [tilespmem:v29+s23+$0x0], $0xffff;
	[tilespmem:v5+s24+$0x0] =	vst.idx.msk $0xffff, v0  }
0x54a: {  	v8 =	vor.u32 v25, v31;
	v5 =	vld [tilespmem:$0x1FA10];
	[tilespmem:v6+s24+$0x0] =	vst.idx.msk $0xffff, v3  }
0x54b: {  	v4 =	vor.u32 v17, v31;
	v29 =	vld [tilespmem:$0x1FFC0]  }
0x54c: {  	v34 =	vand.u32 $0x3D8, v30  }
0x54d: {  	v9 =	vor.u32 v34, v59;
	v37 =	vld.idx.msk [tilespmem:v57+s20+$0x0], $0xffff;
	v2 =	vor.u32 v25, v47;
	_ =	sdelay $0x1  }
0x54e: {  	v40 =	vor.u32 v17, v47;
	v6 =	vld.idx.msk [tilespmem:v8+s20+$0x0], $0xffff;
	v5 =	vor.u32 v5, v60  }
0x54f: {  	v1 =	vadd.f32 v1, v7;
	v4 =	vld.idx.msk [tilespmem:v4+s23+$0x0], $0xffff;
	v7 =	vor.u32 v29, v52  }
0x550: {  	v0 =	vor.u32 v25, v48;
	v7 =	vand.u32 $0x3E8, v7  }
0x551: {  	[tilespmem:v9+s24+$0x0] =	vst.idx.msk $0xffff, v1;
	v1 =	vadd.f32 v42, v37;
	v2 =	vld.idx.msk [tilespmem:v2+s20+$0x0], $0xffff;
	v7 =	vor.u32 v7, v53  }
0x552: {  	v8 =	vor.u32 v25, v45;
	v25 =	vld [tilespmem:$0x1FF60]  }
0x553: {  	v3 =	vor.u32 v17, v48;
	v44 =	vld.idx.msk [tilespmem:v40+s23+$0x0], $0xffff;
	[tilespmem:v5+s24+$0x0] =	vst.idx.msk $0xffff, v1  }
0x554: {  	v4 =	vadd.f32 v4, v6;
	v50 =	vld [tilespmem:$0x1FA30]  }
0x555: {  	v43 =	vor.u32 v17, v45;
	v0 =	vld.idx.msk [tilespmem:v0+s20+$0x0], $0xffff  }
0x556: {  	v17 =	vld [tilespmem:$0x1F920];
	[tilespmem:v7+s24+$0x0] =	vst.idx.msk $0xffff, v4  }
0x557: {  	v7 =	vld [tilespmem:$0x1FA00]  }
0x558: {  	v3 =	vld.idx.msk [tilespmem:v3+s23+$0x0], $0xffff  }
0x559: {  	v8 =	vld.idx.msk [tilespmem:v8+s20+$0x0], $0xffff;
	v11 =	vand.u32 $0x3E8, v50  }
0x55a: {  	v13 =	vld.idx.msk [tilespmem:v43+s23+$0x0], $0xffff;
	v11 =	vor.u32 v11, v59  }
0x55b: {  	v1 =	vor.u32 v46, v24  }
0x55c: {  	v7 =	vor.u32 v7, v60  }
0x55d: {  	v0 =	vadd.f32 v3, v0  }
0x55e: {  	v2 =	vadd.f32 v44, v2  }
0x55f: {  	[tilespmem:v11+s24+$0x0] =	vst.idx.msk $0xffff, v0;
	v0 =	vadd.f32 v13, v8  }
0x560: {  	[tilespmem:v1+s24+$0x0] =	vst.idx.msk $0xffff, v2  }
0x561: {  	v63 =	vld [tilespmem:$0x1FF80];
	[tilespmem:v7+s24+$0x0] =	vst.idx.msk $0xffff, v0  }
0x562: {  	v57 =	vld [tilespmem:$0x1F940]  }
0x563: {  	v49 =	vor.u32 v25, v31;
	_ =	sdelay $0x3  }
0x564: {  	v5 =	vor.u32 v17, v31;
	v8 =	vor.u32 v63, v52  }
0x565: {  	v6 =	vor.u32 v25, v47;
	v10 =	vld.idx.msk [tilespmem:v49+s20+$0x0], $0xffff;
	v0 =	vand.u32 $0x3F8, v8;
	v8 =	vadd.f32 v36, v35  }
0x566: {  	v51 =	vor.u32 v17, v47;
	v11 =	vld [tilespmem:$0x1FA50]  }
0x567: {  	v4 =	vor.u32 v25, v48;
	v56 =	vld [tilespmem:$0x1F9F0];
	[tilespmem:v57+s24+$0x0] =	vst.idx.msk $0xffff, v8  }
0x568: {  	v54 =	vor.u32 v17, v48;
	v3 =	vor.u32 v17, v45;
	v17 =	vld [tilespmem:$0x1F950]  }
0x569: {  	v2 =	vld.idx.msk [tilespmem:v5+s23+$0x0], $0xffff  }
0x56a: {  	v1 =	vor.u32 v25, v45;
	v5 =	vld.idx.msk [tilespmem:v6+s20+$0x0], $0xffff  }
0x56b: {  	v6 =	vld.idx.msk [tilespmem:v51+s23+$0x0], $0xffff  }
0x56c: {  	v4 =	vld.idx.msk [tilespmem:v4+s20+$0x0], $0xffff  }
0x56d: {  	v13 =	vld [tilespmem:$0x1F9A0]  }
0x56e: {  	v55 =	vadd.f32 v32, v38;
	v7 =	vld.idx.msk [tilespmem:v54+s23+$0x0], $0xffff  }
0x56f: {  	v1 =	vld.idx.msk [tilespmem:v1+s20+$0x0], $0xffff  }
0x570: {  	v3 =	vld.idx.msk [tilespmem:v3+s23+$0x0], $0xffff;
	v0 =	vor.u32 v0, v53;
	[tilespmem:v17+s24+$0x0] =	vst.idx.msk $0xffff, v55  }
0x571: {  	v11 =	vor.u32 v11, v24;
	v12 =	vand.u32 $0x3F8, v56;
	v62 =	vld [tilespmem:$0x1F990]  }
0x572: {  	v12 =	vor.u32 v12, v59;
	v13 =	vand.u32 $0x3F8, v13  }
0x573: {  	v2 =	vadd.f32 v2, v10;
	v60 =	vor.u32 v13, v60  }
0x574: {  	v5 =	vadd.f32 v6, v5  }
0x575: {  	[tilespmem:v0+s24+$0x0] =	vst.idx.msk $0xffff, v2;
	v0 =	vadd.f32 v7, v4  }
0x576: {  	s4 =	sshll.u32 s15, $0x12;
	v1 =	vadd.f32 v3, v1;
	[tilespmem:v11+s24+$0x0] =	vst.idx.msk $0xffff, v5  }
0x577: {  	s4 =	sor.u32 s9, s4;
	v8 =	vadd.f32 v41, v39;
	[tilespmem:v12+s24+$0x0] =	vst.idx.msk $0xffff, v0  }
0x578: {  	s19 =	sshll.u32 s0, $0x6;
	s4 =	sshrl.u32 s4, $0x3;
	[tilespmem:v60+s24+$0x0] =	vst.idx.msk $0xffff, v1  }
0x579: {  	s15 =	sand.u32 $0x3FFFFFC0, s19;
	s4 =	sadd.s32 s2, s4;
	[tilespmem:v62+s24+$0x0] =	vst.idx.msk $0xffff, v8  }
0x57a: {  	[hbm4b:s4+s25] =	stream.strided.scatter [tilespmem:s24], [sflag:$0x2], $0x2000, s26, s25, $0x38;
	[tilespmem:$0x1BE00] =	vst v63  }
0x57b: {  	s12 =	simm.s32 $0x0;
	v0 =	vld [tilespmem:s15+$0xC800]  }
0x57c: {  	v1 =	vld [tilespmem:s12+$0xFA00];
	_ =	sdelay $0x4  }
0x57d: {  	v2 =	vld [tilespmem:s12+$0xFA10];
	v0 =	vadd.f32 v1, v0  }
0x57e: {  	s4 =	simm.s32 $0x40;
	v1 =	vld [tilespmem:s15+$0xC800]  }
0x57f: {  	[tilespmem:s12+$0xFC00] =	vst v0;
	v0 =	vld [tilespmem:s4+$0xFA00]  }
0x580: {  	v3 =	vld [tilespmem:s15+$0xC810];
	_ =	sdelay $0x2  }
0x581: {  	s6 =	simm.s32 $0x80;
	v5 =	vld [tilespmem:s15+$0xC800]  }
0x582: {  	v0 =	vadd.f32 v0, v1;
	v1 =	vld [tilespmem:s6+$0xFA00]  }
0x583: {  	v6 =	vld [tilespmem:s4+$0xFA10];
	v2 =	vadd.f32 v2, v3  }
0x584: {  	v3 =	vld [tilespmem:s12+$0xFA20];
	[tilespmem:s4+$0xFC00] =	vst v0  }
0x585: {  	[tilespmem:s12+$0xFC10] =	vst v2;
	v2 =	vld [tilespmem:s15+$0xC810]  }
0x586: {  	v7 =	vld [tilespmem:s15+$0xC820]  }
0x587: {  	v4 =	vld [tilespmem:s15+$0xC800];
	v1 =	vadd.f32 v1, v5  }
0x588: {  	v0 =	vld [tilespmem:s12+$0xFA30]  }
0x589: {  	[tilespmem:s6+$0xFC00] =	vst v1;
	v1 =	vld [tilespmem:s4+$0xFA20]  }
0x58a: {  	s7 =	simm.s32 $0xC0;
	v5 =	vadd.f32 v6, v2;
	v2 =	vld [tilespmem:s6+$0xFA10]  }
0x58b: {  	v6 =	vld [tilespmem:s7+$0xFA00];
	v3 =	vadd.f32 v3, v7  }
0x58c: {  	[tilespmem:s4+$0xFC10] =	vst v5;
	v5 =	vld [tilespmem:s15+$0xC810]  }
0x58d: {  	s8 =	simm.s32 $0x400;
	v32 =	vmovc v15;
	v24 =	vmov v29;
	v17 =	vmov v14;
	v60 =	vmov v33;
	[tilespmem:s12+$0xFC20] =	vst v3;
	v3 =	vld [tilespmem:s15+$0xC820]  }
.LBB2_15:
0x58e: {  	p1 =	sne.s32 s8, $0x700;
	v7 =	vld [tilespmem:s15+$0xC830];
	v8 =	vmov v1;
	s10 =	smov.u32 s6;
	s6 =	smov.u32 s7  }
0x58f: {  	v9 =	vld [tilespmem:s15+$0xC800]  }
0x590: {  	v4 =	vadd.f32 v6, v4;
	v10 =	vld [tilespmem:s4+$0xFA30]  }
.Ltmp6:
0x591: {  	v5 =	vadd.f32 v2, v5;
	v1 =	vld [tilespmem:s10+$0xFA20];
	(pc) =	sbr.rel @p1 .LBB2_15-.Ltmp6, $4  }
0x592: {  	s7 =	sshra.s32 s8, $0x2;
	[tilespmem:s6+$0xFC00] =	vst v4;
	v2 =	vld [tilespmem:s6+$0xFA10];
	v3 =	vadd.f32 v8, v3  }
0x593: {  	v6 =	vld [tilespmem:s7+$0xFA00];
	[tilespmem:s10+$0xFC10] =	vst v5;
	v7 =	vadd.f32 v0, v7  }
0x594: {  	v5 =	vld [tilespmem:s15+$0xC810];
	[tilespmem:s4+$0xFC20] =	vst v3;
	v4 =	vmov v9  }
0x595: {  	s8 =	sadd.s32 $0x100, s8;
	v3 =	vld [tilespmem:s15+$0xC820];
	[tilespmem:s12+$0xFC30] =	vst v7;
	v0 =	vmov v10;
	s12 =	smov.u32 s4;
	s4 =	smov.u32 s10  }
0x596: {  	_ =	sdelay $0x1  }
0x597: {  	v4 =	vadd.f32 v6, v4;
	_ =	sdelay $0x1  }
0x598: {  	[tilespmem:s7+$0xFC00] =	vst v4;
	v4 =	vld [tilespmem:s7+$0xFA10]  }
0x599: {  	v6 =	vld [tilespmem:s15+$0xC810];
	_ =	sdelay $0x3  }
0x59a: {  	v2 =	vadd.f32 v2, v5  }
0x59b: {  	v5 =	vld [tilespmem:s6+$0xFA20];
	v4 =	vadd.f32 v4, v6  }
0x59c: {  	[tilespmem:s6+$0xFC10] =	vst v2;
	v2 =	vld [tilespmem:s7+$0xFA20]  }
0x59d: {  	v6 =	vld [tilespmem:s15+$0xC820];
	[tilespmem:s7+$0xFC10] =	vst v4  }
0x59e: {  	v4 =	vld [tilespmem:s15+$0xC820]  }
0x59f: {  	v1 =	vadd.f32 v1, v3  }
0x5a0: {  	v7 =	vld [tilespmem:s15+$0xC830]  }
0x5a1: {  	v3 =	vld [tilespmem:s4+$0xFA30];
	[tilespmem:s4+$0xFC20] =	vst v1  }
0x5a2: {  	v1 =	vld [tilespmem:s15+$0xC830];
	v5 =	vadd.f32 v5, v6  }
0x5a3: {  	v6 =	vld [tilespmem:s6+$0xFA30];
	v2 =	vadd.f32 v2, v4  }
0x5a4: {  	[tilespmem:s6+$0xFC20] =	vst v5;
	v4 =	vld [tilespmem:s7+$0xFA30]  }
0x5a5: {  	v5 =	vld [tilespmem:s15+$0xC830];
	[tilespmem:s7+$0xFC20] =	vst v2  }
0x5a6: {  	v2 =	vld [tilespmem:s15+$0xC830];
	_ =	sdelay $0x1  }
0x5a7: {  	v0 =	vadd.f32 v0, v7  }
0x5a8: {  	v1 =	vadd.f32 v3, v1  }
0x5a9: {  	[tilespmem:s12+$0xFC30] =	vst v0;
	v0 =	vadd.f32 v6, v5  }
0x5aa: {  	[tilespmem:s4+$0xFC30] =	vst v1;
	v1 =	vadd.f32 v4, v2  }
0x5ab: {  	[tilespmem:s6+$0xFC30] =	vst v0  }
0x5ac: {  	[tilespmem:s7+$0xFC30] =	vst v1  }
0x5ad: {  	v0 =	vld [tilespmem:s1+$0x6400]  }
0x5ae: {  	v1 =	vld [tilespmem:s1+$0x6410]  }
0x5af: {  	v2 =	vld [tilespmem:s1+$0x6420]  }
0x5b0: {  	v3 =	vld [tilespmem:s1+$0x6430]  }
0x5b1: {  	v4 =	vld [tilespmem:s1+$0x6440]  }
0x5b2: {  	s10 =	simm.s32 $0x2;
	v5 =	vld [tilespmem:s1+$0x6450]  }
0x5b3: {  	v11 =	vadd.s32 s10, v19;
	s7 =	simm.s32 $0x0;
	v6 =	vld [tilespmem:s1+$0x6460]  }
0x5b4: {  	v13 =	vshll.u32 v11, $0x7;
	v15 =	vand.u32 $0x7, v11;
	v11 =	vand.u32 $0xF, v11;
	v7 =	vld [tilespmem:s1+$0x6470];
	s1 =	sand.u32 $0x30, s7  }
0x5b5: {  	v29 =	vor.u32 v24, v13;
	v28 =	vor.u32 v61, v13;
	v11 =	vor.u32 s1, v11  }
0x5b6: {  	v36 =	vor.u32 v32, v13;
	v37 =	vand.u32 $0x38, v11;
	v11 =	vshll.u32 v11, $0x7  }
0x5b7: {  	v41 =	vor.u32 v60, v13;
	v11 =	vand.u32 $0x1C00, v11;
	v46 =	vshll.u32 v0, $0x6  }
0x5b8: {  	v56 =	vshll.u32 v1, $0x6;
	v57 =	vshll.u32 v2, $0x6;
	v0 =	vshll.u32 v6, $0x6  }
0x5b9: {  	s8 =	simm.s32 $0x1;
	v62 =	vshll.u32 v3, $0x6;
	v27 =	vshll.u32 v4, $0x6;
	[tilespmem:$0x1F6C0] =	vst v0;
	v0 =	vshll.u32 v7, $0x6  }
0x5ba: {  	v39 =	vshll.u32 v5, $0x6;
	v7 =	vadd.s32 s8, v19;
	[tilespmem:$0x1F700] =	vst v0;
	v0 =	vadd.s32 s7, v19  }
0x5bb: {  	v10 =	vshll.u32 v7, $0x7;
	v12 =	vand.u32 $0x7, v7;
	v14 =	vand.u32 $0xF, v7  }
0x5bc: {  	v1 =	vshll.u32 v0, $0x7;
	v3 =	vand.u32 $0xF, v0;
	v4 =	vand.u32 $0x7, v0  }
0x5bd: {  	v7 =	vor.u32 v63, v10;
	v34 =	vor.u32 v61, v10;
	v16 =	vor.u32 v32, v10  }
0x5be: {  	v40 =	vor.u32 v60, v10;
	v0 =	vor.u32 v61, v1;
	v2 =	vor.u32 v24, v1  }
0x5bf: {  	v5 =	vor.u32 v63, v1;
	v6 =	vor.u32 v60, v1;
	v8 =	vor.u32 v17, v1  }
0x5c0: {  	v9 =	vor.u32 v19, v1;
	[tilespmem:$0x1F6B0] =	vst v7;
	v7 =	vor.u32 v63, v13;
	v38 =	vand.u32 $0x3C8, v16  }
0x5c1: {  	v33 =	vor.u32 s1, v3;
	[tilespmem:$0x1F740] =	vst v5;
	v5 =	vor.u32 v32, v1;
	v1 =	vor.u32 v22, v1  }
0x5c2: {  	[tilespmem:$0x1F710] =	vst v7;
	v2 =	vand.u32 $0x3E8, v2;
	v30 =	vand.u32 $0x3D8, v0;
	v7 =	vor.u32 v17, v13  }
0x5c3: {  	s12 =	simm.s32 $0x3;
	v25 =	vand.u32 $0x3C8, v5;
	v5 =	vor.u32 v17, v10;
	v42 =	vand.u32 $0x398, v1  }
0x5c4: {  	v1 =	vor.u32 v22, v10;
	v43 =	vand.u32 $0x3B8, v5;
	v5 =	vadd.s32 s12, v19  }
0x5c5: {  	[tilespmem:$0x1F6F0] =	vst v2;
	v2 =	vor.u32 v24, v10;
	v16 =	vand.u32 $0x398, v1;
	v1 =	vand.u32 $0xF, v5  }
0x5c6: {  	v0 =	vand.u32 $0x3A8, v6;
	v6 =	vor.u32 v19, v10;
	[tilespmem:$0x1F6E0] =	vst v2;
	v59 =	vor.u32 s1, v1  }
0x5c7: {  	v10 =	vor.u32 v22, v13;
	_ =	swait.ge [sflag:s29], $0x2000;
	v3 =	vand.u32 $0x7, v5;
	v1 =	vand.u32 $0x38, v59  }
0x5c8: {  	v44 =	vand.u32 $0x388, v6;
	v6 =	vor.u32 s1, v14;
	[sflag:s29] =	ssyncset.done $0x0;
	v31 =	vor.u32 v3, v1  }
0x5c9: {  	v2 =	vand.u32 $0x3B8, v8;
	v35 =	vand.u32 $0x38, v6;
	[sflag:s29] =	ssyncadd.s32 $0xFFFFE000;
	v45 =	vor.u32 v18, v31  }
0x5ca: {  	v6 =	vshll.u32 v6, $0x7;
	_ =	swait.ge [sflag:s21], $0x2000;
	v3 =	vor.u32 v12, v35;
	v52 =	vor.u32 v46, v31  }
0x5cb: {  	s4 =	simm.s32 @!p0 $0x80;
	v8 =	vmovc v46;
	v6 =	vand.u32 $0x1C00, v6;
	v1 =	vand.u32 $0x38, v33;
	[sflag:s21] =	ssyncset.done $0x0;
	v53 =	vor.u32 v18, v3  }
0x5cc: {  	s6 =	simm.s32 @!p0 $0x13E00;
	s1 =	sadd.s32 @!p0 $0x300, s14;
	[tilespmem:$0x1F850] =	vst v46;
	v1 =	vor.u32 v4, v1;
	v4 =	vor.u32 v15, v37;
	v46 =	vor.u32 v46, v3;
	[sflag:s21] =	ssyncadd.s32 $0xFFFFE000  }
0x5cd: {  	v6 =	vor.u32 v20, v6;
	v33 =	vshll.u32 v33, $0x7;
	v47 =	vor.u32 v18, v4;
	[tilespmem:s6], [sflag:$0x1] =	stream.indirect.gather @!p0 [hbm4b:s5+s4], $0x40, s1, s4, $0xb8;
	[tilespmem:$0x1BE00] =	vst v63  }
0x5ce: {  	v35 =	vshll.u32 v5, $0x7;
	v5 =	vshll.u32 v59, $0x7;
	v48 =	vor.u32 v8, v4;
	v45 =	vld.idx.msk [tilespmem:v45+s22+$0x0], $0xffff  }
0x5cf: {  	v55 =	vor.u32 v19, v35;
	v5 =	vand.u32 $0x1C00, v5;
	v49 =	vor.u32 v18, v1;
	v12 =	vld.idx.msk [tilespmem:v52+s23+$0x0], $0xffff  }
0x5d0: {  	v50 =	vor.u32 v8, v1;
	v51 =	vand.u32 $0x388, v55;
	v37 =	vor.u32 v20, v5;
	v15 =	vld.idx.msk [tilespmem:v53+s22+$0x0], $0xffff  }
0x5d1: {  	v54 =	vand.u32 $0x1C00, v33;
	v33 =	vor.u32 v20, v11;
	v11 =	vor.u32 v51, v37;
	v46 =	vld.idx.msk [tilespmem:v46+s23+$0x0], $0xffff  }
0x5d2: {  	v13 =	vor.u32 v19, v13;
	v14 =	vor.u32 v44, v6;
	v44 =	vld.idx.msk [tilespmem:v47+s22+$0x0], $0xffff;
	v47 =	vor.u32 v21, v31  }
0x5d3: {  	v13 =	vand.u32 $0x388, v13;
	v52 =	vor.u32 v56, v31;
	v48 =	vld.idx.msk [tilespmem:v48+s23+$0x0], $0xffff  }
0x5d4: {  	v5 =	vor.u32 v20, v54;
	v51 =	vor.u32 v21, v3;
	v49 =	vld.idx.msk [tilespmem:v49+s22+$0x0], $0xffff;
	v12 =	vadd.f32 v12, v45  }
0x5d5: {  	v13 =	vor.u32 v13, v33;
	v53 =	vor.u32 v56, v3;
	v45 =	vld.idx.msk [tilespmem:v50+s23+$0x0], $0xffff;
	[tilespmem:$0x1F680] =	vst v56  }
0x5d6: {  	v9 =	vand.u32 $0x388, v9;
	v54 =	vor.u32 v21, v4;
	v15 =	vadd.f32 v46, v15;
	[tilespmem:v11+s28+$0x0] =	vst.idx.msk $0xffff, v12  }
0x5d7: {  	v9 =	vor.u32 v9, v5;
	v26 =	vor.u32 v42, v5;
	v50 =	vor.u32 v56, v4;
	v42 =	vld.idx.msk [tilespmem:v47+s22+$0x0], $0xffff  }
0x5d8: {  	v55 =	vor.u32 v21, v1;
	[tilespmem:v14+s28+$0x0] =	vst.idx.msk $0xffff, v15;
	v14 =	vadd.f32 v48, v44;
	v15 =	vld.idx.msk [tilespmem:v52+s23+$0x0], $0xffff  }
0x5d9: {  	v56 =	vor.u32 v56, v1;
	v48 =	vld.idx.msk [tilespmem:v51+s22+$0x0], $0xffff  }
0x5da: {  	v59 =	vor.u32 v22, v35;
	[tilespmem:v13+s28+$0x0] =	vst.idx.msk $0xffff, v14;
	v45 =	vadd.f32 v45, v49;
	v49 =	vld.idx.msk [tilespmem:v53+s23+$0x0], $0xffff  }
0x5db: {  	v41 =	vand.u32 $0x3A8, v41;
	v59 =	vand.u32 $0x398, v59;
	v52 =	vld.idx.msk [tilespmem:v54+s22+$0x0], $0xffff  }
0x5dc: {  	v13 =	vor.u32 v59, v37;
	[tilespmem:v9+s28+$0x0] =	vst.idx.msk $0xffff, v45;
	v9 =	vor.u32 v41, v33;
	v41 =	vld.idx.msk [tilespmem:v50+s23+$0x0], $0xffff  }
0x5dd: {  	v53 =	vld.idx.msk [tilespmem:v55+s22+$0x0], $0xffff;
	[tilespmem:$0x1F690] =	vst v57  }
0x5de: {  	v10 =	vand.u32 $0x398, v10;
	v16 =	vor.u32 v16, v6;
	v56 =	vld.idx.msk [tilespmem:v56+s23+$0x0], $0xffff  }
0x5df: {  	v10 =	vor.u32 v10, v33;
	v45 =	vor.u32 v23, v31;
	v15 =	vadd.f32 v15, v42  }
0x5e0: {  	v54 =	vor.u32 v57, v31  }
0x5e1: {  	v2 =	vor.u32 v2, v5;
	v48 =	vadd.f32 v49, v48;
	[tilespmem:v13+s28+$0x0] =	vst.idx.msk $0xffff, v15  }
0x5e2: {  	v12 =	vor.u32 v23, v3;
	[tilespmem:$0x1F750] =	vst v2;
	v41 =	vadd.f32 v41, v52  }
0x5e3: {  	v46 =	vor.u32 v57, v3;
	v11 =	vld [tilespmem:$0x1FFE0];
	[tilespmem:v16+s28+$0x0] =	vst.idx.msk $0xffff, v48;
	v53 =	vadd.f32 v56, v53  }
0x5e4: {  	v44 =	vor.u32 v23, v4;
	v15 =	vld.idx.msk [tilespmem:v45+s22+$0x0], $0xffff;
	[tilespmem:v10+s28+$0x0] =	vst.idx.msk $0xffff, v41  }
0x5e5: {  	v40 =	vand.u32 $0x3A8, v40;
	v51 =	vor.u32 v57, v4;
	v45 =	vld.idx.msk [tilespmem:v54+s23+$0x0], $0xffff;
	[tilespmem:v26+s28+$0x0] =	vst.idx.msk $0xffff, v53  }
0x5e6: {  	v40 =	vor.u32 v40, v6;
	v8 =	vor.u32 v0, v5;
	v49 =	vor.u32 v60, v35;
	v26 =	vld [tilespmem:$0x1FFD0]  }
0x5e7: {  	v0 =	vor.u32 v62, v1;
	v47 =	vor.u32 v23, v1;
	v49 =	vand.u32 $0x3A8, v49;
	v12 =	vld.idx.msk [tilespmem:v12+s22+$0x0], $0xffff  }
0x5e8: {  	v14 =	vor.u32 v57, v1;
	v46 =	vld.idx.msk [tilespmem:v46+s23+$0x0], $0xffff;
	v10 =	vand.u32 $0x3C8, v36;
	v36 =	vor.u32 v49, v37  }
0x5e9: {  	v2 =	vor.u32 v25, v5;
	v41 =	vor.u32 v58, v31;
	v44 =	vld.idx.msk [tilespmem:v44+s22+$0x0], $0xffff;
	[tilespmem:$0x1F6A0] =	vst v62  }
0x5ea: {  	v53 =	vor.u32 v38, v6;
	v51 =	vld.idx.msk [tilespmem:v51+s23+$0x0], $0xffff;
	[tilespmem:$0x1F7A0] =	vst v2;
	v2 =	vor.u32 v10, v33  }
0x5eb: {  	v38 =	vor.u32 v62, v31;
	v15 =	vadd.f32 v45, v15;
	[tilespmem:$0x1F790] =	vst v2;
	v2 =	vor.u32 v26, v1  }
0x5ec: {  	v59 =	vor.u32 v62, v4;
	v55 =	vor.u32 v62, v3;
	v62 =	vld.idx.msk [tilespmem:v47+s22+$0x0], $0xffff;
	[tilespmem:$0x1F7B0] =	vst v2  }
0x5ed: {  	v50 =	vor.u32 v58, v3;
	v2 =	vor.u32 v39, v1;
	[tilespmem:v36+s28+$0x0] =	vst.idx.msk $0xffff, v15  }
0x5ee: {  	v12 =	vadd.f32 v46, v12;
	v10 =	vor.u32 v30, v5;
	v14 =	vld.idx.msk [tilespmem:v14+s23+$0x0], $0xffff;
	[tilespmem:$0x1F7C0] =	vst v2  }
0x5ef: {  	v34 =	vand.u32 $0x3D8, v34;
	v57 =	vor.u32 v58, v4;
	v42 =	vor.u32 v58, v1;
	v41 =	vld.idx.msk [tilespmem:v41+s22+$0x0], $0xffff;
	[tilespmem:$0x1F810] =	vst v10  }
0x5f0: {  	v58 =	vadd.f32 v51, v44;
	v10 =	vor.u32 v34, v6;
	[tilespmem:v40+s28+$0x0] =	vst.idx.msk $0xffff, v12;
	v12 =	vld.idx.msk [tilespmem:v38+s23+$0x0], $0xffff  }
0x5f1: {  	v15 =	vor.u32 v17, v35;
	[tilespmem:$0x1F7F0] =	vst v10;
	v10 =	vld [tilespmem:$0x1FF50]  }
0x5f2: {  	v38 =	vand.u32 $0x3B8, v15;
	v15 =	vld [tilespmem:$0x1F6B0];
	[tilespmem:v9+s28+$0x0] =	vst.idx.msk $0xffff, v58  }
0x5f3: {  	v14 =	vadd.f32 v14, v62;
	v62 =	vld [tilespmem:$0x1F6E0]  }
0x5f4: {  	v2 =	vand.u32 $0x3D8, v28;
	v38 =	vor.u32 v38, v37;
	v40 =	vld.idx.msk [tilespmem:v50+s22+$0x0], $0xffff  }
0x5f5: {  	v44 =	vor.u32 v2, v33;
	v2 =	vld.idx.msk [tilespmem:v55+s23+$0x0], $0xffff  }
0x5f6: {  	v34 =	vld.idx.msk [tilespmem:v57+s22+$0x0], $0xffff;
	[tilespmem:$0x1F6D0] =	vst v27  }
0x5f7: {  	v25 =	vld [tilespmem:$0x1F6C0];
	[tilespmem:v8+s28+$0x0] =	vst.idx.msk $0xffff, v14;
	v12 =	vadd.f32 v12, v41  }
0x5f8: {  	v28 =	vand.u32 $0x3E8, v62;
	v62 =	vld.idx.msk [tilespmem:v42+s22+$0x0], $0xffff  }
0x5f9: {  	[tilespmem:v38+s28+$0x0] =	vst.idx.msk $0xffff, v12;
	v42 =	vor.u32 v28, v6;
	v28 =	vld.idx.msk [tilespmem:v0+s23+$0x0], $0xffff  }
0x5fa: {  	v0 =	vld [tilespmem:$0x1F6F0];
	_ =	sdelay $0x2  }
0x5fb: {  	v43 =	vor.u32 v43, v6;
	v9 =	vor.u32 v11, v31  }
0x5fc: {  	v57 =	vor.u32 v27, v31;
	v14 =	vld.idx.msk [tilespmem:v59+s23+$0x0], $0xffff;
	v30 =	vand.u32 $0x3F8, v15;
	v51 =	vor.u32 v25, v3  }
0x5fd: {  	v59 =	vor.u32 v25, v4;
	v45 =	vor.u32 v25, v1;
	v15 =	vmovc v25;
	v25 =	vld [tilespmem:$0x1F700];
	v0 =	vor.u32 v0, v5  }
0x5fe: {  	v13 =	vor.u32 v11, v3;
	[tilespmem:$0x1F820] =	vst v0;
	v0 =	vld [tilespmem:$0x1FF60];
	_ =	sdelay $0x1  }
0x5ff: {  	v58 =	vadd.f32 v2, v40  }
0x600: {  	v7 =	vand.u32 $0x3B8, v7;
	v9 =	vld.idx.msk [tilespmem:v9+s22+$0x0], $0xffff  }
0x601: {  	v54 =	vor.u32 v27, v1;
	v49 =	vor.u32 v11, v1;
	[tilespmem:v43+s28+$0x0] =	vst.idx.msk $0xffff, v58;
	v12 =	vld.idx.msk [tilespmem:v57+s23+$0x0], $0xffff  }
0x602: {  	v41 =	vor.u32 v10, v1;
	v13 =	vld.idx.msk [tilespmem:v13+s22+$0x0], $0xffff;
	v8 =	vor.u32 v0, v1;
	v1 =	vor.u32 v25, v1  }
0x603: {  	v7 =	vor.u32 v7, v33;
	v16 =	vor.u32 v27, v3;
	[tilespmem:$0x1F840] =	vst v1;
	v1 =	vld [tilespmem:$0x1F710]  }
0x604: {  	v52 =	vor.u32 v27, v4;
	v56 =	vor.u32 v39, v3;
	v48 =	vor.u32 v11, v4  }
0x605: {  	v47 =	vor.u32 v26, v3;
	v46 =	vor.u32 v26, v4;
	v36 =	vor.u32 v39, v4  }
0x606: {  	v50 =	vor.u32 v10, v3;
	v55 =	vor.u32 v10, v4;
	v14 =	vadd.f32 v14, v34;
	v58 =	vmovc v25  }
0x607: {  	v2 =	vor.u32 v0, v3;
	v3 =	vor.u32 v25, v3;
	v38 =	vor.u32 v0, v4;
	[tilespmem:$0x1F830] =	vst v8  }
0x608: {  	v4 =	vor.u32 v25, v4;
	[tilespmem:v7+s28+$0x0] =	vst.idx.msk $0xffff, v14;
	v25 =	vand.u32 $0x3F8, v1;
	v1 =	vor.u32 v30, v6  }
0x609: {  	v16 =	vld.idx.msk [tilespmem:v16+s23+$0x0], $0xffff;
	[tilespmem:$0x1F720] =	vst v1;
	v1 =	vor.u32 v25, v33  }
0x60a: {  	[tilespmem:$0x1F730] =	vst v1;
	v1 =	vld [tilespmem:$0x1F740];
	_ =	sdelay $0x4  }
0x60b: {  	v43 =	vor.u32 v26, v31;
	v26 =	vand.u32 $0x3F8, v1;
	v1 =	vld [tilespmem:$0x1F750];
	_ =	sdelay $0x3  }
0x60c: {  	v27 =	vor.u32 v32, v35  }
0x60d: {  	v27 =	vand.u32 $0x3C8, v27  }
0x60e: {  	v28 =	vadd.f32 v28, v62;
	v7 =	vor.u32 v27, v37;
	_ =	sdelay $0x1  }
0x60f: {  	s14 =	simm.s32 $0x4;
	v6 =	vld.idx.msk [tilespmem:v48+s22+$0x0], $0xffff;
	[tilespmem:v1+s28+$0x0] =	vst.idx.msk $0xffff, v28  }
0x610: {  	v9 =	vadd.f32 v12, v9;
	v8 =	vld.idx.msk [tilespmem:v52+s23+$0x0], $0xffff;
	v1 =	vor.u32 v26, v5;
	v28 =	vadd.s32 s14, v19;
	[tilespmem:$0x1F760] =	vst v39  }
0x611: {  	[tilespmem:$0x1F770] =	vst v1;
	v30 =	vshll.u32 v28, $0x7  }
0x612: {  	v13 =	vadd.f32 v16, v13;
	v5 =	vld.idx.msk [tilespmem:v49+s22+$0x0], $0xffff;
	[tilespmem:v7+s28+$0x0] =	vst.idx.msk $0xffff, v9;
	v1 =	vor.u32 v63, v30  }
0x613: {  	v57 =	vld.idx.msk [tilespmem:v54+s23+$0x0], $0xffff;
	[tilespmem:$0x1F780] =	vst v1  }
0x614: {  	[tilespmem:v53+s28+$0x0] =	vst.idx.msk $0xffff, v13  }
0x615: {  	v1 =	vld [tilespmem:$0x1F790];
	_ =	sdelay $0x5  }
0x616: {  	v6 =	vadd.f32 v8, v6;
	_ =	sdelay $0x1  }
0x617: {  	[tilespmem:v1+s28+$0x0] =	vst.idx.msk $0xffff, v6  }
0x618: {  	v1 =	vld [tilespmem:$0x1F7A0];
	_ =	sdelay $0x5  }
0x619: {  	v5 =	vadd.f32 v57, v5;
	_ =	sdelay $0x1  }
0x61a: {  	[tilespmem:v1+s28+$0x0] =	vst.idx.msk $0xffff, v5  }
0x61b: {  	v1 =	vld [tilespmem:$0x1F7B0];
	_ =	sdelay $0x4  }
0x61c: {  	v29 =	vand.u32 $0x3E8, v29  }
0x61d: {  	v40 =	vor.u32 v29, v33;
	v29 =	vor.u32 v39, v31;
	_ =	sdelay $0x1  }
0x61e: {  	v54 =	vld.idx.msk [tilespmem:v1+s22+$0x0], $0xffff  }
0x61f: {  	v1 =	vld [tilespmem:$0x1F7C0]  }
0x620: {  	v14 =	vld.idx.msk [tilespmem:v43+s22+$0x0], $0xffff  }
0x621: {  	v62 =	vor.u32 v61, v35;
	v7 =	vor.u32 v61, v30;
	v8 =	vld.idx.msk [tilespmem:v29+s23+$0x0], $0xffff  }
0x622: {  	v9 =	vor.u32 v24, v30;
	v33 =	vor.u32 v32, v30;
	v13 =	vand.u32 $0x3D8, v62  }
0x623: {  	s16 =	simm.s32 $0x6;
	v25 =	vor.u32 v60, v30;
	v49 =	vor.u32 v17, v30;
	v34 =	vld.idx.msk [tilespmem:v47+s22+$0x0], $0xffff;
	v6 =	vor.u32 v13, v37  }
0x624: {  	v26 =	vor.u32 v19, v30;
	v12 =	vld.idx.msk [tilespmem:v56+s23+$0x0], $0xffff;
	v13 =	vor.u32 v22, v30;
	v30 =	vadd.s32 s16, v19  }
0x625: {  	v43 =	vld.idx.msk [tilespmem:v46+s22+$0x0], $0xffff;
	v53 =	vshll.u32 v30, $0x7  }
0x626: {  	v39 =	vor.u32 v10, v31;
	v8 =	vadd.f32 v8, v14;
	v10 =	vor.u32 v63, v53;
	v5 =	vld.idx.msk [tilespmem:v36+s23+$0x0], $0xffff  }
0x627: {  	v56 =	vld.idx.msk [tilespmem:v1+s23+$0x0], $0xffff;
	[tilespmem:$0x1F7D0] =	vst v10  }
0x628: {  	[tilespmem:v6+s28+$0x0] =	vst.idx.msk $0xffff, v8  }
0x629: {  	v8 =	vld [tilespmem:$0x1F7F0];
	_ =	sdelay $0x2  }
0x62a: {  	v15 =	vor.u32 v15, v31;
	_ =	sdelay $0x1  }
0x62b: {  	v6 =	vand.u32 $0x3E8, v9  }
0x62c: {  	v12 =	vadd.f32 v12, v34;
	[tilespmem:$0x1F7E0] =	vst v6  }
0x62d: {  	v27 =	vand.u32 $0x3D8, v7;
	v7 =	vld.idx.msk [tilespmem:v39+s22+$0x0], $0xffff  }
0x62e: {  	[tilespmem:v8+s28+$0x0] =	vst.idx.msk $0xffff, v12;
	v8 =	vld.idx.msk [tilespmem:v15+s23+$0x0], $0xffff  }
0x62f: {  	v10 =	vor.u32 v24, v53  }
0x630: {  	s15 =	simm.s32 $0x5;
	v11 =	vor.u32 v58, v31;
	v48 =	vand.u32 $0xF, v28;
	v5 =	vadd.f32 v5, v43;
	[tilespmem:$0x1F800] =	vst v10  }
0x631: {  	v16 =	vand.u32 $0x7, v28;
	v29 =	vadd.s32 s15, v19;
	v9 =	vor.u32 v24, v35;
	v15 =	vld.idx.msk [tilespmem:v50+s22+$0x0], $0xffff  }
0x632: {  	v47 =	vshll.u32 v29, $0x7;
	v28 =	vand.u32 $0x7, v30;
	v9 =	vand.u32 $0x3E8, v9;
	v46 =	vld.idx.msk [tilespmem:v51+s23+$0x0], $0xffff;
	[tilespmem:v44+s28+$0x0] =	vst.idx.msk $0xffff, v5  }
0x633: {  	v5 =	vor.u32 v9, v37;
	v7 =	vadd.f32 v8, v7;
	v8 =	vor.u32 v0, v31;
	v0 =	vld [tilespmem:$0x1F810]  }
0x634: {  	v1 =	vand.u32 $0xF, v30;
	v30 =	vor.u32 v61, v53;
	v12 =	vor.u32 v61, v47;
	v61 =	vld.idx.msk [tilespmem:v55+s22+$0x0], $0xffff  }
0x635: {  	v59 =	vld.idx.msk [tilespmem:v59+s23+$0x0], $0xffff;
	_ =	sdelay $0x2  }
0x636: {  	[tilespmem:v5+s28+$0x0] =	vst.idx.msk $0xffff, v7;
	v5 =	vadd.f32 v46, v15  }
0x637: {  	v6 =	vor.u32 v24, v47;
	v39 =	vadd.f32 v56, v54;
	v9 =	vor.u32 v32, v47;
	v11 =	vld.idx.msk [tilespmem:v11+s23+$0x0], $0xffff  }
0x638: {  	v51 =	vand.u32 $0x3B8, v49;
	v49 =	vand.u32 $0x3C8, v9;
	v31 =	vadd.f32 v59, v61;
	[tilespmem:v42+s28+$0x0] =	vst.idx.msk $0xffff, v5;
	v9 =	vld.idx.msk [tilespmem:v8+s22+$0x0], $0xffff  }
0x639: {  	v54 =	vand.u32 $0x3A8, v25;
	v25 =	vand.u32 $0x3E8, v6;
	v6 =	vor.u32 v63, v35;
	v35 =	vld.idx.msk [tilespmem:v2+s22+$0x0], $0xffff;
	[tilespmem:v0+s28+$0x0] =	vst.idx.msk $0xffff, v39  }
0x63a: {  	v58 =	vand.u32 $0x398, v13;
	[tilespmem:v40+s28+$0x0] =	vst.idx.msk $0xffff, v31;
	v13 =	vld.idx.msk [tilespmem:v41+s22+$0x0], $0xffff  }
0x63b: {  	v62 =	vor.u32 v63, v47;
	v57 =	vor.u32 v60, v47;
	v14 =	vand.u32 $0xF, v29;
	v2 =	vld [tilespmem:$0x1F820]  }
0x63c: {  	v6 =	vand.u32 $0x3F8, v6;
	v10 =	vor.u32 v19, v47;
	v7 =	vor.u32 v22, v47;
	v15 =	vld.idx.msk [tilespmem:v45+s23+$0x0], $0xffff  }
0x63d: {  	s1 =	sand.u32 $0x30, s14;
	v61 =	vand.u32 $0x398, v7;
	v7 =	vand.u32 $0x388, v10;
	v10 =	vor.u32 v6, v37  }
0x63e: {  	s19 =	simm.s32 $0x7;
	v14 =	vor.u32 s1, v14;
	v43 =	vor.u32 v22, v53;
	v56 =	vor.u32 v60, v53  }
0x63f: {  	v44 =	vor.u32 v32, v53;
	v50 =	vor.u32 v17, v53;
	v6 =	vadd.s32 s19, v19  }
0x640: {  	v53 =	vor.u32 v19, v53;
	v60 =	vand.u32 $0xF, v6;
	v11 =	vadd.f32 v11, v9  }
0x641: {  	v5 =	vand.u32 $0x388, v53;
	v53 =	vor.u32 s1, v60;
	v59 =	vadd.f32 v15, v13  }
0x642: {  	v63 =	vand.u32 $0x7, v6;
	v8 =	vor.u32 s1, v1;
	v1 =	vand.u32 $0x38, v53;
	[tilespmem:v10+s28+$0x0] =	vst.idx.msk $0xffff, v11  }
0x643: {  	v52 =	vand.u32 $0x7, v29;
	v31 =	vor.u32 v63, v1;
	v1 =	vand.u32 $0x38, v14;
	[tilespmem:v2+s28+$0x0] =	vst.idx.msk $0xffff, v59  }
0x644: {  	v55 =	vor.u32 v17, v47;
	v47 =	vor.u32 v52, v1;
	v1 =	vld [tilespmem:$0x1F830];
	_ =	sdelay $0x7  }
0x645: {  	v41 =	vld.idx.msk [tilespmem:v1+s22+$0x0], $0xffff  }
0x646: {  	v1 =	vld [tilespmem:$0x1F840];
	_ =	sdelay $0x7  }
0x647: {  	v34 =	vand.u32 $0x3F8, v62;
	v62 =	vand.u32 $0x398, v43;
	v43 =	vld.idx.msk [tilespmem:v1+s23+$0x0], $0xffff  }
0x648: {  	v1 =	vld [tilespmem:$0x1F850]  }
0x649: {  	v36 =	vand.u32 $0x3C8, v33  }
0x64a: {  	v37 =	vld.idx.msk [tilespmem:v3+s23+$0x0], $0xffff;
	v3 =	vshll.u32 v14, $0x7;
	v0 =	vand.u32 $0x388, v26;
	v39 =	vand.u32 $0x3D8, v12  }
0x64b: {  	v26 =	vand.u32 $0x3B8, v55;
	v9 =	vor.u32 s1, v48;
	v10 =	vand.u32 $0x38, v8  }
0x64c: {  	v40 =	vmovc v27;
	v42 =	vld.idx.msk [tilespmem:v4+s23+$0x0], $0xffff;
	v4 =	vor.u32 v18, v31;
	v48 =	vor.u32 v28, v10;
	v2 =	vand.u32 $0x38, v9  }
0x64d: {  	v38 =	vld.idx.msk [tilespmem:v38+s22+$0x0], $0xffff;
	s1 =	simm.s32 $0x8;
	v45 =	vor.u32 v16, v2;
	v59 =	vor.u32 v1, v31;
	v1 =	vor.u32 v18, v47  }
.LBB2_17:
0x64e: {  	v13 =	vld [tilespmem:$0x1F850];
	_ =	sdelay $0x4  }
0x64f: {  	v2 =	vor.u32 v13, v47  }
0x650: {  	v10 =	vor.u32 v18, v48;
	v12 =	vor.u32 v18, v45;
	v4 =	vld.idx.msk [tilespmem:v4+s22+$0x0], $0xffff  }
0x651: {  	v8 =	vshll.u32 v8, $0x7;
	v52 =	vshll.u32 v6, $0x7;
	v6 =	vld.idx.msk [tilespmem:v59+s23+$0x0], $0xffff;
	v11 =	vor.u32 v13, v48  }
0x652: {  	v9 =	vshll.u32 v9, $0x7;
	v3 =	vand.u32 $0x1C00, v3;
	v14 =	vshll.u32 v53, $0x7;
	v1 =	vld.idx.msk [tilespmem:v1+s22+$0x0], $0xffff  }
0x653: {  	v18 =	vld [tilespmem:$0x1F680];
	v8 =	vand.u32 $0x1C00, v8;
	v9 =	vand.u32 $0x1C00, v9;
	v13 =	vor.u32 v13, v45  }
0x654: {  	v14 =	vand.u32 $0x1C00, v14;
	v60 =	vor.u32 v20, v3;
	v3 =	vor.u32 v19, v52;
	v15 =	vld.idx.msk [tilespmem:v2+s23+$0x0], $0xffff  }
0x655: {  	v53 =	vor.u32 v20, v14;
	v3 =	vand.u32 $0x388, v3;
	v2 =	vor.u32 v20, v8;
	v8 =	vld.idx.msk [tilespmem:v10+s22+$0x0], $0xffff  }
0x656: {  	v59 =	vor.u32 v20, v9;
	v3 =	vor.u32 v3, v53;
	v9 =	vld.idx.msk [tilespmem:v11+s23+$0x0], $0xffff  }
0x657: {  	v10 =	vor.u32 v21, v31;
	v11 =	vld.idx.msk [tilespmem:v12+s22+$0x0], $0xffff  }
0x658: {  	v13 =	vld.idx.msk [tilespmem:v13+s23+$0x0], $0xffff  }
0x659: {  	v7 =	vor.u32 v7, v60;
	v16 =	vor.u32 v18, v31;
	v4 =	vadd.f32 v6, v4  }
0x65a: {  	v29 =	vld [tilespmem:$0x1F6A0];
	v46 =	vor.u32 v21, v47;
	v0 =	vor.u32 v0, v59  }
0x65b: {  	v19 =	vld [tilespmem:$0x1F690];
	v55 =	vor.u32 v18, v47;
	v5 =	vor.u32 v5, v2;
	[tilespmem:v3+s28+$0x0] =	vst.idx.msk $0xffff, v4  }
0x65c: {  	v6 =	vor.u32 v21, v45;
	v1 =	vadd.f32 v15, v1;
	v10 =	vld.idx.msk [tilespmem:v10+s22+$0x0], $0xffff  }
0x65d: {  	v17 =	vor.u32 v18, v48;
	v18 =	vor.u32 v18, v45;
	v11 =	vadd.f32 v13, v11;
	v13 =	vmovc v42;
	v42 =	vld [tilespmem:$0x1FFE0]  }
0x65e: {  	v63 =	vor.u32 v21, v48;
	[tilespmem:v7+s28+$0x0] =	vst.idx.msk $0xffff, v1;
	v1 =	vadd.f32 v9, v8;
	v8 =	vld.idx.msk [tilespmem:v16+s23+$0x0], $0xffff  }
0x65f: {  	v33 =	vor.u32 v22, v52;
	[tilespmem:v0+s28+$0x0] =	vst.idx.msk $0xffff, v11;
	v12 =	vld.idx.msk [tilespmem:v46+s22+$0x0], $0xffff  }
0x660: {  	v46 =	vld.idx.msk [tilespmem:v55+s23+$0x0], $0xffff;
	[tilespmem:v5+s28+$0x0] =	vst.idx.msk $0xffff, v1;
	v5 =	vand.u32 $0x398, v33  }
0x661: {  	v6 =	vld.idx.msk [tilespmem:v6+s22+$0x0], $0xffff;
	v5 =	vor.u32 v5, v53  }
0x662: {  	v61 =	vor.u32 v61, v60;
	v11 =	vor.u32 v23, v31;
	v18 =	vld.idx.msk [tilespmem:v18+s23+$0x0], $0xffff  }
0x663: {  	v32 =	vand.u32 $0x3A8, v57;
	v4 =	vor.u32 v23, v47;
	v1 =	vand.u32 $0x3A8, v56;
	v56 =	vld.idx.msk [tilespmem:v63+s22+$0x0], $0xffff  }
0x664: {  	v14 =	vor.u32 v19, v45;
	v57 =	vor.u32 v62, v2;
	v0 =	vld.idx.msk [tilespmem:v17+s23+$0x0], $0xffff;
	v8 =	vadd.f32 v8, v10  }
0x665: {  	v3 =	vor.u32 v58, v59;
	v58 =	vor.u32 v19, v47;
	v33 =	vld [tilespmem:$0x1FFF0];
	v12 =	vadd.f32 v46, v12  }
0x666: {  	v46 =	vor.u32 v51, v59;
	v51 =	vmov v30;
	v30 =	vmov v35;
	v35 =	vld [tilespmem:$0x1F6D0];
	[tilespmem:v5+s28+$0x0] =	vst.idx.msk $0xffff, v8  }
0x667: {  	v7 =	vor.u32 v23, v48;
	[tilespmem:v61+s28+$0x0] =	vst.idx.msk $0xffff, v12;
	v5 =	vld.idx.msk [tilespmem:v11+s22+$0x0], $0xffff  }
0x668: {  	v16 =	vor.u32 v19, v48;
	v6 =	vadd.f32 v18, v6;
	v4 =	vld.idx.msk [tilespmem:v4+s22+$0x0], $0xffff  }
0x669: {  	v9 =	vor.u32 v23, v45;
	v0 =	vadd.f32 v0, v56;
	v11 =	vmovc v41;
	v41 =	vmov v25;
	v25 =	vld [tilespmem:$0x1FF70]  }
0x66a: {  	v17 =	vor.u32 v54, v59;
	v54 =	vor.u32 v19, v31;
	[tilespmem:v3+s28+$0x0] =	vst.idx.msk $0xffff, v6;
	v18 =	vld.idx.msk [tilespmem:v58+s23+$0x0], $0xffff  }
0x66b: {  	v50 =	vand.u32 $0x3B8, v50;
	v14 =	vld.idx.msk [tilespmem:v14+s23+$0x0], $0xffff;
	[tilespmem:v57+s28+$0x0] =	vst.idx.msk $0xffff, v0  }
0x66c: {  	v15 =	vor.u32 v32, v60;
	v32 =	vor.u32 v50, v2;
	v50 =	vld.idx.msk [tilespmem:v7+s22+$0x0], $0xffff  }
0x66d: {  	v62 =	vor.u32 v33, v47;
	v3 =	vld.idx.msk [tilespmem:v16+s23+$0x0], $0xffff  }
0x66e: {  	v22 =	vor.u32 v26, v60;
	v20 =	vor.u32 v29, v45;
	v63 =	vor.u32 v29, v47;
	v16 =	vld.idx.msk [tilespmem:v9+s22+$0x0], $0xffff  }
0x66f: {  	v21 =	vor.u32 v29, v48;
	v1 =	vor.u32 v1, v2;
	v8 =	vld.idx.msk [tilespmem:v54+s23+$0x0], $0xffff;
	v4 =	vadd.f32 v18, v4  }
0x670: {  	v23 =	vor.u32 v42, v47;
	v7 =	vmovc v38;
	v38 =	vmov v37;
	v37 =	vld [tilespmem:$0x1FFD0];
	v56 =	vor.u32 v25, v52  }
0x671: {  	v19 =	vor.u32 v33, v48;
	v61 =	vand.u32 $0x3A8, v56;
	v56 =	vor.u32 v36, v59;
	v36 =	vld [tilespmem:$0x1F760];
	[tilespmem:v15+s28+$0x0] =	vst.idx.msk $0xffff, v4  }
0x672: {  	v0 =	vand.u32 $0x3C8, v44;
	v44 =	vor.u32 v61, v53;
	v3 =	vadd.f32 v3, v50;
	v15 =	vld.idx.msk [tilespmem:v62+s22+$0x0], $0xffff  }
0x673: {  	v26 =	vor.u32 v42, v45;
	v10 =	vor.u32 v33, v45;
	v14 =	vadd.f32 v14, v16;
	v16 =	vld.idx.msk [tilespmem:v63+s23+$0x0], $0xffff  }
0x674: {  	v12 =	vor.u32 v42, v48;
	v61 =	vor.u32 v0, v2;
	[tilespmem:v1+s28+$0x0] =	vst.idx.msk $0xffff, v3;
	v1 =	vld [tilespmem:$0x1F800]  }
0x675: {  	v0 =	vadd.f32 v8, v5;
	[tilespmem:v17+s28+$0x0] =	vst.idx.msk $0xffff, v14;
	v17 =	vor.u32 v42, v31;
	v42 =	vld [tilespmem:$0x1FF60]  }
0x676: {  	v6 =	vor.u32 v33, v31;
	v18 =	vld.idx.msk [tilespmem:v19+s22+$0x0], $0xffff  }
0x677: {  	v5 =	vand.u32 $0x3D8, v51;
	v14 =	vld.idx.msk [tilespmem:v21+s23+$0x0], $0xffff;
	[tilespmem:v44+s28+$0x0] =	vst.idx.msk $0xffff, v0;
	v0 =	vor.u32 v40, v59  }
0x678: {  	v10 =	vld.idx.msk [tilespmem:v10+s22+$0x0], $0xffff;
	[tilespmem:$0x1F650] =	vst v0;
	v0 =	vor.u32 v5, v2  }
0x679: {  	v33 =	vor.u32 v29, v31;
	[tilespmem:$0x1F640] =	vst v0;
	v0 =	vld [tilespmem:$0x1FF90]  }
0x67a: {  	v20 =	vld.idx.msk [tilespmem:v20+s23+$0x0], $0xffff  }
0x67b: {  	v40 =	vld [tilespmem:$0x1FF50];
	v1 =	vand.u32 $0x3E8, v1  }
0x67c: {  	v5 =	vld.idx.msk [tilespmem:v6+s22+$0x0], $0xffff;
	v1 =	vor.u32 v1, v2  }
0x67d: {  	[tilespmem:$0x1F660] =	vst v1;
	v1 =	vld [tilespmem:$0x1F7E0]  }
0x67e: {  	v54 =	vor.u32 v49, v60;
	v24 =	vor.u32 v35, v47;
	v4 =	vld.idx.msk [tilespmem:v33+s23+$0x0], $0xffff;
	v6 =	vor.u32 v0, v52  }
0x67f: {  	v28 =	vor.u32 v35, v48;
	v15 =	vadd.f32 v16, v15;
	v16 =	vld [tilespmem:$0x1F7D0];
	v3 =	vand.u32 $0x3B8, v6  }
0x680: {  	v27 =	vor.u32 v35, v45;
	v21 =	vor.u32 v35, v31;
	v35 =	vld [tilespmem:$0x1FFA0];
	v19 =	vor.u32 v3, v53  }
0x681: {  	v41 =	vor.u32 v41, v60;
	v29 =	vor.u32 v37, v47;
	v10 =	vadd.f32 v20, v10;
	v20 =	vld [tilespmem:$0x1F780]  }
0x682: {  	v58 =	vor.u32 v37, v45;
	v9 =	vor.u32 v36, v47;
	v1 =	vor.u32 v1, v59  }
0x683: {  	v57 =	vor.u32 v36, v45;
	v44 =	vor.u32 v39, v60;
	v33 =	vld [tilespmem:$0x1F6C0];
	[tilespmem:$0x1F670] =	vst v1;
	v1 =	vadd.f32 v4, v5  }
0x684: {  	v39 =	vld [tilespmem:$0x1F700];
	v63 =	vor.u32 v42, v47;
	[tilespmem:v22+s28+$0x0] =	vst.idx.msk $0xffff, v15;
	v51 =	vor.u32 v40, v47;
	v16 =	vand.u32 $0x3F8, v16  }
0x685: {  	v22 =	vld [tilespmem:$0x1F730];
	v62 =	vor.u32 v40, v45;
	v2 =	vor.u32 v16, v2;
	[tilespmem:v19+s28+$0x0] =	vst.idx.msk $0xffff, v1  }
0x686: {  	v16 =	vor.u32 v35, v52;
	v20 =	vand.u32 $0x3F8, v20;
	v19 =	vadd.f32 v38, v30;
	v38 =	vld.idx.msk [tilespmem:v21+s23+$0x0], $0xffff  }
0x687: {  	v21 =	vor.u32 v34, v60;
	v60 =	vand.u32 $0x3C8, v16;
	v16 =	vor.u32 v20, v59;
	v20 =	vld [tilespmem:$0x1F720]  }
0x688: {  	v50 =	vor.u32 v33, v47;
	v30 =	vadd.f32 v13, v7;
	v13 =	vadd.f32 v14, v18;
	v17 =	vld.idx.msk [tilespmem:v17+s22+$0x0], $0xffff  }
0x689: {  	v3 =	vor.u32 v33, v45;
	v5 =	vor.u32 v39, v47;
	v47 =	vor.u32 v42, v45;
	v18 =	vld.idx.msk [tilespmem:v23+s22+$0x0], $0xffff  }
0x68a: {  	v1 =	vor.u32 v39, v45;
	v45 =	vadd.f32 v43, v11;
	v11 =	vld.idx.msk [tilespmem:v24+s23+$0x0], $0xffff;
	[tilespmem:v32+s28+$0x0] =	vst.idx.msk $0xffff, v13  }
0x68b: {  	v12 =	vld.idx.msk [tilespmem:v12+s22+$0x0], $0xffff  }
0x68c: {  	[tilespmem:v46+s28+$0x0] =	vst.idx.msk $0xffff, v10;
	v10 =	vld.idx.msk [tilespmem:v28+s23+$0x0], $0xffff  }
0x68d: {  	[tilespmem:v22+s28+$0x0] =	vst.idx.msk $0xffff, v30;
	v22 =	vmov v2;
	v14 =	vadd.f32 v38, v17;
	v17 =	vld [tilespmem:$0x1F770]  }
0x68e: {  	v13 =	vor.u32 v60, v53;
	[tilespmem:$0x1F730] =	vst v22;
	v22 =	vld.idx.msk [tilespmem:v27+s23+$0x0], $0xffff  }
0x68f: {  	v8 =	vor.u32 v37, v48;
	[tilespmem:v20+s28+$0x0] =	vst.idx.msk $0xffff, v19;
	v19 =	vor.u32 v37, v31;
	v20 =	vmov v21;
	v37 =	vld [tilespmem:$0x1FF80]  }
0x690: {  	v21 =	vor.u32 v36, v31;
	[tilespmem:$0x1F720] =	vst v20;
	v20 =	vld.idx.msk [tilespmem:v26+s22+$0x0], $0xffff;
	_ =	sdelay $0x1  }
0x691: {  	v55 =	vor.u32 v36, v48;
	v2 =	vlaneseq.u32;
	v11 =	vadd.f32 v11, v18;
	v36 =	vld [tilespmem:$0x1FFB0]  }
0x692: {  	v2 =	vadd.s32 s1, v2;
	[tilespmem:v13+s28+$0x0] =	vst.idx.msk $0xffff, v14  }
0x693: {  	v32 =	vmov v16;
	v34 =	vshll.u32 v2, $0x7;
	[tilespmem:v54+s28+$0x0] =	vst.idx.msk $0xffff, v11  }
0x694: {  	[tilespmem:v17+s28+$0x0] =	vst.idx.msk $0xffff, v45;
	v16 =	vor.u32 v37, v34;
	v11 =	vld.idx.msk [tilespmem:v21+s23+$0x0], $0xffff;
	v20 =	vadd.f32 v22, v20  }
0x695: {  	v10 =	vadd.f32 v10, v12;
	[tilespmem:$0x1F780] =	vst v16;
	v16 =	vld.idx.msk [tilespmem:v19+s22+$0x0], $0xffff  }
0x696: {  	s4 =	sadd.s32 $0x1, s1;
	v7 =	vlaneseq.u32;
	v21 =	vor.u32 v36, v52;
	v22 =	vld [tilespmem:$0x1FF30];
	[tilespmem:v56+s28+$0x0] =	vst.idx.msk $0xffff, v20  }
0x697: {  	v23 =	vadd.s32 s4, v7;
	v7 =	vlaneseq.u32;
	[tilespmem:v61+s28+$0x0] =	vst.idx.msk $0xffff, v10;
	v10 =	vand.u32 $0x3D8, v21;
	v27 =	vld.idx.msk [tilespmem:v58+s22+$0x0], $0xffff  }
0x698: {  	s15 =	sadd.s32 $0x2, s1;
	v21 =	vor.u32 v7, v34;
	v7 =	vlaneseq.u32;
	v10 =	vor.u32 v10, v53;
	v60 =	vld.idx.msk [tilespmem:v57+s23+$0x0], $0xffff  }
0x699: {  	v38 =	vld [tilespmem:$0x1FFC0];
	v24 =	vadd.s32 s15, v7  }
0x69a: {  	v9 =	vld.idx.msk [tilespmem:v9+s23+$0x0], $0xffff;
	v43 =	vor.u32 v36, v34;
	v26 =	vshll.u32 v24, $0x7  }
0x69b: {  	v17 =	vor.u32 v35, v34;
	v19 =	vld.idx.msk [tilespmem:v29+s22+$0x0], $0xffff;
	v30 =	vor.u32 v37, v26;
	v11 =	vadd.f32 v11, v16  }
0x69c: {  	v8 =	vld.idx.msk [tilespmem:v8+s22+$0x0], $0xffff;
	[tilespmem:$0x1F7D0] =	vst v30;
	v30 =	vor.u32 v36, v26;
	v15 =	vor.u32 v22, v34;
	v22 =	vshll.u32 v23, $0x7  }
0x69d: {  	[tilespmem:v10+s28+$0x0] =	vst.idx.msk $0xffff, v11;
	v10 =	vor.u32 v36, v22;
	v36 =	vand.u32 $0x3C8, v17;
	v17 =	vadd.f32 v60, v27;
	v27 =	vld [tilespmem:$0x1F640]  }
0x69e: {  	v7 =	vld.idx.msk [tilespmem:v55+s23+$0x0], $0xffff;
	v20 =	vor.u32 v40, v31;
	_ =	sdelay $0x1  }
0x69f: {  	v9 =	vadd.f32 v9, v19;
	_ =	sdelay $0x1  }
0x6a0: {  	v11 =	vor.u32 v38, v26;
	[tilespmem:v44+s28+$0x0] =	vst.idx.msk $0xffff, v9  }
0x6a1: {  	v7 =	vadd.f32 v7, v8;
	[tilespmem:$0x1F800] =	vst v11;
	v11 =	vld.idx.msk [tilespmem:v20+s22+$0x0], $0xffff  }
0x6a2: {  	v28 =	vor.u32 v33, v31;
	v18 =	vor.u32 v0, v34;
	v19 =	vor.u32 v38, v52;
	v20 =	vld.idx.msk [tilespmem:v50+s23+$0x0], $0xffff  }
0x6a3: {  	v50 =	vor.u32 v0, v26;
	[tilespmem:v27+s28+$0x0] =	vst.idx.msk $0xffff, v7;
	v7 =	vand.u32 $0x3E8, v19;
	v19 =	vor.u32 v0, v22;
	v0 =	vld [tilespmem:$0x1F650];
	_ =	sdelay $0x4  }
0x6a4: {  	v49 =	vor.u32 v40, v48;
	v8 =	vld.idx.msk [tilespmem:v28+s23+$0x0], $0xffff;
	_ =	sdelay $0x1  }
0x6a5: {  	v6 =	vor.u32 v33, v48  }
0x6a6: {  	v59 =	vor.u32 v25, v34;
	v16 =	vor.u32 v37, v22;
	[tilespmem:v0+s28+$0x0] =	vst.idx.msk $0xffff, v17  }
0x6a7: {  	v28 =	vor.u32 v39, v31;
	v17 =	vor.u32 v42, v31;
	v31 =	vld.idx.msk [tilespmem:v3+s23+$0x0], $0xffff;
	v3 =	vlaneseq.u32  }
0x6a8: {  	v8 =	vadd.f32 v8, v11;
	v27 =	vld.idx.msk [tilespmem:v49+s22+$0x0], $0xffff;
	v11 =	vor.u32 v3, v22;
	v3 =	vlaneseq.u32  }
0x6a9: {  	v46 =	vor.u32 v38, v34;
	v34 =	vand.u32 $0x3F8, v16;
	v16 =	vor.u32 v3, v26;
	v3 =	vld [tilespmem:$0x1F660]  }
0x6aa: {  	v14 =	vand.u32 $0x3E8, v46;
	v7 =	vor.u32 v7, v53;
	v46 =	vld.idx.msk [tilespmem:v6+s23+$0x0], $0xffff  }
0x6ab: {  	v40 =	vand.u32 $0x3D8, v43;
	v43 =	vld.idx.msk [tilespmem:v51+s22+$0x0], $0xffff  }
0x6ac: {  	v0 =	vld [tilespmem:$0x1FF30]  }
0x6ad: {  	v4 =	vor.u32 v42, v48  }
0x6ae: {  	v48 =	vor.u32 v39, v48;
	[tilespmem:$0x1F770] =	vst v32;
	v32 =	vand.u32 $0x7, v23  }
0x6af: {  	v54 =	vand.u32 $0x3A8, v59;
	v61 =	vor.u32 v38, v22;
	[tilespmem:v7+s28+$0x0] =	vst.idx.msk $0xffff, v8;
	v8 =	vadd.f32 v46, v27  }
0x6b0: {  	v57 =	vor.u32 v25, v22;
	v9 =	vor.u32 v35, v22;
	v51 =	vand.u32 $0x3B8, v18;
	v18 =	vld.idx.msk [tilespmem:v62+s22+$0x0], $0xffff  }
0x6b1: {  	v45 =	vand.u32 $0xF, v2;
	v13 =	vadd.f32 v20, v43;
	v55 =	vor.u32 v0, v22;
	v22 =	vld [tilespmem:$0x1FF30];
	[tilespmem:v3+s28+$0x0] =	vst.idx.msk $0xffff, v8  }
0x6b2: {  	v2 =	vand.u32 $0x7, v2;
	v29 =	vand.u32 $0x7, v24;
	v24 =	vand.u32 $0xF, v24;
	v38 =	vld.idx.msk [tilespmem:v4+s22+$0x0], $0xffff  }
0x6b3: {  	v56 =	vor.u32 v25, v26;
	v23 =	vand.u32 $0xF, v23;
	v58 =	vand.u32 $0x398, v15;
	[tilespmem:v41+s28+$0x0] =	vst.idx.msk $0xffff, v13;
	v4 =	vld [tilespmem:$0x1F670]  }
0x6b4: {  	v44 =	vor.u32 v35, v26;
	v25 =	vand.u32 $0x3E8, v61;
	v39 =	vand.u32 $0x3D8, v10;
	v35 =	vld.idx.msk [tilespmem:v63+s22+$0x0], $0xffff  }
0x6b5: {  	v49 =	vand.u32 $0x3C8, v9;
	v9 =	vor.u32 v37, v52;
	v37 =	vld.idx.msk [tilespmem:v5+s23+$0x0], $0xffff;
	v7 =	vand.u32 $0x388, v11  }
0x6b6: {  	v59 =	vld.idx.msk [tilespmem:v28+s23+$0x0], $0xffff;
	v5 =	vand.u32 $0x388, v16;
	v0 =	vand.u32 $0x388, v21;
	v61 =	vand.u32 $0x398, v55  }
0x6b7: {  	s16 =	sadd.s32 $0x3, s1;
	v10 =	vld.idx.msk [tilespmem:v17+s22+$0x0], $0xffff;
	v21 =	vor.u32 v22, v26;
	v26 =	vand.u32 $0x3B8, v19;
	v19 =	vlaneseq.u32  }
0x6b8: {  	s19 =	sand.u32 $0x30, s1;
	v63 =	vld [tilespmem:$0x1F850];
	v11 =	vadd.f32 v31, v18;
	v62 =	vand.u32 $0x398, v21;
	v6 =	vadd.s32 s16, v19  }
0x6b9: {  	v18 =	vld [tilespmem:$0x1FF00];
	v3 =	vand.u32 $0x3F8, v9;
	v8 =	vor.u32 s19, v24;
	v9 =	vand.u32 $0xF, v6  }
0x6ba: {  	p0 =	slt.u32 s1, $0x3C;
	v20 =	vld [tilespmem:$0x1FF10];
	v33 =	vor.u32 v3, v53;
	v3 =	vor.u32 s19, v23;
	v53 =	vor.u32 s19, v9  }
.Ltmp7:
0x6bb: {  	v21 =	vld [tilespmem:$0x1FF20];
	v9 =	vor.u32 s19, v45;
	[tilespmem:v4+s28+$0x0] =	vst.idx.msk $0xffff, v11;
	v4 =	vand.u32 $0x38, v53;
	v11 =	vand.u32 $0x7, v6;
	(pc) =	sbr.rel @p0 .LBB2_17-.Ltmp7, $4  }
0x6bc: {  	v60 =	vand.u32 $0x38, v3;
	v31 =	vor.u32 v11, v4;
	v43 =	vld.idx.msk [tilespmem:v1+s23+$0x0], $0xffff;
	v1 =	vadd.f32 v59, v10  }
0x6bd: {  	[tilespmem:$0x1F7E0] =	vst v14;
	v41 =	vld.idx.msk [tilespmem:v47+s22+$0x0], $0xffff;
	v10 =	vand.u32 $0x38, v9;
	v11 =	vand.u32 $0x38, v8;
	v47 =	vor.u32 v32, v60  }
0x6be: {  	v42 =	vld.idx.msk [tilespmem:v48+s23+$0x0], $0xffff;
	v4 =	vor.u32 v18, v31;
	v59 =	vor.u32 v63, v31;
	v45 =	vor.u32 v2, v10  }
0x6bf: {  	s1 =	sadd.s32 $0x4, s1;
	v23 =	vld [tilespmem:$0x1FF40];
	v3 =	vshll.u32 v3, $0x7;
	v48 =	vor.u32 v29, v11;
	[tilespmem:v33+s28+$0x0] =	vst.idx.msk $0xffff, v1;
	v1 =	vor.u32 v18, v47  }
0x6c0: {  	v14 =	vld [tilespmem:$0x1F850];
	_ =	sdelay $0x4  }
0x6c1: {  	v4 =	vld.idx.msk [tilespmem:v4+s22+$0x0], $0xffff;
	v2 =	vor.u32 v14, v47  }
0x6c2: {  	v52 =	vshll.u32 v6, $0x7;
	v60 =	vshll.u32 v53, $0x7;
	v10 =	vld.idx.msk [tilespmem:v59+s23+$0x0], $0xffff;
	v12 =	vor.u32 v18, v48  }
0x6c3: {  	v15 =	vld [tilespmem:$0x1F680];
	v11 =	vor.u32 v19, v52;
	v6 =	vand.u32 $0x1C00, v60;
	v63 =	vor.u32 v14, v48  }
0x6c4: {  	v11 =	vand.u32 $0x388, v11;
	v53 =	vor.u32 v20, v6  }
0x6c5: {  	v13 =	vor.u32 v18, v45;
	v1 =	vld.idx.msk [tilespmem:v1+s22+$0x0], $0xffff;
	v11 =	vor.u32 v11, v53  }
0x6c6: {  	v3 =	vand.u32 $0x1C00, v3;
	v32 =	vor.u32 v21, v31;
	v8 =	vshll.u32 v8, $0x7;
	v2 =	vld.idx.msk [tilespmem:v2+s23+$0x0], $0xffff  }
0x6c7: {  	v24 =	vor.u32 v20, v3;
	v14 =	vor.u32 v14, v45;
	v4 =	vadd.f32 v10, v4;
	v10 =	vld.idx.msk [tilespmem:v12+s22+$0x0], $0xffff  }
0x6c8: {  	v8 =	vand.u32 $0x1C00, v8;
	v7 =	vor.u32 v7, v24;
	v12 =	vor.u32 v15, v31;
	v6 =	vld.idx.msk [tilespmem:v63+s23+$0x0], $0xffff  }
0x6c9: {  	v9 =	vshll.u32 v9, $0x7;
	v33 =	vor.u32 v21, v47;
	v59 =	vor.u32 v20, v8  }
0x6ca: {  	v5 =	vor.u32 v5, v59;
	v8 =	vld.idx.msk [tilespmem:v13+s22+$0x0], $0xffff;
	[tilespmem:v11+s28+$0x0] =	vst.idx.msk $0xffff, v4;
	v11 =	vor.u32 v15, v47  }
0x6cb: {  	v46 =	vor.u32 v21, v48;
	v9 =	vand.u32 $0x1C00, v9;
	v3 =	vld.idx.msk [tilespmem:v32+s22+$0x0], $0xffff;
	v1 =	vadd.f32 v2, v1  }
0x6cc: {  	v60 =	vor.u32 v20, v9;
	v9 =	vld.idx.msk [tilespmem:v14+s23+$0x0], $0xffff  }
0x6cd: {  	v55 =	vor.u32 v15, v48;
	v32 =	vld.idx.msk [tilespmem:v12+s23+$0x0], $0xffff;
	v6 =	vadd.f32 v6, v10;
	[tilespmem:v7+s28+$0x0] =	vst.idx.msk $0xffff, v1  }
0x6ce: {  	v4 =	vld.idx.msk [tilespmem:v33+s22+$0x0], $0xffff  }
0x6cf: {  	v0 =	vor.u32 v0, v60;
	v12 =	vor.u32 v22, v52;
	[tilespmem:v5+s28+$0x0] =	vst.idx.msk $0xffff, v6;
	v11 =	vld.idx.msk [tilespmem:v11+s23+$0x0], $0xffff  }
0x6d0: {  	v12 =	vand.u32 $0x398, v12;
	v10 =	vor.u32 v21, v45;
	v2 =	vld.idx.msk [tilespmem:v46+s22+$0x0], $0xffff  }
0x6d1: {  	v13 =	vor.u32 v15, v45;
	v12 =	vor.u32 v12, v53;
	v14 =	vld [tilespmem:$0x1F690]  }
0x6d2: {  	v61 =	vor.u32 v61, v24;
	v8 =	vadd.f32 v9, v8;
	v33 =	vor.u32 v23, v31;
	v1 =	vld.idx.msk [tilespmem:v55+s23+$0x0], $0xffff  }
0x6d3: {  	v63 =	vor.u32 v23, v47  }
0x6d4: {  	v3 =	vadd.f32 v32, v3;
	[tilespmem:v0+s28+$0x0] =	vst.idx.msk $0xffff, v8;
	v55 =	vor.u32 v62, v59  }
0x6d5: {  	v8 =	vld.idx.msk [tilespmem:v10+s22+$0x0], $0xffff;
	v4 =	vadd.f32 v11, v4  }
0x6d6: {  	[tilespmem:v12+s28+$0x0] =	vst.idx.msk $0xffff, v3;
	v10 =	vld.idx.msk [tilespmem:v13+s23+$0x0], $0xffff  }
0x6d7: {  	v46 =	vor.u32 v14, v47;
	v5 =	vld.idx.msk [tilespmem:v33+s22+$0x0], $0xffff;
	v1 =	vadd.f32 v1, v2;
	[tilespmem:v61+s28+$0x0] =	vst.idx.msk $0xffff, v4  }
0x6d8: {  	v9 =	vor.u32 v14, v31;
	v33 =	vld [tilespmem:$0x1FF70]  }
0x6d9: {  	v0 =	vld.idx.msk [tilespmem:v63+s22+$0x0], $0xffff;
	[tilespmem:v55+s28+$0x0] =	vst.idx.msk $0xffff, v1  }
0x6da: {  	v11 =	vor.u32 v58, v60;
	v28 =	vld [tilespmem:$0x1FFF0]  }
0x6db: {  	v12 =	vor.u32 v23, v48;
	v15 =	vld [tilespmem:$0x1F6A0]  }
0x6dc: {  	v62 =	vor.u32 v23, v45;
	v58 =	vor.u32 v14, v48;
	v7 =	vld.idx.msk [tilespmem:v46+s23+$0x0], $0xffff  }
0x6dd: {  	v8 =	vadd.f32 v10, v8;
	v10 =	vand.u32 $0x3A8, v57;
	v61 =	vld.idx.msk [tilespmem:v9+s23+$0x0], $0xffff;
	v9 =	vor.u32 v33, v52  }
0x6de: {  	v13 =	vor.u32 v14, v45;
	v32 =	vor.u32 v10, v24;
	v9 =	vand.u32 $0x3A8, v9  }
0x6df: {  	[tilespmem:v11+s28+$0x0] =	vst.idx.msk $0xffff, v8;
	v8 =	vor.u32 v28, v47;
	v9 =	vor.u32 v9, v53  }
0x6e0: {  	v10 =	vld.idx.msk [tilespmem:v12+s22+$0x0], $0xffff  }
0x6e1: {  	v4 =	vld.idx.msk [tilespmem:v58+s23+$0x0], $0xffff;
	v11 =	vor.u32 v15, v47;
	v0 =	vadd.f32 v7, v0  }
0x6e2: {  	v46 =	vand.u32 $0x3A8, v56;
	v2 =	vld.idx.msk [tilespmem:v62+s22+$0x0], $0xffff;
	v63 =	vor.u32 v28, v31;
	v5 =	vadd.f32 v61, v5  }
0x6e3: {  	v55 =	vor.u32 v46, v59;
	v56 =	vld.idx.msk [tilespmem:v13+s23+$0x0], $0xffff;
	v12 =	vor.u32 v15, v31;
	[tilespmem:v32+s28+$0x0] =	vst.idx.msk $0xffff, v0  }
0x6e4: {  	v8 =	vld.idx.msk [tilespmem:v8+s22+$0x0], $0xffff;
	[tilespmem:v9+s28+$0x0] =	vst.idx.msk $0xffff, v5  }
0x6e5: {  	v14 =	vld [tilespmem:$0x1FF90]  }
0x6e6: {  	v4 =	vadd.f32 v4, v10;
	v11 =	vld.idx.msk [tilespmem:v11+s23+$0x0], $0xffff  }
0x6e7: {  	v1 =	vld.idx.msk [tilespmem:v63+s22+$0x0], $0xffff  }
0x6e8: {  	v61 =	vld.idx.msk [tilespmem:v12+s23+$0x0], $0xffff;
	[tilespmem:v55+s28+$0x0] =	vst.idx.msk $0xffff, v4  }
0x6e9: {  	v58 =	vor.u32 v15, v48;
	v32 =	vld [tilespmem:$0x1FFE0]  }
0x6ea: {  	v57 =	vor.u32 v54, v60;
	v9 =	vor.u32 v28, v48;
	v16 =	vld [tilespmem:$0x1F6D0];
	v12 =	vor.u32 v14, v52  }
0x6eb: {  	v10 =	vor.u32 v28, v45;
	v63 =	vor.u32 v26, v24;
	v12 =	vand.u32 $0x3B8, v12  }
0x6ec: {  	v13 =	vor.u32 v15, v45;
	v12 =	vor.u32 v12, v53  }
0x6ed: {  	v2 =	vadd.f32 v56, v2  }
0x6ee: {  	v0 =	vld.idx.msk [tilespmem:v58+s23+$0x0], $0xffff;
	v8 =	vadd.f32 v11, v8;
	v54 =	vor.u32 v32, v47  }
0x6ef: {  	[tilespmem:v57+s28+$0x0] =	vst.idx.msk $0xffff, v2;
	v46 =	vld.idx.msk [tilespmem:v9+s22+$0x0], $0xffff;
	v1 =	vadd.f32 v61, v1;
	v56 =	vor.u32 v16, v47  }
0x6f0: {  	v55 =	vand.u32 $0x3B8, v50;
	v10 =	vld.idx.msk [tilespmem:v10+s22+$0x0], $0xffff;
	[tilespmem:v63+s28+$0x0] =	vst.idx.msk $0xffff, v8;
	v62 =	vor.u32 v32, v31  }
0x6f1: {  	v57 =	vor.u32 v55, v59;
	v58 =	vld.idx.msk [tilespmem:v13+s23+$0x0], $0xffff;
	v9 =	vor.u32 v16, v31;
	[tilespmem:v12+s28+$0x0] =	vst.idx.msk $0xffff, v1  }
0x6f2: {  	v15 =	vld [tilespmem:$0x1FFA0]  }
0x6f3: {  	v2 =	vld.idx.msk [tilespmem:v54+s22+$0x0], $0xffff  }
0x6f4: {  	v0 =	vadd.f32 v0, v46;
	v7 =	vld.idx.msk [tilespmem:v56+s23+$0x0], $0xffff  }
0x6f5: {  	v4 =	vld.idx.msk [tilespmem:v62+s22+$0x0], $0xffff  }
0x6f6: {  	v61 =	vor.u32 v16, v48;
	v8 =	vld.idx.msk [tilespmem:v9+s23+$0x0], $0xffff;
	[tilespmem:v57+s28+$0x0] =	vst.idx.msk $0xffff, v0  }
0x6f7: {  	v11 =	vor.u32 v51, v60;
	v12 =	vor.u32 v32, v48;
	v26 =	vld [tilespmem:$0x1FFD0];
	v9 =	vor.u32 v15, v52  }
0x6f8: {  	v62 =	vor.u32 v32, v45;
	v32 =	vor.u32 v49, v24;
	v17 =	vld [tilespmem:$0x1F760];
	v9 =	vand.u32 $0x3C8, v9  }
0x6f9: {  	v13 =	vor.u32 v16, v45;
	v9 =	vor.u32 v9, v53  }
0x6fa: {  	v3 =	vadd.f32 v58, v10  }
0x6fb: {  	v5 =	vld.idx.msk [tilespmem:v61+s23+$0x0], $0xffff;
	v2 =	vadd.f32 v7, v2  }
0x6fc: {  	[tilespmem:v11+s28+$0x0] =	vst.idx.msk $0xffff, v3;
	v10 =	vld.idx.msk [tilespmem:v12+s22+$0x0], $0xffff;
	v4 =	vadd.f32 v8, v4;
	v46 =	vor.u32 v26, v47  }
0x6fd: {  	v8 =	vand.u32 $0x3C8, v44;
	v6 =	vld.idx.msk [tilespmem:v62+s22+$0x0], $0xffff;
	[tilespmem:v32+s28+$0x0] =	vst.idx.msk $0xffff, v2;
	v11 =	vor.u32 v17, v47  }
0x6fe: {  	v63 =	vor.u32 v26, v31;
	v49 =	vor.u32 v8, v59;
	v8 =	vld.idx.msk [tilespmem:v13+s23+$0x0], $0xffff;
	[tilespmem:v9+s28+$0x0] =	vst.idx.msk $0xffff, v4  }
0x6ff: {  	v12 =	vor.u32 v17, v31;
	v16 =	vld [tilespmem:$0x1FFB0];
	_ =	sdelay $0x1  }
0x700: {  	v3 =	vld.idx.msk [tilespmem:v46+s22+$0x0], $0xffff;
	v9 =	vor.u32 v36, v60  }
0x701: {  	v11 =	vld.idx.msk [tilespmem:v11+s23+$0x0], $0xffff  }
0x702: {  	v5 =	vadd.f32 v5, v10;
	v0 =	vld.idx.msk [tilespmem:v63+s22+$0x0], $0xffff  }
0x703: {  	v55 =	vadd.f32 v8, v6;
	v54 =	vld.idx.msk [tilespmem:v12+s23+$0x0], $0xffff;
	v10 =	vor.u32 v16, v52  }
0x704: {  	v57 =	vor.u32 v39, v24;
	v50 =	vor.u32 v26, v48;
	[tilespmem:v49+s28+$0x0] =	vst.idx.msk $0xffff, v5;
	v10 =	vand.u32 $0x3D8, v10  }
0x705: {  	v51 =	vor.u32 v17, v48;
	v27 =	vld [tilespmem:$0x1FF50];
	[tilespmem:v9+s28+$0x0] =	vst.idx.msk $0xffff, v55;
	v56 =	vor.u32 v10, v53  }
0x706: {  	v29 =	vld [tilespmem:$0x1F6C0]  }
0x707: {  	v3 =	vadd.f32 v11, v3  }
0x708: {  	v12 =	vor.u32 v26, v45;
	v0 =	vadd.f32 v54, v0  }
0x709: {  	v13 =	vor.u32 v17, v45;
	v7 =	vld.idx.msk [tilespmem:v50+s22+$0x0], $0xffff;
	[tilespmem:v57+s28+$0x0] =	vst.idx.msk $0xffff, v3  }
0x70a: {  	v1 =	vld.idx.msk [tilespmem:v51+s23+$0x0], $0xffff;
	v8 =	vor.u32 v27, v31;
	[tilespmem:v56+s28+$0x0] =	vst.idx.msk $0xffff, v0  }
0x70b: {  	v58 =	vor.u32 v29, v31;
	v17 =	vld [tilespmem:$0x1FFC0]  }
0x70c: {  	v9 =	vand.u32 $0x3D8, v30  }
0x70d: {  	v9 =	vor.u32 v9, v59;
	v61 =	vor.u32 v27, v47;
	v10 =	vld.idx.msk [tilespmem:v12+s22+$0x0], $0xffff  }
0x70e: {  	v62 =	vor.u32 v27, v48;
	v12 =	vld.idx.msk [tilespmem:v13+s23+$0x0], $0xffff  }
0x70f: {  	v63 =	vor.u32 v40, v60;
	v36 =	vld.idx.msk [tilespmem:v8+s22+$0x0], $0xffff  }
0x710: {  	v1 =	vadd.f32 v1, v7;
	v11 =	vor.u32 v29, v47;
	v4 =	vld.idx.msk [tilespmem:v58+s23+$0x0], $0xffff;
	v39 =	vor.u32 v17, v52  }
0x711: {  	v7 =	vand.u32 $0x3E8, v39  }
0x712: {  	v2 =	vld.idx.msk [tilespmem:v61+s22+$0x0], $0xffff;
	[tilespmem:v9+s28+$0x0] =	vst.idx.msk $0xffff, v1;
	v7 =	vor.u32 v7, v53  }
0x713: {  	v40 =	vadd.f32 v12, v10;
	v0 =	vld.idx.msk [tilespmem:v62+s22+$0x0], $0xffff  }
0x714: {  	v32 =	vor.u32 v29, v48;
	v13 =	vor.u32 v29, v45;
	v29 =	vld [tilespmem:$0x1FF60]  }
0x715: {  	[tilespmem:v63+s28+$0x0] =	vst.idx.msk $0xffff, v40;
	v9 =	vld.idx.msk [tilespmem:v11+s23+$0x0], $0xffff;
	v4 =	vadd.f32 v4, v36  }
0x716: {  	v8 =	vor.u32 v27, v45;
	v11 =	vld [tilespmem:$0x1F800]  }
0x717: {  	v44 =	vor.u32 v25, v24;
	v25 =	vld [tilespmem:$0x1F700];
	[tilespmem:v7+s28+$0x0] =	vst.idx.msk $0xffff, v4  }
0x718: {  	v7 =	vld [tilespmem:$0x1F7E0]  }
0x719: {  	v3 =	vld.idx.msk [tilespmem:v32+s23+$0x0], $0xffff  }
0x71a: {  	v13 =	vld.idx.msk [tilespmem:v13+s23+$0x0], $0xffff  }
0x71b: {  	v8 =	vld.idx.msk [tilespmem:v8+s22+$0x0], $0xffff;
	v11 =	vand.u32 $0x3E8, v11  }
0x71c: {  	v11 =	vor.u32 v11, v59  }
0x71d: {  	v7 =	vor.u32 v7, v60  }
0x71e: {  	v2 =	vadd.f32 v9, v2  }
0x71f: {  	v0 =	vadd.f32 v3, v0  }
0x720: {  	v57 =	vadd.f32 v13, v8;
	[tilespmem:v44+s28+$0x0] =	vst.idx.msk $0xffff, v2  }
0x721: {  	v46 =	vor.u32 v25, v31;
	v12 =	vor.u32 v25, v47;
	[tilespmem:v11+s28+$0x0] =	vst.idx.msk $0xffff, v0  }
0x722: {  	v9 =	vor.u32 v25, v48;
	v55 =	vor.u32 v25, v45;
	v25 =	vld [tilespmem:$0x1FF80];
	[tilespmem:v7+s28+$0x0] =	vst.idx.msk $0xffff, v57  }
0x723: {  	v13 =	vld [tilespmem:$0x1F720];
	_ =	sdelay $0x4  }
0x724: {  	v10 =	vor.u32 v29, v31;
	v8 =	vor.u32 v25, v52  }
0x725: {  	v61 =	vand.u32 $0x3F8, v8;
	v8 =	vadd.f32 v37, v35  }
0x726: {  	v49 =	vor.u32 v29, v47;
	v58 =	vld.idx.msk [tilespmem:v12+s23+$0x0], $0xffff  }
0x727: {  	v50 =	vor.u32 v29, v48;
	v12 =	vld [tilespmem:$0x1F7D0];
	[tilespmem:v13+s28+$0x0] =	vst.idx.msk $0xffff, v8  }
0x728: {  	v11 =	vor.u32 v34, v24;
	v24 =	vld [tilespmem:$0x1F730]  }
0x729: {  	v10 =	vld.idx.msk [tilespmem:v10+s22+$0x0], $0xffff  }
0x72a: {  	v51 =	vor.u32 v29, v45;
	v54 =	vld.idx.msk [tilespmem:v46+s23+$0x0], $0xffff  }
0x72b: {  	v56 =	vld.idx.msk [tilespmem:v49+s22+$0x0], $0xffff  }
0x72c: {  	v4 =	vld.idx.msk [tilespmem:v50+s22+$0x0], $0xffff  }
0x72d: {  	v13 =	vld [tilespmem:$0x1F780]  }
0x72e: {  	v62 =	vld.idx.msk [tilespmem:v9+s23+$0x0], $0xffff;
	v9 =	vadd.f32 v42, v38  }
0x72f: {  	v1 =	vld.idx.msk [tilespmem:v51+s22+$0x0], $0xffff  }
0x730: {  	v0 =	vor.u32 v61, v53;
	v3 =	vld.idx.msk [tilespmem:v55+s23+$0x0], $0xffff;
	[tilespmem:v24+s28+$0x0] =	vst.idx.msk $0xffff, v9  }
0x731: {  	v2 =	vadd.f32 v54, v10;
	v12 =	vand.u32 $0x3F8, v12;
	v10 =	vld [tilespmem:$0x1F770]  }
0x732: {  	v12 =	vor.u32 v12, v59;
	v13 =	vand.u32 $0x3F8, v13  }
0x733: {  	v9 =	vor.u32 v13, v60  }
0x734: {  	s31 =	sadd.s32 $0x1, s31;
	v5 =	vadd.f32 v58, v56  }
0x735: {  	p0 =	sne.s32 s31, $0x32;
	v63 =	vadd.f32 v62, v4;
	[tilespmem:v0+s28+$0x0] =	vst.idx.msk $0xffff, v2  }
.Ltmp8:
0x736: {  	s0 =	sshll.u32 s0, $0x12;
	v1 =	vadd.f32 v3, v1;
	[tilespmem:v11+s28+$0x0] =	vst.idx.msk $0xffff, v5;
	(pc) =	sbr.rel @p0 .LBB2_2-.Ltmp8, $4  }
0x737: {  	s0 =	sor.u32 s9, s0;
	v8 =	vadd.f32 v43, v41;
	[tilespmem:v12+s28+$0x0] =	vst.idx.msk $0xffff, v63  }
0x738: {  	s0 =	sshrl.u32 s0, $0x3;
	[tilespmem:v9+s28+$0x0] =	vst.idx.msk $0xffff, v1  }
0x739: {  	s0 =	sadd.s32 s2, s0;
	[tilespmem:v10+s28+$0x0] =	vst.idx.msk $0xffff, v8  }
0x73a: {  	v24 =	vmovc v17;
	v11 =	vmov v28;
	v28 =	vmov v14;
	v10 =	vmov v33;
	[hbm4b:s0+s25] =	stream.strided.scatter [tilespmem:s28], [sflag:$0x2], $0x2000, s26, s25, $0x38;
	[tilespmem:$0x1BE00] =	vst v63  }
0x73b: {  	_ =	swait.ge [sflag:s29], $0x2000  }
0x73c: {  	[sflag:s29] =	ssyncset.done $0x0  }
0x73d: {  	[sflag:s29] =	ssyncadd.s32 $0xFFFFE000  }
0x73e: {  	_ =	swait.ge [sflag:s29], $0x2000  }
0x73f: {  	s30 =	sadd.s32 $0x1, s30;
	s0 =	rddreg [dreg:$0x7]  }
0x740: {  	p0 =	sne.s32 s30, s0  }
.Ltmp9:
0x741: {  	_ = 	snop;
	(pc) =	sbr.rel @p0 .LBB2_1-.Ltmp9, $3  }
0x742: {  	_ =	sdelay $0x1  }
0x743: {  	[sflag:s29] =	ssyncset.done $0x0  }
0x744: {  	[sflag:s29] =	ssyncadd.s32 $0xFFFFE000  }
0x745: {  	_ =	sfence.sel $0x180000  }
0x746: {  	[bflag:$0x0] =	sbarrier.arrive $0xFFFF  }
0x747: {  	_ =	strace $0x90000047  }
0x748: {  	s0 =	stileid.u32;
	[bflag:$0x2] =	sbarrier.arrive $0xFFFF  }
0x749: {  	p0 =	sne.s32 s0, $0x0;
	s0 =	rddreg [dreg:$0x2]  }
0x74a: {  	s0 =	sadd.s32 @!p0 $0x100000, s0  }
0x74b: {  	[sflag:s0] =	ssyncadd.tile.s32 @!p0 $0x1;
	_ =	shalt  }
.Lfunc_end2:
_tile_overlayer_lowered:
.L_overlay_start_2:
0x74c: {  	(tag) =	ssettag $0x2  }
0x74d: {  	s0 =	rddreg [dreg:$0x0];
	s2 =	stileid.u32  }
0x74e: {  	s1 =	rddreg [dreg:$0x1];
	p0 =	sne.s32 s2, $0x0  }
0x74f: {  	s3 =	rddreg [dreg:$0x2];
	[bflag:$0x3] =	sbarrier.arrive $0xFFFF;
	s2 =	simm.s32 @!p0 $0x1C03  }
0x750: {  	[timem:s3], [sflag:s2] =	dma.local @!p0 [hbm:s0], s1  }
0x751: {  	s0 =	simm.s32 @!p0 $0x3  }
0x752: {  	_ =	swait.ge @!p0 [sflag:s0], s1  }
0x753: {  	s1 =	ssub.s32 @!p0 $0x0, s1;
	[sflag:s0] =	ssyncset.done @!p0 $0x0  }
0x754: {  	[sflag:s0] =	ssyncadd.s32 @!p0 s1  }
0x755: {  	[bflag:$0x3] =	sbarrier.arrive $0xFFFF  }
0x756: {  	_ =	shalt  }

</sc_bundles>
